<compile_context>
chip_gen: v7x
topology: tpu7x:2x2x1
jax: 0.10.2.dev20260603
libtpu: 0.0.44.dev20260713+nightly
codegen_flags: <defaults>
</compile_context>

<pallas_src>
import jax
import jax.numpy as jnp
from jax import lax
from jax.experimental import pallas as pl
from jax.experimental.pallas import tpu as pltpu
from jax.experimental.pallas import tpu_sc as plsc

B = 16384
EMB = 32
MLP = 128

_info = plsc.get_sparse_core_info()
_NC, _NS = _info.num_cores, _info.num_subcores
_NW = _NC * _NS
_RPW = B // _NW
_CH = 128
_NCH = _RPW // _CH


def _sc_mlp_body(user_h, item_h, um_h, im_h, oum_h, oim_h,
                 idx_u, idx_i, buf_m, sem_m):
    c = lax.axis_index("c")
    s = lax.axis_index("s")
    wid = s * _NC + c
    base = wid * _RPW
    pltpu.sync_copy(user_h.at[pl.ds(wid * _NCH, _NCH)], idx_u)
    pltpu.sync_copy(item_h.at[pl.ds(wid * _NCH, _NCH)], idx_i)
    um_cps = [pltpu.async_copy(um_h.at[idx_u.at[j]],
                               buf_m.at[pl.ds(j * _CH, _CH)], sem_m)
              for j in range(_NCH)]
    for cp in um_cps:
        cp.wait()
    pltpu.sync_copy(buf_m, oum_h.at[pl.ds(base, _RPW)])
    im_cps = [pltpu.async_copy(im_h.at[idx_i.at[j]],
                               buf_m.at[pl.ds(j * _CH, _CH)], sem_m)
              for j in range(_NCH)]
    for cp in im_cps:
        cp.wait()
    pltpu.sync_copy(buf_m, oim_h.at[pl.ds(base, _RPW)])


def _sc_gmf_body(idx2d_h, tab_h, out_h,
                 idx, buf_ga, buf_gb, sem_ga, sem_gb):
    c = lax.axis_index("c")
    s = lax.axis_index("s")
    wid = s * _NC + c
    base = wid * _RPW
    pltpu.sync_copy(idx2d_h.at[pl.ds(wid * _NCH, _NCH)], idx)

    def fire(j, buf, sem):
        def body(g, _):
            vec = idx[j, pl.ds(g * 16, 16)]
            for l in range(16):
                pltpu.async_copy(tab_h.at[pl.ds(vec[l], 1)],
                                 buf.at[pl.ds(g * 16 + l, 1)], sem)
            return 0
        lax.fori_loop(0, _CH // 16, body, 0)

    def drain(j, buf, sem):
        pltpu.make_async_copy(tab_h.at[pl.ds(0, _CH)], buf, sem).wait()
        pltpu.sync_copy(buf, out_h.at[pl.ds(base + j * _CH, _CH)])

    bufs = [(buf_ga, sem_ga), (buf_gb, sem_gb)]
    fire(0, *bufs[0])
    for k in range(1, _NCH):
        fire(k, *bufs[k % 2])
        drain(k - 1, *bufs[(k - 1) % 2])
    drain(_NCH - 1, *bufs[(_NCH - 1) % 2])


def _sc_gather_mlp(user2d, item2d, um, im):
    mesh = plsc.VectorSubcoreMesh(core_axis_name="c", subcore_axis_name="s")
    f32 = jnp.float32
    out_type = [
        jax.ShapeDtypeStruct((B, MLP), f32),
        jax.ShapeDtypeStruct((B, MLP), f32),
    ]
    scratch = [
        pltpu.VMEM((_NCH, _CH), jnp.int32),
        pltpu.VMEM((_NCH, _CH), jnp.int32),
        pltpu.VMEM((_RPW, MLP), f32),
        pltpu.SemaphoreType.DMA,
    ]
    return pl.kernel(
        _sc_mlp_body, mesh=mesh, out_type=out_type, scratch_types=scratch,
    )(user2d, item2d, um, im)


def _sc_gather_gmf(idx2d, tab):
    mesh = plsc.VectorSubcoreMesh(core_axis_name="c", subcore_axis_name="s")
    f32 = jnp.float32
    scratch = [
        pltpu.VMEM((_NCH, _CH), jnp.int32),
        pltpu.VMEM((_CH, EMB), f32),
        pltpu.VMEM((_CH, EMB), f32),
        pltpu.SemaphoreType.DMA,
        pltpu.SemaphoreType.DMA,
    ]
    return pl.kernel(
        _sc_gmf_body, mesh=mesh,
        out_type=jax.ShapeDtypeStruct((B, EMB), f32),
        scratch_types=scratch,
    )(idx2d, tab)


_TB = 4096


def _tc_body(ueg, ieg, uem, iem, w1a, w1b, b1, w2, b2, w3, b3,
             wpg, wph, bp, out):
    f32 = jnp.float32
    g = ueg[...] * ieg[...]
    h = jnp.maximum(
        jnp.dot(uem[...], w1a[...], preferred_element_type=f32)
        + jnp.dot(iem[...], w1b[...], preferred_element_type=f32)
        + b1[...], 0.0)
    h = jnp.maximum(jnp.dot(h, w2[...], preferred_element_type=f32)
                    + b2[...], 0.0)
    h = jnp.maximum(jnp.dot(h, w3[...], preferred_element_type=f32)
                    + b3[...], 0.0)
    pred = (jnp.dot(g, wpg[...], preferred_element_type=f32)
            + jnp.dot(h, wph[...], preferred_element_type=f32)
            + bp[...])
    out[...] = pred[:, 0]


def _tc_mlp(ueg, ieg, uem, iem, w1a, w1b, b1, w2, b2, w3, b3, wpg, wph, bp2):
    def rows(d):
        return pl.BlockSpec((_TB, d), lambda i: (i, 0))

    def full2(a, b):
        return pl.BlockSpec((a, b), lambda i: (0, 0))

    def full1(a):
        return pl.BlockSpec((a,), lambda i: (0,))

    return pl.pallas_call(
        _tc_body,
        grid=(B // _TB,),
        in_specs=[
            rows(EMB), rows(EMB), rows(MLP), rows(MLP),
            full2(MLP, 128), full2(MLP, 128), full1(128),
            full2(128, 64), full1(64),
            full2(64, 32), full1(32),
            full2(EMB, 1), full2(32, 1), full2(1, 1),
        ],
        out_specs=pl.BlockSpec((_TB,), lambda i: (i,)),
        out_shape=jax.ShapeDtypeStruct((B,), jnp.float32),
    )(ueg, ieg, uem, iem, w1a, w1b, b1, w2, b2, w3, b3, wpg, wph, bp2)


def kernel(user, item, user_gmf, item_gmf, user_mlp, item_mlp,
           W1, b1, W2, b2, W3, b3, Wp, bp):
    user2d = user.astype(jnp.int32).reshape(_NW * _NCH, _CH)
    item2d = item.astype(jnp.int32).reshape(_NW * _NCH, _CH)
    uem, iem = _sc_gather_mlp(user2d, item2d, user_mlp, item_mlp)
    ueg = _sc_gather_gmf(user2d, user_gmf)
    ieg = _sc_gather_gmf(item2d, item_gmf)
    W1a, W1b = W1[:MLP], W1[MLP:]
    Wpg, Wph = Wp[:EMB], Wp[EMB:]
    return _tc_mlp(ueg, ieg, uem, iem, W1a, W1b, b1, W2, b2, W3, b3,
                   Wpg, Wph, bp.reshape(1, 1))

# --- scband reference (transcript-rebuilt; emitter-appended) ---
"""Pipeline reference for scband-ncf-51608327028771 (READ-ONLY COPY).

The authoritative reference and input builder live on the scoring server;
editing this copy changes nothing except your own understanding.
"""

import jax, jax.numpy as jnp
import numpy as np

NUM_USERS = 1000000
NUM_ITEMS = 1000000
EMB = 32
MLP_EMB = EMB * 2 ** 2  # 128
BATCH = 16384


def setup_inputs(seed: int = 0) -> dict:
    key = jax.random.key(seed)
    ks = jax.random.split(key, 16)
    user = jax.random.randint(ks[0], (BATCH,), 0, NUM_USERS)
    item = jax.random.randint(ks[1], (BATCH,), 0, NUM_ITEMS)
    user_gmf = jax.random.normal(ks[2], (NUM_USERS, EMB), dtype=jnp.float32) * 0.01
    item_gmf = jax.random.normal(ks[3], (NUM_ITEMS, EMB), dtype=jnp.float32) * 0.01
    user_mlp = jax.random.normal(ks[4], (NUM_USERS, MLP_EMB), dtype=jnp.float32) * 0.01
    item_mlp = jax.random.normal(ks[5], (NUM_ITEMS, MLP_EMB), dtype=jnp.float32) * 0.01
    W1 = jax.random.normal(ks[6], (256, 128), dtype=jnp.float32) * (1.0 / np.sqrt(256))
    b1 = jnp.zeros((128,), dtype=jnp.float32)
    W2 = jax.random.normal(ks[7], (128, 64), dtype=jnp.float32) * (1.0 / np.sqrt(128))
    b2 = jnp.zeros((64,), dtype=jnp.float32)
    W3 = jax.random.normal(ks[8], (64, 32), dtype=jnp.float32) * (1.0 / np.sqrt(64))
    b3 = jnp.zeros((32,), dtype=jnp.float32)
    Wp = jax.random.normal(ks[9], (EMB + 32, 1), dtype=jnp.float32) * (1.0 / np.sqrt(EMB + 32))
    bp = jnp.zeros((1,), dtype=jnp.float32)
    return {
        "user": user, "item": item,
        "user_gmf": user_gmf, "item_gmf": item_gmf,
        "user_mlp": user_mlp, "item_mlp": item_mlp,
        "W1": W1, "b1": b1, "W2": W2, "b2": b2, "W3": W3, "b3": b3,
        "Wp": Wp, "bp": bp,
    }


def reference(user, item, user_gmf, item_gmf, user_mlp, item_mlp,
              W1, b1, W2, b2, W3, b3, Wp, bp):
    # GMF path: embedding gathers + elementwise product
    ue_g = jnp.take(user_gmf, user, axis=0)
    ie_g = jnp.take(item_gmf, item, axis=0)
    gmf_out = ue_g * ie_g
    # MLP path: embedding gathers + concat + MLP (dropout p=0.0 => identity)
    ue_m = jnp.take(user_mlp, user, axis=0)
    ie_m = jnp.take(item_mlp, item, axis=0)
    h = jnp.concatenate([ue_m, ie_m], axis=-1)
    h = jax.nn.relu(h @ W1 + b1)
    h = jax.nn.relu(h @ W2 + b2)
    h = jax.nn.relu(h @ W3 + b3)
    latent = jnp.concatenate([gmf_out, h], axis=-1)
    pred = latent @ Wp + bp
    return pred.squeeze(-1)

if __name__ == "__main__":
    import jax
    _d = setup_inputs()
    print(jax.jit(kernel)(*tuple(_d.values())))

</pallas_src>

<mosaic_0001>
#map = affine_map<(d0, d1) -> (0, 0)>
module attributes {stable_mosaic.version = 14 : i64} {
  func.func @_sc_gmf_body(%arg0: i32, %arg1: i32, %arg2: memref<128x128xi32, #tpu.memory_space<hbm>>, %arg3: memref<1000000x32xf32, #tpu.memory_space<hbm>>, %arg4: memref<16384x32xf32, #tpu.memory_space<hbm>>, %arg5: memref<4x128xi32, #tpu.memory_space<vmem>>, %arg6: memref<128x32xf32, #tpu.memory_space<vmem>>, %arg7: memref<128x32xf32, #tpu.memory_space<vmem>>, %arg8: memref<!tpu.dma_semaphore, #tpu.memory_space<semaphore_mem>>, %arg9: memref<!tpu.dma_semaphore, #tpu.memory_space<semaphore_mem>>) attributes {dimension_semantics = [#tpu.dimension_semantics<core_parallel>, #tpu.dimension_semantics<subcore_parallel>], iteration_bounds = array<i64: 2, 16>, scalar_prefetch = 0 : i64, scratch_operands = 5 : i64, tpu.core_type = #tpu.core_type<sc_vector_subcore>, window_params = [{transform_indices = #map}, {transform_indices = #map}, {transform_indices = #map}]} {
    %mul3A = arith.constant 2 : i32
    %mul3A_0 = arith.muli %arg1, %mul3A : i32
    %add3A = arith.addi %mul3A_0, %arg0 : i32
    %mul3A_1 = arith.constant 512 : i32
    %mul3A_2 = arith.muli %add3A, %mul3A_1 : i32
    %mul3A_3 = arith.constant 4 : i32
    %mul3A_4 = arith.muli %add3A, %mul3A_3 : i32
    "tpu.region"() ({
      %run_scoped3A = tpu.sem_alloc : memref<!tpu.dma_semaphore, #tpu.memory_space<semaphore_mem>>
      %dma_start3A = arith.constant 0 : i32
      %dma_start3A_63 = tpu.memref_slice %arg2[%mul3A_4, %dma_start3A] : memref<128x128xi32, #tpu.memory_space<hbm>> -> memref<4x128xi32, #tpu.memory_space<hbm>>
      %dma_start3A_64 = arith.constant 0 : i32
      %dma_start3A_65 = tpu.memref_slice %arg2[%mul3A_4, %dma_start3A_64] : memref<128x128xi32, #tpu.memory_space<hbm>> -> memref<4x128xi32, #tpu.memory_space<hbm>>
      tpu.enqueue_dma source(%dma_start3A_65 : memref<4x128xi32, #tpu.memory_space<hbm>>) target(%arg5 : memref<4x128xi32, #tpu.memory_space<vmem>>) target_semaphore(%run_scoped3A : memref<!tpu.dma_semaphore, #tpu.memory_space<semaphore_mem>>)
      %dma_wait3A_66 = arith.constant 0 : i32
      %dma_wait3A_67 = tpu.memref_slice %arg2[%mul3A_4, %dma_wait3A_66] : memref<128x128xi32, #tpu.memory_space<hbm>> -> memref<4x128xi32, #tpu.memory_space<hbm>>
      %dma_wait3A_68 = arith.constant 0 : i32
      %dma_wait3A_69 = tpu.memref_slice %arg2[%mul3A_4, %dma_wait3A_68] : memref<128x128xi32, #tpu.memory_space<hbm>> -> memref<4x128xi32, #tpu.memory_space<hbm>>
      tpu.wait_dma2 semaphore(%run_scoped3A : memref<!tpu.dma_semaphore, #tpu.memory_space<semaphore_mem>>) src(%dma_wait3A_69 : memref<4x128xi32, #tpu.memory_space<hbm>>) dst(%arg5 : memref<4x128xi32, #tpu.memory_space<vmem>>)
      tpu.yield
    }) : () -> ()
    %scan3A = arith.constant 0 : i32
    %scan3A_5 = arith.constant 0 : i32
    %scan3A_6 = arith.constant 8 : i32
    %scan3A_7 = arith.addi %scan3A_5, %scan3A_6 : i32
    %scan3A_8 = arith.constant 1 : i32
    %scan3A_9 = scf.for %scan3A_63 = %scan3A_5 to %scan3A_7 step %scan3A_8 iter_args(%scan3A_64 = %scan3A) -> (i32)  : i32 {
      %mul3A_65 = arith.constant 16 : i32
      %mul3A_66 = arith.muli %scan3A_63, %mul3A_65 : i32
      %get3A = arith.constant 0 : i32
      %get3A_67 = arith.index_cast %get3A : i32 to index
      %get3A_68 = arith.index_cast %mul3A_66 : i32 to index
      %get3A_69 = tpu.vector_load %arg5[%get3A_67, %get3A_68] {strides = array<i32>} : memref<4x128xi32, #tpu.memory_space<vmem>>, vector<1x16xi32>,
      %get3A_70 = vector.shape_cast %get3A_69 : vector<1x16xi32> to vector<16xi32>
      %slice3A = vector.extract_strided_slice %get3A_70 {offsets = [0], sizes = [1], strides = [1]} : vector<16xi32> to vector<1xi32>
      %squeeze3A = vector.extract %slice3A[0] : i32 from vector<1xi32>
      %mul3A_71 = arith.constant 16 : i32
      %mul3A_72 = arith.muli %scan3A_63, %mul3A_71 : i32
      %add3A_73 = arith.constant 0 : i32
      %add3A_74 = arith.addi %mul3A_72, %add3A_73 : i32
      %dma_start3A = arith.constant 0 : i32
      %dma_start3A_75 = tpu.memref_slice %arg6[%add3A_74, %dma_start3A] : memref<128x32xf32, #tpu.memory_space<vmem>> -> memref<1x32xf32, #tpu.memory_space<vmem>>
      %dma_start3A_76 = arith.constant 0 : i32
      %dma_start3A_77 = tpu.memref_slice %arg3[%squeeze3A, %dma_start3A_76] : memref<1000000x32xf32, #tpu.memory_space<hbm>> -> memref<1x32xf32, #tpu.memory_space<hbm>>
      %dma_start3A_78 = arith.constant 0 : i32
      %dma_start3A_79 = tpu.memref_slice %arg6[%add3A_74, %dma_start3A_78] : memref<128x32xf32, #tpu.memory_space<vmem>> -> memref<1x32xf32, #tpu.memory_space<vmem>>
      %dma_start3A_80 = arith.constant 0 : i32
      %dma_start3A_81 = tpu.memref_slice %arg3[%squeeze3A, %dma_start3A_80] : memref<1000000x32xf32, #tpu.memory_space<hbm>> -> memref<1x32xf32, #tpu.memory_space<hbm>>
      tpu.enqueue_dma source(%dma_start3A_81 : memref<1x32xf32, #tpu.memory_space<hbm>>) target(%dma_start3A_79 : memref<1x32xf32, #tpu.memory_space<vmem>>) target_semaphore(%arg8 : memref<!tpu.dma_semaphore, #tpu.memory_space<semaphore_mem>>)
      %slice3A_82 = vector.extract_strided_slice %get3A_70 {offsets = [1], sizes = [1], strides = [1]} : vector<16xi32> to vector<1xi32>
      %squeeze3A_83 = vector.extract %slice3A_82[0] : i32 from vector<1xi32>
      %mul3A_84 = arith.constant 16 : i32
      %mul3A_85 = arith.muli %scan3A_63, %mul3A_84 : i32
      %add3A_86 = arith.constant 1 : i32
      %add3A_87 = arith.addi %mul3A_85, %add3A_86 : i32
      %dma_start3A_88 = arith.constant 0 : i32
      %dma_start3A_89 = tpu.memref_slice %arg6[%add3A_87, %dma_start3A_88] : memref<128x32xf32, #tpu.memory_space<vmem>> -> memref<1x32xf32, #tpu.memory_space<vmem>>
      %dma_start3A_90 = arith.constant 0 : i32
      %dma_start3A_91 = tpu.memref_slice %arg3[%squeeze3A_83, %dma_start3A_90] : memref<1000000x32xf32, #tpu.memory_space<hbm>> -> memref<1x32xf32, #tpu.memory_space<hbm>>
      %dma_start3A_92 = arith.constant 0 : i32
      %dma_start3A_93 = tpu.memref_slice %arg6[%add3A_87, %dma_start3A_92] : memref<128x32xf32, #tpu.memory_space<vmem>> -> memref<1x32xf32, #tpu.memory_space<vmem>>
      %dma_start3A_94 = arith.constant 0 : i32
      %dma_start3A_95 = tpu.memref_slice %arg3[%squeeze3A_83, %dma_start3A_94] : memref<1000000x32xf32, #tpu.memory_space<hbm>> -> memref<1x32xf32, #tpu.memory_space<hbm>>
      tpu.enqueue_dma source(%dma_start3A_95 : memref<1x32xf32, #tpu.memory_space<hbm>>) target(%dma_start3A_93 : memref<1x32xf32, #tpu.memory_space<vmem>>) target_semaphore(%arg8 : memref<!tpu.dma_semaphore, #tpu.memory_space<semaphore_mem>>)
      %slice3A_96 = vector.extract_strided_slice %get3A_70 {offsets = [2], sizes = [1], strides = [1]} : vector<16xi32> to vector<1xi32>
      %squeeze3A_97 = vector.extract %slice3A_96[0] : i32 from vector<1xi32>
      %mul3A_98 = arith.constant 16 : i32
      %mul3A_99 = arith.muli %scan3A_63, %mul3A_98 : i32
      %add3A_100 = arith.constant 2 : i32
      %add3A_101 = arith.addi %mul3A_99, %add3A_100 : i32
      %dma_start3A_102 = arith.constant 0 : i32
      %dma_start3A_103 = tpu.memref_slice %arg6[%add3A_101, %dma_start3A_102] : memref<128x32xf32, #tpu.memory_space<vmem>> -> memref<1x32xf32, #tpu.memory_space<vmem>>
      %dma_start3A_104 = arith.constant 0 : i32
      %dma_start3A_105 = tpu.memref_slice %arg3[%squeeze3A_97, %dma_start3A_104] : memref<1000000x32xf32, #tpu.memory_space<hbm>> -> memref<1x32xf32, #tpu.memory_space<hbm>>
      %dma_start3A_106 = arith.constant 0 : i32
      %dma_start3A_107 = tpu.memref_slice %arg6[%add3A_101, %dma_start3A_106] : memref<128x32xf32, #tpu.memory_space<vmem>> -> memref<1x32xf32, #tpu.memory_space<vmem>>
      %dma_start3A_108 = arith.constant 0 : i32
      %dma_start3A_109 = tpu.memref_slice %arg3[%squeeze3A_97, %dma_start3A_108] : memref<1000000x32xf32, #tpu.memory_space<hbm>> -> memref<1x32xf32, #tpu.memory_space<hbm>>
      tpu.enqueue_dma source(%dma_start3A_109 : memref<1x32xf32, #tpu.memory_space<hbm>>) target(%dma_start3A_107 : memref<1x32xf32, #tpu.memory_space<vmem>>) target_semaphore(%arg8 : memref<!tpu.dma_semaphore, #tpu.memory_space<semaphore_mem>>)
      %slice3A_110 = vector.extract_strided_slice %get3A_70 {offsets = [3], sizes = [1], strides = [1]} : vector<16xi32> to vector<1xi32>
      %squeeze3A_111 = vector.extract %slice3A_110[0] : i32 from vector<1xi32>
      %mul3A_112 = arith.constant 16 : i32
      %mul3A_113 = arith.muli %scan3A_63, %mul3A_112 : i32
      %add3A_114 = arith.constant 3 : i32
      %add3A_115 = arith.addi %mul3A_113, %add3A_114 : i32
      %dma_start3A_116 = arith.constant 0 : i32
      %dma_start3A_117 = tpu.memref_slice %arg6[%add3A_115, %dma_start3A_116] : memref<128x32xf32, #tpu.memory_space<vmem>> -> memref<1x32xf32, #tpu.memory_space<vmem>>
      %dma_start3A_118 = arith.constant 0 : i32
      %dma_start3A_119 = tpu.memref_slice %arg3[%squeeze3A_111, %dma_start3A_118] : memref<1000000x32xf32, #tpu.memory_space<hbm>> -> memref<1x32xf32, #tpu.memory_space<hbm>>
      %dma_start3A_120 = arith.constant 0 : i32
      %dma_start3A_121 = tpu.memref_slice %arg6[%add3A_115, %dma_start3A_120] : memref<128x32xf32, #tpu.memory_space<vmem>> -> memref<1x32xf32, #tpu.memory_space<vmem>>
      %dma_start3A_122 = arith.constant 0 : i32
      %dma_start3A_123 = tpu.memref_slice %arg3[%squeeze3A_111, %dma_start3A_122] : memref<1000000x32xf32, #tpu.memory_space<hbm>> -> memref<1x32xf32, #tpu.memory_space<hbm>>
      tpu.enqueue_dma source(%dma_start3A_123 : memref<1x32xf32, #tpu.memory_space<hbm>>) target(%dma_start3A_121 : memref<1x32xf32, #tpu.memory_space<vmem>>) target_semaphore(%arg8 : memref<!tpu.dma_semaphore, #tpu.memory_space<semaphore_mem>>)
      %slice3A_124 = vector.extract_strided_slice %get3A_70 {offsets = [4], sizes = [1], strides = [1]} : vector<16xi32> to vector<1xi32>
      %squeeze3A_125 = vector.extract %slice3A_124[0] : i32 from vector<1xi32>
      %mul3A_126 = arith.constant 16 : i32
      %mul3A_127 = arith.muli %scan3A_63, %mul3A_126 : i32
      %add3A_128 = arith.constant 4 : i32
      %add3A_129 = arith.addi %mul3A_127, %add3A_128 : i32
      %dma_start3A_130 = arith.constant 0 : i32
      %dma_start3A_131 = tpu.memref_slice %arg6[%add3A_129, %dma_start3A_130] : memref<128x32xf32, #tpu.memory_space<vmem>> -> memref<1x32xf32, #tpu.memory_space<vmem>>
      %dma_start3A_132 = arith.constant 0 : i32
      %dma_start3A_133 = tpu.memref_slice %arg3[%squeeze3A_125, %dma_start3A_132] : memref<1000000x32xf32, #tpu.memory_space<hbm>> -> memref<1x32xf32, #tpu.memory_space<hbm>>
      %dma_start3A_134 = arith.constant 0 : i32
      %dma_start3A_135 = tpu.memref_slice %arg6[%add3A_129, %dma_start3A_134] : memref<128x32xf32, #tpu.memory_space<vmem>> -> memref<1x32xf32, #tpu.memory_space<vmem>>
      %dma_start3A_136 = arith.constant 0 : i32
      %dma_start3A_137 = tpu.memref_slice %arg3[%squeeze3A_125, %dma_start3A_136] : memref<1000000x32xf32, #tpu.memory_space<hbm>> -> memref<1x32xf32, #tpu.memory_space<hbm>>
      tpu.enqueue_dma source(%dma_start3A_137 : memref<1x32xf32, #tpu.memory_space<hbm>>) target(%dma_start3A_135 : memref<1x32xf32, #tpu.memory_space<vmem>>) target_semaphore(%arg8 : memref<!tpu.dma_semaphore, #tpu.memory_space<semaphore_mem>>)
      %slice3A_138 = vector.extract_strided_slice %get3A_70 {offsets = [5], sizes = [1], strides = [1]} : vector<16xi32> to vector<1xi32>
      %squeeze3A_139 = vector.extract %slice3A_138[0] : i32 from vector<1xi32>
      %mul3A_140 = arith.constant 16 : i32
      %mul3A_141 = arith.muli %scan3A_63, %mul3A_140 : i32
      %add3A_142 = arith.constant 5 : i32
      %add3A_143 = arith.addi %mul3A_141, %add3A_142 : i32
      %dma_start3A_144 = arith.constant 0 : i32
      %dma_start3A_145 = tpu.memref_slice %arg6[%add3A_143, %dma_start3A_144] : memref<128x32xf32, #tpu.memory_space<vmem>> -> memref<1x32xf32, #tpu.memory_space<vmem>>
      %dma_start3A_146 = arith.constant 0 : i32
      %dma_start3A_147 = tpu.memref_slice %arg3[%squeeze3A_139, %dma_start3A_146] : memref<1000000x32xf32, #tpu.memory_space<hbm>> -> memref<1x32xf32, #tpu.memory_space<hbm>>
      %dma_start3A_148 = arith.constant 0 : i32
      %dma_start3A_149 = tpu.memref_slice %arg6[%add3A_143, %dma_start3A_148] : memref<128x32xf32, #tpu.memory_space<vmem>> -> memref<1x32xf32, #tpu.memory_space<vmem>>
      %dma_start3A_150 = arith.constant 0 : i32
      %dma_start3A_151 = tpu.memref_slice %arg3[%squeeze3A_139, %dma_start3A_150] : memref<1000000x32xf32, #tpu.memory_space<hbm>> -> memref<1x32xf32, #tpu.memory_space<hbm>>
      tpu.enqueue_dma source(%dma_start3A_151 : memref<1x32xf32, #tpu.memory_space<hbm>>) target(%dma_start3A_149 : memref<1x32xf32, #tpu.memory_space<vmem>>) target_semaphore(%arg8 : memref<!tpu.dma_semaphore, #tpu.memory_space<semaphore_mem>>)
      %slice3A_152 = vector.extract_strided_slice %get3A_70 {offsets = [6], sizes = [1], strides = [1]} : vector<16xi32> to vector<1xi32>
      %squeeze3A_153 = vector.extract %slice3A_152[0] : i32 from vector<1xi32>
      %mul3A_154 = arith.constant 16 : i32
      %mul3A_155 = arith.muli %scan3A_63, %mul3A_154 : i32
      %add3A_156 = arith.constant 6 : i32
      %add3A_157 = arith.addi %mul3A_155, %add3A_156 : i32
      %dma_start3A_158 = arith.constant 0 : i32
      %dma_start3A_159 = tpu.memref_slice %arg6[%add3A_157, %dma_start3A_158] : memref<128x32xf32, #tpu.memory_space<vmem>> -> memref<1x32xf32, #tpu.memory_space<vmem>>
      %dma_start3A_160 = arith.constant 0 : i32
      %dma_start3A_161 = tpu.memref_slice %arg3[%squeeze3A_153, %dma_start3A_160] : memref<1000000x32xf32, #tpu.memory_space<hbm>> -> memref<1x32xf32, #tpu.memory_space<hbm>>
      %dma_start3A_162 = arith.constant 0 : i32
      %dma_start3A_163 = tpu.memref_slice %arg6[%add3A_157, %dma_start3A_162] : memref<128x32xf32, #tpu.memory_space<vmem>> -> memref<1x32xf32, #tpu.memory_space<vmem>>
      %dma_start3A_164 = arith.constant 0 : i32
      %dma_start3A_165 = tpu.memref_slice %arg3[%squeeze3A_153, %dma_start3A_164] : memref<1000000x32xf32, #tpu.memory_space<hbm>> -> memref<1x32xf32, #tpu.memory_space<hbm>>
      tpu.enqueue_dma source(%dma_start3A_165 : memref<1x32xf32, #tpu.memory_space<hbm>>) target(%dma_start3A_163 : memref<1x32xf32, #tpu.memory_space<vmem>>) target_semaphore(%arg8 : memref<!tpu.dma_semaphore, #tpu.memory_space<semaphore_mem>>)
      %slice3A_166 = vector.extract_strided_slice %get3A_70 {offsets = [7], sizes = [1], strides = [1]} : vector<16xi32> to vector<1xi32>
      %squeeze3A_167 = vector.extract %slice3A_166[0] : i32 from vector<1xi32>
      %mul3A_168 = arith.constant 16 : i32
      %mul3A_169 = arith.muli %scan3A_63, %mul3A_168 : i32
      %add3A_170 = arith.constant 7 : i32
      %add3A_171 = arith.addi %mul3A_169, %add3A_170 : i32
      %dma_start3A_172 = arith.constant 0 : i32
      %dma_start3A_173 = tpu.memref_slice %arg6[%add3A_171, %dma_start3A_172] : memref<128x32xf32, #tpu.memory_space<vmem>> -> memref<1x32xf32, #tpu.memory_space<vmem>>
      %dma_start3A_174 = arith.constant 0 : i32
      %dma_start3A_175 = tpu.memref_slice %arg3[%squeeze3A_167, %dma_start3A_174] : memref<1000000x32xf32, #tpu.memory_space<hbm>> -> memref<1x32xf32, #tpu.memory_space<hbm>>
      %dma_start3A_176 = arith.constant 0 : i32
      %dma_start3A_177 = tpu.memref_slice %arg6[%add3A_171, %dma_start3A_176] : memref<128x32xf32, #tpu.memory_space<vmem>> -> memref<1x32xf32, #tpu.memory_space<vmem>>
      %dma_start3A_178 = arith.constant 0 : i32
      %dma_start3A_179 = tpu.memref_slice %arg3[%squeeze3A_167, %dma_start3A_178] : memref<1000000x32xf32, #tpu.memory_space<hbm>> -> memref<1x32xf32, #tpu.memory_space<hbm>>
      tpu.enqueue_dma source(%dma_start3A_179 : memref<1x32xf32, #tpu.memory_space<hbm>>) target(%dma_start3A_177 : memref<1x32xf32, #tpu.memory_space<vmem>>) target_semaphore(%arg8 : memref<!tpu.dma_semaphore, #tpu.memory_space<semaphore_mem>>)
      %slice3A_180 = vector.extract_strided_slice %get3A_70 {offsets = [8], sizes = [1], strides = [1]} : vector<16xi32> to vector<1xi32>
      %squeeze3A_181 = vector.extract %slice3A_180[0] : i32 from vector<1xi32>
      %mul3A_182 = arith.constant 16 : i32
      %mul3A_183 = arith.muli %scan3A_63, %mul3A_182 : i32
      %add3A_184 = arith.constant 8 : i32
      %add3A_185 = arith.addi %mul3A_183, %add3A_184 : i32
      %dma_start3A_186 = arith.constant 0 : i32
      %dma_start3A_187 = tpu.memref_slice %arg6[%add3A_185, %dma_start3A_186] : memref<128x32xf32, #tpu.memory_space<vmem>> -> memref<1x32xf32, #tpu.memory_space<vmem>>
      %dma_start3A_188 = arith.constant 0 : i32
      %dma_start3A_189 = tpu.memref_slice %arg3[%squeeze3A_181, %dma_start3A_188] : memref<1000000x32xf32, #tpu.memory_space<hbm>> -> memref<1x32xf32, #tpu.memory_space<hbm>>
      %dma_start3A_190 = arith.constant 0 : i32
      %dma_start3A_191 = tpu.memref_slice %arg6[%add3A_185, %dma_start3A_190] : memref<128x32xf32, #tpu.memory_space<vmem>> -> memref<1x32xf32, #tpu.memory_space<vmem>>
      %dma_start3A_192 = arith.constant 0 : i32
      %dma_start3A_193 = tpu.memref_slice %arg3[%squeeze3A_181, %dma_start3A_192] : memref<1000000x32xf32, #tpu.memory_space<hbm>> -> memref<1x32xf32, #tpu.memory_space<hbm>>
      tpu.enqueue_dma source(%dma_start3A_193 : memref<1x32xf32, #tpu.memory_space<hbm>>) target(%dma_start3A_191 : memref<1x32xf32, #tpu.memory_space<vmem>>) target_semaphore(%arg8 : memref<!tpu.dma_semaphore, #tpu.memory_space<semaphore_mem>>)
      %slice3A_194 = vector.extract_strided_slice %get3A_70 {offsets = [9], sizes = [1], strides = [1]} : vector<16xi32> to vector<1xi32>
      %squeeze3A_195 = vector.extract %slice3A_194[0] : i32 from vector<1xi32>
      %mul3A_196 = arith.constant 16 : i32
      %mul3A_197 = arith.muli %scan3A_63, %mul3A_196 : i32
      %add3A_198 = arith.constant 9 : i32
      %add3A_199 = arith.addi %mul3A_197, %add3A_198 : i32
      %dma_start3A_200 = arith.constant 0 : i32
      %dma_start3A_201 = tpu.memref_slice %arg6[%add3A_199, %dma_start3A_200] : memref<128x32xf32, #tpu.memory_space<vmem>> -> memref<1x32xf32, #tpu.memory_space<vmem>>
      %dma_start3A_202 = arith.constant 0 : i32
      %dma_start3A_203 = tpu.memref_slice %arg3[%squeeze3A_195, %dma_start3A_202] : memref<1000000x32xf32, #tpu.memory_space<hbm>> -> memref<1x32xf32, #tpu.memory_space<hbm>>
      %dma_start3A_204 = arith.constant 0 : i32
      %dma_start3A_205 = tpu.memref_slice %arg6[%add3A_199, %dma_start3A_204] : memref<128x32xf32, #tpu.memory_space<vmem>> -> memref<1x32xf32, #tpu.memory_space<vmem>>
      %dma_start3A_206 = arith.constant 0 : i32
      %dma_start3A_207 = tpu.memref_slice %arg3[%squeeze3A_195, %dma_start3A_206] : memref<1000000x32xf32, #tpu.memory_space<hbm>> -> memref<1x32xf32, #tpu.memory_space<hbm>>
      tpu.enqueue_dma source(%dma_start3A_207 : memref<1x32xf32, #tpu.memory_space<hbm>>) target(%dma_start3A_205 : memref<1x32xf32, #tpu.memory_space<vmem>>) target_semaphore(%arg8 : memref<!tpu.dma_semaphore, #tpu.memory_space<semaphore_mem>>)
      %slice3A_208 = vector.extract_strided_slice %get3A_70 {offsets = [10], sizes = [1], strides = [1]} : vector<16xi32> to vector<1xi32>
      %squeeze3A_209 = vector.extract %slice3A_208[0] : i32 from vector<1xi32>
      %mul3A_210 = arith.constant 16 : i32
      %mul3A_211 = arith.muli %scan3A_63, %mul3A_210 : i32
      %add3A_212 = arith.constant 10 : i32
      %add3A_213 = arith.addi %mul3A_211, %add3A_212 : i32
      %dma_start3A_214 = arith.constant 0 : i32
      %dma_start3A_215 = tpu.memref_slice %arg6[%add3A_213, %dma_start3A_214] : memref<128x32xf32, #tpu.memory_space<vmem>> -> memref<1x32xf32, #tpu.memory_space<vmem>>
      %dma_start3A_216 = arith.constant 0 : i32
      %dma_start3A_217 = tpu.memref_slice %arg3[%squeeze3A_209, %dma_start3A_216] : memref<1000000x32xf32, #tpu.memory_space<hbm>> -> memref<1x32xf32, #tpu.memory_space<hbm>>
      %dma_start3A_218 = arith.constant 0 : i32
      %dma_start3A_219 = tpu.memref_slice %arg6[%add3A_213, %dma_start3A_218] : memref<128x32xf32, #tpu.memory_space<vmem>> -> memref<1x32xf32, #tpu.memory_space<vmem>>
      %dma_start3A_220 = arith.constant 0 : i32
      %dma_start3A_221 = tpu.memref_slice %arg3[%squeeze3A_209, %dma_start3A_220] : memref<1000000x32xf32, #tpu.memory_space<hbm>> -> memref<1x32xf32, #tpu.memory_space<hbm>>
      tpu.enqueue_dma source(%dma_start3A_221 : memref<1x32xf32, #tpu.memory_space<hbm>>) target(%dma_start3A_219 : memref<1x32xf32, #tpu.memory_space<vmem>>) target_semaphore(%arg8 : memref<!tpu.dma_semaphore, #tpu.memory_space<semaphore_mem>>)
      %slice3A_222 = vector.extract_strided_slice %get3A_70 {offsets = [11], sizes = [1], strides = [1]} : vector<16xi32> to vector<1xi32>
      %squeeze3A_223 = vector.extract %slice3A_222[0] : i32 from vector<1xi32>
      %mul3A_224 = arith.constant 16 : i32
      %mul3A_225 = arith.muli %scan3A_63, %mul3A_224 : i32
      %add3A_226 = arith.constant 11 : i32
      %add3A_227 = arith.addi %mul3A_225, %add3A_226 : i32
      %dma_start3A_228 = arith.constant 0 : i32
      %dma_start3A_229 = tpu.memref_slice %arg6[%add3A_227, %dma_start3A_228] : memref<128x32xf32, #tpu.memory_space<vmem>> -> memref<1x32xf32, #tpu.memory_space<vmem>>
      %dma_start3A_230 = arith.constant 0 : i32
      %dma_start3A_231 = tpu.memref_slice %arg3[%squeeze3A_223, %dma_start3A_230] : memref<1000000x32xf32, #tpu.memory_space<hbm>> -> memref<1x32xf32, #tpu.memory_space<hbm>>
      %dma_start3A_232 = arith.constant 0 : i32
      %dma_start3A_233 = tpu.memref_slice %arg6[%add3A_227, %dma_start3A_232] : memref<128x32xf32, #tpu.memory_space<vmem>> -> memref<1x32xf32, #tpu.memory_space<vmem>>
      %dma_start3A_234 = arith.constant 0 : i32
      %dma_start3A_235 = tpu.memref_slice %arg3[%squeeze3A_223, %dma_start3A_234] : memref<1000000x32xf32, #tpu.memory_space<hbm>> -> memref<1x32xf32, #tpu.memory_space<hbm>>
      tpu.enqueue_dma source(%dma_start3A_235 : memref<1x32xf32, #tpu.memory_space<hbm>>) target(%dma_start3A_233 : memref<1x32xf32, #tpu.memory_space<vmem>>) target_semaphore(%arg8 : memref<!tpu.dma_semaphore, #tpu.memory_space<semaphore_mem>>)
      %slice3A_236 = vector.extract_strided_slice %get3A_70 {offsets = [12], sizes = [1], strides = [1]} : vector<16xi32> to vector<1xi32>
      %squeeze3A_237 = vector.extract %slice3A_236[0] : i32 from vector<1xi32>
      %mul3A_238 = arith.constant 16 : i32
      %mul3A_239 = arith.muli %scan3A_63, %mul3A_238 : i32
      %add3A_240 = arith.constant 12 : i32
      %add3A_241 = arith.addi %mul3A_239, %add3A_240 : i32
      %dma_start3A_242 = arith.constant 0 : i32
      %dma_start3A_243 = tpu.memref_slice %arg6[%add3A_241, %dma_start3A_242] : memref<128x32xf32, #tpu.memory_space<vmem>> -> memref<1x32xf32, #tpu.memory_space<vmem>>
      %dma_start3A_244 = arith.constant 0 : i32
      %dma_start3A_245 = tpu.memref_slice %arg3[%squeeze3A_237, %dma_start3A_244] : memref<1000000x32xf32, #tpu.memory_space<hbm>> -> memref<1x32xf32, #tpu.memory_space<hbm>>
      %dma_start3A_246 = arith.constant 0 : i32
      %dma_start3A_247 = tpu.memref_slice %arg6[%add3A_241, %dma_start3A_246] : memref<128x32xf32, #tpu.memory_space<vmem>> -> memref<1x32xf32, #tpu.memory_space<vmem>>
      %dma_start3A_248 = arith.constant 0 : i32
      %dma_start3A_249 = tpu.memref_slice %arg3[%squeeze3A_237, %dma_start3A_248] : memref<1000000x32xf32, #tpu.memory_space<hbm>> -> memref<1x32xf32, #tpu.memory_space<hbm>>
      tpu.enqueue_dma source(%dma_start3A_249 : memref<1x32xf32, #tpu.memory_space<hbm>>) target(%dma_start3A_247 : memref<1x32xf32, #tpu.memory_space<vmem>>) target_semaphore(%arg8 : memref<!tpu.dma_semaphore, #tpu.memory_space<semaphore_mem>>)
      %slice3A_250 = vector.extract_strided_slice %get3A_70 {offsets = [13], sizes = [1], strides = [1]} : vector<16xi32> to vector<1xi32>
      %squeeze3A_251 = vector.extract %slice3A_250[0] : i32 from vector<1xi32>
      %mul3A_252 = arith.constant 16 : i32
      %mul3A_253 = arith.muli %scan3A_63, %mul3A_252 : i32
      %add3A_254 = arith.constant 13 : i32
      %add3A_255 = arith.addi %mul3A_253, %add3A_254 : i32
      %dma_start3A_256 = arith.constant 0 : i32
      %dma_start3A_257 = tpu.memref_slice %arg6[%add3A_255, %dma_start3A_256] : memref<128x32xf32, #tpu.memory_space<vmem>> -> memref<1x32xf32, #tpu.memory_space<vmem>>
      %dma_start3A_258 = arith.constant 0 : i32
      %dma_start3A_259 = tpu.memref_slice %arg3[%squeeze3A_251, %dma_start3A_258] : memref<1000000x32xf32, #tpu.memory_space<hbm>> -> memref<1x32xf32, #tpu.memory_space<hbm>>
      %dma_start3A_260 = arith.constant 0 : i32
      %dma_start3A_261 = tpu.memref_slice %arg6[%add3A_255, %dma_start3A_260] : memref<128x32xf32, #tpu.memory_space<vmem>> -> memref<1x32xf32, #tpu.memory_space<vmem>>
      %dma_start3A_262 = arith.constant 0 : i32
      %dma_start3A_263 = tpu.memref_slice %arg3[%squeeze3A_251, %dma_start3A_262] : memref<1000000x32xf32, #tpu.memory_space<hbm>> -> memref<1x32xf32, #tpu.memory_space<hbm>>
      tpu.enqueue_dma source(%dma_start3A_263 : memref<1x32xf32, #tpu.memory_space<hbm>>) target(%dma_start3A_261 : memref<1x32xf32, #tpu.memory_space<vmem>>) target_semaphore(%arg8 : memref<!tpu.dma_semaphore, #tpu.memory_space<semaphore_mem>>)
      %slice3A_264 = vector.extract_strided_slice %get3A_70 {offsets = [14], sizes = [1], strides = [1]} : vector<16xi32> to vector<1xi32>
      %squeeze3A_265 = vector.extract %slice3A_264[0] : i32 from vector<1xi32>
      %mul3A_266 = arith.constant 16 : i32
      %mul3A_267 = arith.muli %scan3A_63, %mul3A_266 : i32
      %add3A_268 = arith.constant 14 : i32
      %add3A_269 = arith.addi %mul3A_267, %add3A_268 : i32
      %dma_start3A_270 = arith.constant 0 : i32
      %dma_start3A_271 = tpu.memref_slice %arg6[%add3A_269, %dma_start3A_270] : memref<128x32xf32, #tpu.memory_space<vmem>> -> memref<1x32xf32, #tpu.memory_space<vmem>>
      %dma_start3A_272 = arith.constant 0 : i32
      %dma_start3A_273 = tpu.memref_slice %arg3[%squeeze3A_265, %dma_start3A_272] : memref<1000000x32xf32, #tpu.memory_space<hbm>> -> memref<1x32xf32, #tpu.memory_space<hbm>>
      %dma_start3A_274 = arith.constant 0 : i32
      %dma_start3A_275 = tpu.memref_slice %arg6[%add3A_269, %dma_start3A_274] : memref<128x32xf32, #tpu.memory_space<vmem>> -> memref<1x32xf32, #tpu.memory_space<vmem>>
      %dma_start3A_276 = arith.constant 0 : i32
      %dma_start3A_277 = tpu.memref_slice %arg3[%squeeze3A_265, %dma_start3A_276] : memref<1000000x32xf32, #tpu.memory_space<hbm>> -> memref<1x32xf32, #tpu.memory_space<hbm>>
      tpu.enqueue_dma source(%dma_start3A_277 : memref<1x32xf32, #tpu.memory_space<hbm>>) target(%dma_start3A_275 : memref<1x32xf32, #tpu.memory_space<vmem>>) target_semaphore(%arg8 : memref<!tpu.dma_semaphore, #tpu.memory_space<semaphore_mem>>)
      %slice3A_278 = vector.extract_strided_slice %get3A_70 {offsets = [15], sizes = [1], strides = [1]} : vector<16xi32> to vector<1xi32>
      %squeeze3A_279 = vector.extract %slice3A_278[0] : i32 from vector<1xi32>
      %mul3A_280 = arith.constant 16 : i32
      %mul3A_281 = arith.muli %scan3A_63, %mul3A_280 : i32
      %add3A_282 = arith.constant 15 : i32
      %add3A_283 = arith.addi %mul3A_281, %add3A_282 : i32
      %dma_start3A_284 = arith.constant 0 : i32
      %dma_start3A_285 = tpu.memref_slice %arg6[%add3A_283, %dma_start3A_284] : memref<128x32xf32, #tpu.memory_space<vmem>> -> memref<1x32xf32, #tpu.memory_space<vmem>>
      %dma_start3A_286 = arith.constant 0 : i32
      %dma_start3A_287 = tpu.memref_slice %arg3[%squeeze3A_279, %dma_start3A_286] : memref<1000000x32xf32, #tpu.memory_space<hbm>> -> memref<1x32xf32, #tpu.memory_space<hbm>>
      %dma_start3A_288 = arith.constant 0 : i32
      %dma_start3A_289 = tpu.memref_slice %arg6[%add3A_283, %dma_start3A_288] : memref<128x32xf32, #tpu.memory_space<vmem>> -> memref<1x32xf32, #tpu.memory_space<vmem>>
      %dma_start3A_290 = arith.constant 0 : i32
      %dma_start3A_291 = tpu.memref_slice %arg3[%squeeze3A_279, %dma_start3A_290] : memref<1000000x32xf32, #tpu.memory_space<hbm>> -> memref<1x32xf32, #tpu.memory_space<hbm>>
      tpu.enqueue_dma source(%dma_start3A_291 : memref<1x32xf32, #tpu.memory_space<hbm>>) target(%dma_start3A_289 : memref<1x32xf32, #tpu.memory_space<vmem>>) target_semaphore(%arg8 : memref<!tpu.dma_semaphore, #tpu.memory_space<semaphore_mem>>)
      %scan3A_292 = arith.constant 0 : i32
      scf.yield %scan3A_292 : i32
    }
    %scan3A_10 = arith.constant 8 : i32
    %scan3A_11 = arith.constant 0 : i32
    %scan3A_12 = arith.constant 0 : i32
    %scan3A_13 = arith.constant 8 : i32
    %scan3A_14 = arith.addi %scan3A_12, %scan3A_13 : i32
    %scan3A_15 = arith.constant 1 : i32
    %scan3A_16 = scf.for %scan3A_63 = %scan3A_12 to %scan3A_14 step %scan3A_15 iter_args(%scan3A_64 = %scan3A_11) -> (i32)  : i32 {
      %mul3A_65 = arith.constant 16 : i32
      %mul3A_66 = arith.muli %scan3A_63, %mul3A_65 : i32
      %get3A = arith.constant 1 : i32
      %get3A_67 = arith.index_cast %get3A : i32 to index
      %get3A_68 = arith.index_cast %mul3A_66 : i32 to index
      %get3A_69 = tpu.vector_load %arg5[%get3A_67, %get3A_68] {strides = array<i32>} : memref<4x128xi32, #tpu.memory_space<vmem>>, vector<1x16xi32>,
      %get3A_70 = vector.shape_cast %get3A_69 : vector<1x16xi32> to vector<16xi32>
      %slice3A = vector.extract_strided_slice %get3A_70 {offsets = [0], sizes = [1], strides = [1]} : vector<16xi32> to vector<1xi32>
      %squeeze3A = vector.extract %slice3A[0] : i32 from vector<1xi32>
      %mul3A_71 = arith.constant 16 : i32
      %mul3A_72 = arith.muli %scan3A_63, %mul3A_71 : i32
      %add3A_73 = arith.constant 0 : i32
      %add3A_74 = arith.addi %mul3A_72, %add3A_73 : i32
      %dma_start3A = arith.constant 0 : i32
      %dma_start3A_75 = tpu.memref_slice %arg7[%add3A_74, %dma_start3A] : memref<128x32xf32, #tpu.memory_space<vmem>> -> memref<1x32xf32, #tpu.memory_space<vmem>>
      %dma_start3A_76 = arith.constant 0 : i32
      %dma_start3A_77 = tpu.memref_slice %arg3[%squeeze3A, %dma_start3A_76] : memref<1000000x32xf32, #tpu.memory_space<hbm>> -> memref<1x32xf32, #tpu.memory_space<hbm>>
      %dma_start3A_78 = arith.constant 0 : i32
      %dma_start3A_79 = tpu.memref_slice %arg7[%add3A_74, %dma_start3A_78] : memref<128x32xf32, #tpu.memory_space<vmem>> -> memref<1x32xf32, #tpu.memory_space<vmem>>
      %dma_start3A_80 = arith.constant 0 : i32
      %dma_start3A_81 = tpu.memref_slice %arg3[%squeeze3A, %dma_start3A_80] : memref<1000000x32xf32, #tpu.memory_space<hbm>> -> memref<1x32xf32, #tpu.memory_space<hbm>>
      tpu.enqueue_dma source(%dma_start3A_81 : memref<1x32xf32, #tpu.memory_space<hbm>>) target(%dma_start3A_79 : memref<1x32xf32, #tpu.memory_space<vmem>>) target_semaphore(%arg9 : memref<!tpu.dma_semaphore, #tpu.memory_space<semaphore_mem>>)
      %slice3A_82 = vector.extract_strided_slice %get3A_70 {offsets = [1], sizes = [1], strides = [1]} : vector<16xi32> to vector<1xi32>
      %squeeze3A_83 = vector.extract %slice3A_82[0] : i32 from vector<1xi32>
      %mul3A_84 = arith.constant 16 : i32
      %mul3A_85 = arith.muli %scan3A_63, %mul3A_84 : i32
      %add3A_86 = arith.constant 1 : i32
      %add3A_87 = arith.addi %mul3A_85, %add3A_86 : i32
      %dma_start3A_88 = arith.constant 0 : i32
      %dma_start3A_89 = tpu.memref_slice %arg7[%add3A_87, %dma_start3A_88] : memref<128x32xf32, #tpu.memory_space<vmem>> -> memref<1x32xf32, #tpu.memory_space<vmem>>
      %dma_start3A_90 = arith.constant 0 : i32
      %dma_start3A_91 = tpu.memref_slice %arg3[%squeeze3A_83, %dma_start3A_90] : memref<1000000x32xf32, #tpu.memory_space<hbm>> -> memref<1x32xf32, #tpu.memory_space<hbm>>
      %dma_start3A_92 = arith.constant 0 : i32
      %dma_start3A_93 = tpu.memref_slice %arg7[%add3A_87, %dma_start3A_92] : memref<128x32xf32, #tpu.memory_space<vmem>> -> memref<1x32xf32, #tpu.memory_space<vmem>>
      %dma_start3A_94 = arith.constant 0 : i32
      %dma_start3A_95 = tpu.memref_slice %arg3[%squeeze3A_83, %dma_start3A_94] : memref<1000000x32xf32, #tpu.memory_space<hbm>> -> memref<1x32xf32, #tpu.memory_space<hbm>>
      tpu.enqueue_dma source(%dma_start3A_95 : memref<1x32xf32, #tpu.memory_space<hbm>>) target(%dma_start3A_93 : memref<1x32xf32, #tpu.memory_space<vmem>>) target_semaphore(%arg9 : memref<!tpu.dma_semaphore, #tpu.memory_space<semaphore_mem>>)
      %slice3A_96 = vector.extract_strided_slice %get3A_70 {offsets = [2], sizes = [1], strides = [1]} : vector<16xi32> to vector<1xi32>
      %squeeze3A_97 = vector.extract %slice3A_96[0] : i32 from vector<1xi32>
      %mul3A_98 = arith.constant 16 : i32
      %mul3A_99 = arith.muli %scan3A_63, %mul3A_98 : i32
      %add3A_100 = arith.constant 2 : i32
      %add3A_101 = arith.addi %mul3A_99, %add3A_100 : i32
      %dma_start3A_102 = arith.constant 0 : i32
      %dma_start3A_103 = tpu.memref_slice %arg7[%add3A_101, %dma_start3A_102] : memref<128x32xf32, #tpu.memory_space<vmem>> -> memref<1x32xf32, #tpu.memory_space<vmem>>
      %dma_start3A_104 = arith.constant 0 : i32
      %dma_start3A_105 = tpu.memref_slice %arg3[%squeeze3A_97, %dma_start3A_104] : memref<1000000x32xf32, #tpu.memory_space<hbm>> -> memref<1x32xf32, #tpu.memory_space<hbm>>
      %dma_start3A_106 = arith.constant 0 : i32
      %dma_start3A_107 = tpu.memref_slice %arg7[%add3A_101, %dma_start3A_106] : memref<128x32xf32, #tpu.memory_space<vmem>> -> memref<1x32xf32, #tpu.memory_space<vmem>>
      %dma_start3A_108 = arith.constant 0 : i32
      %dma_start3A_109 = tpu.memref_slice %arg3[%squeeze3A_97, %dma_start3A_108] : memref<1000000x32xf32, #tpu.memory_space<hbm>> -> memref<1x32xf32, #tpu.memory_space<hbm>>
      tpu.enqueue_dma source(%dma_start3A_109 : memref<1x32xf32, #tpu.memory_space<hbm>>) target(%dma_start3A_107 : memref<1x32xf32, #tpu.memory_space<vmem>>) target_semaphore(%arg9 : memref<!tpu.dma_semaphore, #tpu.memory_space<semaphore_mem>>)
      %slice3A_110 = vector.extract_strided_slice %get3A_70 {offsets = [3], sizes = [1], strides = [1]} : vector<16xi32> to vector<1xi32>
      %squeeze3A_111 = vector.extract %slice3A_110[0] : i32 from vector<1xi32>
      %mul3A_112 = arith.constant 16 : i32
      %mul3A_113 = arith.muli %scan3A_63, %mul3A_112 : i32
      %add3A_114 = arith.constant 3 : i32
      %add3A_115 = arith.addi %mul3A_113, %add3A_114 : i32
      %dma_start3A_116 = arith.constant 0 : i32
      %dma_start3A_117 = tpu.memref_slice %arg7[%add3A_115, %dma_start3A_116] : memref<128x32xf32, #tpu.memory_space<vmem>> -> memref<1x32xf32, #tpu.memory_space<vmem>>
      %dma_start3A_118 = arith.constant 0 : i32
      %dma_start3A_119 = tpu.memref_slice %arg3[%squeeze3A_111, %dma_start3A_118] : memref<1000000x32xf32, #tpu.memory_space<hbm>> -> memref<1x32xf32, #tpu.memory_space<hbm>>
      %dma_start3A_120 = arith.constant 0 : i32
      %dma_start3A_121 = tpu.memref_slice %arg7[%add3A_115, %dma_start3A_120] : memref<128x32xf32, #tpu.memory_space<vmem>> -> memref<1x32xf32, #tpu.memory_space<vmem>>
      %dma_start3A_122 = arith.constant 0 : i32
      %dma_start3A_123 = tpu.memref_slice %arg3[%squeeze3A_111, %dma_start3A_122] : memref<1000000x32xf32, #tpu.memory_space<hbm>> -> memref<1x32xf32, #tpu.memory_space<hbm>>
      tpu.enqueue_dma source(%dma_start3A_123 : memref<1x32xf32, #tpu.memory_space<hbm>>) target(%dma_start3A_121 : memref<1x32xf32, #tpu.memory_space<vmem>>) target_semaphore(%arg9 : memref<!tpu.dma_semaphore, #tpu.memory_space<semaphore_mem>>)
      %slice3A_124 = vector.extract_strided_slice %get3A_70 {offsets = [4], sizes = [1], strides = [1]} : vector<16xi32> to vector<1xi32>
      %squeeze3A_125 = vector.extract %slice3A_124[0] : i32 from vector<1xi32>
      %mul3A_126 = arith.constant 16 : i32
      %mul3A_127 = arith.muli %scan3A_63, %mul3A_126 : i32
      %add3A_128 = arith.constant 4 : i32
      %add3A_129 = arith.addi %mul3A_127, %add3A_128 : i32
      %dma_start3A_130 = arith.constant 0 : i32
      %dma_start3A_131 = tpu.memref_slice %arg7[%add3A_129, %dma_start3A_130] : memref<128x32xf32, #tpu.memory_space<vmem>> -> memref<1x32xf32, #tpu.memory_space<vmem>>
      %dma_start3A_132 = arith.constant 0 : i32
      %dma_start3A_133 = tpu.memref_slice %arg3[%squeeze3A_125, %dma_start3A_132] : memref<1000000x32xf32, #tpu.memory_space<hbm>> -> memref<1x32xf32, #tpu.memory_space<hbm>>
      %dma_start3A_134 = arith.constant 0 : i32
      %dma_start3A_135 = tpu.memref_slice %arg7[%add3A_129, %dma_start3A_134] : memref<128x32xf32, #tpu.memory_space<vmem>> -> memref<1x32xf32, #tpu.memory_space<vmem>>
      %dma_start3A_136 = arith.constant 0 : i32
      %dma_start3A_137 = tpu.memref_slice %arg3[%squeeze3A_125, %dma_start3A_136] : memref<1000000x32xf32, #tpu.memory_space<hbm>> -> memref<1x32xf32, #tpu.memory_space<hbm>>
      tpu.enqueue_dma source(%dma_start3A_137 : memref<1x32xf32, #tpu.memory_space<hbm>>) target(%dma_start3A_135 : memref<1x32xf32, #tpu.memory_space<vmem>>) target_semaphore(%arg9 : memref<!tpu.dma_semaphore, #tpu.memory_space<semaphore_mem>>)
      %slice3A_138 = vector.extract_strided_slice %get3A_70 {offsets = [5], sizes = [1], strides = [1]} : vector<16xi32> to vector<1xi32>
      %squeeze3A_139 = vector.extract %slice3A_138[0] : i32 from vector<1xi32>
      %mul3A_140 = arith.constant 16 : i32
      %mul3A_141 = arith.muli %scan3A_63, %mul3A_140 : i32
      %add3A_142 = arith.constant 5 : i32
      %add3A_143 = arith.addi %mul3A_141, %add3A_142 : i32
      %dma_start3A_144 = arith.constant 0 : i32
      %dma_start3A_145 = tpu.memref_slice %arg7[%add3A_143, %dma_start3A_144] : memref<128x32xf32, #tpu.memory_space<vmem>> -> memref<1x32xf32, #tpu.memory_space<vmem>>
      %dma_start3A_146 = arith.constant 0 : i32
      %dma_start3A_147 = tpu.memref_slice %arg3[%squeeze3A_139, %dma_start3A_146] : memref<1000000x32xf32, #tpu.memory_space<hbm>> -> memref<1x32xf32, #tpu.memory_space<hbm>>
      %dma_start3A_148 = arith.constant 0 : i32
      %dma_start3A_149 = tpu.memref_slice %arg7[%add3A_143, %dma_start3A_148] : memref<128x32xf32, #tpu.memory_space<vmem>> -> memref<1x32xf32, #tpu.memory_space<vmem>>
      %dma_start3A_150 = arith.constant 0 : i32
      %dma_start3A_151 = tpu.memref_slice %arg3[%squeeze3A_139, %dma_start3A_150] : memref<1000000x32xf32, #tpu.memory_space<hbm>> -> memref<1x32xf32, #tpu.memory_space<hbm>>
      tpu.enqueue_dma source(%dma_start3A_151 : memref<1x32xf32, #tpu.memory_space<hbm>>) target(%dma_start3A_149 : memref<1x32xf32, #tpu.memory_space<vmem>>) target_semaphore(%arg9 : memref<!tpu.dma_semaphore, #tpu.memory_space<semaphore_mem>>)
      %slice3A_152 = vector.extract_strided_slice %get3A_70 {offsets = [6], sizes = [1], strides = [1]} : vector<16xi32> to vector<1xi32>
      %squeeze3A_153 = vector.extract %slice3A_152[0] : i32 from vector<1xi32>
      %mul3A_154 = arith.constant 16 : i32
      %mul3A_155 = arith.muli %scan3A_63, %mul3A_154 : i32
      %add3A_156 = arith.constant 6 : i32
      %add3A_157 = arith.addi %mul3A_155, %add3A_156 : i32
      %dma_start3A_158 = arith.constant 0 : i32
      %dma_start3A_159 = tpu.memref_slice %arg7[%add3A_157, %dma_start3A_158] : memref<128x32xf32, #tpu.memory_space<vmem>> -> memref<1x32xf32, #tpu.memory_space<vmem>>
      %dma_start3A_160 = arith.constant 0 : i32
      %dma_start3A_161 = tpu.memref_slice %arg3[%squeeze3A_153, %dma_start3A_160] : memref<1000000x32xf32, #tpu.memory_space<hbm>> -> memref<1x32xf32, #tpu.memory_space<hbm>>
      %dma_start3A_162 = arith.constant 0 : i32
      %dma_start3A_163 = tpu.memref_slice %arg7[%add3A_157, %dma_start3A_162] : memref<128x32xf32, #tpu.memory_space<vmem>> -> memref<1x32xf32, #tpu.memory_space<vmem>>
      %dma_start3A_164 = arith.constant 0 : i32
      %dma_start3A_165 = tpu.memref_slice %arg3[%squeeze3A_153, %dma_start3A_164] : memref<1000000x32xf32, #tpu.memory_space<hbm>> -> memref<1x32xf32, #tpu.memory_space<hbm>>
      tpu.enqueue_dma source(%dma_start3A_165 : memref<1x32xf32, #tpu.memory_space<hbm>>) target(%dma_start3A_163 : memref<1x32xf32, #tpu.memory_space<vmem>>) target_semaphore(%arg9 : memref<!tpu.dma_semaphore, #tpu.memory_space<semaphore_mem>>)
      %slice3A_166 = vector.extract_strided_slice %get3A_70 {offsets = [7], sizes = [1], strides = [1]} : vector<16xi32> to vector<1xi32>
      %squeeze3A_167 = vector.extract %slice3A_166[0] : i32 from vector<1xi32>
      %mul3A_168 = arith.constant 16 : i32
      %mul3A_169 = arith.muli %scan3A_63, %mul3A_168 : i32
      %add3A_170 = arith.constant 7 : i32
      %add3A_171 = arith.addi %mul3A_169, %add3A_170 : i32
      %dma_start3A_172 = arith.constant 0 : i32
      %dma_start3A_173 = tpu.memref_slice %arg7[%add3A_171, %dma_start3A_172] : memref<128x32xf32, #tpu.memory_space<vmem>> -> memref<1x32xf32, #tpu.memory_space<vmem>>
      %dma_start3A_174 = arith.constant 0 : i32
      %dma_start3A_175 = tpu.memref_slice %arg3[%squeeze3A_167, %dma_start3A_174] : memref<1000000x32xf32, #tpu.memory_space<hbm>> -> memref<1x32xf32, #tpu.memory_space<hbm>>
      %dma_start3A_176 = arith.constant 0 : i32
      %dma_start3A_177 = tpu.memref_slice %arg7[%add3A_171, %dma_start3A_176] : memref<128x32xf32, #tpu.memory_space<vmem>> -> memref<1x32xf32, #tpu.memory_space<vmem>>
      %dma_start3A_178 = arith.constant 0 : i32
      %dma_start3A_179 = tpu.memref_slice %arg3[%squeeze3A_167, %dma_start3A_178] : memref<1000000x32xf32, #tpu.memory_space<hbm>> -> memref<1x32xf32, #tpu.memory_space<hbm>>
      tpu.enqueue_dma source(%dma_start3A_179 : memref<1x32xf32, #tpu.memory_space<hbm>>) target(%dma_start3A_177 : memref<1x32xf32, #tpu.memory_space<vmem>>) target_semaphore(%arg9 : memref<!tpu.dma_semaphore, #tpu.memory_space<semaphore_mem>>)
      %slice3A_180 = vector.extract_strided_slice %get3A_70 {offsets = [8], sizes = [1], strides = [1]} : vector<16xi32> to vector<1xi32>
      %squeeze3A_181 = vector.extract %slice3A_180[0] : i32 from vector<1xi32>
      %mul3A_182 = arith.constant 16 : i32
      %mul3A_183 = arith.muli %scan3A_63, %mul3A_182 : i32
      %add3A_184 = arith.constant 8 : i32
      %add3A_185 = arith.addi %mul3A_183, %add3A_184 : i32
      %dma_start3A_186 = arith.constant 0 : i32
      %dma_start3A_187 = tpu.memref_slice %arg7[%add3A_185, %dma_start3A_186] : memref<128x32xf32, #tpu.memory_space<vmem>> -> memref<1x32xf32, #tpu.memory_space<vmem>>
      %dma_start3A_188 = arith.constant 0 : i32
      %dma_start3A_189 = tpu.memref_slice %arg3[%squeeze3A_181, %dma_start3A_188] : memref<1000000x32xf32, #tpu.memory_space<hbm>> -> memref<1x32xf32, #tpu.memory_space<hbm>>
      %dma_start3A_190 = arith.constant 0 : i32
      %dma_start3A_191 = tpu.memref_slice %arg7[%add3A_185, %dma_start3A_190] : memref<128x32xf32, #tpu.memory_space<vmem>> -> memref<1x32xf32, #tpu.memory_space<vmem>>
      %dma_start3A_192 = arith.constant 0 : i32
      %dma_start3A_193 = tpu.memref_slice %arg3[%squeeze3A_181, %dma_start3A_192] : memref<1000000x32xf32, #tpu.memory_space<hbm>> -> memref<1x32xf32, #tpu.memory_space<hbm>>
      tpu.enqueue_dma source(%dma_start3A_193 : memref<1x32xf32, #tpu.memory_space<hbm>>) target(%dma_start3A_191 : memref<1x32xf32, #tpu.memory_space<vmem>>) target_semaphore(%arg9 : memref<!tpu.dma_semaphore, #tpu.memory_space<semaphore_mem>>)
      %slice3A_194 = vector.extract_strided_slice %get3A_70 {offsets = [9], sizes = [1], strides = [1]} : vector<16xi32> to vector<1xi32>
      %squeeze3A_195 = vector.extract %slice3A_194[0] : i32 from vector<1xi32>
      %mul3A_196 = arith.constant 16 : i32
      %mul3A_197 = arith.muli %scan3A_63, %mul3A_196 : i32
      %add3A_198 = arith.constant 9 : i32
      %add3A_199 = arith.addi %mul3A_197, %add3A_198 : i32
      %dma_start3A_200 = arith.constant 0 : i32
      %dma_start3A_201 = tpu.memref_slice %arg7[%add3A_199, %dma_start3A_200] : memref<128x32xf32, #tpu.memory_space<vmem>> -> memref<1x32xf32, #tpu.memory_space<vmem>>
      %dma_start3A_202 = arith.constant 0 : i32
      %dma_start3A_203 = tpu.memref_slice %arg3[%squeeze3A_195, %dma_start3A_202] : memref<1000000x32xf32, #tpu.memory_space<hbm>> -> memref<1x32xf32, #tpu.memory_space<hbm>>
      %dma_start3A_204 = arith.constant 0 : i32
      %dma_start3A_205 = tpu.memref_slice %arg7[%add3A_199, %dma_start3A_204] : memref<128x32xf32, #tpu.memory_space<vmem>> -> memref<1x32xf32, #tpu.memory_space<vmem>>
      %dma_start3A_206 = arith.constant 0 : i32
      %dma_start3A_207 = tpu.memref_slice %arg3[%squeeze3A_195, %dma_start3A_206] : memref<1000000x32xf32, #tpu.memory_space<hbm>> -> memref<1x32xf32, #tpu.memory_space<hbm>>
      tpu.enqueue_dma source(%dma_start3A_207 : memref<1x32xf32, #tpu.memory_space<hbm>>) target(%dma_start3A_205 : memref<1x32xf32, #tpu.memory_space<vmem>>) target_semaphore(%arg9 : memref<!tpu.dma_semaphore, #tpu.memory_space<semaphore_mem>>)
      %slice3A_208 = vector.extract_strided_slice %get3A_70 {offsets = [10], sizes = [1], strides = [1]} : vector<16xi32> to vector<1xi32>
      %squeeze3A_209 = vector.extract %slice3A_208[0] : i32 from vector<1xi32>
      %mul3A_210 = arith.constant 16 : i32
      %mul3A_211 = arith.muli %scan3A_63, %mul3A_210 : i32
      %add3A_212 = arith.constant 10 : i32
      %add3A_213 = arith.addi %mul3A_211, %add3A_212 : i32
      %dma_start3A_214 = arith.constant 0 : i32
      %dma_start3A_215 = tpu.memref_slice %arg7[%add3A_213, %dma_start3A_214] : memref<128x32xf32, #tpu.memory_space<vmem>> -> memref<1x32xf32, #tpu.memory_space<vmem>>
      %dma_start3A_216 = arith.constant 0 : i32
      %dma_start3A_217 = tpu.memref_slice %arg3[%squeeze3A_209, %dma_start3A_216] : memref<1000000x32xf32, #tpu.memory_space<hbm>> -> memref<1x32xf32, #tpu.memory_space<hbm>>
      %dma_start3A_218 = arith.constant 0 : i32
      %dma_start3A_219 = tpu.memref_slice %arg7[%add3A_213, %dma_start3A_218] : memref<128x32xf32, #tpu.memory_space<vmem>> -> memref<1x32xf32, #tpu.memory_space<vmem>>
      %dma_start3A_220 = arith.constant 0 : i32
      %dma_start3A_221 = tpu.memref_slice %arg3[%squeeze3A_209, %dma_start3A_220] : memref<1000000x32xf32, #tpu.memory_space<hbm>> -> memref<1x32xf32, #tpu.memory_space<hbm>>
      tpu.enqueue_dma source(%dma_start3A_221 : memref<1x32xf32, #tpu.memory_space<hbm>>) target(%dma_start3A_219 : memref<1x32xf32, #tpu.memory_space<vmem>>) target_semaphore(%arg9 : memref<!tpu.dma_semaphore, #tpu.memory_space<semaphore_mem>>)
      %slice3A_222 = vector.extract_strided_slice %get3A_70 {offsets = [11], sizes = [1], strides = [1]} : vector<16xi32> to vector<1xi32>
      %squeeze3A_223 = vector.extract %slice3A_222[0] : i32 from vector<1xi32>
      %mul3A_224 = arith.constant 16 : i32
      %mul3A_225 = arith.muli %scan3A_63, %mul3A_224 : i32
      %add3A_226 = arith.constant 11 : i32
      %add3A_227 = arith.addi %mul3A_225, %add3A_226 : i32
      %dma_start3A_228 = arith.constant 0 : i32
      %dma_start3A_229 = tpu.memref_slice %arg7[%add3A_227, %dma_start3A_228] : memref<128x32xf32, #tpu.memory_space<vmem>> -> memref<1x32xf32, #tpu.memory_space<vmem>>
      %dma_start3A_230 = arith.constant 0 : i32
      %dma_start3A_231 = tpu.memref_slice %arg3[%squeeze3A_223, %dma_start3A_230] : memref<1000000x32xf32, #tpu.memory_space<hbm>> -> memref<1x32xf32, #tpu.memory_space<hbm>>
      %dma_start3A_232 = arith.constant 0 : i32
      %dma_start3A_233 = tpu.memref_slice %arg7[%add3A_227, %dma_start3A_232] : memref<128x32xf32, #tpu.memory_space<vmem>> -> memref<1x32xf32, #tpu.memory_space<vmem>>
      %dma_start3A_234 = arith.constant 0 : i32
      %dma_start3A_235 = tpu.memref_slice %arg3[%squeeze3A_223, %dma_start3A_234] : memref<1000000x32xf32, #tpu.memory_space<hbm>> -> memref<1x32xf32, #tpu.memory_space<hbm>>
      tpu.enqueue_dma source(%dma_start3A_235 : memref<1x32xf32, #tpu.memory_space<hbm>>) target(%dma_start3A_233 : memref<1x32xf32, #tpu.memory_space<vmem>>) target_semaphore(%arg9 : memref<!tpu.dma_semaphore, #tpu.memory_space<semaphore_mem>>)
      %slice3A_236 = vector.extract_strided_slice %get3A_70 {offsets = [12], sizes = [1], strides = [1]} : vector<16xi32> to vector<1xi32>
      %squeeze3A_237 = vector.extract %slice3A_236[0] : i32 from vector<1xi32>
      %mul3A_238 = arith.constant 16 : i32
      %mul3A_239 = arith.muli %scan3A_63, %mul3A_238 : i32
      %add3A_240 = arith.constant 12 : i32
      %add3A_241 = arith.addi %mul3A_239, %add3A_240 : i32
      %dma_start3A_242 = arith.constant 0 : i32
      %dma_start3A_243 = tpu.memref_slice %arg7[%add3A_241, %dma_start3A_242] : memref<128x32xf32, #tpu.memory_space<vmem>> -> memref<1x32xf32, #tpu.memory_space<vmem>>
      %dma_start3A_244 = arith.constant 0 : i32
      %dma_start3A_245 = tpu.memref_slice %arg3[%squeeze3A_237, %dma_start3A_244] : memref<1000000x32xf32, #tpu.memory_space<hbm>> -> memref<1x32xf32, #tpu.memory_space<hbm>>
      %dma_start3A_246 = arith.constant 0 : i32
      %dma_start3A_247 = tpu.memref_slice %arg7[%add3A_241, %dma_start3A_246] : memref<128x32xf32, #tpu.memory_space<vmem>> -> memref<1x32xf32, #tpu.memory_space<vmem>>
      %dma_start3A_248 = arith.constant 0 : i32
      %dma_start3A_249 = tpu.memref_slice %arg3[%squeeze3A_237, %dma_start3A_248] : memref<1000000x32xf32, #tpu.memory_space<hbm>> -> memref<1x32xf32, #tpu.memory_space<hbm>>
      tpu.enqueue_dma source(%dma_start3A_249 : memref<1x32xf32, #tpu.memory_space<hbm>>) target(%dma_start3A_247 : memref<1x32xf32, #tpu.memory_space<vmem>>) target_semaphore(%arg9 : memref<!tpu.dma_semaphore, #tpu.memory_space<semaphore_mem>>)
      %slice3A_250 = vector.extract_strided_slice %get3A_70 {offsets = [13], sizes = [1], strides = [1]} : vector<16xi32> to vector<1xi32>
      %squeeze3A_251 = vector.extract %slice3A_250[0] : i32 from vector<1xi32>
      %mul3A_252 = arith.constant 16 : i32
      %mul3A_253 = arith.muli %scan3A_63, %mul3A_252 : i32
      %add3A_254 = arith.constant 13 : i32
      %add3A_255 = arith.addi %mul3A_253, %add3A_254 : i32
      %dma_start3A_256 = arith.constant 0 : i32
      %dma_start3A_257 = tpu.memref_slice %arg7[%add3A_255, %dma_start3A_256] : memref<128x32xf32, #tpu.memory_space<vmem>> -> memref<1x32xf32, #tpu.memory_space<vmem>>
      %dma_start3A_258 = arith.constant 0 : i32
      %dma_start3A_259 = tpu.memref_slice %arg3[%squeeze3A_251, %dma_start3A_258] : memref<1000000x32xf32, #tpu.memory_space<hbm>> -> memref<1x32xf32, #tpu.memory_space<hbm>>
      %dma_start3A_260 = arith.constant 0 : i32
      %dma_start3A_261 = tpu.memref_slice %arg7[%add3A_255, %dma_start3A_260] : memref<128x32xf32, #tpu.memory_space<vmem>> -> memref<1x32xf32, #tpu.memory_space<vmem>>
      %dma_start3A_262 = arith.constant 0 : i32
      %dma_start3A_263 = tpu.memref_slice %arg3[%squeeze3A_251, %dma_start3A_262] : memref<1000000x32xf32, #tpu.memory_space<hbm>> -> memref<1x32xf32, #tpu.memory_space<hbm>>
      tpu.enqueue_dma source(%dma_start3A_263 : memref<1x32xf32, #tpu.memory_space<hbm>>) target(%dma_start3A_261 : memref<1x32xf32, #tpu.memory_space<vmem>>) target_semaphore(%arg9 : memref<!tpu.dma_semaphore, #tpu.memory_space<semaphore_mem>>)
      %slice3A_264 = vector.extract_strided_slice %get3A_70 {offsets = [14], sizes = [1], strides = [1]} : vector<16xi32> to vector<1xi32>
      %squeeze3A_265 = vector.extract %slice3A_264[0] : i32 from vector<1xi32>
      %mul3A_266 = arith.constant 16 : i32
      %mul3A_267 = arith.muli %scan3A_63, %mul3A_266 : i32
      %add3A_268 = arith.constant 14 : i32
      %add3A_269 = arith.addi %mul3A_267, %add3A_268 : i32
      %dma_start3A_270 = arith.constant 0 : i32
      %dma_start3A_271 = tpu.memref_slice %arg7[%add3A_269, %dma_start3A_270] : memref<128x32xf32, #tpu.memory_space<vmem>> -> memref<1x32xf32, #tpu.memory_space<vmem>>
      %dma_start3A_272 = arith.constant 0 : i32
      %dma_start3A_273 = tpu.memref_slice %arg3[%squeeze3A_265, %dma_start3A_272] : memref<1000000x32xf32, #tpu.memory_space<hbm>> -> memref<1x32xf32, #tpu.memory_space<hbm>>
      %dma_start3A_274 = arith.constant 0 : i32
      %dma_start3A_275 = tpu.memref_slice %arg7[%add3A_269, %dma_start3A_274] : memref<128x32xf32, #tpu.memory_space<vmem>> -> memref<1x32xf32, #tpu.memory_space<vmem>>
      %dma_start3A_276 = arith.constant 0 : i32
      %dma_start3A_277 = tpu.memref_slice %arg3[%squeeze3A_265, %dma_start3A_276] : memref<1000000x32xf32, #tpu.memory_space<hbm>> -> memref<1x32xf32, #tpu.memory_space<hbm>>
      tpu.enqueue_dma source(%dma_start3A_277 : memref<1x32xf32, #tpu.memory_space<hbm>>) target(%dma_start3A_275 : memref<1x32xf32, #tpu.memory_space<vmem>>) target_semaphore(%arg9 : memref<!tpu.dma_semaphore, #tpu.memory_space<semaphore_mem>>)
      %slice3A_278 = vector.extract_strided_slice %get3A_70 {offsets = [15], sizes = [1], strides = [1]} : vector<16xi32> to vector<1xi32>
      %squeeze3A_279 = vector.extract %slice3A_278[0] : i32 from vector<1xi32>
      %mul3A_280 = arith.constant 16 : i32
      %mul3A_281 = arith.muli %scan3A_63, %mul3A_280 : i32
      %add3A_282 = arith.constant 15 : i32
      %add3A_283 = arith.addi %mul3A_281, %add3A_282 : i32
      %dma_start3A_284 = arith.constant 0 : i32
      %dma_start3A_285 = tpu.memref_slice %arg7[%add3A_283, %dma_start3A_284] : memref<128x32xf32, #tpu.memory_space<vmem>> -> memref<1x32xf32, #tpu.memory_space<vmem>>
      %dma_start3A_286 = arith.constant 0 : i32
      %dma_start3A_287 = tpu.memref_slice %arg3[%squeeze3A_279, %dma_start3A_286] : memref<1000000x32xf32, #tpu.memory_space<hbm>> -> memref<1x32xf32, #tpu.memory_space<hbm>>
      %dma_start3A_288 = arith.constant 0 : i32
      %dma_start3A_289 = tpu.memref_slice %arg7[%add3A_283, %dma_start3A_288] : memref<128x32xf32, #tpu.memory_space<vmem>> -> memref<1x32xf32, #tpu.memory_space<vmem>>
      %dma_start3A_290 = arith.constant 0 : i32
      %dma_start3A_291 = tpu.memref_slice %arg3[%squeeze3A_279, %dma_start3A_290] : memref<1000000x32xf32, #tpu.memory_space<hbm>> -> memref<1x32xf32, #tpu.memory_space<hbm>>
      tpu.enqueue_dma source(%dma_start3A_291 : memref<1x32xf32, #tpu.memory_space<hbm>>) target(%dma_start3A_289 : memref<1x32xf32, #tpu.memory_space<vmem>>) target_semaphore(%arg9 : memref<!tpu.dma_semaphore, #tpu.memory_space<semaphore_mem>>)
      %scan3A_292 = arith.constant 0 : i32
      scf.yield %scan3A_292 : i32
    }
    %scan3A_17 = arith.constant 8 : i32
    %dma_wait3A = arith.constant 0 : i32
    %dma_wait3A_18 = arith.constant 0 : i32
    %dma_wait3A_19 = tpu.memref_slice %arg3[%dma_wait3A, %dma_wait3A_18] : memref<1000000x32xf32, #tpu.memory_space<hbm>> -> memref<128x32xf32, #tpu.memory_space<hbm>>
    %dma_wait3A_20 = arith.constant 0 : i32
    %dma_wait3A_21 = arith.constant 0 : i32
    %dma_wait3A_22 = tpu.memref_slice %arg3[%dma_wait3A_20, %dma_wait3A_21] : memref<1000000x32xf32, #tpu.memory_space<hbm>> -> memref<128x32xf32, #tpu.memory_space<hbm>>
    tpu.wait_dma2 semaphore(%arg8 : memref<!tpu.dma_semaphore, #tpu.memory_space<semaphore_mem>>) src(%dma_wait3A_22 : memref<128x32xf32, #tpu.memory_space<hbm>>) dst(%arg6 : memref<128x32xf32, #tpu.memory_space<vmem>>)
    %add3A_23 = arith.constant 0 : i32
    %add3A_24 = arith.addi %mul3A_2, %add3A_23 : i32
    "tpu.region"() ({
      %run_scoped3A = tpu.sem_alloc : memref<!tpu.dma_semaphore, #tpu.memory_space<semaphore_mem>>
      %dma_start3A = arith.constant 0 : i32
      %dma_start3A_63 = tpu.memref_slice %arg4[%add3A_24, %dma_start3A] : memref<16384x32xf32, #tpu.memory_space<hbm>> -> memref<128x32xf32, #tpu.memory_space<hbm>>
      %dma_start3A_64 = arith.constant 0 : i32
      %dma_start3A_65 = tpu.memref_slice %arg4[%add3A_24, %dma_start3A_64] : memref<16384x32xf32, #tpu.memory_space<hbm>> -> memref<128x32xf32, #tpu.memory_space<hbm>>
      tpu.enqueue_dma source(%arg6 : memref<128x32xf32, #tpu.memory_space<vmem>>) target(%dma_start3A_65 : memref<128x32xf32, #tpu.memory_space<hbm>>) target_semaphore(%run_scoped3A : memref<!tpu.dma_semaphore, #tpu.memory_space<semaphore_mem>>)
      %dma_wait3A_66 = arith.constant 0 : i32
      %dma_wait3A_67 = tpu.memref_slice %arg4[%add3A_24, %dma_wait3A_66] : memref<16384x32xf32, #tpu.memory_space<hbm>> -> memref<128x32xf32, #tpu.memory_space<hbm>>
      %dma_wait3A_68 = arith.constant 0 : i32
      %dma_wait3A_69 = tpu.memref_slice %arg4[%add3A_24, %dma_wait3A_68] : memref<16384x32xf32, #tpu.memory_space<hbm>> -> memref<128x32xf32, #tpu.memory_space<hbm>>
      tpu.wait_dma2 semaphore(%run_scoped3A : memref<!tpu.dma_semaphore, #tpu.memory_space<semaphore_mem>>) src(%arg6 : memref<128x32xf32, #tpu.memory_space<vmem>>) dst(%dma_wait3A_69 : memref<128x32xf32, #tpu.memory_space<hbm>>)
      tpu.yield
    }) : () -> ()
    %scan3A_25 = arith.constant 0 : i32
    %scan3A_26 = arith.constant 0 : i32
    %scan3A_27 = arith.constant 8 : i32
    %scan3A_28 = arith.addi %scan3A_26, %scan3A_27 : i32
    %scan3A_29 = arith.constant 1 : i32
    %scan3A_30 = scf.for %scan3A_63 = %scan3A_26 to %scan3A_28 step %scan3A_29 iter_args(%scan3A_64 = %scan3A_25) -> (i32)  : i32 {
      %mul3A_65 = arith.constant 16 : i32
      %mul3A_66 = arith.muli %scan3A_63, %mul3A_65 : i32
      %get3A = arith.constant 2 : i32
      %get3A_67 = arith.index_cast %get3A : i32 to index
      %get3A_68 = arith.index_cast %mul3A_66 : i32 to index
      %get3A_69 = tpu.vector_load %arg5[%get3A_67, %get3A_68] {strides = array<i32>} : memref<4x128xi32, #tpu.memory_space<vmem>>, vector<1x16xi32>,
      %get3A_70 = vector.shape_cast %get3A_69 : vector<1x16xi32> to vector<16xi32>
      %slice3A = vector.extract_strided_slice %get3A_70 {offsets = [0], sizes = [1], strides = [1]} : vector<16xi32> to vector<1xi32>
      %squeeze3A = vector.extract %slice3A[0] : i32 from vector<1xi32>
      %mul3A_71 = arith.constant 16 : i32
      %mul3A_72 = arith.muli %scan3A_63, %mul3A_71 : i32
      %add3A_73 = arith.constant 0 : i32
      %add3A_74 = arith.addi %mul3A_72, %add3A_73 : i32
      %dma_start3A = arith.constant 0 : i32
      %dma_start3A_75 = tpu.memref_slice %arg6[%add3A_74, %dma_start3A] : memref<128x32xf32, #tpu.memory_space<vmem>> -> memref<1x32xf32, #tpu.memory_space<vmem>>
      %dma_start3A_76 = arith.constant 0 : i32
      %dma_start3A_77 = tpu.memref_slice %arg3[%squeeze3A, %dma_start3A_76] : memref<1000000x32xf32, #tpu.memory_space<hbm>> -> memref<1x32xf32, #tpu.memory_space<hbm>>
      %dma_start3A_78 = arith.constant 0 : i32
      %dma_start3A_79 = tpu.memref_slice %arg6[%add3A_74, %dma_start3A_78] : memref<128x32xf32, #tpu.memory_space<vmem>> -> memref<1x32xf32, #tpu.memory_space<vmem>>
      %dma_start3A_80 = arith.constant 0 : i32
      %dma_start3A_81 = tpu.memref_slice %arg3[%squeeze3A, %dma_start3A_80] : memref<1000000x32xf32, #tpu.memory_space<hbm>> -> memref<1x32xf32, #tpu.memory_space<hbm>>
      tpu.enqueue_dma source(%dma_start3A_81 : memref<1x32xf32, #tpu.memory_space<hbm>>) target(%dma_start3A_79 : memref<1x32xf32, #tpu.memory_space<vmem>>) target_semaphore(%arg8 : memref<!tpu.dma_semaphore, #tpu.memory_space<semaphore_mem>>)
      %slice3A_82 = vector.extract_strided_slice %get3A_70 {offsets = [1], sizes = [1], strides = [1]} : vector<16xi32> to vector<1xi32>
      %squeeze3A_83 = vector.extract %slice3A_82[0] : i32 from vector<1xi32>
      %mul3A_84 = arith.constant 16 : i32
      %mul3A_85 = arith.muli %scan3A_63, %mul3A_84 : i32
      %add3A_86 = arith.constant 1 : i32
      %add3A_87 = arith.addi %mul3A_85, %add3A_86 : i32
      %dma_start3A_88 = arith.constant 0 : i32
      %dma_start3A_89 = tpu.memref_slice %arg6[%add3A_87, %dma_start3A_88] : memref<128x32xf32, #tpu.memory_space<vmem>> -> memref<1x32xf32, #tpu.memory_space<vmem>>
      %dma_start3A_90 = arith.constant 0 : i32
      %dma_start3A_91 = tpu.memref_slice %arg3[%squeeze3A_83, %dma_start3A_90] : memref<1000000x32xf32, #tpu.memory_space<hbm>> -> memref<1x32xf32, #tpu.memory_space<hbm>>
      %dma_start3A_92 = arith.constant 0 : i32
      %dma_start3A_93 = tpu.memref_slice %arg6[%add3A_87, %dma_start3A_92] : memref<128x32xf32, #tpu.memory_space<vmem>> -> memref<1x32xf32, #tpu.memory_space<vmem>>
      %dma_start3A_94 = arith.constant 0 : i32
      %dma_start3A_95 = tpu.memref_slice %arg3[%squeeze3A_83, %dma_start3A_94] : memref<1000000x32xf32, #tpu.memory_space<hbm>> -> memref<1x32xf32, #tpu.memory_space<hbm>>
      tpu.enqueue_dma source(%dma_start3A_95 : memref<1x32xf32, #tpu.memory_space<hbm>>) target(%dma_start3A_93 : memref<1x32xf32, #tpu.memory_space<vmem>>) target_semaphore(%arg8 : memref<!tpu.dma_semaphore, #tpu.memory_space<semaphore_mem>>)
      %slice3A_96 = vector.extract_strided_slice %get3A_70 {offsets = [2], sizes = [1], strides = [1]} : vector<16xi32> to vector<1xi32>
      %squeeze3A_97 = vector.extract %slice3A_96[0] : i32 from vector<1xi32>
      %mul3A_98 = arith.constant 16 : i32
      %mul3A_99 = arith.muli %scan3A_63, %mul3A_98 : i32
      %add3A_100 = arith.constant 2 : i32
      %add3A_101 = arith.addi %mul3A_99, %add3A_100 : i32
      %dma_start3A_102 = arith.constant 0 : i32
      %dma_start3A_103 = tpu.memref_slice %arg6[%add3A_101, %dma_start3A_102] : memref<128x32xf32, #tpu.memory_space<vmem>> -> memref<1x32xf32, #tpu.memory_space<vmem>>
      %dma_start3A_104 = arith.constant 0 : i32
      %dma_start3A_105 = tpu.memref_slice %arg3[%squeeze3A_97, %dma_start3A_104] : memref<1000000x32xf32, #tpu.memory_space<hbm>> -> memref<1x32xf32, #tpu.memory_space<hbm>>
      %dma_start3A_106 = arith.constant 0 : i32
      %dma_start3A_107 = tpu.memref_slice %arg6[%add3A_101, %dma_start3A_106] : memref<128x32xf32, #tpu.memory_space<vmem>> -> memref<1x32xf32, #tpu.memory_space<vmem>>
      %dma_start3A_108 = arith.constant 0 : i32
      %dma_start3A_109 = tpu.memref_slice %arg3[%squeeze3A_97, %dma_start3A_108] : memref<1000000x32xf32, #tpu.memory_space<hbm>> -> memref<1x32xf32, #tpu.memory_space<hbm>>
      tpu.enqueue_dma source(%dma_start3A_109 : memref<1x32xf32, #tpu.memory_space<hbm>>) target(%dma_start3A_107 : memref<1x32xf32, #tpu.memory_space<vmem>>) target_semaphore(%arg8 : memref<!tpu.dma_semaphore, #tpu.memory_space<semaphore_mem>>)
      %slice3A_110 = vector.extract_strided_slice %get3A_70 {offsets = [3], sizes = [1], strides = [1]} : vector<16xi32> to vector<1xi32>
      %squeeze3A_111 = vector.extract %slice3A_110[0] : i32 from vector<1xi32>
      %mul3A_112 = arith.constant 16 : i32
      %mul3A_113 = arith.muli %scan3A_63, %mul3A_112 : i32
      %add3A_114 = arith.constant 3 : i32
      %add3A_115 = arith.addi %mul3A_113, %add3A_114 : i32
      %dma_start3A_116 = arith.constant 0 : i32
      %dma_start3A_117 = tpu.memref_slice %arg6[%add3A_115, %dma_start3A_116] : memref<128x32xf32, #tpu.memory_space<vmem>> -> memref<1x32xf32, #tpu.memory_space<vmem>>
      %dma_start3A_118 = arith.constant 0 : i32
      %dma_start3A_119 = tpu.memref_slice %arg3[%squeeze3A_111, %dma_start3A_118] : memref<1000000x32xf32, #tpu.memory_space<hbm>> -> memref<1x32xf32, #tpu.memory_space<hbm>>
      %dma_start3A_120 = arith.constant 0 : i32
      %dma_start3A_121 = tpu.memref_slice %arg6[%add3A_115, %dma_start3A_120] : memref<128x32xf32, #tpu.memory_space<vmem>> -> memref<1x32xf32, #tpu.memory_space<vmem>>
      %dma_start3A_122 = arith.constant 0 : i32
      %dma_start3A_123 = tpu.memref_slice %arg3[%squeeze3A_111, %dma_start3A_122] : memref<1000000x32xf32, #tpu.memory_space<hbm>> -> memref<1x32xf32, #tpu.memory_space<hbm>>
      tpu.enqueue_dma source(%dma_start3A_123 : memref<1x32xf32, #tpu.memory_space<hbm>>) target(%dma_start3A_121 : memref<1x32xf32, #tpu.memory_space<vmem>>) target_semaphore(%arg8 : memref<!tpu.dma_semaphore, #tpu.memory_space<semaphore_mem>>)
      %slice3A_124 = vector.extract_strided_slice %get3A_70 {offsets = [4], sizes = [1], strides = [1]} : vector<16xi32> to vector<1xi32>
      %squeeze3A_125 = vector.extract %slice3A_124[0] : i32 from vector<1xi32>
      %mul3A_126 = arith.constant 16 : i32
      %mul3A_127 = arith.muli %scan3A_63, %mul3A_126 : i32
      %add3A_128 = arith.constant 4 : i32
      %add3A_129 = arith.addi %mul3A_127, %add3A_128 : i32
      %dma_start3A_130 = arith.constant 0 : i32
      %dma_start3A_131 = tpu.memref_slice %arg6[%add3A_129, %dma_start3A_130] : memref<128x32xf32, #tpu.memory_space<vmem>> -> memref<1x32xf32, #tpu.memory_space<vmem>>
      %dma_start3A_132 = arith.constant 0 : i32
      %dma_start3A_133 = tpu.memref_slice %arg3[%squeeze3A_125, %dma_start3A_132] : memref<1000000x32xf32, #tpu.memory_space<hbm>> -> memref<1x32xf32, #tpu.memory_space<hbm>>
      %dma_start3A_134 = arith.constant 0 : i32
      %dma_start3A_135 = tpu.memref_slice %arg6[%add3A_129, %dma_start3A_134] : memref<128x32xf32, #tpu.memory_space<vmem>> -> memref<1x32xf32, #tpu.memory_space<vmem>>
      %dma_start3A_136 = arith.constant 0 : i32
      %dma_start3A_137 = tpu.memref_slice %arg3[%squeeze3A_125, %dma_start3A_136] : memref<1000000x32xf32, #tpu.memory_space<hbm>> -> memref<1x32xf32, #tpu.memory_space<hbm>>
      tpu.enqueue_dma source(%dma_start3A_137 : memref<1x32xf32, #tpu.memory_space<hbm>>) target(%dma_start3A_135 : memref<1x32xf32, #tpu.memory_space<vmem>>) target_semaphore(%arg8 : memref<!tpu.dma_semaphore, #tpu.memory_space<semaphore_mem>>)
      %slice3A_138 = vector.extract_strided_slice %get3A_70 {offsets = [5], sizes = [1], strides = [1]} : vector<16xi32> to vector<1xi32>
      %squeeze3A_139 = vector.extract %slice3A_138[0] : i32 from vector<1xi32>
      %mul3A_140 = arith.constant 16 : i32
      %mul3A_141 = arith.muli %scan3A_63, %mul3A_140 : i32
      %add3A_142 = arith.constant 5 : i32
      %add3A_143 = arith.addi %mul3A_141, %add3A_142 : i32
      %dma_start3A_144 = arith.constant 0 : i32
      %dma_start3A_145 = tpu.memref_slice %arg6[%add3A_143, %dma_start3A_144] : memref<128x32xf32, #tpu.memory_space<vmem>> -> memref<1x32xf32, #tpu.memory_space<vmem>>
      %dma_start3A_146 = arith.constant 0 : i32
      %dma_start3A_147 = tpu.memref_slice %arg3[%squeeze3A_139, %dma_start3A_146] : memref<1000000x32xf32, #tpu.memory_space<hbm>> -> memref<1x32xf32, #tpu.memory_space<hbm>>
      %dma_start3A_148 = arith.constant 0 : i32
      %dma_start3A_149 = tpu.memref_slice %arg6[%add3A_143, %dma_start3A_148] : memref<128x32xf32, #tpu.memory_space<vmem>> -> memref<1x32xf32, #tpu.memory_space<vmem>>
      %dma_start3A_150 = arith.constant 0 : i32
      %dma_start3A_151 = tpu.memref_slice %arg3[%squeeze3A_139, %dma_start3A_150] : memref<1000000x32xf32, #tpu.memory_space<hbm>> -> memref<1x32xf32, #tpu.memory_space<hbm>>
      tpu.enqueue_dma source(%dma_start3A_151 : memref<1x32xf32, #tpu.memory_space<hbm>>) target(%dma_start3A_149 : memref<1x32xf32, #tpu.memory_space<vmem>>) target_semaphore(%arg8 : memref<!tpu.dma_semaphore, #tpu.memory_space<semaphore_mem>>)
      %slice3A_152 = vector.extract_strided_slice %get3A_70 {offsets = [6], sizes = [1], strides = [1]} : vector<16xi32> to vector<1xi32>
      %squeeze3A_153 = vector.extract %slice3A_152[0] : i32 from vector<1xi32>
      %mul3A_154 = arith.constant 16 : i32
      %mul3A_155 = arith.muli %scan3A_63, %mul3A_154 : i32
      %add3A_156 = arith.constant 6 : i32
      %add3A_157 = arith.addi %mul3A_155, %add3A_156 : i32
      %dma_start3A_158 = arith.constant 0 : i32
      %dma_start3A_159 = tpu.memref_slice %arg6[%add3A_157, %dma_start3A_158] : memref<128x32xf32, #tpu.memory_space<vmem>> -> memref<1x32xf32, #tpu.memory_space<vmem>>
      %dma_start3A_160 = arith.constant 0 : i32
      %dma_start3A_161 = tpu.memref_slice %arg3[%squeeze3A_153, %dma_start3A_160] : memref<1000000x32xf32, #tpu.memory_space<hbm>> -> memref<1x32xf32, #tpu.memory_space<hbm>>
      %dma_start3A_162 = arith.constant 0 : i32
      %dma_start3A_163 = tpu.memref_slice %arg6[%add3A_157, %dma_start3A_162] : memref<128x32xf32, #tpu.memory_space<vmem>> -> memref<1x32xf32, #tpu.memory_space<vmem>>
      %dma_start3A_164 = arith.constant 0 : i32
      %dma_start3A_165 = tpu.memref_slice %arg3[%squeeze3A_153, %dma_start3A_164] : memref<1000000x32xf32, #tpu.memory_space<hbm>> -> memref<1x32xf32, #tpu.memory_space<hbm>>
      tpu.enqueue_dma source(%dma_start3A_165 : memref<1x32xf32, #tpu.memory_space<hbm>>) target(%dma_start3A_163 : memref<1x32xf32, #tpu.memory_space<vmem>>) target_semaphore(%arg8 : memref<!tpu.dma_semaphore, #tpu.memory_space<semaphore_mem>>)
      %slice3A_166 = vector.extract_strided_slice %get3A_70 {offsets = [7], sizes = [1], strides = [1]} : vector<16xi32> to vector<1xi32>
      %squeeze3A_167 = vector.extract %slice3A_166[0] : i32 from vector<1xi32>
      %mul3A_168 = arith.constant 16 : i32
      %mul3A_169 = arith.muli %scan3A_63, %mul3A_168 : i32
      %add3A_170 = arith.constant 7 : i32
      %add3A_171 = arith.addi %mul3A_169, %add3A_170 : i32
      %dma_start3A_172 = arith.constant 0 : i32
      %dma_start3A_173 = tpu.memref_slice %arg6[%add3A_171, %dma_start3A_172] : memref<128x32xf32, #tpu.memory_space<vmem>> -> memref<1x32xf32, #tpu.memory_space<vmem>>
      %dma_start3A_174 = arith.constant 0 : i32
      %dma_start3A_175 = tpu.memref_slice %arg3[%squeeze3A_167, %dma_start3A_174] : memref<1000000x32xf32, #tpu.memory_space<hbm>> -> memref<1x32xf32, #tpu.memory_space<hbm>>
      %dma_start3A_176 = arith.constant 0 : i32
      %dma_start3A_177 = tpu.memref_slice %arg6[%add3A_171, %dma_start3A_176] : memref<128x32xf32, #tpu.memory_space<vmem>> -> memref<1x32xf32, #tpu.memory_space<vmem>>
      %dma_start3A_178 = arith.constant 0 : i32
      %dma_start3A_179 = tpu.memref_slice %arg3[%squeeze3A_167, %dma_start3A_178] : memref<1000000x32xf32, #tpu.memory_space<hbm>> -> memref<1x32xf32, #tpu.memory_space<hbm>>
      tpu.enqueue_dma source(%dma_start3A_179 : memref<1x32xf32, #tpu.memory_space<hbm>>) target(%dma_start3A_177 : memref<1x32xf32, #tpu.memory_space<vmem>>) target_semaphore(%arg8 : memref<!tpu.dma_semaphore, #tpu.memory_space<semaphore_mem>>)
      %slice3A_180 = vector.extract_strided_slice %get3A_70 {offsets = [8], sizes = [1], strides = [1]} : vector<16xi32> to vector<1xi32>
      %squeeze3A_181 = vector.extract %slice3A_180[0] : i32 from vector<1xi32>
      %mul3A_182 = arith.constant 16 : i32
      %mul3A_183 = arith.muli %scan3A_63, %mul3A_182 : i32
      %add3A_184 = arith.constant 8 : i32
      %add3A_185 = arith.addi %mul3A_183, %add3A_184 : i32
      %dma_start3A_186 = arith.constant 0 : i32
      %dma_start3A_187 = tpu.memref_slice %arg6[%add3A_185, %dma_start3A_186] : memref<128x32xf32, #tpu.memory_space<vmem>> -> memref<1x32xf32, #tpu.memory_space<vmem>>
      %dma_start3A_188 = arith.constant 0 : i32
      %dma_start3A_189 = tpu.memref_slice %arg3[%squeeze3A_181, %dma_start3A_188] : memref<1000000x32xf32, #tpu.memory_space<hbm>> -> memref<1x32xf32, #tpu.memory_space<hbm>>
      %dma_start3A_190 = arith.constant 0 : i32
      %dma_start3A_191 = tpu.memref_slice %arg6[%add3A_185, %dma_start3A_190] : memref<128x32xf32, #tpu.memory_space<vmem>> -> memref<1x32xf32, #tpu.memory_space<vmem>>
      %dma_start3A_192 = arith.constant 0 : i32
      %dma_start3A_193 = tpu.memref_slice %arg3[%squeeze3A_181, %dma_start3A_192] : memref<1000000x32xf32, #tpu.memory_space<hbm>> -> memref<1x32xf32, #tpu.memory_space<hbm>>
      tpu.enqueue_dma source(%dma_start3A_193 : memref<1x32xf32, #tpu.memory_space<hbm>>) target(%dma_start3A_191 : memref<1x32xf32, #tpu.memory_space<vmem>>) target_semaphore(%arg8 : memref<!tpu.dma_semaphore, #tpu.memory_space<semaphore_mem>>)
      %slice3A_194 = vector.extract_strided_slice %get3A_70 {offsets = [9], sizes = [1], strides = [1]} : vector<16xi32> to vector<1xi32>
      %squeeze3A_195 = vector.extract %slice3A_194[0] : i32 from vector<1xi32>
      %mul3A_196 = arith.constant 16 : i32
      %mul3A_197 = arith.muli %scan3A_63, %mul3A_196 : i32
      %add3A_198 = arith.constant 9 : i32
      %add3A_199 = arith.addi %mul3A_197, %add3A_198 : i32
      %dma_start3A_200 = arith.constant 0 : i32
      %dma_start3A_201 = tpu.memref_slice %arg6[%add3A_199, %dma_start3A_200] : memref<128x32xf32, #tpu.memory_space<vmem>> -> memref<1x32xf32, #tpu.memory_space<vmem>>
      %dma_start3A_202 = arith.constant 0 : i32
      %dma_start3A_203 = tpu.memref_slice %arg3[%squeeze3A_195, %dma_start3A_202] : memref<1000000x32xf32, #tpu.memory_space<hbm>> -> memref<1x32xf32, #tpu.memory_space<hbm>>
      %dma_start3A_204 = arith.constant 0 : i32
      %dma_start3A_205 = tpu.memref_slice %arg6[%add3A_199, %dma_start3A_204] : memref<128x32xf32, #tpu.memory_space<vmem>> -> memref<1x32xf32, #tpu.memory_space<vmem>>
      %dma_start3A_206 = arith.constant 0 : i32
      %dma_start3A_207 = tpu.memref_slice %arg3[%squeeze3A_195, %dma_start3A_206] : memref<1000000x32xf32, #tpu.memory_space<hbm>> -> memref<1x32xf32, #tpu.memory_space<hbm>>
      tpu.enqueue_dma source(%dma_start3A_207 : memref<1x32xf32, #tpu.memory_space<hbm>>) target(%dma_start3A_205 : memref<1x32xf32, #tpu.memory_space<vmem>>) target_semaphore(%arg8 : memref<!tpu.dma_semaphore, #tpu.memory_space<semaphore_mem>>)
      %slice3A_208 = vector.extract_strided_slice %get3A_70 {offsets = [10], sizes = [1], strides = [1]} : vector<16xi32> to vector<1xi32>
      %squeeze3A_209 = vector.extract %slice3A_208[0] : i32 from vector<1xi32>
      %mul3A_210 = arith.constant 16 : i32
      %mul3A_211 = arith.muli %scan3A_63, %mul3A_210 : i32
      %add3A_212 = arith.constant 10 : i32
      %add3A_213 = arith.addi %mul3A_211, %add3A_212 : i32
      %dma_start3A_214 = arith.constant 0 : i32
      %dma_start3A_215 = tpu.memref_slice %arg6[%add3A_213, %dma_start3A_214] : memref<128x32xf32, #tpu.memory_space<vmem>> -> memref<1x32xf32, #tpu.memory_space<vmem>>
      %dma_start3A_216 = arith.constant 0 : i32
      %dma_start3A_217 = tpu.memref_slice %arg3[%squeeze3A_209, %dma_start3A_216] : memref<1000000x32xf32, #tpu.memory_space<hbm>> -> memref<1x32xf32, #tpu.memory_space<hbm>>
      %dma_start3A_218 = arith.constant 0 : i32
      %dma_start3A_219 = tpu.memref_slice %arg6[%add3A_213, %dma_start3A_218] : memref<128x32xf32, #tpu.memory_space<vmem>> -> memref<1x32xf32, #tpu.memory_space<vmem>>
      %dma_start3A_220 = arith.constant 0 : i32
      %dma_start3A_221 = tpu.memref_slice %arg3[%squeeze3A_209, %dma_start3A_220] : memref<1000000x32xf32, #tpu.memory_space<hbm>> -> memref<1x32xf32, #tpu.memory_space<hbm>>
      tpu.enqueue_dma source(%dma_start3A_221 : memref<1x32xf32, #tpu.memory_space<hbm>>) target(%dma_start3A_219 : memref<1x32xf32, #tpu.memory_space<vmem>>) target_semaphore(%arg8 : memref<!tpu.dma_semaphore, #tpu.memory_space<semaphore_mem>>)
      %slice3A_222 = vector.extract_strided_slice %get3A_70 {offsets = [11], sizes = [1], strides = [1]} : vector<16xi32> to vector<1xi32>
      %squeeze3A_223 = vector.extract %slice3A_222[0] : i32 from vector<1xi32>
      %mul3A_224 = arith.constant 16 : i32
      %mul3A_225 = arith.muli %scan3A_63, %mul3A_224 : i32
      %add3A_226 = arith.constant 11 : i32
      %add3A_227 = arith.addi %mul3A_225, %add3A_226 : i32
      %dma_start3A_228 = arith.constant 0 : i32
      %dma_start3A_229 = tpu.memref_slice %arg6[%add3A_227, %dma_start3A_228] : memref<128x32xf32, #tpu.memory_space<vmem>> -> memref<1x32xf32, #tpu.memory_space<vmem>>
      %dma_start3A_230 = arith.constant 0 : i32
      %dma_start3A_231 = tpu.memref_slice %arg3[%squeeze3A_223, %dma_start3A_230] : memref<1000000x32xf32, #tpu.memory_space<hbm>> -> memref<1x32xf32, #tpu.memory_space<hbm>>
      %dma_start3A_232 = arith.constant 0 : i32
      %dma_start3A_233 = tpu.memref_slice %arg6[%add3A_227, %dma_start3A_232] : memref<128x32xf32, #tpu.memory_space<vmem>> -> memref<1x32xf32, #tpu.memory_space<vmem>>
      %dma_start3A_234 = arith.constant 0 : i32
      %dma_start3A_235 = tpu.memref_slice %arg3[%squeeze3A_223, %dma_start3A_234] : memref<1000000x32xf32, #tpu.memory_space<hbm>> -> memref<1x32xf32, #tpu.memory_space<hbm>>
      tpu.enqueue_dma source(%dma_start3A_235 : memref<1x32xf32, #tpu.memory_space<hbm>>) target(%dma_start3A_233 : memref<1x32xf32, #tpu.memory_space<vmem>>) target_semaphore(%arg8 : memref<!tpu.dma_semaphore, #tpu.memory_space<semaphore_mem>>)
      %slice3A_236 = vector.extract_strided_slice %get3A_70 {offsets = [12], sizes = [1], strides = [1]} : vector<16xi32> to vector<1xi32>
      %squeeze3A_237 = vector.extract %slice3A_236[0] : i32 from vector<1xi32>
      %mul3A_238 = arith.constant 16 : i32
      %mul3A_239 = arith.muli %scan3A_63, %mul3A_238 : i32
      %add3A_240 = arith.constant 12 : i32
      %add3A_241 = arith.addi %mul3A_239, %add3A_240 : i32
      %dma_start3A_242 = arith.constant 0 : i32
      %dma_start3A_243 = tpu.memref_slice %arg6[%add3A_241, %dma_start3A_242] : memref<128x32xf32, #tpu.memory_space<vmem>> -> memref<1x32xf32, #tpu.memory_space<vmem>>
      %dma_start3A_244 = arith.constant 0 : i32
      %dma_start3A_245 = tpu.memref_slice %arg3[%squeeze3A_237, %dma_start3A_244] : memref<1000000x32xf32, #tpu.memory_space<hbm>> -> memref<1x32xf32, #tpu.memory_space<hbm>>
      %dma_start3A_246 = arith.constant 0 : i32
      %dma_start3A_247 = tpu.memref_slice %arg6[%add3A_241, %dma_start3A_246] : memref<128x32xf32, #tpu.memory_space<vmem>> -> memref<1x32xf32, #tpu.memory_space<vmem>>
      %dma_start3A_248 = arith.constant 0 : i32
      %dma_start3A_249 = tpu.memref_slice %arg3[%squeeze3A_237, %dma_start3A_248] : memref<1000000x32xf32, #tpu.memory_space<hbm>> -> memref<1x32xf32, #tpu.memory_space<hbm>>
      tpu.enqueue_dma source(%dma_start3A_249 : memref<1x32xf32, #tpu.memory_space<hbm>>) target(%dma_start3A_247 : memref<1x32xf32, #tpu.memory_space<vmem>>) target_semaphore(%arg8 : memref<!tpu.dma_semaphore, #tpu.memory_space<semaphore_mem>>)
      %slice3A_250 = vector.extract_strided_slice %get3A_70 {offsets = [13], sizes = [1], strides = [1]} : vector<16xi32> to vector<1xi32>
      %squeeze3A_251 = vector.extract %slice3A_250[0] : i32 from vector<1xi32>
      %mul3A_252 = arith.constant 16 : i32
      %mul3A_253 = arith.muli %scan3A_63, %mul3A_252 : i32
      %add3A_254 = arith.constant 13 : i32
      %add3A_255 = arith.addi %mul3A_253, %add3A_254 : i32
      %dma_start3A_256 = arith.constant 0 : i32
      %dma_start3A_257 = tpu.memref_slice %arg6[%add3A_255, %dma_start3A_256] : memref<128x32xf32, #tpu.memory_space<vmem>> -> memref<1x32xf32, #tpu.memory_space<vmem>>
      %dma_start3A_258 = arith.constant 0 : i32
      %dma_start3A_259 = tpu.memref_slice %arg3[%squeeze3A_251, %dma_start3A_258] : memref<1000000x32xf32, #tpu.memory_space<hbm>> -> memref<1x32xf32, #tpu.memory_space<hbm>>
      %dma_start3A_260 = arith.constant 0 : i32
      %dma_start3A_261 = tpu.memref_slice %arg6[%add3A_255, %dma_start3A_260] : memref<128x32xf32, #tpu.memory_space<vmem>> -> memref<1x32xf32, #tpu.memory_space<vmem>>
      %dma_start3A_262 = arith.constant 0 : i32
      %dma_start3A_263 = tpu.memref_slice %arg3[%squeeze3A_251, %dma_start3A_262] : memref<1000000x32xf32, #tpu.memory_space<hbm>> -> memref<1x32xf32, #tpu.memory_space<hbm>>
      tpu.enqueue_dma source(%dma_start3A_263 : memref<1x32xf32, #tpu.memory_space<hbm>>) target(%dma_start3A_261 : memref<1x32xf32, #tpu.memory_space<vmem>>) target_semaphore(%arg8 : memref<!tpu.dma_semaphore, #tpu.memory_space<semaphore_mem>>)
      %slice3A_264 = vector.extract_strided_slice %get3A_70 {offsets = [14], sizes = [1], strides = [1]} : vector<16xi32> to vector<1xi32>
      %squeeze3A_265 = vector.extract %slice3A_264[0] : i32 from vector<1xi32>
      %mul3A_266 = arith.constant 16 : i32
      %mul3A_267 = arith.muli %scan3A_63, %mul3A_266 : i32
      %add3A_268 = arith.constant 14 : i32
      %add3A_269 = arith.addi %mul3A_267, %add3A_268 : i32
      %dma_start3A_270 = arith.constant 0 : i32
      %dma_start3A_271 = tpu.memref_slice %arg6[%add3A_269, %dma_start3A_270] : memref<128x32xf32, #tpu.memory_space<vmem>> -> memref<1x32xf32, #tpu.memory_space<vmem>>
      %dma_start3A_272 = arith.constant 0 : i32
      %dma_start3A_273 = tpu.memref_slice %arg3[%squeeze3A_265, %dma_start3A_272] : memref<1000000x32xf32, #tpu.memory_space<hbm>> -> memref<1x32xf32, #tpu.memory_space<hbm>>
      %dma_start3A_274 = arith.constant 0 : i32
      %dma_start3A_275 = tpu.memref_slice %arg6[%add3A_269, %dma_start3A_274] : memref<128x32xf32, #tpu.memory_space<vmem>> -> memref<1x32xf32, #tpu.memory_space<vmem>>
      %dma_start3A_276 = arith.constant 0 : i32
      %dma_start3A_277 = tpu.memref_slice %arg3[%squeeze3A_265, %dma_start3A_276] : memref<1000000x32xf32, #tpu.memory_space<hbm>> -> memref<1x32xf32, #tpu.memory_space<hbm>>
      tpu.enqueue_dma source(%dma_start3A_277 : memref<1x32xf32, #tpu.memory_space<hbm>>) target(%dma_start3A_275 : memref<1x32xf32, #tpu.memory_space<vmem>>) target_semaphore(%arg8 : memref<!tpu.dma_semaphore, #tpu.memory_space<semaphore_mem>>)
      %slice3A_278 = vector.extract_strided_slice %get3A_70 {offsets = [15], sizes = [1], strides = [1]} : vector<16xi32> to vector<1xi32>
      %squeeze3A_279 = vector.extract %slice3A_278[0] : i32 from vector<1xi32>
      %mul3A_280 = arith.constant 16 : i32
      %mul3A_281 = arith.muli %scan3A_63, %mul3A_280 : i32
      %add3A_282 = arith.constant 15 : i32
      %add3A_283 = arith.addi %mul3A_281, %add3A_282 : i32
      %dma_start3A_284 = arith.constant 0 : i32
      %dma_start3A_285 = tpu.memref_slice %arg6[%add3A_283, %dma_start3A_284] : memref<128x32xf32, #tpu.memory_space<vmem>> -> memref<1x32xf32, #tpu.memory_space<vmem>>
      %dma_start3A_286 = arith.constant 0 : i32
      %dma_start3A_287 = tpu.memref_slice %arg3[%squeeze3A_279, %dma_start3A_286] : memref<1000000x32xf32, #tpu.memory_space<hbm>> -> memref<1x32xf32, #tpu.memory_space<hbm>>
      %dma_start3A_288 = arith.constant 0 : i32
      %dma_start3A_289 = tpu.memref_slice %arg6[%add3A_283, %dma_start3A_288] : memref<128x32xf32, #tpu.memory_space<vmem>> -> memref<1x32xf32, #tpu.memory_space<vmem>>
      %dma_start3A_290 = arith.constant 0 : i32
      %dma_start3A_291 = tpu.memref_slice %arg3[%squeeze3A_279, %dma_start3A_290] : memref<1000000x32xf32, #tpu.memory_space<hbm>> -> memref<1x32xf32, #tpu.memory_space<hbm>>
      tpu.enqueue_dma source(%dma_start3A_291 : memref<1x32xf32, #tpu.memory_space<hbm>>) target(%dma_start3A_289 : memref<1x32xf32, #tpu.memory_space<vmem>>) target_semaphore(%arg8 : memref<!tpu.dma_semaphore, #tpu.memory_space<semaphore_mem>>)
      %scan3A_292 = arith.constant 0 : i32
      scf.yield %scan3A_292 : i32
    }
    %scan3A_31 = arith.constant 8 : i32
    %dma_wait3A_32 = arith.constant 0 : i32
    %dma_wait3A_33 = arith.constant 0 : i32
    %dma_wait3A_34 = tpu.memref_slice %arg3[%dma_wait3A_32, %dma_wait3A_33] : memref<1000000x32xf32, #tpu.memory_space<hbm>> -> memref<128x32xf32, #tpu.memory_space<hbm>>
    %dma_wait3A_35 = arith.constant 0 : i32
    %dma_wait3A_36 = arith.constant 0 : i32
    %dma_wait3A_37 = tpu.memref_slice %arg3[%dma_wait3A_35, %dma_wait3A_36] : memref<1000000x32xf32, #tpu.memory_space<hbm>> -> memref<128x32xf32, #tpu.memory_space<hbm>>
    tpu.wait_dma2 semaphore(%arg9 : memref<!tpu.dma_semaphore, #tpu.memory_space<semaphore_mem>>) src(%dma_wait3A_37 : memref<128x32xf32, #tpu.memory_space<hbm>>) dst(%arg7 : memref<128x32xf32, #tpu.memory_space<vmem>>)
    %add3A_38 = arith.constant 128 : i32
    %add3A_39 = arith.addi %mul3A_2, %add3A_38 : i32
    "tpu.region"() ({
      %run_scoped3A = tpu.sem_alloc : memref<!tpu.dma_semaphore, #tpu.memory_space<semaphore_mem>>
      %dma_start3A = arith.constant 0 : i32
      %dma_start3A_63 = tpu.memref_slice %arg4[%add3A_39, %dma_start3A] : memref<16384x32xf32, #tpu.memory_space<hbm>> -> memref<128x32xf32, #tpu.memory_space<hbm>>
      %dma_start3A_64 = arith.constant 0 : i32
      %dma_start3A_65 = tpu.memref_slice %arg4[%add3A_39, %dma_start3A_64] : memref<16384x32xf32, #tpu.memory_space<hbm>> -> memref<128x32xf32, #tpu.memory_space<hbm>>
      tpu.enqueue_dma source(%arg7 : memref<128x32xf32, #tpu.memory_space<vmem>>) target(%dma_start3A_65 : memref<128x32xf32, #tpu.memory_space<hbm>>) target_semaphore(%run_scoped3A : memref<!tpu.dma_semaphore, #tpu.memory_space<semaphore_mem>>)
      %dma_wait3A_66 = arith.constant 0 : i32
      %dma_wait3A_67 = tpu.memref_slice %arg4[%add3A_39, %dma_wait3A_66] : memref<16384x32xf32, #tpu.memory_space<hbm>> -> memref<128x32xf32, #tpu.memory_space<hbm>>
      %dma_wait3A_68 = arith.constant 0 : i32
      %dma_wait3A_69 = tpu.memref_slice %arg4[%add3A_39, %dma_wait3A_68] : memref<16384x32xf32, #tpu.memory_space<hbm>> -> memref<128x32xf32, #tpu.memory_space<hbm>>
      tpu.wait_dma2 semaphore(%run_scoped3A : memref<!tpu.dma_semaphore, #tpu.memory_space<semaphore_mem>>) src(%arg7 : memref<128x32xf32, #tpu.memory_space<vmem>>) dst(%dma_wait3A_69 : memref<128x32xf32, #tpu.memory_space<hbm>>)
      tpu.yield
    }) : () -> ()
    %scan3A_40 = arith.constant 0 : i32
    %scan3A_41 = arith.constant 0 : i32
    %scan3A_42 = arith.constant 8 : i32
    %scan3A_43 = arith.addi %scan3A_41, %scan3A_42 : i32
    %scan3A_44 = arith.constant 1 : i32
    %scan3A_45 = scf.for %scan3A_63 = %scan3A_41 to %scan3A_43 step %scan3A_44 iter_args(%scan3A_64 = %scan3A_40) -> (i32)  : i32 {
      %mul3A_65 = arith.constant 16 : i32
      %mul3A_66 = arith.muli %scan3A_63, %mul3A_65 : i32
      %get3A = arith.constant 3 : i32
      %get3A_67 = arith.index_cast %get3A : i32 to index
      %get3A_68 = arith.index_cast %mul3A_66 : i32 to index
      %get3A_69 = tpu.vector_load %arg5[%get3A_67, %get3A_68] {strides = array<i32>} : memref<4x128xi32, #tpu.memory_space<vmem>>, vector<1x16xi32>,
      %get3A_70 = vector.shape_cast %get3A_69 : vector<1x16xi32> to vector<16xi32>
      %slice3A = vector.extract_strided_slice %get3A_70 {offsets = [0], sizes = [1], strides = [1]} : vector<16xi32> to vector<1xi32>
      %squeeze3A = vector.extract %slice3A[0] : i32 from vector<1xi32>
      %mul3A_71 = arith.constant 16 : i32
      %mul3A_72 = arith.muli %scan3A_63, %mul3A_71 : i32
      %add3A_73 = arith.constant 0 : i32
      %add3A_74 = arith.addi %mul3A_72, %add3A_73 : i32
      %dma_start3A = arith.constant 0 : i32
      %dma_start3A_75 = tpu.memref_slice %arg7[%add3A_74, %dma_start3A] : memref<128x32xf32, #tpu.memory_space<vmem>> -> memref<1x32xf32, #tpu.memory_space<vmem>>
      %dma_start3A_76 = arith.constant 0 : i32
      %dma_start3A_77 = tpu.memref_slice %arg3[%squeeze3A, %dma_start3A_76] : memref<1000000x32xf32, #tpu.memory_space<hbm>> -> memref<1x32xf32, #tpu.memory_space<hbm>>
      %dma_start3A_78 = arith.constant 0 : i32
      %dma_start3A_79 = tpu.memref_slice %arg7[%add3A_74, %dma_start3A_78] : memref<128x32xf32, #tpu.memory_space<vmem>> -> memref<1x32xf32, #tpu.memory_space<vmem>>
      %dma_start3A_80 = arith.constant 0 : i32
      %dma_start3A_81 = tpu.memref_slice %arg3[%squeeze3A, %dma_start3A_80] : memref<1000000x32xf32, #tpu.memory_space<hbm>> -> memref<1x32xf32, #tpu.memory_space<hbm>>
      tpu.enqueue_dma source(%dma_start3A_81 : memref<1x32xf32, #tpu.memory_space<hbm>>) target(%dma_start3A_79 : memref<1x32xf32, #tpu.memory_space<vmem>>) target_semaphore(%arg9 : memref<!tpu.dma_semaphore, #tpu.memory_space<semaphore_mem>>)
      %slice3A_82 = vector.extract_strided_slice %get3A_70 {offsets = [1], sizes = [1], strides = [1]} : vector<16xi32> to vector<1xi32>
      %squeeze3A_83 = vector.extract %slice3A_82[0] : i32 from vector<1xi32>
      %mul3A_84 = arith.constant 16 : i32
      %mul3A_85 = arith.muli %scan3A_63, %mul3A_84 : i32
      %add3A_86 = arith.constant 1 : i32
      %add3A_87 = arith.addi %mul3A_85, %add3A_86 : i32
      %dma_start3A_88 = arith.constant 0 : i32
      %dma_start3A_89 = tpu.memref_slice %arg7[%add3A_87, %dma_start3A_88] : memref<128x32xf32, #tpu.memory_space<vmem>> -> memref<1x32xf32, #tpu.memory_space<vmem>>
      %dma_start3A_90 = arith.constant 0 : i32
      %dma_start3A_91 = tpu.memref_slice %arg3[%squeeze3A_83, %dma_start3A_90] : memref<1000000x32xf32, #tpu.memory_space<hbm>> -> memref<1x32xf32, #tpu.memory_space<hbm>>
      %dma_start3A_92 = arith.constant 0 : i32
      %dma_start3A_93 = tpu.memref_slice %arg7[%add3A_87, %dma_start3A_92] : memref<128x32xf32, #tpu.memory_space<vmem>> -> memref<1x32xf32, #tpu.memory_space<vmem>>
      %dma_start3A_94 = arith.constant 0 : i32
      %dma_start3A_95 = tpu.memref_slice %arg3[%squeeze3A_83, %dma_start3A_94] : memref<1000000x32xf32, #tpu.memory_space<hbm>> -> memref<1x32xf32, #tpu.memory_space<hbm>>
      tpu.enqueue_dma source(%dma_start3A_95 : memref<1x32xf32, #tpu.memory_space<hbm>>) target(%dma_start3A_93 : memref<1x32xf32, #tpu.memory_space<vmem>>) target_semaphore(%arg9 : memref<!tpu.dma_semaphore, #tpu.memory_space<semaphore_mem>>)
      %slice3A_96 = vector.extract_strided_slice %get3A_70 {offsets = [2], sizes = [1], strides = [1]} : vector<16xi32> to vector<1xi32>
      %squeeze3A_97 = vector.extract %slice3A_96[0] : i32 from vector<1xi32>
      %mul3A_98 = arith.constant 16 : i32
      %mul3A_99 = arith.muli %scan3A_63, %mul3A_98 : i32
      %add3A_100 = arith.constant 2 : i32
      %add3A_101 = arith.addi %mul3A_99, %add3A_100 : i32
      %dma_start3A_102 = arith.constant 0 : i32
      %dma_start3A_103 = tpu.memref_slice %arg7[%add3A_101, %dma_start3A_102] : memref<128x32xf32, #tpu.memory_space<vmem>> -> memref<1x32xf32, #tpu.memory_space<vmem>>
      %dma_start3A_104 = arith.constant 0 : i32
      %dma_start3A_105 = tpu.memref_slice %arg3[%squeeze3A_97, %dma_start3A_104] : memref<1000000x32xf32, #tpu.memory_space<hbm>> -> memref<1x32xf32, #tpu.memory_space<hbm>>
      %dma_start3A_106 = arith.constant 0 : i32
      %dma_start3A_107 = tpu.memref_slice %arg7[%add3A_101, %dma_start3A_106] : memref<128x32xf32, #tpu.memory_space<vmem>> -> memref<1x32xf32, #tpu.memory_space<vmem>>
      %dma_start3A_108 = arith.constant 0 : i32
      %dma_start3A_109 = tpu.memref_slice %arg3[%squeeze3A_97, %dma_start3A_108] : memref<1000000x32xf32, #tpu.memory_space<hbm>> -> memref<1x32xf32, #tpu.memory_space<hbm>>
      tpu.enqueue_dma source(%dma_start3A_109 : memref<1x32xf32, #tpu.memory_space<hbm>>) target(%dma_start3A_107 : memref<1x32xf32, #tpu.memory_space<vmem>>) target_semaphore(%arg9 : memref<!tpu.dma_semaphore, #tpu.memory_space<semaphore_mem>>)
      %slice3A_110 = vector.extract_strided_slice %get3A_70 {offsets = [3], sizes = [1], strides = [1]} : vector<16xi32> to vector<1xi32>
      %squeeze3A_111 = vector.extract %slice3A_110[0] : i32 from vector<1xi32>
      %mul3A_112 = arith.constant 16 : i32
      %mul3A_113 = arith.muli %scan3A_63, %mul3A_112 : i32
      %add3A_114 = arith.constant 3 : i32
      %add3A_115 = arith.addi %mul3A_113, %add3A_114 : i32
      %dma_start3A_116 = arith.constant 0 : i32
      %dma_start3A_117 = tpu.memref_slice %arg7[%add3A_115, %dma_start3A_116] : memref<128x32xf32, #tpu.memory_space<vmem>> -> memref<1x32xf32, #tpu.memory_space<vmem>>
      %dma_start3A_118 = arith.constant 0 : i32
      %dma_start3A_119 = tpu.memref_slice %arg3[%squeeze3A_111, %dma_start3A_118] : memref<1000000x32xf32, #tpu.memory_space<hbm>> -> memref<1x32xf32, #tpu.memory_space<hbm>>
      %dma_start3A_120 = arith.constant 0 : i32
      %dma_start3A_121 = tpu.memref_slice %arg7[%add3A_115, %dma_start3A_120] : memref<128x32xf32, #tpu.memory_space<vmem>> -> memref<1x32xf32, #tpu.memory_space<vmem>>
      %dma_start3A_122 = arith.constant 0 : i32
      %dma_start3A_123 = tpu.memref_slice %arg3[%squeeze3A_111, %dma_start3A_122] : memref<1000000x32xf32, #tpu.memory_space<hbm>> -> memref<1x32xf32, #tpu.memory_space<hbm>>
      tpu.enqueue_dma source(%dma_start3A_123 : memref<1x32xf32, #tpu.memory_space<hbm>>) target(%dma_start3A_121 : memref<1x32xf32, #tpu.memory_space<vmem>>) target_semaphore(%arg9 : memref<!tpu.dma_semaphore, #tpu.memory_space<semaphore_mem>>)
      %slice3A_124 = vector.extract_strided_slice %get3A_70 {offsets = [4], sizes = [1], strides = [1]} : vector<16xi32> to vector<1xi32>
      %squeeze3A_125 = vector.extract %slice3A_124[0] : i32 from vector<1xi32>
      %mul3A_126 = arith.constant 16 : i32
      %mul3A_127 = arith.muli %scan3A_63, %mul3A_126 : i32
      %add3A_128 = arith.constant 4 : i32
      %add3A_129 = arith.addi %mul3A_127, %add3A_128 : i32
      %dma_start3A_130 = arith.constant 0 : i32
      %dma_start3A_131 = tpu.memref_slice %arg7[%add3A_129, %dma_start3A_130] : memref<128x32xf32, #tpu.memory_space<vmem>> -> memref<1x32xf32, #tpu.memory_space<vmem>>
      %dma_start3A_132 = arith.constant 0 : i32
      %dma_start3A_133 = tpu.memref_slice %arg3[%squeeze3A_125, %dma_start3A_132] : memref<1000000x32xf32, #tpu.memory_space<hbm>> -> memref<1x32xf32, #tpu.memory_space<hbm>>
      %dma_start3A_134 = arith.constant 0 : i32
      %dma_start3A_135 = tpu.memref_slice %arg7[%add3A_129, %dma_start3A_134] : memref<128x32xf32, #tpu.memory_space<vmem>> -> memref<1x32xf32, #tpu.memory_space<vmem>>
      %dma_start3A_136 = arith.constant 0 : i32
      %dma_start3A_137 = tpu.memref_slice %arg3[%squeeze3A_125, %dma_start3A_136] : memref<1000000x32xf32, #tpu.memory_space<hbm>> -> memref<1x32xf32, #tpu.memory_space<hbm>>
      tpu.enqueue_dma source(%dma_start3A_137 : memref<1x32xf32, #tpu.memory_space<hbm>>) target(%dma_start3A_135 : memref<1x32xf32, #tpu.memory_space<vmem>>) target_semaphore(%arg9 : memref<!tpu.dma_semaphore, #tpu.memory_space<semaphore_mem>>)
      %slice3A_138 = vector.extract_strided_slice %get3A_70 {offsets = [5], sizes = [1], strides = [1]} : vector<16xi32> to vector<1xi32>
      %squeeze3A_139 = vector.extract %slice3A_138[0] : i32 from vector<1xi32>
      %mul3A_140 = arith.constant 16 : i32
      %mul3A_141 = arith.muli %scan3A_63, %mul3A_140 : i32
      %add3A_142 = arith.constant 5 : i32
      %add3A_143 = arith.addi %mul3A_141, %add3A_142 : i32
      %dma_start3A_144 = arith.constant 0 : i32
      %dma_start3A_145 = tpu.memref_slice %arg7[%add3A_143, %dma_start3A_144] : memref<128x32xf32, #tpu.memory_space<vmem>> -> memref<1x32xf32, #tpu.memory_space<vmem>>
      %dma_start3A_146 = arith.constant 0 : i32
      %dma_start3A_147 = tpu.memref_slice %arg3[%squeeze3A_139, %dma_start3A_146] : memref<1000000x32xf32, #tpu.memory_space<hbm>> -> memref<1x32xf32, #tpu.memory_space<hbm>>
      %dma_start3A_148 = arith.constant 0 : i32
      %dma_start3A_149 = tpu.memref_slice %arg7[%add3A_143, %dma_start3A_148] : memref<128x32xf32, #tpu.memory_space<vmem>> -> memref<1x32xf32, #tpu.memory_space<vmem>>
      %dma_start3A_150 = arith.constant 0 : i32
      %dma_start3A_151 = tpu.memref_slice %arg3[%squeeze3A_139, %dma_start3A_150] : memref<1000000x32xf32, #tpu.memory_space<hbm>> -> memref<1x32xf32, #tpu.memory_space<hbm>>
      tpu.enqueue_dma source(%dma_start3A_151 : memref<1x32xf32, #tpu.memory_space<hbm>>) target(%dma_start3A_149 : memref<1x32xf32, #tpu.memory_space<vmem>>) target_semaphore(%arg9 : memref<!tpu.dma_semaphore, #tpu.memory_space<semaphore_mem>>)
      %slice3A_152 = vector.extract_strided_slice %get3A_70 {offsets = [6], sizes = [1], strides = [1]} : vector<16xi32> to vector<1xi32>
      %squeeze3A_153 = vector.extract %slice3A_152[0] : i32 from vector<1xi32>
      %mul3A_154 = arith.constant 16 : i32
      %mul3A_155 = arith.muli %scan3A_63, %mul3A_154 : i32
      %add3A_156 = arith.constant 6 : i32
      %add3A_157 = arith.addi %mul3A_155, %add3A_156 : i32
      %dma_start3A_158 = arith.constant 0 : i32
      %dma_start3A_159 = tpu.memref_slice %arg7[%add3A_157, %dma_start3A_158] : memref<128x32xf32, #tpu.memory_space<vmem>> -> memref<1x32xf32, #tpu.memory_space<vmem>>
      %dma_start3A_160 = arith.constant 0 : i32
      %dma_start3A_161 = tpu.memref_slice %arg3[%squeeze3A_153, %dma_start3A_160] : memref<1000000x32xf32, #tpu.memory_space<hbm>> -> memref<1x32xf32, #tpu.memory_space<hbm>>
      %dma_start3A_162 = arith.constant 0 : i32
      %dma_start3A_163 = tpu.memref_slice %arg7[%add3A_157, %dma_start3A_162] : memref<128x32xf32, #tpu.memory_space<vmem>> -> memref<1x32xf32, #tpu.memory_space<vmem>>
      %dma_start3A_164 = arith.constant 0 : i32
      %dma_start3A_165 = tpu.memref_slice %arg3[%squeeze3A_153, %dma_start3A_164] : memref<1000000x32xf32, #tpu.memory_space<hbm>> -> memref<1x32xf32, #tpu.memory_space<hbm>>
      tpu.enqueue_dma source(%dma_start3A_165 : memref<1x32xf32, #tpu.memory_space<hbm>>) target(%dma_start3A_163 : memref<1x32xf32, #tpu.memory_space<vmem>>) target_semaphore(%arg9 : memref<!tpu.dma_semaphore, #tpu.memory_space<semaphore_mem>>)
      %slice3A_166 = vector.extract_strided_slice %get3A_70 {offsets = [7], sizes = [1], strides = [1]} : vector<16xi32> to vector<1xi32>
      %squeeze3A_167 = vector.extract %slice3A_166[0] : i32 from vector<1xi32>
      %mul3A_168 = arith.constant 16 : i32
      %mul3A_169 = arith.muli %scan3A_63, %mul3A_168 : i32
      %add3A_170 = arith.constant 7 : i32
      %add3A_171 = arith.addi %mul3A_169, %add3A_170 : i32
      %dma_start3A_172 = arith.constant 0 : i32
      %dma_start3A_173 = tpu.memref_slice %arg7[%add3A_171, %dma_start3A_172] : memref<128x32xf32, #tpu.memory_space<vmem>> -> memref<1x32xf32, #tpu.memory_space<vmem>>
      %dma_start3A_174 = arith.constant 0 : i32
      %dma_start3A_175 = tpu.memref_slice %arg3[%squeeze3A_167, %dma_start3A_174] : memref<1000000x32xf32, #tpu.memory_space<hbm>> -> memref<1x32xf32, #tpu.memory_space<hbm>>
      %dma_start3A_176 = arith.constant 0 : i32
      %dma_start3A_177 = tpu.memref_slice %arg7[%add3A_171, %dma_start3A_176] : memref<128x32xf32, #tpu.memory_space<vmem>> -> memref<1x32xf32, #tpu.memory_space<vmem>>
      %dma_start3A_178 = arith.constant 0 : i32
      %dma_start3A_179 = tpu.memref_slice %arg3[%squeeze3A_167, %dma_start3A_178] : memref<1000000x32xf32, #tpu.memory_space<hbm>> -> memref<1x32xf32, #tpu.memory_space<hbm>>
      tpu.enqueue_dma source(%dma_start3A_179 : memref<1x32xf32, #tpu.memory_space<hbm>>) target(%dma_start3A_177 : memref<1x32xf32, #tpu.memory_space<vmem>>) target_semaphore(%arg9 : memref<!tpu.dma_semaphore, #tpu.memory_space<semaphore_mem>>)
      %slice3A_180 = vector.extract_strided_slice %get3A_70 {offsets = [8], sizes = [1], strides = [1]} : vector<16xi32> to vector<1xi32>
      %squeeze3A_181 = vector.extract %slice3A_180[0] : i32 from vector<1xi32>
      %mul3A_182 = arith.constant 16 : i32
      %mul3A_183 = arith.muli %scan3A_63, %mul3A_182 : i32
      %add3A_184 = arith.constant 8 : i32
      %add3A_185 = arith.addi %mul3A_183, %add3A_184 : i32
      %dma_start3A_186 = arith.constant 0 : i32
      %dma_start3A_187 = tpu.memref_slice %arg7[%add3A_185, %dma_start3A_186] : memref<128x32xf32, #tpu.memory_space<vmem>> -> memref<1x32xf32, #tpu.memory_space<vmem>>
      %dma_start3A_188 = arith.constant 0 : i32
      %dma_start3A_189 = tpu.memref_slice %arg3[%squeeze3A_181, %dma_start3A_188] : memref<1000000x32xf32, #tpu.memory_space<hbm>> -> memref<1x32xf32, #tpu.memory_space<hbm>>
      %dma_start3A_190 = arith.constant 0 : i32
      %dma_start3A_191 = tpu.memref_slice %arg7[%add3A_185, %dma_start3A_190] : memref<128x32xf32, #tpu.memory_space<vmem>> -> memref<1x32xf32, #tpu.memory_space<vmem>>
      %dma_start3A_192 = arith.constant 0 : i32
      %dma_start3A_193 = tpu.memref_slice %arg3[%squeeze3A_181, %dma_start3A_192] : memref<1000000x32xf32, #tpu.memory_space<hbm>> -> memref<1x32xf32, #tpu.memory_space<hbm>>
      tpu.enqueue_dma source(%dma_start3A_193 : memref<1x32xf32, #tpu.memory_space<hbm>>) target(%dma_start3A_191 : memref<1x32xf32, #tpu.memory_space<vmem>>) target_semaphore(%arg9 : memref<!tpu.dma_semaphore, #tpu.memory_space<semaphore_mem>>)
      %slice3A_194 = vector.extract_strided_slice %get3A_70 {offsets = [9], sizes = [1], strides = [1]} : vector<16xi32> to vector<1xi32>
      %squeeze3A_195 = vector.extract %slice3A_194[0] : i32 from vector<1xi32>
      %mul3A_196 = arith.constant 16 : i32
      %mul3A_197 = arith.muli %scan3A_63, %mul3A_196 : i32
      %add3A_198 = arith.constant 9 : i32
      %add3A_199 = arith.addi %mul3A_197, %add3A_198 : i32
      %dma_start3A_200 = arith.constant 0 : i32
      %dma_start3A_201 = tpu.memref_slice %arg7[%add3A_199, %dma_start3A_200] : memref<128x32xf32, #tpu.memory_space<vmem>> -> memref<1x32xf32, #tpu.memory_space<vmem>>
      %dma_start3A_202 = arith.constant 0 : i32
      %dma_start3A_203 = tpu.memref_slice %arg3[%squeeze3A_195, %dma_start3A_202] : memref<1000000x32xf32, #tpu.memory_space<hbm>> -> memref<1x32xf32, #tpu.memory_space<hbm>>
      %dma_start3A_204 = arith.constant 0 : i32
      %dma_start3A_205 = tpu.memref_slice %arg7[%add3A_199, %dma_start3A_204] : memref<128x32xf32, #tpu.memory_space<vmem>> -> memref<1x32xf32, #tpu.memory_space<vmem>>
      %dma_start3A_206 = arith.constant 0 : i32
      %dma_start3A_207 = tpu.memref_slice %arg3[%squeeze3A_195, %dma_start3A_206] : memref<1000000x32xf32, #tpu.memory_space<hbm>> -> memref<1x32xf32, #tpu.memory_space<hbm>>
      tpu.enqueue_dma source(%dma_start3A_207 : memref<1x32xf32, #tpu.memory_space<hbm>>) target(%dma_start3A_205 : memref<1x32xf32, #tpu.memory_space<vmem>>) target_semaphore(%arg9 : memref<!tpu.dma_semaphore, #tpu.memory_space<semaphore_mem>>)
      %slice3A_208 = vector.extract_strided_slice %get3A_70 {offsets = [10], sizes = [1], strides = [1]} : vector<16xi32> to vector<1xi32>
      %squeeze3A_209 = vector.extract %slice3A_208[0] : i32 from vector<1xi32>
      %mul3A_210 = arith.constant 16 : i32
      %mul3A_211 = arith.muli %scan3A_63, %mul3A_210 : i32
      %add3A_212 = arith.constant 10 : i32
      %add3A_213 = arith.addi %mul3A_211, %add3A_212 : i32
      %dma_start3A_214 = arith.constant 0 : i32
      %dma_start3A_215 = tpu.memref_slice %arg7[%add3A_213, %dma_start3A_214] : memref<128x32xf32, #tpu.memory_space<vmem>> -> memref<1x32xf32, #tpu.memory_space<vmem>>
      %dma_start3A_216 = arith.constant 0 : i32
      %dma_start3A_217 = tpu.memref_slice %arg3[%squeeze3A_209, %dma_start3A_216] : memref<1000000x32xf32, #tpu.memory_space<hbm>> -> memref<1x32xf32, #tpu.memory_space<hbm>>
      %dma_start3A_218 = arith.constant 0 : i32
      %dma_start3A_219 = tpu.memref_slice %arg7[%add3A_213, %dma_start3A_218] : memref<128x32xf32, #tpu.memory_space<vmem>> -> memref<1x32xf32, #tpu.memory_space<vmem>>
      %dma_start3A_220 = arith.constant 0 : i32
      %dma_start3A_221 = tpu.memref_slice %arg3[%squeeze3A_209, %dma_start3A_220] : memref<1000000x32xf32, #tpu.memory_space<hbm>> -> memref<1x32xf32, #tpu.memory_space<hbm>>
      tpu.enqueue_dma source(%dma_start3A_221 : memref<1x32xf32, #tpu.memory_space<hbm>>) target(%dma_start3A_219 : memref<1x32xf32, #tpu.memory_space<vmem>>) target_semaphore(%arg9 : memref<!tpu.dma_semaphore, #tpu.memory_space<semaphore_mem>>)
      %slice3A_222 = vector.extract_strided_slice %get3A_70 {offsets = [11], sizes = [1], strides = [1]} : vector<16xi32> to vector<1xi32>
      %squeeze3A_223 = vector.extract %slice3A_222[0] : i32 from vector<1xi32>
      %mul3A_224 = arith.constant 16 : i32
      %mul3A_225 = arith.muli %scan3A_63, %mul3A_224 : i32
      %add3A_226 = arith.constant 11 : i32
      %add3A_227 = arith.addi %mul3A_225, %add3A_226 : i32
      %dma_start3A_228 = arith.constant 0 : i32
      %dma_start3A_229 = tpu.memref_slice %arg7[%add3A_227, %dma_start3A_228] : memref<128x32xf32, #tpu.memory_space<vmem>> -> memref<1x32xf32, #tpu.memory_space<vmem>>
      %dma_start3A_230 = arith.constant 0 : i32
      %dma_start3A_231 = tpu.memref_slice %arg3[%squeeze3A_223, %dma_start3A_230] : memref<1000000x32xf32, #tpu.memory_space<hbm>> -> memref<1x32xf32, #tpu.memory_space<hbm>>
      %dma_start3A_232 = arith.constant 0 : i32
      %dma_start3A_233 = tpu.memref_slice %arg7[%add3A_227, %dma_start3A_232] : memref<128x32xf32, #tpu.memory_space<vmem>> -> memref<1x32xf32, #tpu.memory_space<vmem>>
      %dma_start3A_234 = arith.constant 0 : i32
      %dma_start3A_235 = tpu.memref_slice %arg3[%squeeze3A_223, %dma_start3A_234] : memref<1000000x32xf32, #tpu.memory_space<hbm>> -> memref<1x32xf32, #tpu.memory_space<hbm>>
      tpu.enqueue_dma source(%dma_start3A_235 : memref<1x32xf32, #tpu.memory_space<hbm>>) target(%dma_start3A_233 : memref<1x32xf32, #tpu.memory_space<vmem>>) target_semaphore(%arg9 : memref<!tpu.dma_semaphore, #tpu.memory_space<semaphore_mem>>)
      %slice3A_236 = vector.extract_strided_slice %get3A_70 {offsets = [12], sizes = [1], strides = [1]} : vector<16xi32> to vector<1xi32>
      %squeeze3A_237 = vector.extract %slice3A_236[0] : i32 from vector<1xi32>
      %mul3A_238 = arith.constant 16 : i32
      %mul3A_239 = arith.muli %scan3A_63, %mul3A_238 : i32
      %add3A_240 = arith.constant 12 : i32
      %add3A_241 = arith.addi %mul3A_239, %add3A_240 : i32
      %dma_start3A_242 = arith.constant 0 : i32
      %dma_start3A_243 = tpu.memref_slice %arg7[%add3A_241, %dma_start3A_242] : memref<128x32xf32, #tpu.memory_space<vmem>> -> memref<1x32xf32, #tpu.memory_space<vmem>>
      %dma_start3A_244 = arith.constant 0 : i32
      %dma_start3A_245 = tpu.memref_slice %arg3[%squeeze3A_237, %dma_start3A_244] : memref<1000000x32xf32, #tpu.memory_space<hbm>> -> memref<1x32xf32, #tpu.memory_space<hbm>>
      %dma_start3A_246 = arith.constant 0 : i32
      %dma_start3A_247 = tpu.memref_slice %arg7[%add3A_241, %dma_start3A_246] : memref<128x32xf32, #tpu.memory_space<vmem>> -> memref<1x32xf32, #tpu.memory_space<vmem>>
      %dma_start3A_248 = arith.constant 0 : i32
      %dma_start3A_249 = tpu.memref_slice %arg3[%squeeze3A_237, %dma_start3A_248] : memref<1000000x32xf32, #tpu.memory_space<hbm>> -> memref<1x32xf32, #tpu.memory_space<hbm>>
      tpu.enqueue_dma source(%dma_start3A_249 : memref<1x32xf32, #tpu.memory_space<hbm>>) target(%dma_start3A_247 : memref<1x32xf32, #tpu.memory_space<vmem>>) target_semaphore(%arg9 : memref<!tpu.dma_semaphore, #tpu.memory_space<semaphore_mem>>)
      %slice3A_250 = vector.extract_strided_slice %get3A_70 {offsets = [13], sizes = [1], strides = [1]} : vector<16xi32> to vector<1xi32>
      %squeeze3A_251 = vector.extract %slice3A_250[0] : i32 from vector<1xi32>
      %mul3A_252 = arith.constant 16 : i32
      %mul3A_253 = arith.muli %scan3A_63, %mul3A_252 : i32
      %add3A_254 = arith.constant 13 : i32
      %add3A_255 = arith.addi %mul3A_253, %add3A_254 : i32
      %dma_start3A_256 = arith.constant 0 : i32
      %dma_start3A_257 = tpu.memref_slice %arg7[%add3A_255, %dma_start3A_256] : memref<128x32xf32, #tpu.memory_space<vmem>> -> memref<1x32xf32, #tpu.memory_space<vmem>>
      %dma_start3A_258 = arith.constant 0 : i32
      %dma_start3A_259 = tpu.memref_slice %arg3[%squeeze3A_251, %dma_start3A_258] : memref<1000000x32xf32, #tpu.memory_space<hbm>> -> memref<1x32xf32, #tpu.memory_space<hbm>>
      %dma_start3A_260 = arith.constant 0 : i32
      %dma_start3A_261 = tpu.memref_slice %arg7[%add3A_255, %dma_start3A_260] : memref<128x32xf32, #tpu.memory_space<vmem>> -> memref<1x32xf32, #tpu.memory_space<vmem>>
      %dma_start3A_262 = arith.constant 0 : i32
      %dma_start3A_263 = tpu.memref_slice %arg3[%squeeze3A_251, %dma_start3A_262] : memref<1000000x32xf32, #tpu.memory_space<hbm>> -> memref<1x32xf32, #tpu.memory_space<hbm>>
      tpu.enqueue_dma source(%dma_start3A_263 : memref<1x32xf32, #tpu.memory_space<hbm>>) target(%dma_start3A_261 : memref<1x32xf32, #tpu.memory_space<vmem>>) target_semaphore(%arg9 : memref<!tpu.dma_semaphore, #tpu.memory_space<semaphore_mem>>)
      %slice3A_264 = vector.extract_strided_slice %get3A_70 {offsets = [14], sizes = [1], strides = [1]} : vector<16xi32> to vector<1xi32>
      %squeeze3A_265 = vector.extract %slice3A_264[0] : i32 from vector<1xi32>
      %mul3A_266 = arith.constant 16 : i32
      %mul3A_267 = arith.muli %scan3A_63, %mul3A_266 : i32
      %add3A_268 = arith.constant 14 : i32
      %add3A_269 = arith.addi %mul3A_267, %add3A_268 : i32
      %dma_start3A_270 = arith.constant 0 : i32
      %dma_start3A_271 = tpu.memref_slice %arg7[%add3A_269, %dma_start3A_270] : memref<128x32xf32, #tpu.memory_space<vmem>> -> memref<1x32xf32, #tpu.memory_space<vmem>>
      %dma_start3A_272 = arith.constant 0 : i32
      %dma_start3A_273 = tpu.memref_slice %arg3[%squeeze3A_265, %dma_start3A_272] : memref<1000000x32xf32, #tpu.memory_space<hbm>> -> memref<1x32xf32, #tpu.memory_space<hbm>>
      %dma_start3A_274 = arith.constant 0 : i32
      %dma_start3A_275 = tpu.memref_slice %arg7[%add3A_269, %dma_start3A_274] : memref<128x32xf32, #tpu.memory_space<vmem>> -> memref<1x32xf32, #tpu.memory_space<vmem>>
      %dma_start3A_276 = arith.constant 0 : i32
      %dma_start3A_277 = tpu.memref_slice %arg3[%squeeze3A_265, %dma_start3A_276] : memref<1000000x32xf32, #tpu.memory_space<hbm>> -> memref<1x32xf32, #tpu.memory_space<hbm>>
      tpu.enqueue_dma source(%dma_start3A_277 : memref<1x32xf32, #tpu.memory_space<hbm>>) target(%dma_start3A_275 : memref<1x32xf32, #tpu.memory_space<vmem>>) target_semaphore(%arg9 : memref<!tpu.dma_semaphore, #tpu.memory_space<semaphore_mem>>)
      %slice3A_278 = vector.extract_strided_slice %get3A_70 {offsets = [15], sizes = [1], strides = [1]} : vector<16xi32> to vector<1xi32>
      %squeeze3A_279 = vector.extract %slice3A_278[0] : i32 from vector<1xi32>
      %mul3A_280 = arith.constant 16 : i32
      %mul3A_281 = arith.muli %scan3A_63, %mul3A_280 : i32
      %add3A_282 = arith.constant 15 : i32
      %add3A_283 = arith.addi %mul3A_281, %add3A_282 : i32
      %dma_start3A_284 = arith.constant 0 : i32
      %dma_start3A_285 = tpu.memref_slice %arg7[%add3A_283, %dma_start3A_284] : memref<128x32xf32, #tpu.memory_space<vmem>> -> memref<1x32xf32, #tpu.memory_space<vmem>>
      %dma_start3A_286 = arith.constant 0 : i32
      %dma_start3A_287 = tpu.memref_slice %arg3[%squeeze3A_279, %dma_start3A_286] : memref<1000000x32xf32, #tpu.memory_space<hbm>> -> memref<1x32xf32, #tpu.memory_space<hbm>>
      %dma_start3A_288 = arith.constant 0 : i32
      %dma_start3A_289 = tpu.memref_slice %arg7[%add3A_283, %dma_start3A_288] : memref<128x32xf32, #tpu.memory_space<vmem>> -> memref<1x32xf32, #tpu.memory_space<vmem>>
      %dma_start3A_290 = arith.constant 0 : i32
      %dma_start3A_291 = tpu.memref_slice %arg3[%squeeze3A_279, %dma_start3A_290] : memref<1000000x32xf32, #tpu.memory_space<hbm>> -> memref<1x32xf32, #tpu.memory_space<hbm>>
      tpu.enqueue_dma source(%dma_start3A_291 : memref<1x32xf32, #tpu.memory_space<hbm>>) target(%dma_start3A_289 : memref<1x32xf32, #tpu.memory_space<vmem>>) target_semaphore(%arg9 : memref<!tpu.dma_semaphore, #tpu.memory_space<semaphore_mem>>)
      %scan3A_292 = arith.constant 0 : i32
      scf.yield %scan3A_292 : i32
    }
    %scan3A_46 = arith.constant 8 : i32
    %dma_wait3A_47 = arith.constant 0 : i32
    %dma_wait3A_48 = arith.constant 0 : i32
    %dma_wait3A_49 = tpu.memref_slice %arg3[%dma_wait3A_47, %dma_wait3A_48] : memref<1000000x32xf32, #tpu.memory_space<hbm>> -> memref<128x32xf32, #tpu.memory_space<hbm>>
    %dma_wait3A_50 = arith.constant 0 : i32
    %dma_wait3A_51 = arith.constant 0 : i32
    %dma_wait3A_52 = tpu.memref_slice %arg3[%dma_wait3A_50, %dma_wait3A_51] : memref<1000000x32xf32, #tpu.memory_space<hbm>> -> memref<128x32xf32, #tpu.memory_space<hbm>>
    tpu.wait_dma2 semaphore(%arg8 : memref<!tpu.dma_semaphore, #tpu.memory_space<semaphore_mem>>) src(%dma_wait3A_52 : memref<128x32xf32, #tpu.memory_space<hbm>>) dst(%arg6 : memref<128x32xf32, #tpu.memory_space<vmem>>)
    %add3A_53 = arith.constant 256 : i32
    %add3A_54 = arith.addi %mul3A_2, %add3A_53 : i32
    "tpu.region"() ({
      %run_scoped3A = tpu.sem_alloc : memref<!tpu.dma_semaphore, #tpu.memory_space<semaphore_mem>>
      %dma_start3A = arith.constant 0 : i32
      %dma_start3A_63 = tpu.memref_slice %arg4[%add3A_54, %dma_start3A] : memref<16384x32xf32, #tpu.memory_space<hbm>> -> memref<128x32xf32, #tpu.memory_space<hbm>>
      %dma_start3A_64 = arith.constant 0 : i32
      %dma_start3A_65 = tpu.memref_slice %arg4[%add3A_54, %dma_start3A_64] : memref<16384x32xf32, #tpu.memory_space<hbm>> -> memref<128x32xf32, #tpu.memory_space<hbm>>
      tpu.enqueue_dma source(%arg6 : memref<128x32xf32, #tpu.memory_space<vmem>>) target(%dma_start3A_65 : memref<128x32xf32, #tpu.memory_space<hbm>>) target_semaphore(%run_scoped3A : memref<!tpu.dma_semaphore, #tpu.memory_space<semaphore_mem>>)
      %dma_wait3A_66 = arith.constant 0 : i32
      %dma_wait3A_67 = tpu.memref_slice %arg4[%add3A_54, %dma_wait3A_66] : memref<16384x32xf32, #tpu.memory_space<hbm>> -> memref<128x32xf32, #tpu.memory_space<hbm>>
      %dma_wait3A_68 = arith.constant 0 : i32
      %dma_wait3A_69 = tpu.memref_slice %arg4[%add3A_54, %dma_wait3A_68] : memref<16384x32xf32, #tpu.memory_space<hbm>> -> memref<128x32xf32, #tpu.memory_space<hbm>>
      tpu.wait_dma2 semaphore(%run_scoped3A : memref<!tpu.dma_semaphore, #tpu.memory_space<semaphore_mem>>) src(%arg6 : memref<128x32xf32, #tpu.memory_space<vmem>>) dst(%dma_wait3A_69 : memref<128x32xf32, #tpu.memory_space<hbm>>)
      tpu.yield
    }) : () -> ()
    %dma_wait3A_55 = arith.constant 0 : i32
    %dma_wait3A_56 = arith.constant 0 : i32
    %dma_wait3A_57 = tpu.memref_slice %arg3[%dma_wait3A_55, %dma_wait3A_56] : memref<1000000x32xf32, #tpu.memory_space<hbm>> -> memref<128x32xf32, #tpu.memory_space<hbm>>
    %dma_wait3A_58 = arith.constant 0 : i32
    %dma_wait3A_59 = arith.constant 0 : i32
    %dma_wait3A_60 = tpu.memref_slice %arg3[%dma_wait3A_58, %dma_wait3A_59] : memref<1000000x32xf32, #tpu.memory_space<hbm>> -> memref<128x32xf32, #tpu.memory_space<hbm>>
    tpu.wait_dma2 semaphore(%arg9 : memref<!tpu.dma_semaphore, #tpu.memory_space<semaphore_mem>>) src(%dma_wait3A_60 : memref<128x32xf32, #tpu.memory_space<hbm>>) dst(%arg7 : memref<128x32xf32, #tpu.memory_space<vmem>>)
    %add3A_61 = arith.constant 384 : i32
    %add3A_62 = arith.addi %mul3A_2, %add3A_61 : i32
    "tpu.region"() ({
      %run_scoped3A = tpu.sem_alloc : memref<!tpu.dma_semaphore, #tpu.memory_space<semaphore_mem>>
      %dma_start3A = arith.constant 0 : i32
      %dma_start3A_63 = tpu.memref_slice %arg4[%add3A_62, %dma_start3A] : memref<16384x32xf32, #tpu.memory_space<hbm>> -> memref<128x32xf32, #tpu.memory_space<hbm>>
      %dma_start3A_64 = arith.constant 0 : i32
      %dma_start3A_65 = tpu.memref_slice %arg4[%add3A_62, %dma_start3A_64] : memref<16384x32xf32, #tpu.memory_space<hbm>> -> memref<128x32xf32, #tpu.memory_space<hbm>>
      tpu.enqueue_dma source(%arg7 : memref<128x32xf32, #tpu.memory_space<vmem>>) target(%dma_start3A_65 : memref<128x32xf32, #tpu.memory_space<hbm>>) target_semaphore(%run_scoped3A : memref<!tpu.dma_semaphore, #tpu.memory_space<semaphore_mem>>)
      %dma_wait3A_66 = arith.constant 0 : i32
      %dma_wait3A_67 = tpu.memref_slice %arg4[%add3A_62, %dma_wait3A_66] : memref<16384x32xf32, #tpu.memory_space<hbm>> -> memref<128x32xf32, #tpu.memory_space<hbm>>
      %dma_wait3A_68 = arith.constant 0 : i32
      %dma_wait3A_69 = tpu.memref_slice %arg4[%add3A_62, %dma_wait3A_68] : memref<16384x32xf32, #tpu.memory_space<hbm>> -> memref<128x32xf32, #tpu.memory_space<hbm>>
      tpu.wait_dma2 semaphore(%run_scoped3A : memref<!tpu.dma_semaphore, #tpu.memory_space<semaphore_mem>>) src(%arg7 : memref<128x32xf32, #tpu.memory_space<vmem>>) dst(%dma_wait3A_69 : memref<128x32xf32, #tpu.memory_space<hbm>>)
      tpu.yield
    }) : () -> ()
    return
  }
}

#map = affine_map<(d0, d1) -> (0, 0)>
module attributes {stable_mosaic.version = 14 : i64} {
  func.func @_sc_gmf_body(%arg0: i32, %arg1: i32, %arg2: memref<128x128xi32, #tpu.memory_space<hbm>>, %arg3: memref<1000000x32xf32, #tpu.memory_space<hbm>>, %arg4: memref<16384x32xf32, #tpu.memory_space<hbm>>, %arg5: memref<4x128xi32, #tpu.memory_space<vmem>>, %arg6: memref<128x32xf32, #tpu.memory_space<vmem>>, %arg7: memref<128x32xf32, #tpu.memory_space<vmem>>, %arg8: memref<!tpu.dma_semaphore, #tpu.memory_space<semaphore_mem>>, %arg9: memref<!tpu.dma_semaphore, #tpu.memory_space<semaphore_mem>>) attributes {dimension_semantics = [#tpu.dimension_semantics<core_parallel>, #tpu.dimension_semantics<subcore_parallel>], iteration_bounds = array<i64: 2, 16>, scalar_prefetch = 0 : i64, scratch_operands = 5 : i64, tpu.core_type = #tpu.core_type<sc_vector_subcore>, window_params = [{transform_indices = #map}, {transform_indices = #map}, {transform_indices = #map}]} {
    %mul3A = arith.constant 2 : i32
    %mul3A_0 = arith.muli %arg1, %mul3A : i32
    %add3A = arith.addi %mul3A_0, %arg0 : i32
    %mul3A_1 = arith.constant 512 : i32
    %mul3A_2 = arith.muli %add3A, %mul3A_1 : i32
    %mul3A_3 = arith.constant 4 : i32
    %mul3A_4 = arith.muli %add3A, %mul3A_3 : i32
    "tpu.region"() ({
      %run_scoped3A = tpu.sem_alloc : memref<!tpu.dma_semaphore, #tpu.memory_space<semaphore_mem>>
      %dma_start3A = arith.constant 0 : i32
      %dma_start3A_63 = tpu.memref_slice %arg2[%mul3A_4, %dma_start3A] : memref<128x128xi32, #tpu.memory_space<hbm>> -> memref<4x128xi32, #tpu.memory_space<hbm>>
      %dma_start3A_64 = arith.constant 0 : i32
      %dma_start3A_65 = tpu.memref_slice %arg2[%mul3A_4, %dma_start3A_64] : memref<128x128xi32, #tpu.memory_space<hbm>> -> memref<4x128xi32, #tpu.memory_space<hbm>>
      tpu.enqueue_dma source(%dma_start3A_65 : memref<4x128xi32, #tpu.memory_space<hbm>>) target(%arg5 : memref<4x128xi32, #tpu.memory_space<vmem>>) target_semaphore(%run_scoped3A : memref<!tpu.dma_semaphore, #tpu.memory_space<semaphore_mem>>)
      %dma_wait3A_66 = arith.constant 0 : i32
      %dma_wait3A_67 = tpu.memref_slice %arg2[%mul3A_4, %dma_wait3A_66] : memref<128x128xi32, #tpu.memory_space<hbm>> -> memref<4x128xi32, #tpu.memory_space<hbm>>
      %dma_wait3A_68 = arith.constant 0 : i32
      %dma_wait3A_69 = tpu.memref_slice %arg2[%mul3A_4, %dma_wait3A_68] : memref<128x128xi32, #tpu.memory_space<hbm>> -> memref<4x128xi32, #tpu.memory_space<hbm>>
      tpu.wait_dma2 semaphore(%run_scoped3A : memref<!tpu.dma_semaphore, #tpu.memory_space<semaphore_mem>>) src(%dma_wait3A_69 : memref<4x128xi32, #tpu.memory_space<hbm>>) dst(%arg5 : memref<4x128xi32, #tpu.memory_space<vmem>>)
      tpu.yield
    }) : () -> ()
    %scan3A = arith.constant 0 : i32
    %scan3A_5 = arith.constant 0 : i32
    %scan3A_6 = arith.constant 8 : i32
    %scan3A_7 = arith.addi %scan3A_5, %scan3A_6 : i32
    %scan3A_8 = arith.constant 1 : i32
    %scan3A_9 = scf.for %scan3A_63 = %scan3A_5 to %scan3A_7 step %scan3A_8 iter_args(%scan3A_64 = %scan3A) -> (i32)  : i32 {
      %mul3A_65 = arith.constant 16 : i32
      %mul3A_66 = arith.muli %scan3A_63, %mul3A_65 : i32
      %get3A = arith.constant 0 : i32
      %get3A_67 = arith.index_cast %get3A : i32 to index
      %get3A_68 = arith.index_cast %mul3A_66 : i32 to index
      %get3A_69 = tpu.vector_load %arg5[%get3A_67, %get3A_68] {strides = array<i32>} : memref<4x128xi32, #tpu.memory_space<vmem>>, vector<1x16xi32>,
      %get3A_70 = vector.shape_cast %get3A_69 : vector<1x16xi32> to vector<16xi32>
      %slice3A = vector.extract_strided_slice %get3A_70 {offsets = [0], sizes = [1], strides = [1]} : vector<16xi32> to vector<1xi32>
      %squeeze3A = vector.extract %slice3A[0] : i32 from vector<1xi32>
      %mul3A_71 = arith.constant 16 : i32
      %mul3A_72 = arith.muli %scan3A_63, %mul3A_71 : i32
      %add3A_73 = arith.constant 0 : i32
      %add3A_74 = arith.addi %mul3A_72, %add3A_73 : i32
      %dma_start3A = arith.constant 0 : i32
      %dma_start3A_75 = tpu.memref_slice %arg6[%add3A_74, %dma_start3A] : memref<128x32xf32, #tpu.memory_space<vmem>> -> memref<1x32xf32, #tpu.memory_space<vmem>>
      %dma_start3A_76 = arith.constant 0 : i32
      %dma_start3A_77 = tpu.memref_slice %arg3[%squeeze3A, %dma_start3A_76] : memref<1000000x32xf32, #tpu.memory_space<hbm>> -> memref<1x32xf32, #tpu.memory_space<hbm>>
      %dma_start3A_78 = arith.constant 0 : i32
      %dma_start3A_79 = tpu.memref_slice %arg6[%add3A_74, %dma_start3A_78] : memref<128x32xf32, #tpu.memory_space<vmem>> -> memref<1x32xf32, #tpu.memory_space<vmem>>
      %dma_start3A_80 = arith.constant 0 : i32
      %dma_start3A_81 = tpu.memref_slice %arg3[%squeeze3A, %dma_start3A_80] : memref<1000000x32xf32, #tpu.memory_space<hbm>> -> memref<1x32xf32, #tpu.memory_space<hbm>>
      tpu.enqueue_dma source(%dma_start3A_81 : memref<1x32xf32, #tpu.memory_space<hbm>>) target(%dma_start3A_79 : memref<1x32xf32, #tpu.memory_space<vmem>>) target_semaphore(%arg8 : memref<!tpu.dma_semaphore, #tpu.memory_space<semaphore_mem>>)
      %slice3A_82 = vector.extract_strided_slice %get3A_70 {offsets = [1], sizes = [1], strides = [1]} : vector<16xi32> to vector<1xi32>
      %squeeze3A_83 = vector.extract %slice3A_82[0] : i32 from vector<1xi32>
      %mul3A_84 = arith.constant 16 : i32
      %mul3A_85 = arith.muli %scan3A_63, %mul3A_84 : i32
      %add3A_86 = arith.constant 1 : i32
      %add3A_87 = arith.addi %mul3A_85, %add3A_86 : i32
      %dma_start3A_88 = arith.constant 0 : i32
      %dma_start3A_89 = tpu.memref_slice %arg6[%add3A_87, %dma_start3A_88] : memref<128x32xf32, #tpu.memory_space<vmem>> -> memref<1x32xf32, #tpu.memory_space<vmem>>
      %dma_start3A_90 = arith.constant 0 : i32
      %dma_start3A_91 = tpu.memref_slice %arg3[%squeeze3A_83, %dma_start3A_90] : memref<1000000x32xf32, #tpu.memory_space<hbm>> -> memref<1x32xf32, #tpu.memory_space<hbm>>
      %dma_start3A_92 = arith.constant 0 : i32
      %dma_start3A_93 = tpu.memref_slice %arg6[%add3A_87, %dma_start3A_92] : memref<128x32xf32, #tpu.memory_space<vmem>> -> memref<1x32xf32, #tpu.memory_space<vmem>>
      %dma_start3A_94 = arith.constant 0 : i32
      %dma_start3A_95 = tpu.memref_slice %arg3[%squeeze3A_83, %dma_start3A_94] : memref<1000000x32xf32, #tpu.memory_space<hbm>> -> memref<1x32xf32, #tpu.memory_space<hbm>>
      tpu.enqueue_dma source(%dma_start3A_95 : memref<1x32xf32, #tpu.memory_space<hbm>>) target(%dma_start3A_93 : memref<1x32xf32, #tpu.memory_space<vmem>>) target_semaphore(%arg8 : memref<!tpu.dma_semaphore, #tpu.memory_space<semaphore_mem>>)
      %slice3A_96 = vector.extract_strided_slice %get3A_70 {offsets = [2], sizes = [1], strides = [1]} : vector<16xi32> to vector<1xi32>
      %squeeze3A_97 = vector.extract %slice3A_96[0] : i32 from vector<1xi32>
      %mul3A_98 = arith.constant 16 : i32
      %mul3A_99 = arith.muli %scan3A_63, %mul3A_98 : i32
      %add3A_100 = arith.constant 2 : i32
      %add3A_101 = arith.addi %mul3A_99, %add3A_100 : i32
      %dma_start3A_102 = arith.constant 0 : i32
      %dma_start3A_103 = tpu.memref_slice %arg6[%add3A_101, %dma_start3A_102] : memref<128x32xf32, #tpu.memory_space<vmem>> -> memref<1x32xf32, #tpu.memory_space<vmem>>
      %dma_start3A_104 = arith.constant 0 : i32
      %dma_start3A_105 = tpu.memref_slice %arg3[%squeeze3A_97, %dma_start3A_104] : memref<1000000x32xf32, #tpu.memory_space<hbm>> -> memref<1x32xf32, #tpu.memory_space<hbm>>
      %dma_start3A_106 = arith.constant 0 : i32
      %dma_start3A_107 = tpu.memref_slice %arg6[%add3A_101, %dma_start3A_106] : memref<128x32xf32, #tpu.memory_space<vmem>> -> memref<1x32xf32, #tpu.memory_space<vmem>>
      %dma_start3A_108 = arith.constant 0 : i32
      %dma_start3A_109 = tpu.memref_slice %arg3[%squeeze3A_97, %dma_start3A_108] : memref<1000000x32xf32, #tpu.memory_space<hbm>> -> memref<1x32xf32, #tpu.memory_space<hbm>>
      tpu.enqueue_dma source(%dma_start3A_109 : memref<1x32xf32, #tpu.memory_space<hbm>>) target(%dma_start3A_107 : memref<1x32xf32, #tpu.memory_space<vmem>>) target_semaphore(%arg8 : memref<!tpu.dma_semaphore, #tpu.memory_space<semaphore_mem>>)
      %slice3A_110 = vector.extract_strided_slice %get3A_70 {offsets = [3], sizes = [1], strides = [1]} : vector<16xi32> to vector<1xi32>
      %squeeze3A_111 = vector.extract %slice3A_110[0] : i32 from vector<1xi32>
      %mul3A_112 = arith.constant 16 : i32
      %mul3A_113 = arith.muli %scan3A_63, %mul3A_112 : i32
      %add3A_114 = arith.constant 3 : i32
      %add3A_115 = arith.addi %mul3A_113, %add3A_114 : i32
      %dma_start3A_116 = arith.constant 0 : i32
      %dma_start3A_117 = tpu.memref_slice %arg6[%add3A_115, %dma_start3A_116] : memref<128x32xf32, #tpu.memory_space<vmem>> -> memref<1x32xf32, #tpu.memory_space<vmem>>
      %dma_start3A_118 = arith.constant 0 : i32
      %dma_start3A_119 = tpu.memref_slice %arg3[%squeeze3A_111, %dma_start3A_118] : memref<1000000x32xf32, #tpu.memory_space<hbm>> -> memref<1x32xf32, #tpu.memory_space<hbm>>
      %dma_start3A_120 = arith.constant 0 : i32
      %dma_start3A_121 = tpu.memref_slice %arg6[%add3A_115, %dma_start3A_120] : memref<128x32xf32, #tpu.memory_space<vmem>> -> memref<1x32xf32, #tpu.memory_space<vmem>>
      %dma_start3A_122 = arith.constant 0 : i32
      %dma_start3A_123 = tpu.memref_slice %arg3[%squeeze3A_111, %dma_start3A_122] : memref<1000000x32xf32, #tpu.memory_space<hbm>> -> memref<1x32xf32, #tpu.memory_space<hbm>>
      tpu.enqueue_dma source(%dma_start3A_123 : memref<1x32xf32, #tpu.memory_space<hbm>>) target(%dma_start3A_121 : memref<1x32xf32, #tpu.memory_space<vmem>>) target_semaphore(%arg8 : memref<!tpu.dma_semaphore, #tpu.memory_space<semaphore_mem>>)
      %slice3A_124 = vector.extract_strided_slice %get3A_70 {offsets = [4], sizes = [1], strides = [1]} : vector<16xi32> to vector<1xi32>
      %squeeze3A_125 = vector.extract %slice3A_124[0] : i32 from vector<1xi32>
      %mul3A_126 = arith.constant 16 : i32
      %mul3A_127 = arith.muli %scan3A_63, %mul3A_126 : i32
      %add3A_128 = arith.constant 4 : i32
      %add3A_129 = arith.addi %mul3A_127, %add3A_128 : i32
      %dma_start3A_130 = arith.constant 0 : i32
      %dma_start3A_131 = tpu.memref_slice %arg6[%add3A_129, %dma_start3A_130] : memref<128x32xf32, #tpu.memory_space<vmem>> -> memref<1x32xf32, #tpu.memory_space<vmem>>
      %dma_start3A_132 = arith.constant 0 : i32
      %dma_start3A_133 = tpu.memref_slice %arg3[%squeeze3A_125, %dma_start3A_132] : memref<1000000x32xf32, #tpu.memory_space<hbm>> -> memref<1x32xf32, #tpu.memory_space<hbm>>
      %dma_start3A_134 = arith.constant 0 : i32
      %dma_start3A_135 = tpu.memref_slice %arg6[%add3A_129, %dma_start3A_134] : memref<128x32xf32, #tpu.memory_space<vmem>> -> memref<1x32xf32, #tpu.memory_space<vmem>>
      %dma_start3A_136 = arith.constant 0 : i32
      %dma_start3A_137 = tpu.memref_slice %arg3[%squeeze3A_125, %dma_start3A_136] : memref<1000000x32xf32, #tpu.memory_space<hbm>> -> memref<1x32xf32, #tpu.memory_space<hbm>>
      tpu.enqueue_dma source(%dma_start3A_137 : memref<1x32xf32, #tpu.memory_space<hbm>>) target(%dma_start3A_135 : memref<1x32xf32, #tpu.memory_space<vmem>>) target_semaphore(%arg8 : memref<!tpu.dma_semaphore, #tpu.memory_space<semaphore_mem>>)
      %slice3A_138 = vector.extract_strided_slice %get3A_70 {offsets = [5], sizes = [1], strides = [1]} : vector<16xi32> to vector<1xi32>
      %squeeze3A_139 = vector.extract %slice3A_138[0] : i32 from vector<1xi32>
      %mul3A_140 = arith.constant 16 : i32
      %mul3A_141 = arith.muli %scan3A_63, %mul3A_140 : i32
      %add3A_142 = arith.constant 5 : i32
      %add3A_143 = arith.addi %mul3A_141, %add3A_142 : i32
      %dma_start3A_144 = arith.constant 0 : i32
      %dma_start3A_145 = tpu.memref_slice %arg6[%add3A_143, %dma_start3A_144] : memref<128x32xf32, #tpu.memory_space<vmem>> -> memref<1x32xf32, #tpu.memory_space<vmem>>
      %dma_start3A_146 = arith.constant 0 : i32
      %dma_start3A_147 = tpu.memref_slice %arg3[%squeeze3A_139, %dma_start3A_146] : memref<1000000x32xf32, #tpu.memory_space<hbm>> -> memref<1x32xf32, #tpu.memory_space<hbm>>
      %dma_start3A_148 = arith.constant 0 : i32
      %dma_start3A_149 = tpu.memref_slice %arg6[%add3A_143, %dma_start3A_148] : memref<128x32xf32, #tpu.memory_space<vmem>> -> memref<1x32xf32, #tpu.memory_space<vmem>>
      %dma_start3A_150 = arith.constant 0 : i32
      %dma_start3A_151 = tpu.memref_slice %arg3[%squeeze3A_139, %dma_start3A_150] : memref<1000000x32xf32, #tpu.memory_space<hbm>> -> memref<1x32xf32, #tpu.memory_space<hbm>>
      tpu.enqueue_dma source(%dma_start3A_151 : memref<1x32xf32, #tpu.memory_space<hbm>>) target(%dma_start3A_149 : memref<1x32xf32, #tpu.memory_space<vmem>>) target_semaphore(%arg8 : memref<!tpu.dma_semaphore, #tpu.memory_space<semaphore_mem>>)
      %slice3A_152 = vector.extract_strided_slice %get3A_70 {offsets = [6], sizes = [1], strides = [1]} : vector<16xi32> to vector<1xi32>
      %squeeze3A_153 = vector.extract %slice3A_152[0] : i32 from vector<1xi32>
      %mul3A_154 = arith.constant 16 : i32
      %mul3A_155 = arith.muli %scan3A_63, %mul3A_154 : i32
      %add3A_156 = arith.constant 6 : i32
      %add3A_157 = arith.addi %mul3A_155, %add3A_156 : i32
      %dma_start3A_158 = arith.constant 0 : i32
      %dma_start3A_159 = tpu.memref_slice %arg6[%add3A_157, %dma_start3A_158] : memref<128x32xf32, #tpu.memory_space<vmem>> -> memref<1x32xf32, #tpu.memory_space<vmem>>
      %dma_start3A_160 = arith.constant 0 : i32
      %dma_start3A_161 = tpu.memref_slice %arg3[%squeeze3A_153, %dma_start3A_160] : memref<1000000x32xf32, #tpu.memory_space<hbm>> -> memref<1x32xf32, #tpu.memory_space<hbm>>
      %dma_start3A_162 = arith.constant 0 : i32
      %dma_start3A_163 = tpu.memref_slice %arg6[%add3A_157, %dma_start3A_162] : memref<128x32xf32, #tpu.memory_space<vmem>> -> memref<1x32xf32, #tpu.memory_space<vmem>>
      %dma_start3A_164 = arith.constant 0 : i32
      %dma_start3A_165 = tpu.memref_slice %arg3[%squeeze3A_153, %dma_start3A_164] : memref<1000000x32xf32, #tpu.memory_space<hbm>> -> memref<1x32xf32, #tpu.memory_space<hbm>>
      tpu.enqueue_dma source(%dma_start3A_165 : memref<1x32xf32, #tpu.memory_space<hbm>>) target(%dma_start3A_163 : memref<1x32xf32, #tpu.memory_space<vmem>>) target_semaphore(%arg8 : memref<!tpu.dma_semaphore, #tpu.memory_space<semaphore_mem>>)
      %slice3A_166 = vector.extract_strided_slice %get3A_70 {offsets = [7], sizes = [1], strides = [1]} : vector<16xi32> to vector<1xi32>
      %squeeze3A_167 = vector.extract %slice3A_166[0] : i32 from vector<1xi32>
      %mul3A_168 = arith.constant 16 : i32
      %mul3A_169 = arith.muli %scan3A_63, %mul3A_168 : i32
      %add3A_170 = arith.constant 7 : i32
      %add3A_171 = arith.addi %mul3A_169, %add3A_170 : i32
      %dma_start3A_172 = arith.constant 0 : i32
      %dma_start3A_173 = tpu.memref_slice %arg6[%add3A_171, %dma_start3A_172] : memref<128x32xf32, #tpu.memory_space<vmem>> -> memref<1x32xf32, #tpu.memory_space<vmem>>
      %dma_start3A_174 = arith.constant 0 : i32
      %dma_start3A_175 = tpu.memref_slice %arg3[%squeeze3A_167, %dma_start3A_174] : memref<1000000x32xf32, #tpu.memory_space<hbm>> -> memref<1x32xf32, #tpu.memory_space<hbm>>
      %dma_start3A_176 = arith.constant 0 : i32
      %dma_start3A_177 = tpu.memref_slice %arg6[%add3A_171, %dma_start3A_176] : memref<128x32xf32, #tpu.memory_space<vmem>> -> memref<1x32xf32, #tpu.memory_space<vmem>>
      %dma_start3A_178 = arith.constant 0 : i32
      %dma_start3A_179 = tpu.memref_slice %arg3[%squeeze3A_167, %dma_start3A_178] : memref<1000000x32xf32, #tpu.memory_space<hbm>> -> memref<1x32xf32, #tpu.memory_space<hbm>>
      tpu.enqueue_dma source(%dma_start3A_179 : memref<1x32xf32, #tpu.memory_space<hbm>>) target(%dma_start3A_177 : memref<1x32xf32, #tpu.memory_space<vmem>>) target_semaphore(%arg8 : memref<!tpu.dma_semaphore, #tpu.memory_space<semaphore_mem>>)
      %slice3A_180 = vector.extract_strided_slice %get3A_70 {offsets = [8], sizes = [1], strides = [1]} : vector<16xi32> to vector<1xi32>
      %squeeze3A_181 = vector.extract %slice3A_180[0] : i32 from vector<1xi32>
      %mul3A_182 = arith.constant 16 : i32
      %mul3A_183 = arith.muli %scan3A_63, %mul3A_182 : i32
      %add3A_184 = arith.constant 8 : i32
      %add3A_185 = arith.addi %mul3A_183, %add3A_184 : i32
      %dma_start3A_186 = arith.constant 0 : i32
      %dma_start3A_187 = tpu.memref_slice %arg6[%add3A_185, %dma_start3A_186] : memref<128x32xf32, #tpu.memory_space<vmem>> -> memref<1x32xf32, #tpu.memory_space<vmem>>
      %dma_start3A_188 = arith.constant 0 : i32
      %dma_start3A_189 = tpu.memref_slice %arg3[%squeeze3A_181, %dma_start3A_188] : memref<1000000x32xf32, #tpu.memory_space<hbm>> -> memref<1x32xf32, #tpu.memory_space<hbm>>
      %dma_start3A_190 = arith.constant 0 : i32
      %dma_start3A_191 = tpu.memref_slice %arg6[%add3A_185, %dma_start3A_190] : memref<128x32xf32, #tpu.memory_space<vmem>> -> memref<1x32xf32, #tpu.memory_space<vmem>>
      %dma_start3A_192 = arith.constant 0 : i32
      %dma_start3A_193 = tpu.memref_slice %arg3[%squeeze3A_181, %dma_start3A_192] : memref<1000000x32xf32, #tpu.memory_space<hbm>> -> memref<1x32xf32, #tpu.memory_space<hbm>>
      tpu.enqueue_dma source(%dma_start3A_193 : memref<1x32xf32, #tpu.memory_space<hbm>>) target(%dma_start3A_191 : memref<1x32xf32, #tpu.memory_space<vmem>>) target_semaphore(%arg8 : memref<!tpu.dma_semaphore, #tpu.memory_space<semaphore_mem>>)
      %slice3A_194 = vector.extract_strided_slice %get3A_70 {offsets = [9], sizes = [1], strides = [1]} : vector<16xi32> to vector<1xi32>
      %squeeze3A_195 = vector.extract %slice3A_194[0] : i32 from vector<1xi32>
      %mul3A_196 = arith.constant 16 : i32
      %mul3A_197 = arith.muli %scan3A_63, %mul3A_196 : i32
      %add3A_198 = arith.constant 9 : i32
      %add3A_199 = arith.addi %mul3A_197, %add3A_198 : i32
      %dma_start3A_200 = arith.constant 0 : i32
      %dma_start3A_201 = tpu.memref_slice %arg6[%add3A_199, %dma_start3A_200] : memref<128x32xf32, #tpu.memory_space<vmem>> -> memref<1x32xf32, #tpu.memory_space<vmem>>
      %dma_start3A_202 = arith.constant 0 : i32
      %dma_start3A_203 = tpu.memref_slice %arg3[%squeeze3A_195, %dma_start3A_202] : memref<1000000x32xf32, #tpu.memory_space<hbm>> -> memref<1x32xf32, #tpu.memory_space<hbm>>
      %dma_start3A_204 = arith.constant 0 : i32
      %dma_start3A_205 = tpu.memref_slice %arg6[%add3A_199, %dma_start3A_204] : memref<128x32xf32, #tpu.memory_space<vmem>> -> memref<1x32xf32, #tpu.memory_space<vmem>>
      %dma_start3A_206 = arith.constant 0 : i32
      %dma_start3A_207 = tpu.memref_slice %arg3[%squeeze3A_195, %dma_start3A_206] : memref<1000000x32xf32, #tpu.memory_space<hbm>> -> memref<1x32xf32, #tpu.memory_space<hbm>>
      tpu.enqueue_dma source(%dma_start3A_207 : memref<1x32xf32, #tpu.memory_space<hbm>>) target(%dma_start3A_205 : memref<1x32xf32, #tpu.memory_space<vmem>>) target_semaphore(%arg8 : memref<!tpu.dma_semaphore, #tpu.memory_space<semaphore_mem>>)
      %slice3A_208 = vector.extract_strided_slice %get3A_70 {offsets = [10], sizes = [1], strides = [1]} : vector<16xi32> to vector<1xi32>
      %squeeze3A_209 = vector.extract %slice3A_208[0] : i32 from vector<1xi32>
      %mul3A_210 = arith.constant 16 : i32
      %mul3A_211 = arith.muli %scan3A_63, %mul3A_210 : i32
      %add3A_212 = arith.constant 10 : i32
      %add3A_213 = arith.addi %mul3A_211, %add3A_212 : i32
      %dma_start3A_214 = arith.constant 0 : i32
      %dma_start3A_215 = tpu.memref_slice %arg6[%add3A_213, %dma_start3A_214] : memref<128x32xf32, #tpu.memory_space<vmem>> -> memref<1x32xf32, #tpu.memory_space<vmem>>
      %dma_start3A_216 = arith.constant 0 : i32
      %dma_start3A_217 = tpu.memref_slice %arg3[%squeeze3A_209, %dma_start3A_216] : memref<1000000x32xf32, #tpu.memory_space<hbm>> -> memref<1x32xf32, #tpu.memory_space<hbm>>
      %dma_start3A_218 = arith.constant 0 : i32
      %dma_start3A_219 = tpu.memref_slice %arg6[%add3A_213, %dma_start3A_218] : memref<128x32xf32, #tpu.memory_space<vmem>> -> memref<1x32xf32, #tpu.memory_space<vmem>>
      %dma_start3A_220 = arith.constant 0 : i32
      %dma_start3A_221 = tpu.memref_slice %arg3[%squeeze3A_209, %dma_start3A_220] : memref<1000000x32xf32, #tpu.memory_space<hbm>> -> memref<1x32xf32, #tpu.memory_space<hbm>>
      tpu.enqueue_dma source(%dma_start3A_221 : memref<1x32xf32, #tpu.memory_space<hbm>>) target(%dma_start3A_219 : memref<1x32xf32, #tpu.memory_space<vmem>>) target_semaphore(%arg8 : memref<!tpu.dma_semaphore, #tpu.memory_space<semaphore_mem>>)
      %slice3A_222 = vector.extract_strided_slice %get3A_70 {offsets = [11], sizes = [1], strides = [1]} : vector<16xi32> to vector<1xi32>
      %squeeze3A_223 = vector.extract %slice3A_222[0] : i32 from vector<1xi32>
      %mul3A_224 = arith.constant 16 : i32
      %mul3A_225 = arith.muli %scan3A_63, %mul3A_224 : i32
      %add3A_226 = arith.constant 11 : i32
      %add3A_227 = arith.addi %mul3A_225, %add3A_226 : i32
      %dma_start3A_228 = arith.constant 0 : i32
      %dma_start3A_229 = tpu.memref_slice %arg6[%add3A_227, %dma_start3A_228] : memref<128x32xf32, #tpu.memory_space<vmem>> -> memref<1x32xf32, #tpu.memory_space<vmem>>
      %dma_start3A_230 = arith.constant 0 : i32
      %dma_start3A_231 = tpu.memref_slice %arg3[%squeeze3A_223, %dma_start3A_230] : memref<1000000x32xf32, #tpu.memory_space<hbm>> -> memref<1x32xf32, #tpu.memory_space<hbm>>
      %dma_start3A_232 = arith.constant 0 : i32
      %dma_start3A_233 = tpu.memref_slice %arg6[%add3A_227, %dma_start3A_232] : memref<128x32xf32, #tpu.memory_space<vmem>> -> memref<1x32xf32, #tpu.memory_space<vmem>>
      %dma_start3A_234 = arith.constant 0 : i32
      %dma_start3A_235 = tpu.memref_slice %arg3[%squeeze3A_223, %dma_start3A_234] : memref<1000000x32xf32, #tpu.memory_space<hbm>> -> memref<1x32xf32, #tpu.memory_space<hbm>>
      tpu.enqueue_dma source(%dma_start3A_235 : memref<1x32xf32, #tpu.memory_space<hbm>>) target(%dma_start3A_233 : memref<1x32xf32, #tpu.memory_space<vmem>>) target_semaphore(%arg8 : memref<!tpu.dma_semaphore, #tpu.memory_space<semaphore_mem>>)
      %slice3A_236 = vector.extract_strided_slice %get3A_70 {offsets = [12], sizes = [1], strides = [1]} : vector<16xi32> to vector<1xi32>
      %squeeze3A_237 = vector.extract %slice3A_236[0] : i32 from vector<1xi32>
      %mul3A_238 = arith.constant 16 : i32
      %mul3A_239 = arith.muli %scan3A_63, %mul3A_238 : i32
      %add3A_240 = arith.constant 12 : i32
      %add3A_241 = arith.addi %mul3A_239, %add3A_240 : i32
      %dma_start3A_242 = arith.constant 0 : i32
      %dma_start3A_243 = tpu.memref_slice %arg6[%add3A_241, %dma_start3A_242] : memref<128x32xf32, #tpu.memory_space<vmem>> -> memref<1x32xf32, #tpu.memory_space<vmem>>
      %dma_start3A_244 = arith.constant 0 : i32
      %dma_start3A_245 = tpu.memref_slice %arg3[%squeeze3A_237, %dma_start3A_244] : memref<1000000x32xf32, #tpu.memory_space<hbm>> -> memref<1x32xf32, #tpu.memory_space<hbm>>
      %dma_start3A_246 = arith.constant 0 : i32
      %dma_start3A_247 = tpu.memref_slice %arg6[%add3A_241, %dma_start3A_246] : memref<128x32xf32, #tpu.memory_space<vmem>> -> memref<1x32xf32, #tpu.memory_space<vmem>>
      %dma_start3A_248 = arith.constant 0 : i32
      %dma_start3A_249 = tpu.memref_slice %arg3[%squeeze3A_237, %dma_start3A_248] : memref<1000000x32xf32, #tpu.memory_space<hbm>> -> memref<1x32xf32, #tpu.memory_space<hbm>>
      tpu.enqueue_dma source(%dma_start3A_249 : memref<1x32xf32, #tpu.memory_space<hbm>>) target(%dma_start3A_247 : memref<1x32xf32, #tpu.memory_space<vmem>>) target_semaphore(%arg8 : memref<!tpu.dma_semaphore, #tpu.memory_space<semaphore_mem>>)
      %slice3A_250 = vector.extract_strided_slice %get3A_70 {offsets = [13], sizes = [1], strides = [1]} : vector<16xi32> to vector<1xi32>
      %squeeze3A_251 = vector.extract %slice3A_250[0] : i32 from vector<1xi32>
      %mul3A_252 = arith.constant 16 : i32
      %mul3A_253 = arith.muli %scan3A_63, %mul3A_252 : i32
      %add3A_254 = arith.constant 13 : i32
      %add3A_255 = arith.addi %mul3A_253, %add3A_254 : i32
      %dma_start3A_256 = arith.constant 0 : i32
      %dma_start3A_257 = tpu.memref_slice %arg6[%add3A_255, %dma_start3A_256] : memref<128x32xf32, #tpu.memory_space<vmem>> -> memref<1x32xf32, #tpu.memory_space<vmem>>
      %dma_start3A_258 = arith.constant 0 : i32
      %dma_start3A_259 = tpu.memref_slice %arg3[%squeeze3A_251, %dma_start3A_258] : memref<1000000x32xf32, #tpu.memory_space<hbm>> -> memref<1x32xf32, #tpu.memory_space<hbm>>
      %dma_start3A_260 = arith.constant 0 : i32
      %dma_start3A_261 = tpu.memref_slice %arg6[%add3A_255, %dma_start3A_260] : memref<128x32xf32, #tpu.memory_space<vmem>> -> memref<1x32xf32, #tpu.memory_space<vmem>>
      %dma_start3A_262 = arith.constant 0 : i32
      %dma_start3A_263 = tpu.memref_slice %arg3[%squeeze3A_251, %dma_start3A_262] : memref<1000000x32xf32, #tpu.memory_space<hbm>> -> memref<1x32xf32, #tpu.memory_space<hbm>>
      tpu.enqueue_dma source(%dma_start3A_263 : memref<1x32xf32, #tpu.memory_space<hbm>>) target(%dma_start3A_261 : memref<1x32xf32, #tpu.memory_space<vmem>>) target_semaphore(%arg8 : memref<!tpu.dma_semaphore, #tpu.memory_space<semaphore_mem>>)
      %slice3A_264 = vector.extract_strided_slice %get3A_70 {offsets = [14], sizes = [1], strides = [1]} : vector<16xi32> to vector<1xi32>
      %squeeze3A_265 = vector.extract %slice3A_264[0] : i32 from vector<1xi32>
      %mul3A_266 = arith.constant 16 : i32
      %mul3A_267 = arith.muli %scan3A_63, %mul3A_266 : i32
      %add3A_268 = arith.constant 14 : i32
      %add3A_269 = arith.addi %mul3A_267, %add3A_268 : i32
      %dma_start3A_270 = arith.constant 0 : i32
      %dma_start3A_271 = tpu.memref_slice %arg6[%add3A_269, %dma_start3A_270] : memref<128x32xf32, #tpu.memory_space<vmem>> -> memref<1x32xf32, #tpu.memory_space<vmem>>
      %dma_start3A_272 = arith.constant 0 : i32
      %dma_start3A_273 = tpu.memref_slice %arg3[%squeeze3A_265, %dma_start3A_272] : memref<1000000x32xf32, #tpu.memory_space<hbm>> -> memref<1x32xf32, #tpu.memory_space<hbm>>
      %dma_start3A_274 = arith.constant 0 : i32
      %dma_start3A_275 = tpu.memref_slice %arg6[%add3A_269, %dma_start3A_274] : memref<128x32xf32, #tpu.memory_space<vmem>> -> memref<1x32xf32, #tpu.memory_space<vmem>>
      %dma_start3A_276 = arith.constant 0 : i32
      %dma_start3A_277 = tpu.memref_slice %arg3[%squeeze3A_265, %dma_start3A_276] : memref<1000000x32xf32, #tpu.memory_space<hbm>> -> memref<1x32xf32, #tpu.memory_space<hbm>>
      tpu.enqueue_dma source(%dma_start3A_277 : memref<1x32xf32, #tpu.memory_space<hbm>>) target(%dma_start3A_275 : memref<1x32xf32, #tpu.memory_space<vmem>>) target_semaphore(%arg8 : memref<!tpu.dma_semaphore, #tpu.memory_space<semaphore_mem>>)
      %slice3A_278 = vector.extract_strided_slice %get3A_70 {offsets = [15], sizes = [1], strides = [1]} : vector<16xi32> to vector<1xi32>
      %squeeze3A_279 = vector.extract %slice3A_278[0] : i32 from vector<1xi32>
      %mul3A_280 = arith.constant 16 : i32
      %mul3A_281 = arith.muli %scan3A_63, %mul3A_280 : i32
      %add3A_282 = arith.constant 15 : i32
      %add3A_283 = arith.addi %mul3A_281, %add3A_282 : i32
      %dma_start3A_284 = arith.constant 0 : i32
      %dma_start3A_285 = tpu.memref_slice %arg6[%add3A_283, %dma_start3A_284] : memref<128x32xf32, #tpu.memory_space<vmem>> -> memref<1x32xf32, #tpu.memory_space<vmem>>
      %dma_start3A_286 = arith.constant 0 : i32
      %dma_start3A_287 = tpu.memref_slice %arg3[%squeeze3A_279, %dma_start3A_286] : memref<1000000x32xf32, #tpu.memory_space<hbm>> -> memref<1x32xf32, #tpu.memory_space<hbm>>
      %dma_start3A_288 = arith.constant 0 : i32
      %dma_start3A_289 = tpu.memref_slice %arg6[%add3A_283, %dma_start3A_288] : memref<128x32xf32, #tpu.memory_space<vmem>> -> memref<1x32xf32, #tpu.memory_space<vmem>>
      %dma_start3A_290 = arith.constant 0 : i32
      %dma_start3A_291 = tpu.memref_slice %arg3[%squeeze3A_279, %dma_start3A_290] : memref<1000000x32xf32, #tpu.memory_space<hbm>> -> memref<1x32xf32, #tpu.memory_space<hbm>>
      tpu.enqueue_dma source(%dma_start3A_291 : memref<1x32xf32, #tpu.memory_space<hbm>>) target(%dma_start3A_289 : memref<1x32xf32, #tpu.memory_space<vmem>>) target_semaphore(%arg8 : memref<!tpu.dma_semaphore, #tpu.memory_space<semaphore_mem>>)
      %scan3A_292 = arith.constant 0 : i32
      scf.yield %scan3A_292 : i32
    }
    %scan3A_10 = arith.constant 8 : i32
    %scan3A_11 = arith.constant 0 : i32
    %scan3A_12 = arith.constant 0 : i32
    %scan3A_13 = arith.constant 8 : i32
    %scan3A_14 = arith.addi %scan3A_12, %scan3A_13 : i32
    %scan3A_15 = arith.constant 1 : i32
    %scan3A_16 = scf.for %scan3A_63 = %scan3A_12 to %scan3A_14 step %scan3A_15 iter_args(%scan3A_64 = %scan3A_11) -> (i32)  : i32 {
      %mul3A_65 = arith.constant 16 : i32
      %mul3A_66 = arith.muli %scan3A_63, %mul3A_65 : i32
      %get3A = arith.constant 1 : i32
      %get3A_67 = arith.index_cast %get3A : i32 to index
      %get3A_68 = arith.index_cast %mul3A_66 : i32 to index
      %get3A_69 = tpu.vector_load %arg5[%get3A_67, %get3A_68] {strides = array<i32>} : memref<4x128xi32, #tpu.memory_space<vmem>>, vector<1x16xi32>,
      %get3A_70 = vector.shape_cast %get3A_69 : vector<1x16xi32> to vector<16xi32>
      %slice3A = vector.extract_strided_slice %get3A_70 {offsets = [0], sizes = [1], strides = [1]} : vector<16xi32> to vector<1xi32>
      %squeeze3A = vector.extract %slice3A[0] : i32 from vector<1xi32>
      %mul3A_71 = arith.constant 16 : i32
      %mul3A_72 = arith.muli %scan3A_63, %mul3A_71 : i32
      %add3A_73 = arith.constant 0 : i32
      %add3A_74 = arith.addi %mul3A_72, %add3A_73 : i32
      %dma_start3A = arith.constant 0 : i32
      %dma_start3A_75 = tpu.memref_slice %arg7[%add3A_74, %dma_start3A] : memref<128x32xf32, #tpu.memory_space<vmem>> -> memref<1x32xf32, #tpu.memory_space<vmem>>
      %dma_start3A_76 = arith.constant 0 : i32
      %dma_start3A_77 = tpu.memref_slice %arg3[%squeeze3A, %dma_start3A_76] : memref<1000000x32xf32, #tpu.memory_space<hbm>> -> memref<1x32xf32, #tpu.memory_space<hbm>>
      %dma_start3A_78 = arith.constant 0 : i32
      %dma_start3A_79 = tpu.memref_slice %arg7[%add3A_74, %dma_start3A_78] : memref<128x32xf32, #tpu.memory_space<vmem>> -> memref<1x32xf32, #tpu.memory_space<vmem>>
      %dma_start3A_80 = arith.constant 0 : i32
      %dma_start3A_81 = tpu.memref_slice %arg3[%squeeze3A, %dma_start3A_80] : memref<1000000x32xf32, #tpu.memory_space<hbm>> -> memref<1x32xf32, #tpu.memory_space<hbm>>
      tpu.enqueue_dma source(%dma_start3A_81 : memref<1x32xf32, #tpu.memory_space<hbm>>) target(%dma_start3A_79 : memref<1x32xf32, #tpu.memory_space<vmem>>) target_semaphore(%arg9 : memref<!tpu.dma_semaphore, #tpu.memory_space<semaphore_mem>>)
      %slice3A_82 = vector.extract_strided_slice %get3A_70 {offsets = [1], sizes = [1], strides = [1]} : vector<16xi32> to vector<1xi32>
      %squeeze3A_83 = vector.extract %slice3A_82[0] : i32 from vector<1xi32>
      %mul3A_84 = arith.constant 16 : i32
      %mul3A_85 = arith.muli %scan3A_63, %mul3A_84 : i32
      %add3A_86 = arith.constant 1 : i32
      %add3A_87 = arith.addi %mul3A_85, %add3A_86 : i32
      %dma_start3A_88 = arith.constant 0 : i32
      %dma_start3A_89 = tpu.memref_slice %arg7[%add3A_87, %dma_start3A_88] : memref<128x32xf32, #tpu.memory_space<vmem>> -> memref<1x32xf32, #tpu.memory_space<vmem>>
      %dma_start3A_90 = arith.constant 0 : i32
      %dma_start3A_91 = tpu.memref_slice %arg3[%squeeze3A_83, %dma_start3A_90] : memref<1000000x32xf32, #tpu.memory_space<hbm>> -> memref<1x32xf32, #tpu.memory_space<hbm>>
      %dma_start3A_92 = arith.constant 0 : i32
      %dma_start3A_93 = tpu.memref_slice %arg7[%add3A_87, %dma_start3A_92] : memref<128x32xf32, #tpu.memory_space<vmem>> -> memref<1x32xf32, #tpu.memory_space<vmem>>
      %dma_start3A_94 = arith.constant 0 : i32
      %dma_start3A_95 = tpu.memref_slice %arg3[%squeeze3A_83, %dma_start3A_94] : memref<1000000x32xf32, #tpu.memory_space<hbm>> -> memref<1x32xf32, #tpu.memory_space<hbm>>
      tpu.enqueue_dma source(%dma_start3A_95 : memref<1x32xf32, #tpu.memory_space<hbm>>) target(%dma_start3A_93 : memref<1x32xf32, #tpu.memory_space<vmem>>) target_semaphore(%arg9 : memref<!tpu.dma_semaphore, #tpu.memory_space<semaphore_mem>>)
      %slice3A_96 = vector.extract_strided_slice %get3A_70 {offsets = [2], sizes = [1], strides = [1]} : vector<16xi32> to vector<1xi32>
      %squeeze3A_97 = vector.extract %slice3A_96[0] : i32 from vector<1xi32>
      %mul3A_98 = arith.constant 16 : i32
      %mul3A_99 = arith.muli %scan3A_63, %mul3A_98 : i32
      %add3A_100 = arith.constant 2 : i32
      %add3A_101 = arith.addi %mul3A_99, %add3A_100 : i32
      %dma_start3A_102 = arith.constant 0 : i32
      %dma_start3A_103 = tpu.memref_slice %arg7[%add3A_101, %dma_start3A_102] : memref<128x32xf32, #tpu.memory_space<vmem>> -> memref<1x32xf32, #tpu.memory_space<vmem>>
      %dma_start3A_104 = arith.constant 0 : i32
      %dma_start3A_105 = tpu.memref_slice %arg3[%squeeze3A_97, %dma_start3A_104] : memref<1000000x32xf32, #tpu.memory_space<hbm>> -> memref<1x32xf32, #tpu.memory_space<hbm>>
      %dma_start3A_106 = arith.constant 0 : i32
      %dma_start3A_107 = tpu.memref_slice %arg7[%add3A_101, %dma_start3A_106] : memref<128x32xf32, #tpu.memory_space<vmem>> -> memref<1x32xf32, #tpu.memory_space<vmem>>
      %dma_start3A_108 = arith.constant 0 : i32
      %dma_start3A_109 = tpu.memref_slice %arg3[%squeeze3A_97, %dma_start3A_108] : memref<1000000x32xf32, #tpu.memory_space<hbm>> -> memref<1x32xf32, #tpu.memory_space<hbm>>
      tpu.enqueue_dma source(%dma_start3A_109 : memref<1x32xf32, #tpu.memory_space<hbm>>) target(%dma_start3A_107 : memref<1x32xf32, #tpu.memory_space<vmem>>) target_semaphore(%arg9 : memref<!tpu.dma_semaphore, #tpu.memory_space<semaphore_mem>>)
      %slice3A_110 = vector.extract_strided_slice %get3A_70 {offsets = [3], sizes = [1], strides = [1]} : vector<16xi32> to vector<1xi32>
      %squeeze3A_111 = vector.extract %slice3A_110[0] : i32 from vector<1xi32>
      %mul3A_112 = arith.constant 16 : i32
      %mul3A_113 = arith.muli %scan3A_63, %mul3A_112 : i32
      %add3A_114 = arith.constant 3 : i32
      %add3A_115 = arith.addi %mul3A_113, %add3A_114 : i32
      %dma_start3A_116 = arith.constant 0 : i32
      %dma_start3A_117 = tpu.memref_slice %arg7[%add3A_115, %dma_start3A_116] : memref<128x32xf32, #tpu.memory_space<vmem>> -> memref<1x32xf32, #tpu.memory_space<vmem>>
      %dma_start3A_118 = arith.constant 0 : i32
      %dma_start3A_119 = tpu.memref_slice %arg3[%squeeze3A_111, %dma_start3A_118] : memref<1000000x32xf32, #tpu.memory_space<hbm>> -> memref<1x32xf32, #tpu.memory_space<hbm>>
      %dma_start3A_120 = arith.constant 0 : i32
      %dma_start3A_121 = tpu.memref_slice %arg7[%add3A_115, %dma_start3A_120] : memref<128x32xf32, #tpu.memory_space<vmem>> -> memref<1x32xf32, #tpu.memory_space<vmem>>
      %dma_start3A_122 = arith.constant 0 : i32
      %dma_start3A_123 = tpu.memref_slice %arg3[%squeeze3A_111, %dma_start3A_122] : memref<1000000x32xf32, #tpu.memory_space<hbm>> -> memref<1x32xf32, #tpu.memory_space<hbm>>
      tpu.enqueue_dma source(%dma_start3A_123 : memref<1x32xf32, #tpu.memory_space<hbm>>) target(%dma_start3A_121 : memref<1x32xf32, #tpu.memory_space<vmem>>) target_semaphore(%arg9 : memref<!tpu.dma_semaphore, #tpu.memory_space<semaphore_mem>>)
      %slice3A_124 = vector.extract_strided_slice %get3A_70 {offsets = [4], sizes = [1], strides = [1]} : vector<16xi32> to vector<1xi32>
      %squeeze3A_125 = vector.extract %slice3A_124[0] : i32 from vector<1xi32>
      %mul3A_126 = arith.constant 16 : i32
      %mul3A_127 = arith.muli %scan3A_63, %mul3A_126 : i32
      %add3A_128 = arith.constant 4 : i32
      %add3A_129 = arith.addi %mul3A_127, %add3A_128 : i32
      %dma_start3A_130 = arith.constant 0 : i32
      %dma_start3A_131 = tpu.memref_slice %arg7[%add3A_129, %dma_start3A_130] : memref<128x32xf32, #tpu.memory_space<vmem>> -> memref<1x32xf32, #tpu.memory_space<vmem>>
      %dma_start3A_132 = arith.constant 0 : i32
      %dma_start3A_133 = tpu.memref_slice %arg3[%squeeze3A_125, %dma_start3A_132] : memref<1000000x32xf32, #tpu.memory_space<hbm>> -> memref<1x32xf32, #tpu.memory_space<hbm>>
      %dma_start3A_134 = arith.constant 0 : i32
      %dma_start3A_135 = tpu.memref_slice %arg7[%add3A_129, %dma_start3A_134] : memref<128x32xf32, #tpu.memory_space<vmem>> -> memref<1x32xf32, #tpu.memory_space<vmem>>
      %dma_start3A_136 = arith.constant 0 : i32
      %dma_start3A_137 = tpu.memref_slice %arg3[%squeeze3A_125, %dma_start3A_136] : memref<1000000x32xf32, #tpu.memory_space<hbm>> -> memref<1x32xf32, #tpu.memory_space<hbm>>
      tpu.enqueue_dma source(%dma_start3A_137 : memref<1x32xf32, #tpu.memory_space<hbm>>) target(%dma_start3A_135 : memref<1x32xf32, #tpu.memory_space<vmem>>) target_semaphore(%arg9 : memref<!tpu.dma_semaphore, #tpu.memory_space<semaphore_mem>>)
      %slice3A_138 = vector.extract_strided_slice %get3A_70 {offsets = [5], sizes = [1], strides = [1]} : vector<16xi32> to vector<1xi32>
      %squeeze3A_139 = vector.extract %slice3A_138[0] : i32 from vector<1xi32>
      %mul3A_140 = arith.constant 16 : i32
      %mul3A_141 = arith.muli %scan3A_63, %mul3A_140 : i32
      %add3A_142 = arith.constant 5 : i32
      %add3A_143 = arith.addi %mul3A_141, %add3A_142 : i32
      %dma_start3A_144 = arith.constant 0 : i32
      %dma_start3A_145 = tpu.memref_slice %arg7[%add3A_143, %dma_start3A_144] : memref<128x32xf32, #tpu.memory_space<vmem>> -> memref<1x32xf32, #tpu.memory_space<vmem>>
      %dma_start3A_146 = arith.constant 0 : i32
      %dma_start3A_147 = tpu.memref_slice %arg3[%squeeze3A_139, %dma_start3A_146] : memref<1000000x32xf32, #tpu.memory_space<hbm>> -> memref<1x32xf32, #tpu.memory_space<hbm>>
      %dma_start3A_148 = arith.constant 0 : i32
      %dma_start3A_149 = tpu.memref_slice %arg7[%add3A_143, %dma_start3A_148] : memref<128x32xf32, #tpu.memory_space<vmem>> -> memref<1x32xf32, #tpu.memory_space<vmem>>
      %dma_start3A_150 = arith.constant 0 : i32
      %dma_start3A_151 = tpu.memref_slice %arg3[%squeeze3A_139, %dma_start3A_150] : memref<1000000x32xf32, #tpu.memory_space<hbm>> -> memref<1x32xf32, #tpu.memory_space<hbm>>
      tpu.enqueue_dma source(%dma_start3A_151 : memref<1x32xf32, #tpu.memory_space<hbm>>) target(%dma_start3A_149 : memref<1x32xf32, #tpu.memory_space<vmem>>) target_semaphore(%arg9 : memref<!tpu.dma_semaphore, #tpu.memory_space<semaphore_mem>>)
      %slice3A_152 = vector.extract_strided_slice %get3A_70 {offsets = [6], sizes = [1], strides = [1]} : vector<16xi32> to vector<1xi32>
      %squeeze3A_153 = vector.extract %slice3A_152[0] : i32 from vector<1xi32>
      %mul3A_154 = arith.constant 16 : i32
      %mul3A_155 = arith.muli %scan3A_63, %mul3A_154 : i32
      %add3A_156 = arith.constant 6 : i32
      %add3A_157 = arith.addi %mul3A_155, %add3A_156 : i32
      %dma_start3A_158 = arith.constant 0 : i32
      %dma_start3A_159 = tpu.memref_slice %arg7[%add3A_157, %dma_start3A_158] : memref<128x32xf32, #tpu.memory_space<vmem>> -> memref<1x32xf32, #tpu.memory_space<vmem>>
      %dma_start3A_160 = arith.constant 0 : i32
      %dma_start3A_161 = tpu.memref_slice %arg3[%squeeze3A_153, %dma_start3A_160] : memref<1000000x32xf32, #tpu.memory_space<hbm>> -> memref<1x32xf32, #tpu.memory_space<hbm>>
      %dma_start3A_162 = arith.constant 0 : i32
      %dma_start3A_163 = tpu.memref_slice %arg7[%add3A_157, %dma_start3A_162] : memref<128x32xf32, #tpu.memory_space<vmem>> -> memref<1x32xf32, #tpu.memory_space<vmem>>
      %dma_start3A_164 = arith.constant 0 : i32
      %dma_start3A_165 = tpu.memref_slice %arg3[%squeeze3A_153, %dma_start3A_164] : memref<1000000x32xf32, #tpu.memory_space<hbm>> -> memref<1x32xf32, #tpu.memory_space<hbm>>
      tpu.enqueue_dma source(%dma_start3A_165 : memref<1x32xf32, #tpu.memory_space<hbm>>) target(%dma_start3A_163 : memref<1x32xf32, #tpu.memory_space<vmem>>) target_semaphore(%arg9 : memref<!tpu.dma_semaphore, #tpu.memory_space<semaphore_mem>>)
      %slice3A_166 = vector.extract_strided_slice %get3A_70 {offsets = [7], sizes = [1], strides = [1]} : vector<16xi32> to vector<1xi32>
      %squeeze3A_167 = vector.extract %slice3A_166[0] : i32 from vector<1xi32>
      %mul3A_168 = arith.constant 16 : i32
      %mul3A_169 = arith.muli %scan3A_63, %mul3A_168 : i32
      %add3A_170 = arith.constant 7 : i32
      %add3A_171 = arith.addi %mul3A_169, %add3A_170 : i32
      %dma_start3A_172 = arith.constant 0 : i32
      %dma_start3A_173 = tpu.memref_slice %arg7[%add3A_171, %dma_start3A_172] : memref<128x32xf32, #tpu.memory_space<vmem>> -> memref<1x32xf32, #tpu.memory_space<vmem>>
      %dma_start3A_174 = arith.constant 0 : i32
      %dma_start3A_175 = tpu.memref_slice %arg3[%squeeze3A_167, %dma_start3A_174] : memref<1000000x32xf32, #tpu.memory_space<hbm>> -> memref<1x32xf32, #tpu.memory_space<hbm>>
      %dma_start3A_176 = arith.constant 0 : i32
      %dma_start3A_177 = tpu.memref_slice %arg7[%add3A_171, %dma_start3A_176] : memref<128x32xf32, #tpu.memory_space<vmem>> -> memref<1x32xf32, #tpu.memory_space<vmem>>
      %dma_start3A_178 = arith.constant 0 : i32
      %dma_start3A_179 = tpu.memref_slice %arg3[%squeeze3A_167, %dma_start3A_178] : memref<1000000x32xf32, #tpu.memory_space<hbm>> -> memref<1x32xf32, #tpu.memory_space<hbm>>
      tpu.enqueue_dma source(%dma_start3A_179 : memref<1x32xf32, #tpu.memory_space<hbm>>) target(%dma_start3A_177 : memref<1x32xf32, #tpu.memory_space<vmem>>) target_semaphore(%arg9 : memref<!tpu.dma_semaphore, #tpu.memory_space<semaphore_mem>>)
      %slice3A_180 = vector.extract_strided_slice %get3A_70 {offsets = [8], sizes = [1], strides = [1]} : vector<16xi32> to vector<1xi32>
      %squeeze3A_181 = vector.extract %slice3A_180[0] : i32 from vector<1xi32>
      %mul3A_182 = arith.constant 16 : i32
      %mul3A_183 = arith.muli %scan3A_63, %mul3A_182 : i32
      %add3A_184 = arith.constant 8 : i32
      %add3A_185 = arith.addi %mul3A_183, %add3A_184 : i32
      %dma_start3A_186 = arith.constant 0 : i32
      %dma_start3A_187 = tpu.memref_slice %arg7[%add3A_185, %dma_start3A_186] : memref<128x32xf32, #tpu.memory_space<vmem>> -> memref<1x32xf32, #tpu.memory_space<vmem>>
      %dma_start3A_188 = arith.constant 0 : i32
      %dma_start3A_189 = tpu.memref_slice %arg3[%squeeze3A_181, %dma_start3A_188] : memref<1000000x32xf32, #tpu.memory_space<hbm>> -> memref<1x32xf32, #tpu.memory_space<hbm>>
      %dma_start3A_190 = arith.constant 0 : i32
      %dma_start3A_191 = tpu.memref_slice %arg7[%add3A_185, %dma_start3A_190] : memref<128x32xf32, #tpu.memory_space<vmem>> -> memref<1x32xf32, #tpu.memory_space<vmem>>
      %dma_start3A_192 = arith.constant 0 : i32
      %dma_start3A_193 = tpu.memref_slice %arg3[%squeeze3A_181, %dma_start3A_192] : memref<1000000x32xf32, #tpu.memory_space<hbm>> -> memref<1x32xf32, #tpu.memory_space<hbm>>
      tpu.enqueue_dma source(%dma_start3A_193 : memref<1x32xf32, #tpu.memory_space<hbm>>) target(%dma_start3A_191 : memref<1x32xf32, #tpu.memory_space<vmem>>) target_semaphore(%arg9 : memref<!tpu.dma_semaphore, #tpu.memory_space<semaphore_mem>>)
      %slice3A_194 = vector.extract_strided_slice %get3A_70 {offsets = [9], sizes = [1], strides = [1]} : vector<16xi32> to vector<1xi32>
      %squeeze3A_195 = vector.extract %slice3A_194[0] : i32 from vector<1xi32>
      %mul3A_196 = arith.constant 16 : i32
      %mul3A_197 = arith.muli %scan3A_63, %mul3A_196 : i32
      %add3A_198 = arith.constant 9 : i32
      %add3A_199 = arith.addi %mul3A_197, %add3A_198 : i32
      %dma_start3A_200 = arith.constant 0 : i32
      %dma_start3A_201 = tpu.memref_slice %arg7[%add3A_199, %dma_start3A_200] : memref<128x32xf32, #tpu.memory_space<vmem>> -> memref<1x32xf32, #tpu.memory_space<vmem>>
      %dma_start3A_202 = arith.constant 0 : i32
      %dma_start3A_203 = tpu.memref_slice %arg3[%squeeze3A_195, %dma_start3A_202] : memref<1000000x32xf32, #tpu.memory_space<hbm>> -> memref<1x32xf32, #tpu.memory_space<hbm>>
      %dma_start3A_204 = arith.constant 0 : i32
      %dma_start3A_205 = tpu.memref_slice %arg7[%add3A_199, %dma_start3A_204] : memref<128x32xf32, #tpu.memory_space<vmem>> -> memref<1x32xf32, #tpu.memory_space<vmem>>
      %dma_start3A_206 = arith.constant 0 : i32
      %dma_start3A_207 = tpu.memref_slice %arg3[%squeeze3A_195, %dma_start3A_206] : memref<1000000x32xf32, #tpu.memory_space<hbm>> -> memref<1x32xf32, #tpu.memory_space<hbm>>
      tpu.enqueue_dma source(%dma_start3A_207 : memref<1x32xf32, #tpu.memory_space<hbm>>) target(%dma_start3A_205 : memref<1x32xf32, #tpu.memory_space<vmem>>) target_semaphore(%arg9 : memref<!tpu.dma_semaphore, #tpu.memory_space<semaphore_mem>>)
      %slice3A_208 = vector.extract_strided_slice %get3A_70 {offsets = [10], sizes = [1], strides = [1]} : vector<16xi32> to vector<1xi32>
      %squeeze3A_209 = vector.extract %slice3A_208[0] : i32 from vector<1xi32>
      %mul3A_210 = arith.constant 16 : i32
      %mul3A_211 = arith.muli %scan3A_63, %mul3A_210 : i32
      %add3A_212 = arith.constant 10 : i32
      %add3A_213 = arith.addi %mul3A_211, %add3A_212 : i32
      %dma_start3A_214 = arith.constant 0 : i32
      %dma_start3A_215 = tpu.memref_slice %arg7[%add3A_213, %dma_start3A_214] : memref<128x32xf32, #tpu.memory_space<vmem>> -> memref<1x32xf32, #tpu.memory_space<vmem>>
      %dma_start3A_216 = arith.constant 0 : i32
      %dma_start3A_217 = tpu.memref_slice %arg3[%squeeze3A_209, %dma_start3A_216] : memref<1000000x32xf32, #tpu.memory_space<hbm>> -> memref<1x32xf32, #tpu.memory_space<hbm>>
      %dma_start3A_218 = arith.constant 0 : i32
      %dma_start3A_219 = tpu.memref_slice %arg7[%add3A_213, %dma_start3A_218] : memref<128x32xf32, #tpu.memory_space<vmem>> -> memref<1x32xf32, #tpu.memory_space<vmem>>
      %dma_start3A_220 = arith.constant 0 : i32
      %dma_start3A_221 = tpu.memref_slice %arg3[%squeeze3A_209, %dma_start3A_220] : memref<1000000x32xf32, #tpu.memory_space<hbm>> -> memref<1x32xf32, #tpu.memory_space<hbm>>
      tpu.enqueue_dma source(%dma_start3A_221 : memref<1x32xf32, #tpu.memory_space<hbm>>) target(%dma_start3A_219 : memref<1x32xf32, #tpu.memory_space<vmem>>) target_semaphore(%arg9 : memref<!tpu.dma_semaphore, #tpu.memory_space<semaphore_mem>>)
      %slice3A_222 = vector.extract_strided_slice %get3A_70 {offsets = [11], sizes = [1], strides = [1]} : vector<16xi32> to vector<1xi32>
      %squeeze3A_223 = vector.extract %slice3A_222[0] : i32 from vector<1xi32>
      %mul3A_224 = arith.constant 16 : i32
      %mul3A_225 = arith.muli %scan3A_63, %mul3A_224 : i32
      %add3A_226 = arith.constant 11 : i32
      %add3A_227 = arith.addi %mul3A_225, %add3A_226 : i32
      %dma_start3A_228 = arith.constant 0 : i32
      %dma_start3A_229 = tpu.memref_slice %arg7[%add3A_227, %dma_start3A_228] : memref<128x32xf32, #tpu.memory_space<vmem>> -> memref<1x32xf32, #tpu.memory_space<vmem>>
      %dma_start3A_230 = arith.constant 0 : i32
      %dma_start3A_231 = tpu.memref_slice %arg3[%squeeze3A_223, %dma_start3A_230] : memref<1000000x32xf32, #tpu.memory_space<hbm>> -> memref<1x32xf32, #tpu.memory_space<hbm>>
      %dma_start3A_232 = arith.constant 0 : i32
      %dma_start3A_233 = tpu.memref_slice %arg7[%add3A_227, %dma_start3A_232] : memref<128x32xf32, #tpu.memory_space<vmem>> -> memref<1x32xf32, #tpu.memory_space<vmem>>
      %dma_start3A_234 = arith.constant 0 : i32
      %dma_start3A_235 = tpu.memref_slice %arg3[%squeeze3A_223, %dma_start3A_234] : memref<1000000x32xf32, #tpu.memory_space<hbm>> -> memref<1x32xf32, #tpu.memory_space<hbm>>
      tpu.enqueue_dma source(%dma_start3A_235 : memref<1x32xf32, #tpu.memory_space<hbm>>) target(%dma_start3A_233 : memref<1x32xf32, #tpu.memory_space<vmem>>) target_semaphore(%arg9 : memref<!tpu.dma_semaphore, #tpu.memory_space<semaphore_mem>>)
      %slice3A_236 = vector.extract_strided_slice %get3A_70 {offsets = [12], sizes = [1], strides = [1]} : vector<16xi32> to vector<1xi32>
      %squeeze3A_237 = vector.extract %slice3A_236[0] : i32 from vector<1xi32>
      %mul3A_238 = arith.constant 16 : i32
      %mul3A_239 = arith.muli %scan3A_63, %mul3A_238 : i32
      %add3A_240 = arith.constant 12 : i32
      %add3A_241 = arith.addi %mul3A_239, %add3A_240 : i32
      %dma_start3A_242 = arith.constant 0 : i32
      %dma_start3A_243 = tpu.memref_slice %arg7[%add3A_241, %dma_start3A_242] : memref<128x32xf32, #tpu.memory_space<vmem>> -> memref<1x32xf32, #tpu.memory_space<vmem>>
      %dma_start3A_244 = arith.constant 0 : i32
      %dma_start3A_245 = tpu.memref_slice %arg3[%squeeze3A_237, %dma_start3A_244] : memref<1000000x32xf32, #tpu.memory_space<hbm>> -> memref<1x32xf32, #tpu.memory_space<hbm>>
      %dma_start3A_246 = arith.constant 0 : i32
      %dma_start3A_247 = tpu.memref_slice %arg7[%add3A_241, %dma_start3A_246] : memref<128x32xf32, #tpu.memory_space<vmem>> -> memref<1x32xf32, #tpu.memory_space<vmem>>
      %dma_start3A_248 = arith.constant 0 : i32
      %dma_start3A_249 = tpu.memref_slice %arg3[%squeeze3A_237, %dma_start3A_248] : memref<1000000x32xf32, #tpu.memory_space<hbm>> -> memref<1x32xf32, #tpu.memory_space<hbm>>
      tpu.enqueue_dma source(%dma_start3A_249 : memref<1x32xf32, #tpu.memory_space<hbm>>) target(%dma_start3A_247 : memref<1x32xf32, #tpu.memory_space<vmem>>) target_semaphore(%arg9 : memref<!tpu.dma_semaphore, #tpu.memory_space<semaphore_mem>>)
      %slice3A_250 = vector.extract_strided_slice %get3A_70 {offsets = [13], sizes = [1], strides = [1]} : vector<16xi32> to vector<1xi32>
      %squeeze3A_251 = vector.extract %slice3A_250[0] : i32 from vector<1xi32>
      %mul3A_252 = arith.constant 16 : i32
      %mul3A_253 = arith.muli %scan3A_63, %mul3A_252 : i32
      %add3A_254 = arith.constant 13 : i32
      %add3A_255 = arith.addi %mul3A_253, %add3A_254 : i32
      %dma_start3A_256 = arith.constant 0 : i32
      %dma_start3A_257 = tpu.memref_slice %arg7[%add3A_255, %dma_start3A_256] : memref<128x32xf32, #tpu.memory_space<vmem>> -> memref<1x32xf32, #tpu.memory_space<vmem>>
      %dma_start3A_258 = arith.constant 0 : i32
      %dma_start3A_259 = tpu.memref_slice %arg3[%squeeze3A_251, %dma_start3A_258] : memref<1000000x32xf32, #tpu.memory_space<hbm>> -> memref<1x32xf32, #tpu.memory_space<hbm>>
      %dma_start3A_260 = arith.constant 0 : i32
      %dma_start3A_261 = tpu.memref_slice %arg7[%add3A_255, %dma_start3A_260] : memref<128x32xf32, #tpu.memory_space<vmem>> -> memref<1x32xf32, #tpu.memory_space<vmem>>
      %dma_start3A_262 = arith.constant 0 : i32
      %dma_start3A_263 = tpu.memref_slice %arg3[%squeeze3A_251, %dma_start3A_262] : memref<1000000x32xf32, #tpu.memory_space<hbm>> -> memref<1x32xf32, #tpu.memory_space<hbm>>
      tpu.enqueue_dma source(%dma_start3A_263 : memref<1x32xf32, #tpu.memory_space<hbm>>) target(%dma_start3A_261 : memref<1x32xf32, #tpu.memory_space<vmem>>) target_semaphore(%arg9 : memref<!tpu.dma_semaphore, #tpu.memory_space<semaphore_mem>>)
      %slice3A_264 = vector.extract_strided_slice %get3A_70 {offsets = [14], sizes = [1], strides = [1]} : vector<16xi32> to vector<1xi32>
      %squeeze3A_265 = vector.extract %slice3A_264[0] : i32 from vector<1xi32>
      %mul3A_266 = arith.constant 16 : i32
      %mul3A_267 = arith.muli %scan3A_63, %mul3A_266 : i32
      %add3A_268 = arith.constant 14 : i32
      %add3A_269 = arith.addi %mul3A_267, %add3A_268 : i32
      %dma_start3A_270 = arith.constant 0 : i32
      %dma_start3A_271 = tpu.memref_slice %arg7[%add3A_269, %dma_start3A_270] : memref<128x32xf32, #tpu.memory_space<vmem>> -> memref<1x32xf32, #tpu.memory_space<vmem>>
      %dma_start3A_272 = arith.constant 0 : i32
      %dma_start3A_273 = tpu.memref_slice %arg3[%squeeze3A_265, %dma_start3A_272] : memref<1000000x32xf32, #tpu.memory_space<hbm>> -> memref<1x32xf32, #tpu.memory_space<hbm>>
      %dma_start3A_274 = arith.constant 0 : i32
      %dma_start3A_275 = tpu.memref_slice %arg7[%add3A_269, %dma_start3A_274] : memref<128x32xf32, #tpu.memory_space<vmem>> -> memref<1x32xf32, #tpu.memory_space<vmem>>
      %dma_start3A_276 = arith.constant 0 : i32
      %dma_start3A_277 = tpu.memref_slice %arg3[%squeeze3A_265, %dma_start3A_276] : memref<1000000x32xf32, #tpu.memory_space<hbm>> -> memref<1x32xf32, #tpu.memory_space<hbm>>
      tpu.enqueue_dma source(%dma_start3A_277 : memref<1x32xf32, #tpu.memory_space<hbm>>) target(%dma_start3A_275 : memref<1x32xf32, #tpu.memory_space<vmem>>) target_semaphore(%arg9 : memref<!tpu.dma_semaphore, #tpu.memory_space<semaphore_mem>>)
      %slice3A_278 = vector.extract_strided_slice %get3A_70 {offsets = [15], sizes = [1], strides = [1]} : vector<16xi32> to vector<1xi32>
      %squeeze3A_279 = vector.extract %slice3A_278[0] : i32 from vector<1xi32>
      %mul3A_280 = arith.constant 16 : i32
      %mul3A_281 = arith.muli %scan3A_63, %mul3A_280 : i32
      %add3A_282 = arith.constant 15 : i32
      %add3A_283 = arith.addi %mul3A_281, %add3A_282 : i32
      %dma_start3A_284 = arith.constant 0 : i32
      %dma_start3A_285 = tpu.memref_slice %arg7[%add3A_283, %dma_start3A_284] : memref<128x32xf32, #tpu.memory_space<vmem>> -> memref<1x32xf32, #tpu.memory_space<vmem>>
      %dma_start3A_286 = arith.constant 0 : i32
      %dma_start3A_287 = tpu.memref_slice %arg3[%squeeze3A_279, %dma_start3A_286] : memref<1000000x32xf32, #tpu.memory_space<hbm>> -> memref<1x32xf32, #tpu.memory_space<hbm>>
      %dma_start3A_288 = arith.constant 0 : i32
      %dma_start3A_289 = tpu.memref_slice %arg7[%add3A_283, %dma_start3A_288] : memref<128x32xf32, #tpu.memory_space<vmem>> -> memref<1x32xf32, #tpu.memory_space<vmem>>
      %dma_start3A_290 = arith.constant 0 : i32
      %dma_start3A_291 = tpu.memref_slice %arg3[%squeeze3A_279, %dma_start3A_290] : memref<1000000x32xf32, #tpu.memory_space<hbm>> -> memref<1x32xf32, #tpu.memory_space<hbm>>
      tpu.enqueue_dma source(%dma_start3A_291 : memref<1x32xf32, #tpu.memory_space<hbm>>) target(%dma_start3A_289 : memref<1x32xf32, #tpu.memory_space<vmem>>) target_semaphore(%arg9 : memref<!tpu.dma_semaphore, #tpu.memory_space<semaphore_mem>>)
      %scan3A_292 = arith.constant 0 : i32
      scf.yield %scan3A_292 : i32
    }
    %scan3A_17 = arith.constant 8 : i32
    %dma_wait3A = arith.constant 0 : i32
    %dma_wait3A_18 = arith.constant 0 : i32
    %dma_wait3A_19 = tpu.memref_slice %arg3[%dma_wait3A, %dma_wait3A_18] : memref<1000000x32xf32, #tpu.memory_space<hbm>> -> memref<128x32xf32, #tpu.memory_space<hbm>>
    %dma_wait3A_20 = arith.constant 0 : i32
    %dma_wait3A_21 = arith.constant 0 : i32
    %dma_wait3A_22 = tpu.memref_slice %arg3[%dma_wait3A_20, %dma_wait3A_21] : memref<1000000x32xf32, #tpu.memory_space<hbm>> -> memref<128x32xf32, #tpu.memory_space<hbm>>
    tpu.wait_dma2 semaphore(%arg8 : memref<!tpu.dma_semaphore, #tpu.memory_space<semaphore_mem>>) src(%dma_wait3A_22 : memref<128x32xf32, #tpu.memory_space<hbm>>) dst(%arg6 : memref<128x32xf32, #tpu.memory_space<vmem>>)
    %add3A_23 = arith.constant 0 : i32
    %add3A_24 = arith.addi %mul3A_2, %add3A_23 : i32
    "tpu.region"() ({
      %run_scoped3A = tpu.sem_alloc : memref<!tpu.dma_semaphore, #tpu.memory_space<semaphore_mem>>
      %dma_start3A = arith.constant 0 : i32
      %dma_start3A_63 = tpu.memref_slice %arg4[%add3A_24, %dma_start3A] : memref<16384x32xf32, #tpu.memory_space<hbm>> -> memref<128x32xf32, #tpu.memory_space<hbm>>
      %dma_start3A_64 = arith.constant 0 : i32
      %dma_start3A_65 = tpu.memref_slice %arg4[%add3A_24, %dma_start3A_64] : memref<16384x32xf32, #tpu.memory_space<hbm>> -> memref<128x32xf32, #tpu.memory_space<hbm>>
      tpu.enqueue_dma source(%arg6 : memref<128x32xf32, #tpu.memory_space<vmem>>) target(%dma_start3A_65 : memref<128x32xf32, #tpu.memory_space<hbm>>) target_semaphore(%run_scoped3A : memref<!tpu.dma_semaphore, #tpu.memory_space<semaphore_mem>>)
      %dma_wait3A_66 = arith.constant 0 : i32
      %dma_wait3A_67 = tpu.memref_slice %arg4[%add3A_24, %dma_wait3A_66] : memref<16384x32xf32, #tpu.memory_space<hbm>> -> memref<128x32xf32, #tpu.memory_space<hbm>>
      %dma_wait3A_68 = arith.constant 0 : i32
      %dma_wait3A_69 = tpu.memref_slice %arg4[%add3A_24, %dma_wait3A_68] : memref<16384x32xf32, #tpu.memory_space<hbm>> -> memref<128x32xf32, #tpu.memory_space<hbm>>
      tpu.wait_dma2 semaphore(%run_scoped3A : memref<!tpu.dma_semaphore, #tpu.memory_space<semaphore_mem>>) src(%arg6 : memref<128x32xf32, #tpu.memory_space<vmem>>) dst(%dma_wait3A_69 : memref<128x32xf32, #tpu.memory_space<hbm>>)
      tpu.yield
    }) : () -> ()
    %scan3A_25 = arith.constant 0 : i32
    %scan3A_26 = arith.constant 0 : i32
    %scan3A_27 = arith.constant 8 : i32
    %scan3A_28 = arith.addi %scan3A_26, %scan3A_27 : i32
    %scan3A_29 = arith.constant 1 : i32
    %scan3A_30 = scf.for %scan3A_63 = %scan3A_26 to %scan3A_28 step %scan3A_29 iter_args(%scan3A_64 = %scan3A_25) -> (i32)  : i32 {
      %mul3A_65 = arith.constant 16 : i32
      %mul3A_66 = arith.muli %scan3A_63, %mul3A_65 : i32
      %get3A = arith.constant 2 : i32
      %get3A_67 = arith.index_cast %get3A : i32 to index
      %get3A_68 = arith.index_cast %mul3A_66 : i32 to index
      %get3A_69 = tpu.vector_load %arg5[%get3A_67, %get3A_68] {strides = array<i32>} : memref<4x128xi32, #tpu.memory_space<vmem>>, vector<1x16xi32>,
      %get3A_70 = vector.shape_cast %get3A_69 : vector<1x16xi32> to vector<16xi32>
      %slice3A = vector.extract_strided_slice %get3A_70 {offsets = [0], sizes = [1], strides = [1]} : vector<16xi32> to vector<1xi32>
      %squeeze3A = vector.extract %slice3A[0] : i32 from vector<1xi32>
      %mul3A_71 = arith.constant 16 : i32
      %mul3A_72 = arith.muli %scan3A_63, %mul3A_71 : i32
      %add3A_73 = arith.constant 0 : i32
      %add3A_74 = arith.addi %mul3A_72, %add3A_73 : i32
      %dma_start3A = arith.constant 0 : i32
      %dma_start3A_75 = tpu.memref_slice %arg6[%add3A_74, %dma_start3A] : memref<128x32xf32, #tpu.memory_space<vmem>> -> memref<1x32xf32, #tpu.memory_space<vmem>>
      %dma_start3A_76 = arith.constant 0 : i32
      %dma_start3A_77 = tpu.memref_slice %arg3[%squeeze3A, %dma_start3A_76] : memref<1000000x32xf32, #tpu.memory_space<hbm>> -> memref<1x32xf32, #tpu.memory_space<hbm>>
      %dma_start3A_78 = arith.constant 0 : i32
      %dma_start3A_79 = tpu.memref_slice %arg6[%add3A_74, %dma_start3A_78] : memref<128x32xf32, #tpu.memory_space<vmem>> -> memref<1x32xf32, #tpu.memory_space<vmem>>
      %dma_start3A_80 = arith.constant 0 : i32
      %dma_start3A_81 = tpu.memref_slice %arg3[%squeeze3A, %dma_start3A_80] : memref<1000000x32xf32, #tpu.memory_space<hbm>> -> memref<1x32xf32, #tpu.memory_space<hbm>>
      tpu.enqueue_dma source(%dma_start3A_81 : memref<1x32xf32, #tpu.memory_space<hbm>>) target(%dma_start3A_79 : memref<1x32xf32, #tpu.memory_space<vmem>>) target_semaphore(%arg8 : memref<!tpu.dma_semaphore, #tpu.memory_space<semaphore_mem>>)
      %slice3A_82 = vector.extract_strided_slice %get3A_70 {offsets = [1], sizes = [1], strides = [1]} : vector<16xi32> to vector<1xi32>
      %squeeze3A_83 = vector.extract %slice3A_82[0] : i32 from vector<1xi32>
      %mul3A_84 = arith.constant 16 : i32
      %mul3A_85 = arith.muli %scan3A_63, %mul3A_84 : i32
      %add3A_86 = arith.constant 1 : i32
      %add3A_87 = arith.addi %mul3A_85, %add3A_86 : i32
      %dma_start3A_88 = arith.constant 0 : i32
      %dma_start3A_89 = tpu.memref_slice %arg6[%add3A_87, %dma_start3A_88] : memref<128x32xf32, #tpu.memory_space<vmem>> -> memref<1x32xf32, #tpu.memory_space<vmem>>
      %dma_start3A_90 = arith.constant 0 : i32
      %dma_start3A_91 = tpu.memref_slice %arg3[%squeeze3A_83, %dma_start3A_90] : memref<1000000x32xf32, #tpu.memory_space<hbm>> -> memref<1x32xf32, #tpu.memory_space<hbm>>
      %dma_start3A_92 = arith.constant 0 : i32
      %dma_start3A_93 = tpu.memref_slice %arg6[%add3A_87, %dma_start3A_92] : memref<128x32xf32, #tpu.memory_space<vmem>> -> memref<1x32xf32, #tpu.memory_space<vmem>>
      %dma_start3A_94 = arith.constant 0 : i32
      %dma_start3A_95 = tpu.memref_slice %arg3[%squeeze3A_83, %dma_start3A_94] : memref<1000000x32xf32, #tpu.memory_space<hbm>> -> memref<1x32xf32, #tpu.memory_space<hbm>>
      tpu.enqueue_dma source(%dma_start3A_95 : memref<1x32xf32, #tpu.memory_space<hbm>>) target(%dma_start3A_93 : memref<1x32xf32, #tpu.memory_space<vmem>>) target_semaphore(%arg8 : memref<!tpu.dma_semaphore, #tpu.memory_space<semaphore_mem>>)
      %slice3A_96 = vector.extract_strided_slice %get3A_70 {offsets = [2], sizes = [1], strides = [1]} : vector<16xi32> to vector<1xi32>
      %squeeze3A_97 = vector.extract %slice3A_96[0] : i32 from vector<1xi32>
      %mul3A_98 = arith.constant 16 : i32
      %mul3A_99 = arith.muli %scan3A_63, %mul3A_98 : i32
      %add3A_100 = arith.constant 2 : i32
      %add3A_101 = arith.addi %mul3A_99, %add3A_100 : i32
      %dma_start3A_102 = arith.constant 0 : i32
      %dma_start3A_103 = tpu.memref_slice %arg6[%add3A_101, %dma_start3A_102] : memref<128x32xf32, #tpu.memory_space<vmem>> -> memref<1x32xf32, #tpu.memory_space<vmem>>
      %dma_start3A_104 = arith.constant 0 : i32
      %dma_start3A_105 = tpu.memref_slice %arg3[%squeeze3A_97, %dma_start3A_104] : memref<1000000x32xf32, #tpu.memory_space<hbm>> -> memref<1x32xf32, #tpu.memory_space<hbm>>
      %dma_start3A_106 = arith.constant 0 : i32
      %dma_start3A_107 = tpu.memref_slice %arg6[%add3A_101, %dma_start3A_106] : memref<128x32xf32, #tpu.memory_space<vmem>> -> memref<1x32xf32, #tpu.memory_space<vmem>>
      %dma_start3A_108 = arith.constant 0 : i32
      %dma_start3A_109 = tpu.memref_slice %arg3[%squeeze3A_97, %dma_start3A_108] : memref<1000000x32xf32, #tpu.memory_space<hbm>> -> memref<1x32xf32, #tpu.memory_space<hbm>>
      tpu.enqueue_dma source(%dma_start3A_109 : memref<1x32xf32, #tpu.memory_space<hbm>>) target(%dma_start3A_107 : memref<1x32xf32, #tpu.memory_space<vmem>>) target_semaphore(%arg8 : memref<!tpu.dma_semaphore, #tpu.memory_space<semaphore_mem>>)
      %slice3A_110 = vector.extract_strided_slice %get3A_70 {offsets = [3], sizes = [1], strides = [1]} : vector<16xi32> to vector<1xi32>
      %squeeze3A_111 = vector.extract %slice3A_110[0] : i32 from vector<1xi32>
      %mul3A_112 = arith.constant 16 : i32
      %mul3A_113 = arith.muli %scan3A_63, %mul3A_112 : i32
      %add3A_114 = arith.constant 3 : i32
      %add3A_115 = arith.addi %mul3A_113, %add3A_114 : i32
      %dma_start3A_116 = arith.constant 0 : i32
      %dma_start3A_117 = tpu.memref_slice %arg6[%add3A_115, %dma_start3A_116] : memref<128x32xf32, #tpu.memory_space<vmem>> -> memref<1x32xf32, #tpu.memory_space<vmem>>
      %dma_start3A_118 = arith.constant 0 : i32
      %dma_start3A_119 = tpu.memref_slice %arg3[%squeeze3A_111, %dma_start3A_118] : memref<1000000x32xf32, #tpu.memory_space<hbm>> -> memref<1x32xf32, #tpu.memory_space<hbm>>
      %dma_start3A_120 = arith.constant 0 : i32
      %dma_start3A_121 = tpu.memref_slice %arg6[%add3A_115, %dma_start3A_120] : memref<128x32xf32, #tpu.memory_space<vmem>> -> memref<1x32xf32, #tpu.memory_space<vmem>>
      %dma_start3A_122 = arith.constant 0 : i32
      %dma_start3A_123 = tpu.memref_slice %arg3[%squeeze3A_111, %dma_start3A_122] : memref<1000000x32xf32, #tpu.memory_space<hbm>> -> memref<1x32xf32, #tpu.memory_space<hbm>>
      tpu.enqueue_dma source(%dma_start3A_123 : memref<1x32xf32, #tpu.memory_space<hbm>>) target(%dma_start3A_121 : memref<1x32xf32, #tpu.memory_space<vmem>>) target_semaphore(%arg8 : memref<!tpu.dma_semaphore, #tpu.memory_space<semaphore_mem>>)
      %slice3A_124 = vector.extract_strided_slice %get3A_70 {offsets = [4], sizes = [1], strides = [1]} : vector<16xi32> to vector<1xi32>
      %squeeze3A_125 = vector.extract %slice3A_124[0] : i32 from vector<1xi32>
      %mul3A_126 = arith.constant 16 : i32
      %mul3A_127 = arith.muli %scan3A_63, %mul3A_126 : i32
      %add3A_128 = arith.constant 4 : i32
      %add3A_129 = arith.addi %mul3A_127, %add3A_128 : i32
      %dma_start3A_130 = arith.constant 0 : i32
      %dma_start3A_131 = tpu.memref_slice %arg6[%add3A_129, %dma_start3A_130] : memref<128x32xf32, #tpu.memory_space<vmem>> -> memref<1x32xf32, #tpu.memory_space<vmem>>
      %dma_start3A_132 = arith.constant 0 : i32
      %dma_start3A_133 = tpu.memref_slice %arg3[%squeeze3A_125, %dma_start3A_132] : memref<1000000x32xf32, #tpu.memory_space<hbm>> -> memref<1x32xf32, #tpu.memory_space<hbm>>
      %dma_start3A_134 = arith.constant 0 : i32
      %dma_start3A_135 = tpu.memref_slice %arg6[%add3A_129, %dma_start3A_134] : memref<128x32xf32, #tpu.memory_space<vmem>> -> memref<1x32xf32, #tpu.memory_space<vmem>>
      %dma_start3A_136 = arith.constant 0 : i32
      %dma_start3A_137 = tpu.memref_slice %arg3[%squeeze3A_125, %dma_start3A_136] : memref<1000000x32xf32, #tpu.memory_space<hbm>> -> memref<1x32xf32, #tpu.memory_space<hbm>>
      tpu.enqueue_dma source(%dma_start3A_137 : memref<1x32xf32, #tpu.memory_space<hbm>>) target(%dma_start3A_135 : memref<1x32xf32, #tpu.memory_space<vmem>>) target_semaphore(%arg8 : memref<!tpu.dma_semaphore, #tpu.memory_space<semaphore_mem>>)
      %slice3A_138 = vector.extract_strided_slice %get3A_70 {offsets = [5], sizes = [1], strides = [1]} : vector<16xi32> to vector<1xi32>
      %squeeze3A_139 = vector.extract %slice3A_138[0] : i32 from vector<1xi32>
      %mul3A_140 = arith.constant 16 : i32
      %mul3A_141 = arith.muli %scan3A_63, %mul3A_140 : i32
      %add3A_142 = arith.constant 5 : i32
      %add3A_143 = arith.addi %mul3A_141, %add3A_142 : i32
      %dma_start3A_144 = arith.constant 0 : i32
      %dma_start3A_145 = tpu.memref_slice %arg6[%add3A_143, %dma_start3A_144] : memref<128x32xf32, #tpu.memory_space<vmem>> -> memref<1x32xf32, #tpu.memory_space<vmem>>
      %dma_start3A_146 = arith.constant 0 : i32
      %dma_start3A_147 = tpu.memref_slice %arg3[%squeeze3A_139, %dma_start3A_146] : memref<1000000x32xf32, #tpu.memory_space<hbm>> -> memref<1x32xf32, #tpu.memory_space<hbm>>
      %dma_start3A_148 = arith.constant 0 : i32
      %dma_start3A_149 = tpu.memref_slice %arg6[%add3A_143, %dma_start3A_148] : memref<128x32xf32, #tpu.memory_space<vmem>> -> memref<1x32xf32, #tpu.memory_space<vmem>>
      %dma_start3A_150 = arith.constant 0 : i32
      %dma_start3A_151 = tpu.memref_slice %arg3[%squeeze3A_139, %dma_start3A_150] : memref<1000000x32xf32, #tpu.memory_space<hbm>> -> memref<1x32xf32, #tpu.memory_space<hbm>>
      tpu.enqueue_dma source(%dma_start3A_151 : memref<1x32xf32, #tpu.memory_space<hbm>>) target(%dma_start3A_149 : memref<1x32xf32, #tpu.memory_space<vmem>>) target_semaphore(%arg8 : memref<!tpu.dma_semaphore, #tpu.memory_space<semaphore_mem>>)
      %slice3A_152 = vector.extract_strided_slice %get3A_70 {offsets = [6], sizes = [1], strides = [1]} : vector<16xi32> to vector<1xi32>
      %squeeze3A_153 = vector.extract %slice3A_152[0] : i32 from vector<1xi32>
      %mul3A_154 = arith.constant 16 : i32
      %mul3A_155 = arith.muli %scan3A_63, %mul3A_154 : i32
      %add3A_156 = arith.constant 6 : i32
      %add3A_157 = arith.addi %mul3A_155, %add3A_156 : i32
      %dma_start3A_158 = arith.constant 0 : i32
      %dma_start3A_159 = tpu.memref_slice %arg6[%add3A_157, %dma_start3A_158] : memref<128x32xf32, #tpu.memory_space<vmem>> -> memref<1x32xf32, #tpu.memory_space<vmem>>
      %dma_start3A_160 = arith.constant 0 : i32
      %dma_start3A_161 = tpu.memref_slice %arg3[%squeeze3A_153, %dma_start3A_160] : memref<1000000x32xf32, #tpu.memory_space<hbm>> -> memref<1x32xf32, #tpu.memory_space<hbm>>
      %dma_start3A_162 = arith.constant 0 : i32
      %dma_start3A_163 = tpu.memref_slice %arg6[%add3A_157, %dma_start3A_162] : memref<128x32xf32, #tpu.memory_space<vmem>> -> memref<1x32xf32, #tpu.memory_space<vmem>>
      %dma_start3A_164 = arith.constant 0 : i32
      %dma_start3A_165 = tpu.memref_slice %arg3[%squeeze3A_153, %dma_start3A_164] : memref<1000000x32xf32, #tpu.memory_space<hbm>> -> memref<1x32xf32, #tpu.memory_space<hbm>>
      tpu.enqueue_dma source(%dma_start3A_165 : memref<1x32xf32, #tpu.memory_space<hbm>>) target(%dma_start3A_163 : memref<1x32xf32, #tpu.memory_space<vmem>>) target_semaphore(%arg8 : memref<!tpu.dma_semaphore, #tpu.memory_space<semaphore_mem>>)
      %slice3A_166 = vector.extract_strided_slice %get3A_70 {offsets = [7], sizes = [1], strides = [1]} : vector<16xi32> to vector<1xi32>
      %squeeze3A_167 = vector.extract %slice3A_166[0] : i32 from vector<1xi32>
      %mul3A_168 = arith.constant 16 : i32
      %mul3A_169 = arith.muli %scan3A_63, %mul3A_168 : i32
      %add3A_170 = arith.constant 7 : i32
      %add3A_171 = arith.addi %mul3A_169, %add3A_170 : i32
      %dma_start3A_172 = arith.constant 0 : i32
      %dma_start3A_173 = tpu.memref_slice %arg6[%add3A_171, %dma_start3A_172] : memref<128x32xf32, #tpu.memory_space<vmem>> -> memref<1x32xf32, #tpu.memory_space<vmem>>
      %dma_start3A_174 = arith.constant 0 : i32
      %dma_start3A_175 = tpu.memref_slice %arg3[%squeeze3A_167, %dma_start3A_174] : memref<1000000x32xf32, #tpu.memory_space<hbm>> -> memref<1x32xf32, #tpu.memory_space<hbm>>
      %dma_start3A_176 = arith.constant 0 : i32
      %dma_start3A_177 = tpu.memref_slice %arg6[%add3A_171, %dma_start3A_176] : memref<128x32xf32, #tpu.memory_space<vmem>> -> memref<1x32xf32, #tpu.memory_space<vmem>>
      %dma_start3A_178 = arith.constant 0 : i32
      %dma_start3A_179 = tpu.memref_slice %arg3[%squeeze3A_167, %dma_start3A_178] : memref<1000000x32xf32, #tpu.memory_space<hbm>> -> memref<1x32xf32, #tpu.memory_space<hbm>>
      tpu.enqueue_dma source(%dma_start3A_179 : memref<1x32xf32, #tpu.memory_space<hbm>>) target(%dma_start3A_177 : memref<1x32xf32, #tpu.memory_space<vmem>>) target_semaphore(%arg8 : memref<!tpu.dma_semaphore, #tpu.memory_space<semaphore_mem>>)
      %slice3A_180 = vector.extract_strided_slice %get3A_70 {offsets = [8], sizes = [1], strides = [1]} : vector<16xi32> to vector<1xi32>
      %squeeze3A_181 = vector.extract %slice3A_180[0] : i32 from vector<1xi32>
      %mul3A_182 = arith.constant 16 : i32
      %mul3A_183 = arith.muli %scan3A_63, %mul3A_182 : i32
      %add3A_184 = arith.constant 8 : i32
      %add3A_185 = arith.addi %mul3A_183, %add3A_184 : i32
      %dma_start3A_186 = arith.constant 0 : i32
      %dma_start3A_187 = tpu.memref_slice %arg6[%add3A_185, %dma_start3A_186] : memref<128x32xf32, #tpu.memory_space<vmem>> -> memref<1x32xf32, #tpu.memory_space<vmem>>
      %dma_start3A_188 = arith.constant 0 : i32
      %dma_start3A_189 = tpu.memref_slice %arg3[%squeeze3A_181, %dma_start3A_188] : memref<1000000x32xf32, #tpu.memory_space<hbm>> -> memref<1x32xf32, #tpu.memory_space<hbm>>
      %dma_start3A_190 = arith.constant 0 : i32
      %dma_start3A_191 = tpu.memref_slice %arg6[%add3A_185, %dma_start3A_190] : memref<128x32xf32, #tpu.memory_space<vmem>> -> memref<1x32xf32, #tpu.memory_space<vmem>>
      %dma_start3A_192 = arith.constant 0 : i32
      %dma_start3A_193 = tpu.memref_slice %arg3[%squeeze3A_181, %dma_start3A_192] : memref<1000000x32xf32, #tpu.memory_space<hbm>> -> memref<1x32xf32, #tpu.memory_space<hbm>>
      tpu.enqueue_dma source(%dma_start3A_193 : memref<1x32xf32, #tpu.memory_space<hbm>>) target(%dma_start3A_191 : memref<1x32xf32, #tpu.memory_space<vmem>>) target_semaphore(%arg8 : memref<!tpu.dma_semaphore, #tpu.memory_space<semaphore_mem>>)
      %slice3A_194 = vector.extract_strided_slice %get3A_70 {offsets = [9], sizes = [1], strides = [1]} : vector<16xi32> to vector<1xi32>
      %squeeze3A_195 = vector.extract %slice3A_194[0] : i32 from vector<1xi32>
      %mul3A_196 = arith.constant 16 : i32
      %mul3A_197 = arith.muli %scan3A_63, %mul3A_196 : i32
      %add3A_198 = arith.constant 9 : i32
      %add3A_199 = arith.addi %mul3A_197, %add3A_198 : i32
      %dma_start3A_200 = arith.constant 0 : i32
      %dma_start3A_201 = tpu.memref_slice %arg6[%add3A_199, %dma_start3A_200] : memref<128x32xf32, #tpu.memory_space<vmem>> -> memref<1x32xf32, #tpu.memory_space<vmem>>
      %dma_start3A_202 = arith.constant 0 : i32
      %dma_start3A_203 = tpu.memref_slice %arg3[%squeeze3A_195, %dma_start3A_202] : memref<1000000x32xf32, #tpu.memory_space<hbm>> -> memref<1x32xf32, #tpu.memory_space<hbm>>
      %dma_start3A_204 = arith.constant 0 : i32
      %dma_start3A_205 = tpu.memref_slice %arg6[%add3A_199, %dma_start3A_204] : memref<128x32xf32, #tpu.memory_space<vmem>> -> memref<1x32xf32, #tpu.memory_space<vmem>>
      %dma_start3A_206 = arith.constant 0 : i32
      %dma_start3A_207 = tpu.memref_slice %arg3[%squeeze3A_195, %dma_start3A_206] : memref<1000000x32xf32, #tpu.memory_space<hbm>> -> memref<1x32xf32, #tpu.memory_space<hbm>>
      tpu.enqueue_dma source(%dma_start3A_207 : memref<1x32xf32, #tpu.memory_space<hbm>>) target(%dma_start3A_205 : memref<1x32xf32, #tpu.memory_space<vmem>>) target_semaphore(%arg8 : memref<!tpu.dma_semaphore, #tpu.memory_space<semaphore_mem>>)
      %slice3A_208 = vector.extract_strided_slice %get3A_70 {offsets = [10], sizes = [1], strides = [1]} : vector<16xi32> to vector<1xi32>
      %squeeze3A_209 = vector.extract %slice3A_208[0] : i32 from vector<1xi32>
      %mul3A_210 = arith.constant 16 : i32
      %mul3A_211 = arith.muli %scan3A_63, %mul3A_210 : i32
      %add3A_212 = arith.constant 10 : i32
      %add3A_213 = arith.addi %mul3A_211, %add3A_212 : i32
      %dma_start3A_214 = arith.constant 0 : i32
      %dma_start3A_215 = tpu.memref_slice %arg6[%add3A_213, %dma_start3A_214] : memref<128x32xf32, #tpu.memory_space<vmem>> -> memref<1x32xf32, #tpu.memory_space<vmem>>
      %dma_start3A_216 = arith.constant 0 : i32
      %dma_start3A_217 = tpu.memref_slice %arg3[%squeeze3A_209, %dma_start3A_216] : memref<1000000x32xf32, #tpu.memory_space<hbm>> -> memref<1x32xf32, #tpu.memory_space<hbm>>
      %dma_start3A_218 = arith.constant 0 : i32
      %dma_start3A_219 = tpu.memref_slice %arg6[%add3A_213, %dma_start3A_218] : memref<128x32xf32, #tpu.memory_space<vmem>> -> memref<1x32xf32, #tpu.memory_space<vmem>>
      %dma_start3A_220 = arith.constant 0 : i32
      %dma_start3A_221 = tpu.memref_slice %arg3[%squeeze3A_209, %dma_start3A_220] : memref<1000000x32xf32, #tpu.memory_space<hbm>> -> memref<1x32xf32, #tpu.memory_space<hbm>>
      tpu.enqueue_dma source(%dma_start3A_221 : memref<1x32xf32, #tpu.memory_space<hbm>>) target(%dma_start3A_219 : memref<1x32xf32, #tpu.memory_space<vmem>>) target_semaphore(%arg8 : memref<!tpu.dma_semaphore, #tpu.memory_space<semaphore_mem>>)
      %slice3A_222 = vector.extract_strided_slice %get3A_70 {offsets = [11], sizes = [1], strides = [1]} : vector<16xi32> to vector<1xi32>
      %squeeze3A_223 = vector.extract %slice3A_222[0] : i32 from vector<1xi32>
      %mul3A_224 = arith.constant 16 : i32
      %mul3A_225 = arith.muli %scan3A_63, %mul3A_224 : i32
      %add3A_226 = arith.constant 11 : i32
      %add3A_227 = arith.addi %mul3A_225, %add3A_226 : i32
      %dma_start3A_228 = arith.constant 0 : i32
      %dma_start3A_229 = tpu.memref_slice %arg6[%add3A_227, %dma_start3A_228] : memref<128x32xf32, #tpu.memory_space<vmem>> -> memref<1x32xf32, #tpu.memory_space<vmem>>
      %dma_start3A_230 = arith.constant 0 : i32
      %dma_start3A_231 = tpu.memref_slice %arg3[%squeeze3A_223, %dma_start3A_230] : memref<1000000x32xf32, #tpu.memory_space<hbm>> -> memref<1x32xf32, #tpu.memory_space<hbm>>
      %dma_start3A_232 = arith.constant 0 : i32
      %dma_start3A_233 = tpu.memref_slice %arg6[%add3A_227, %dma_start3A_232] : memref<128x32xf32, #tpu.memory_space<vmem>> -> memref<1x32xf32, #tpu.memory_space<vmem>>
      %dma_start3A_234 = arith.constant 0 : i32
      %dma_start3A_235 = tpu.memref_slice %arg3[%squeeze3A_223, %dma_start3A_234] : memref<1000000x32xf32, #tpu.memory_space<hbm>> -> memref<1x32xf32, #tpu.memory_space<hbm>>
      tpu.enqueue_dma source(%dma_start3A_235 : memref<1x32xf32, #tpu.memory_space<hbm>>) target(%dma_start3A_233 : memref<1x32xf32, #tpu.memory_space<vmem>>) target_semaphore(%arg8 : memref<!tpu.dma_semaphore, #tpu.memory_space<semaphore_mem>>)
      %slice3A_236 = vector.extract_strided_slice %get3A_70 {offsets = [12], sizes = [1], strides = [1]} : vector<16xi32> to vector<1xi32>
      %squeeze3A_237 = vector.extract %slice3A_236[0] : i32 from vector<1xi32>
      %mul3A_238 = arith.constant 16 : i32
      %mul3A_239 = arith.muli %scan3A_63, %mul3A_238 : i32
      %add3A_240 = arith.constant 12 : i32
      %add3A_241 = arith.addi %mul3A_239, %add3A_240 : i32
      %dma_start3A_242 = arith.constant 0 : i32
      %dma_start3A_243 = tpu.memref_slice %arg6[%add3A_241, %dma_start3A_242] : memref<128x32xf32, #tpu.memory_space<vmem>> -> memref<1x32xf32, #tpu.memory_space<vmem>>
      %dma_start3A_244 = arith.constant 0 : i32
      %dma_start3A_245 = tpu.memref_slice %arg3[%squeeze3A_237, %dma_start3A_244] : memref<1000000x32xf32, #tpu.memory_space<hbm>> -> memref<1x32xf32, #tpu.memory_space<hbm>>
      %dma_start3A_246 = arith.constant 0 : i32
      %dma_start3A_247 = tpu.memref_slice %arg6[%add3A_241, %dma_start3A_246] : memref<128x32xf32, #tpu.memory_space<vmem>> -> memref<1x32xf32, #tpu.memory_space<vmem>>
      %dma_start3A_248 = arith.constant 0 : i32
      %dma_start3A_249 = tpu.memref_slice %arg3[%squeeze3A_237, %dma_start3A_248] : memref<1000000x32xf32, #tpu.memory_space<hbm>> -> memref<1x32xf32, #tpu.memory_space<hbm>>
      tpu.enqueue_dma source(%dma_start3A_249 : memref<1x32xf32, #tpu.memory_space<hbm>>) target(%dma_start3A_247 : memref<1x32xf32, #tpu.memory_space<vmem>>) target_semaphore(%arg8 : memref<!tpu.dma_semaphore, #tpu.memory_space<semaphore_mem>>)
      %slice3A_250 = vector.extract_strided_slice %get3A_70 {offsets = [13], sizes = [1], strides = [1]} : vector<16xi32> to vector<1xi32>
      %squeeze3A_251 = vector.extract %slice3A_250[0] : i32 from vector<1xi32>
      %mul3A_252 = arith.constant 16 : i32
      %mul3A_253 = arith.muli %scan3A_63, %mul3A_252 : i32
      %add3A_254 = arith.constant 13 : i32
      %add3A_255 = arith.addi %mul3A_253, %add3A_254 : i32
      %dma_start3A_256 = arith.constant 0 : i32
      %dma_start3A_257 = tpu.memref_slice %arg6[%add3A_255, %dma_start3A_256] : memref<128x32xf32, #tpu.memory_space<vmem>> -> memref<1x32xf32, #tpu.memory_space<vmem>>
      %dma_start3A_258 = arith.constant 0 : i32
      %dma_start3A_259 = tpu.memref_slice %arg3[%squeeze3A_251, %dma_start3A_258] : memref<1000000x32xf32, #tpu.memory_space<hbm>> -> memref<1x32xf32, #tpu.memory_space<hbm>>
      %dma_start3A_260 = arith.constant 0 : i32
      %dma_start3A_261 = tpu.memref_slice %arg6[%add3A_255, %dma_start3A_260] : memref<128x32xf32, #tpu.memory_space<vmem>> -> memref<1x32xf32, #tpu.memory_space<vmem>>
      %dma_start3A_262 = arith.constant 0 : i32
      %dma_start3A_263 = tpu.memref_slice %arg3[%squeeze3A_251, %dma_start3A_262] : memref<1000000x32xf32, #tpu.memory_space<hbm>> -> memref<1x32xf32, #tpu.memory_space<hbm>>
      tpu.enqueue_dma source(%dma_start3A_263 : memref<1x32xf32, #tpu.memory_space<hbm>>) target(%dma_start3A_261 : memref<1x32xf32, #tpu.memory_space<vmem>>) target_semaphore(%arg8 : memref<!tpu.dma_semaphore, #tpu.memory_space<semaphore_mem>>)
      %slice3A_264 = vector.extract_strided_slice %get3A_70 {offsets = [14], sizes = [1], strides = [1]} : vector<16xi32> to vector<1xi32>
      %squeeze3A_265 = vector.extract %slice3A_264[0] : i32 from vector<1xi32>
      %mul3A_266 = arith.constant 16 : i32
      %mul3A_267 = arith.muli %scan3A_63, %mul3A_266 : i32
      %add3A_268 = arith.constant 14 : i32
      %add3A_269 = arith.addi %mul3A_267, %add3A_268 : i32
      %dma_start3A_270 = arith.constant 0 : i32
      %dma_start3A_271 = tpu.memref_slice %arg6[%add3A_269, %dma_start3A_270] : memref<128x32xf32, #tpu.memory_space<vmem>> -> memref<1x32xf32, #tpu.memory_space<vmem>>
      %dma_start3A_272 = arith.constant 0 : i32
      %dma_start3A_273 = tpu.memref_slice %arg3[%squeeze3A_265, %dma_start3A_272] : memref<1000000x32xf32, #tpu.memory_space<hbm>> -> memref<1x32xf32, #tpu.memory_space<hbm>>
      %dma_start3A_274 = arith.constant 0 : i32
      %dma_start3A_275 = tpu.memref_slice %arg6[%add3A_269, %dma_start3A_274] : memref<128x32xf32, #tpu.memory_space<vmem>> -> memref<1x32xf32, #tpu.memory_space<vmem>>
      %dma_start3A_276 = arith.constant 0 : i32
      %dma_start3A_277 = tpu.memref_slice %arg3[%squeeze3A_265, %dma_start3A_276] : memref<1000000x32xf32, #tpu.memory_space<hbm>> -> memref<1x32xf32, #tpu.memory_space<hbm>>
      tpu.enqueue_dma source(%dma_start3A_277 : memref<1x32xf32, #tpu.memory_space<hbm>>) target(%dma_start3A_275 : memref<1x32xf32, #tpu.memory_space<vmem>>) target_semaphore(%arg8 : memref<!tpu.dma_semaphore, #tpu.memory_space<semaphore_mem>>)
      %slice3A_278 = vector.extract_strided_slice %get3A_70 {offsets = [15], sizes = [1], strides = [1]} : vector<16xi32> to vector<1xi32>
      %squeeze3A_279 = vector.extract %slice3A_278[0] : i32 from vector<1xi32>
      %mul3A_280 = arith.constant 16 : i32
      %mul3A_281 = arith.muli %scan3A_63, %mul3A_280 : i32
      %add3A_282 = arith.constant 15 : i32
      %add3A_283 = arith.addi %mul3A_281, %add3A_282 : i32
      %dma_start3A_284 = arith.constant 0 : i32
      %dma_start3A_285 = tpu.memref_slice %arg6[%add3A_283, %dma_start3A_284] : memref<128x32xf32, #tpu.memory_space<vmem>> -> memref<1x32xf32, #tpu.memory_space<vmem>>
      %dma_start3A_286 = arith.constant 0 : i32
      %dma_start3A_287 = tpu.memref_slice %arg3[%squeeze3A_279, %dma_start3A_286] : memref<1000000x32xf32, #tpu.memory_space<hbm>> -> memref<1x32xf32, #tpu.memory_space<hbm>>
      %dma_start3A_288 = arith.constant 0 : i32
      %dma_start3A_289 = tpu.memref_slice %arg6[%add3A_283, %dma_start3A_288] : memref<128x32xf32, #tpu.memory_space<vmem>> -> memref<1x32xf32, #tpu.memory_space<vmem>>
      %dma_start3A_290 = arith.constant 0 : i32
      %dma_start3A_291 = tpu.memref_slice %arg3[%squeeze3A_279, %dma_start3A_290] : memref<1000000x32xf32, #tpu.memory_space<hbm>> -> memref<1x32xf32, #tpu.memory_space<hbm>>
      tpu.enqueue_dma source(%dma_start3A_291 : memref<1x32xf32, #tpu.memory_space<hbm>>) target(%dma_start3A_289 : memref<1x32xf32, #tpu.memory_space<vmem>>) target_semaphore(%arg8 : memref<!tpu.dma_semaphore, #tpu.memory_space<semaphore_mem>>)
      %scan3A_292 = arith.constant 0 : i32
      scf.yield %scan3A_292 : i32
    }
    %scan3A_31 = arith.constant 8 : i32
    %dma_wait3A_32 = arith.constant 0 : i32
    %dma_wait3A_33 = arith.constant 0 : i32
    %dma_wait3A_34 = tpu.memref_slice %arg3[%dma_wait3A_32, %dma_wait3A_33] : memref<1000000x32xf32, #tpu.memory_space<hbm>> -> memref<128x32xf32, #tpu.memory_space<hbm>>
    %dma_wait3A_35 = arith.constant 0 : i32
    %dma_wait3A_36 = arith.constant 0 : i32
    %dma_wait3A_37 = tpu.memref_slice %arg3[%dma_wait3A_35, %dma_wait3A_36] : memref<1000000x32xf32, #tpu.memory_space<hbm>> -> memref<128x32xf32, #tpu.memory_space<hbm>>
    tpu.wait_dma2 semaphore(%arg9 : memref<!tpu.dma_semaphore, #tpu.memory_space<semaphore_mem>>) src(%dma_wait3A_37 : memref<128x32xf32, #tpu.memory_space<hbm>>) dst(%arg7 : memref<128x32xf32, #tpu.memory_space<vmem>>)
    %add3A_38 = arith.constant 128 : i32
    %add3A_39 = arith.addi %mul3A_2, %add3A_38 : i32
    "tpu.region"() ({
      %run_scoped3A = tpu.sem_alloc : memref<!tpu.dma_semaphore, #tpu.memory_space<semaphore_mem>>
      %dma_start3A = arith.constant 0 : i32
      %dma_start3A_63 = tpu.memref_slice %arg4[%add3A_39, %dma_start3A] : memref<16384x32xf32, #tpu.memory_space<hbm>> -> memref<128x32xf32, #tpu.memory_space<hbm>>
      %dma_start3A_64 = arith.constant 0 : i32
      %dma_start3A_65 = tpu.memref_slice %arg4[%add3A_39, %dma_start3A_64] : memref<16384x32xf32, #tpu.memory_space<hbm>> -> memref<128x32xf32, #tpu.memory_space<hbm>>
      tpu.enqueue_dma source(%arg7 : memref<128x32xf32, #tpu.memory_space<vmem>>) target(%dma_start3A_65 : memref<128x32xf32, #tpu.memory_space<hbm>>) target_semaphore(%run_scoped3A : memref<!tpu.dma_semaphore, #tpu.memory_space<semaphore_mem>>)
      %dma_wait3A_66 = arith.constant 0 : i32
      %dma_wait3A_67 = tpu.memref_slice %arg4[%add3A_39, %dma_wait3A_66] : memref<16384x32xf32, #tpu.memory_space<hbm>> -> memref<128x32xf32, #tpu.memory_space<hbm>>
      %dma_wait3A_68 = arith.constant 0 : i32
      %dma_wait3A_69 = tpu.memref_slice %arg4[%add3A_39, %dma_wait3A_68] : memref<16384x32xf32, #tpu.memory_space<hbm>> -> memref<128x32xf32, #tpu.memory_space<hbm>>
      tpu.wait_dma2 semaphore(%run_scoped3A : memref<!tpu.dma_semaphore, #tpu.memory_space<semaphore_mem>>) src(%arg7 : memref<128x32xf32, #tpu.memory_space<vmem>>) dst(%dma_wait3A_69 : memref<128x32xf32, #tpu.memory_space<hbm>>)
      tpu.yield
    }) : () -> ()
    %scan3A_40 = arith.constant 0 : i32
    %scan3A_41 = arith.constant 0 : i32
    %scan3A_42 = arith.constant 8 : i32
    %scan3A_43 = arith.addi %scan3A_41, %scan3A_42 : i32
    %scan3A_44 = arith.constant 1 : i32
    %scan3A_45 = scf.for %scan3A_63 = %scan3A_41 to %scan3A_43 step %scan3A_44 iter_args(%scan3A_64 = %scan3A_40) -> (i32)  : i32 {
      %mul3A_65 = arith.constant 16 : i32
      %mul3A_66 = arith.muli %scan3A_63, %mul3A_65 : i32
      %get3A = arith.constant 3 : i32
      %get3A_67 = arith.index_cast %get3A : i32 to index
      %get3A_68 = arith.index_cast %mul3A_66 : i32 to index
      %get3A_69 = tpu.vector_load %arg5[%get3A_67, %get3A_68] {strides = array<i32>} : memref<4x128xi32, #tpu.memory_space<vmem>>, vector<1x16xi32>,
      %get3A_70 = vector.shape_cast %get3A_69 : vector<1x16xi32> to vector<16xi32>
      %slice3A = vector.extract_strided_slice %get3A_70 {offsets = [0], sizes = [1], strides = [1]} : vector<16xi32> to vector<1xi32>
      %squeeze3A = vector.extract %slice3A[0] : i32 from vector<1xi32>
      %mul3A_71 = arith.constant 16 : i32
      %mul3A_72 = arith.muli %scan3A_63, %mul3A_71 : i32
      %add3A_73 = arith.constant 0 : i32
      %add3A_74 = arith.addi %mul3A_72, %add3A_73 : i32
      %dma_start3A = arith.constant 0 : i32
      %dma_start3A_75 = tpu.memref_slice %arg7[%add3A_74, %dma_start3A] : memref<128x32xf32, #tpu.memory_space<vmem>> -> memref<1x32xf32, #tpu.memory_space<vmem>>
      %dma_start3A_76 = arith.constant 0 : i32
      %dma_start3A_77 = tpu.memref_slice %arg3[%squeeze3A, %dma_start3A_76] : memref<1000000x32xf32, #tpu.memory_space<hbm>> -> memref<1x32xf32, #tpu.memory_space<hbm>>
      %dma_start3A_78 = arith.constant 0 : i32
      %dma_start3A_79 = tpu.memref_slice %arg7[%add3A_74, %dma_start3A_78] : memref<128x32xf32, #tpu.memory_space<vmem>> -> memref<1x32xf32, #tpu.memory_space<vmem>>
      %dma_start3A_80 = arith.constant 0 : i32
      %dma_start3A_81 = tpu.memref_slice %arg3[%squeeze3A, %dma_start3A_80] : memref<1000000x32xf32, #tpu.memory_space<hbm>> -> memref<1x32xf32, #tpu.memory_space<hbm>>
      tpu.enqueue_dma source(%dma_start3A_81 : memref<1x32xf32, #tpu.memory_space<hbm>>) target(%dma_start3A_79 : memref<1x32xf32, #tpu.memory_space<vmem>>) target_semaphore(%arg9 : memref<!tpu.dma_semaphore, #tpu.memory_space<semaphore_mem>>)
      %slice3A_82 = vector.extract_strided_slice %get3A_70 {offsets = [1], sizes = [1], strides = [1]} : vector<16xi32> to vector<1xi32>
      %squeeze3A_83 = vector.extract %slice3A_82[0] : i32 from vector<1xi32>
      %mul3A_84 = arith.constant 16 : i32
      %mul3A_85 = arith.muli %scan3A_63, %mul3A_84 : i32
      %add3A_86 = arith.constant 1 : i32
      %add3A_87 = arith.addi %mul3A_85, %add3A_86 : i32
      %dma_start3A_88 = arith.constant 0 : i32
      %dma_start3A_89 = tpu.memref_slice %arg7[%add3A_87, %dma_start3A_88] : memref<128x32xf32, #tpu.memory_space<vmem>> -> memref<1x32xf32, #tpu.memory_space<vmem>>
      %dma_start3A_90 = arith.constant 0 : i32
      %dma_start3A_91 = tpu.memref_slice %arg3[%squeeze3A_83, %dma_start3A_90] : memref<1000000x32xf32, #tpu.memory_space<hbm>> -> memref<1x32xf32, #tpu.memory_space<hbm>>
      %dma_start3A_92 = arith.constant 0 : i32
      %dma_start3A_93 = tpu.memref_slice %arg7[%add3A_87, %dma_start3A_92] : memref<128x32xf32, #tpu.memory_space<vmem>> -> memref<1x32xf32, #tpu.memory_space<vmem>>
      %dma_start3A_94 = arith.constant 0 : i32
      %dma_start3A_95 = tpu.memref_slice %arg3[%squeeze3A_83, %dma_start3A_94] : memref<1000000x32xf32, #tpu.memory_space<hbm>> -> memref<1x32xf32, #tpu.memory_space<hbm>>
      tpu.enqueue_dma source(%dma_start3A_95 : memref<1x32xf32, #tpu.memory_space<hbm>>) target(%dma_start3A_93 : memref<1x32xf32, #tpu.memory_space<vmem>>) target_semaphore(%arg9 : memref<!tpu.dma_semaphore, #tpu.memory_space<semaphore_mem>>)
      %slice3A_96 = vector.extract_strided_slice %get3A_70 {offsets = [2], sizes = [1], strides = [1]} : vector<16xi32> to vector<1xi32>
      %squeeze3A_97 = vector.extract %slice3A_96[0] : i32 from vector<1xi32>
      %mul3A_98 = arith.constant 16 : i32
      %mul3A_99 = arith.muli %scan3A_63, %mul3A_98 : i32
      %add3A_100 = arith.constant 2 : i32
      %add3A_101 = arith.addi %mul3A_99, %add3A_100 : i32
      %dma_start3A_102 = arith.constant 0 : i32
      %dma_start3A_103 = tpu.memref_slice %arg7[%add3A_101, %dma_start3A_102] : memref<128x32xf32, #tpu.memory_space<vmem>> -> memref<1x32xf32, #tpu.memory_space<vmem>>
      %dma_start3A_104 = arith.constant 0 : i32
      %dma_start3A_105 = tpu.memref_slice %arg3[%squeeze3A_97, %dma_start3A_104] : memref<1000000x32xf32, #tpu.memory_space<hbm>> -> memref<1x32xf32, #tpu.memory_space<hbm>>
      %dma_start3A_106 = arith.constant 0 : i32
      %dma_start3A_107 = tpu.memref_slice %arg7[%add3A_101, %dma_start3A_106] : memref<128x32xf32, #tpu.memory_space<vmem>> -> memref<1x32xf32, #tpu.memory_space<vmem>>
      %dma_start3A_108 = arith.constant 0 : i32
      %dma_start3A_109 = tpu.memref_slice %arg3[%squeeze3A_97, %dma_start3A_108] : memref<1000000x32xf32, #tpu.memory_space<hbm>> -> memref<1x32xf32, #tpu.memory_space<hbm>>
      tpu.enqueue_dma source(%dma_start3A_109 : memref<1x32xf32, #tpu.memory_space<hbm>>) target(%dma_start3A_107 : memref<1x32xf32, #tpu.memory_space<vmem>>) target_semaphore(%arg9 : memref<!tpu.dma_semaphore, #tpu.memory_space<semaphore_mem>>)
      %slice3A_110 = vector.extract_strided_slice %get3A_70 {offsets = [3], sizes = [1], strides = [1]} : vector<16xi32> to vector<1xi32>
      %squeeze3A_111 = vector.extract %slice3A_110[0] : i32 from vector<1xi32>
      %mul3A_112 = arith.constant 16 : i32
      %mul3A_113 = arith.muli %scan3A_63, %mul3A_112 : i32
      %add3A_114 = arith.constant 3 : i32
      %add3A_115 = arith.addi %mul3A_113, %add3A_114 : i32
      %dma_start3A_116 = arith.constant 0 : i32
      %dma_start3A_117 = tpu.memref_slice %arg7[%add3A_115, %dma_start3A_116] : memref<128x32xf32, #tpu.memory_space<vmem>> -> memref<1x32xf32, #tpu.memory_space<vmem>>
      %dma_start3A_118 = arith.constant 0 : i32
      %dma_start3A_119 = tpu.memref_slice %arg3[%squeeze3A_111, %dma_start3A_118] : memref<1000000x32xf32, #tpu.memory_space<hbm>> -> memref<1x32xf32, #tpu.memory_space<hbm>>
      %dma_start3A_120 = arith.constant 0 : i32
      %dma_start3A_121 = tpu.memref_slice %arg7[%add3A_115, %dma_start3A_120] : memref<128x32xf32, #tpu.memory_space<vmem>> -> memref<1x32xf32, #tpu.memory_space<vmem>>
      %dma_start3A_122 = arith.constant 0 : i32
      %dma_start3A_123 = tpu.memref_slice %arg3[%squeeze3A_111, %dma_start3A_122] : memref<1000000x32xf32, #tpu.memory_space<hbm>> -> memref<1x32xf32, #tpu.memory_space<hbm>>
      tpu.enqueue_dma source(%dma_start3A_123 : memref<1x32xf32, #tpu.memory_space<hbm>>) target(%dma_start3A_121 : memref<1x32xf32, #tpu.memory_space<vmem>>) target_semaphore(%arg9 : memref<!tpu.dma_semaphore, #tpu.memory_space<semaphore_mem>>)
      %slice3A_124 = vector.extract_strided_slice %get3A_70 {offsets = [4], sizes = [1], strides = [1]} : vector<16xi32> to vector<1xi32>
      %squeeze3A_125 = vector.extract %slice3A_124[0] : i32 from vector<1xi32>
      %mul3A_126 = arith.constant 16 : i32
      %mul3A_127 = arith.muli %scan3A_63, %mul3A_126 : i32
      %add3A_128 = arith.constant 4 : i32
      %add3A_129 = arith.addi %mul3A_127, %add3A_128 : i32
      %dma_start3A_130 = arith.constant 0 : i32
      %dma_start3A_131 = tpu.memref_slice %arg7[%add3A_129, %dma_start3A_130] : memref<128x32xf32, #tpu.memory_space<vmem>> -> memref<1x32xf32, #tpu.memory_space<vmem>>
      %dma_start3A_132 = arith.constant 0 : i32
      %dma_start3A_133 = tpu.memref_slice %arg3[%squeeze3A_125, %dma_start3A_132] : memref<1000000x32xf32, #tpu.memory_space<hbm>> -> memref<1x32xf32, #tpu.memory_space<hbm>>
      %dma_start3A_134 = arith.constant 0 : i32
      %dma_start3A_135 = tpu.memref_slice %arg7[%add3A_129, %dma_start3A_134] : memref<128x32xf32, #tpu.memory_space<vmem>> -> memref<1x32xf32, #tpu.memory_space<vmem>>
      %dma_start3A_136 = arith.constant 0 : i32
      %dma_start3A_137 = tpu.memref_slice %arg3[%squeeze3A_125, %dma_start3A_136] : memref<1000000x32xf32, #tpu.memory_space<hbm>> -> memref<1x32xf32, #tpu.memory_space<hbm>>
      tpu.enqueue_dma source(%dma_start3A_137 : memref<1x32xf32, #tpu.memory_space<hbm>>) target(%dma_start3A_135 : memref<1x32xf32, #tpu.memory_space<vmem>>) target_semaphore(%arg9 : memref<!tpu.dma_semaphore, #tpu.memory_space<semaphore_mem>>)
      %slice3A_138 = vector.extract_strided_slice %get3A_70 {offsets = [5], sizes = [1], strides = [1]} : vector<16xi32> to vector<1xi32>
      %squeeze3A_139 = vector.extract %slice3A_138[0] : i32 from vector<1xi32>
      %mul3A_140 = arith.constant 16 : i32
      %mul3A_141 = arith.muli %scan3A_63, %mul3A_140 : i32
      %add3A_142 = arith.constant 5 : i32
      %add3A_143 = arith.addi %mul3A_141, %add3A_142 : i32
      %dma_start3A_144 = arith.constant 0 : i32
      %dma_start3A_145 = tpu.memref_slice %arg7[%add3A_143, %dma_start3A_144] : memref<128x32xf32, #tpu.memory_space<vmem>> -> memref<1x32xf32, #tpu.memory_space<vmem>>
      %dma_start3A_146 = arith.constant 0 : i32
      %dma_start3A_147 = tpu.memref_slice %arg3[%squeeze3A_139, %dma_start3A_146] : memref<1000000x32xf32, #tpu.memory_space<hbm>> -> memref<1x32xf32, #tpu.memory_space<hbm>>
      %dma_start3A_148 = arith.constant 0 : i32
      %dma_start3A_149 = tpu.memref_slice %arg7[%add3A_143, %dma_start3A_148] : memref<128x32xf32, #tpu.memory_space<vmem>> -> memref<1x32xf32, #tpu.memory_space<vmem>>
      %dma_start3A_150 = arith.constant 0 : i32
      %dma_start3A_151 = tpu.memref_slice %arg3[%squeeze3A_139, %dma_start3A_150] : memref<1000000x32xf32, #tpu.memory_space<hbm>> -> memref<1x32xf32, #tpu.memory_space<hbm>>
      tpu.enqueue_dma source(%dma_start3A_151 : memref<1x32xf32, #tpu.memory_space<hbm>>) target(%dma_start3A_149 : memref<1x32xf32, #tpu.memory_space<vmem>>) target_semaphore(%arg9 : memref<!tpu.dma_semaphore, #tpu.memory_space<semaphore_mem>>)
      %slice3A_152 = vector.extract_strided_slice %get3A_70 {offsets = [6], sizes = [1], strides = [1]} : vector<16xi32> to vector<1xi32>
      %squeeze3A_153 = vector.extract %slice3A_152[0] : i32 from vector<1xi32>
      %mul3A_154 = arith.constant 16 : i32
      %mul3A_155 = arith.muli %scan3A_63, %mul3A_154 : i32
      %add3A_156 = arith.constant 6 : i32
      %add3A_157 = arith.addi %mul3A_155, %add3A_156 : i32
      %dma_start3A_158 = arith.constant 0 : i32
      %dma_start3A_159 = tpu.memref_slice %arg7[%add3A_157, %dma_start3A_158] : memref<128x32xf32, #tpu.memory_space<vmem>> -> memref<1x32xf32, #tpu.memory_space<vmem>>
      %dma_start3A_160 = arith.constant 0 : i32
      %dma_start3A_161 = tpu.memref_slice %arg3[%squeeze3A_153, %dma_start3A_160] : memref<1000000x32xf32, #tpu.memory_space<hbm>> -> memref<1x32xf32, #tpu.memory_space<hbm>>
      %dma_start3A_162 = arith.constant 0 : i32
      %dma_start3A_163 = tpu.memref_slice %arg7[%add3A_157, %dma_start3A_162] : memref<128x32xf32, #tpu.memory_space<vmem>> -> memref<1x32xf32, #tpu.memory_space<vmem>>
      %dma_start3A_164 = arith.constant 0 : i32
      %dma_start3A_165 = tpu.memref_slice %arg3[%squeeze3A_153, %dma_start3A_164] : memref<1000000x32xf32, #tpu.memory_space<hbm>> -> memref<1x32xf32, #tpu.memory_space<hbm>>
      tpu.enqueue_dma source(%dma_start3A_165 : memref<1x32xf32, #tpu.memory_space<hbm>>) target(%dma_start3A_163 : memref<1x32xf32, #tpu.memory_space<vmem>>) target_semaphore(%arg9 : memref<!tpu.dma_semaphore, #tpu.memory_space<semaphore_mem>>)
      %slice3A_166 = vector.extract_strided_slice %get3A_70 {offsets = [7], sizes = [1], strides = [1]} : vector<16xi32> to vector<1xi32>
      %squeeze3A_167 = vector.extract %slice3A_166[0] : i32 from vector<1xi32>
      %mul3A_168 = arith.constant 16 : i32
      %mul3A_169 = arith.muli %scan3A_63, %mul3A_168 : i32
      %add3A_170 = arith.constant 7 : i32
      %add3A_171 = arith.addi %mul3A_169, %add3A_170 : i32
      %dma_start3A_172 = arith.constant 0 : i32
      %dma_start3A_173 = tpu.memref_slice %arg7[%add3A_171, %dma_start3A_172] : memref<128x32xf32, #tpu.memory_space<vmem>> -> memref<1x32xf32, #tpu.memory_space<vmem>>
      %dma_start3A_174 = arith.constant 0 : i32
      %dma_start3A_175 = tpu.memref_slice %arg3[%squeeze3A_167, %dma_start3A_174] : memref<1000000x32xf32, #tpu.memory_space<hbm>> -> memref<1x32xf32, #tpu.memory_space<hbm>>
      %dma_start3A_176 = arith.constant 0 : i32
      %dma_start3A_177 = tpu.memref_slice %arg7[%add3A_171, %dma_start3A_176] : memref<128x32xf32, #tpu.memory_space<vmem>> -> memref<1x32xf32, #tpu.memory_space<vmem>>
      %dma_start3A_178 = arith.constant 0 : i32
      %dma_start3A_179 = tpu.memref_slice %arg3[%squeeze3A_167, %dma_start3A_178] : memref<1000000x32xf32, #tpu.memory_space<hbm>> -> memref<1x32xf32, #tpu.memory_space<hbm>>
      tpu.enqueue_dma source(%dma_start3A_179 : memref<1x32xf32, #tpu.memory_space<hbm>>) target(%dma_start3A_177 : memref<1x32xf32, #tpu.memory_space<vmem>>) target_semaphore(%arg9 : memref<!tpu.dma_semaphore, #tpu.memory_space<semaphore_mem>>)
      %slice3A_180 = vector.extract_strided_slice %get3A_70 {offsets = [8], sizes = [1], strides = [1]} : vector<16xi32> to vector<1xi32>
      %squeeze3A_181 = vector.extract %slice3A_180[0] : i32 from vector<1xi32>
      %mul3A_182 = arith.constant 16 : i32
      %mul3A_183 = arith.muli %scan3A_63, %mul3A_182 : i32
      %add3A_184 = arith.constant 8 : i32
      %add3A_185 = arith.addi %mul3A_183, %add3A_184 : i32
      %dma_start3A_186 = arith.constant 0 : i32
      %dma_start3A_187 = tpu.memref_slice %arg7[%add3A_185, %dma_start3A_186] : memref<128x32xf32, #tpu.memory_space<vmem>> -> memref<1x32xf32, #tpu.memory_space<vmem>>
      %dma_start3A_188 = arith.constant 0 : i32
      %dma_start3A_189 = tpu.memref_slice %arg3[%squeeze3A_181, %dma_start3A_188] : memref<1000000x32xf32, #tpu.memory_space<hbm>> -> memref<1x32xf32, #tpu.memory_space<hbm>>
      %dma_start3A_190 = arith.constant 0 : i32
      %dma_start3A_191 = tpu.memref_slice %arg7[%add3A_185, %dma_start3A_190] : memref<128x32xf32, #tpu.memory_space<vmem>> -> memref<1x32xf32, #tpu.memory_space<vmem>>
      %dma_start3A_192 = arith.constant 0 : i32
      %dma_start3A_193 = tpu.memref_slice %arg3[%squeeze3A_181, %dma_start3A_192] : memref<1000000x32xf32, #tpu.memory_space<hbm>> -> memref<1x32xf32, #tpu.memory_space<hbm>>
      tpu.enqueue_dma source(%dma_start3A_193 : memref<1x32xf32, #tpu.memory_space<hbm>>) target(%dma_start3A_191 : memref<1x32xf32, #tpu.memory_space<vmem>>) target_semaphore(%arg9 : memref<!tpu.dma_semaphore, #tpu.memory_space<semaphore_mem>>)
      %slice3A_194 = vector.extract_strided_slice %get3A_70 {offsets = [9], sizes = [1], strides = [1]} : vector<16xi32> to vector<1xi32>
      %squeeze3A_195 = vector.extract %slice3A_194[0] : i32 from vector<1xi32>
      %mul3A_196 = arith.constant 16 : i32
      %mul3A_197 = arith.muli %scan3A_63, %mul3A_196 : i32
      %add3A_198 = arith.constant 9 : i32
      %add3A_199 = arith.addi %mul3A_197, %add3A_198 : i32
      %dma_start3A_200 = arith.constant 0 : i32
      %dma_start3A_201 = tpu.memref_slice %arg7[%add3A_199, %dma_start3A_200] : memref<128x32xf32, #tpu.memory_space<vmem>> -> memref<1x32xf32, #tpu.memory_space<vmem>>
      %dma_start3A_202 = arith.constant 0 : i32
      %dma_start3A_203 = tpu.memref_slice %arg3[%squeeze3A_195, %dma_start3A_202] : memref<1000000x32xf32, #tpu.memory_space<hbm>> -> memref<1x32xf32, #tpu.memory_space<hbm>>
      %dma_start3A_204 = arith.constant 0 : i32
      %dma_start3A_205 = tpu.memref_slice %arg7[%add3A_199, %dma_start3A_204] : memref<128x32xf32, #tpu.memory_space<vmem>> -> memref<1x32xf32, #tpu.memory_space<vmem>>
      %dma_start3A_206 = arith.constant 0 : i32
      %dma_start3A_207 = tpu.memref_slice %arg3[%squeeze3A_195, %dma_start3A_206] : memref<1000000x32xf32, #tpu.memory_space<hbm>> -> memref<1x32xf32, #tpu.memory_space<hbm>>
      tpu.enqueue_dma source(%dma_start3A_207 : memref<1x32xf32, #tpu.memory_space<hbm>>) target(%dma_start3A_205 : memref<1x32xf32, #tpu.memory_space<vmem>>) target_semaphore(%arg9 : memref<!tpu.dma_semaphore, #tpu.memory_space<semaphore_mem>>)
      %slice3A_208 = vector.extract_strided_slice %get3A_70 {offsets = [10], sizes = [1], strides = [1]} : vector<16xi32> to vector<1xi32>
      %squeeze3A_209 = vector.extract %slice3A_208[0] : i32 from vector<1xi32>
      %mul3A_210 = arith.constant 16 : i32
      %mul3A_211 = arith.muli %scan3A_63, %mul3A_210 : i32
      %add3A_212 = arith.constant 10 : i32
      %add3A_213 = arith.addi %mul3A_211, %add3A_212 : i32
      %dma_start3A_214 = arith.constant 0 : i32
      %dma_start3A_215 = tpu.memref_slice %arg7[%add3A_213, %dma_start3A_214] : memref<128x32xf32, #tpu.memory_space<vmem>> -> memref<1x32xf32, #tpu.memory_space<vmem>>
      %dma_start3A_216 = arith.constant 0 : i32
      %dma_start3A_217 = tpu.memref_slice %arg3[%squeeze3A_209, %dma_start3A_216] : memref<1000000x32xf32, #tpu.memory_space<hbm>> -> memref<1x32xf32, #tpu.memory_space<hbm>>
      %dma_start3A_218 = arith.constant 0 : i32
      %dma_start3A_219 = tpu.memref_slice %arg7[%add3A_213, %dma_start3A_218] : memref<128x32xf32, #tpu.memory_space<vmem>> -> memref<1x32xf32, #tpu.memory_space<vmem>>
      %dma_start3A_220 = arith.constant 0 : i32
      %dma_start3A_221 = tpu.memref_slice %arg3[%squeeze3A_209, %dma_start3A_220] : memref<1000000x32xf32, #tpu.memory_space<hbm>> -> memref<1x32xf32, #tpu.memory_space<hbm>>
      tpu.enqueue_dma source(%dma_start3A_221 : memref<1x32xf32, #tpu.memory_space<hbm>>) target(%dma_start3A_219 : memref<1x32xf32, #tpu.memory_space<vmem>>) target_semaphore(%arg9 : memref<!tpu.dma_semaphore, #tpu.memory_space<semaphore_mem>>)
      %slice3A_222 = vector.extract_strided_slice %get3A_70 {offsets = [11], sizes = [1], strides = [1]} : vector<16xi32> to vector<1xi32>
      %squeeze3A_223 = vector.extract %slice3A_222[0] : i32 from vector<1xi32>
      %mul3A_224 = arith.constant 16 : i32
      %mul3A_225 = arith.muli %scan3A_63, %mul3A_224 : i32
      %add3A_226 = arith.constant 11 : i32
      %add3A_227 = arith.addi %mul3A_225, %add3A_226 : i32
      %dma_start3A_228 = arith.constant 0 : i32
      %dma_start3A_229 = tpu.memref_slice %arg7[%add3A_227, %dma_start3A_228] : memref<128x32xf32, #tpu.memory_space<vmem>> -> memref<1x32xf32, #tpu.memory_space<vmem>>
      %dma_start3A_230 = arith.constant 0 : i32
      %dma_start3A_231 = tpu.memref_slice %arg3[%squeeze3A_223, %dma_start3A_230] : memref<1000000x32xf32, #tpu.memory_space<hbm>> -> memref<1x32xf32, #tpu.memory_space<hbm>>
      %dma_start3A_232 = arith.constant 0 : i32
      %dma_start3A_233 = tpu.memref_slice %arg7[%add3A_227, %dma_start3A_232] : memref<128x32xf32, #tpu.memory_space<vmem>> -> memref<1x32xf32, #tpu.memory_space<vmem>>
      %dma_start3A_234 = arith.constant 0 : i32
      %dma_start3A_235 = tpu.memref_slice %arg3[%squeeze3A_223, %dma_start3A_234] : memref<1000000x32xf32, #tpu.memory_space<hbm>> -> memref<1x32xf32, #tpu.memory_space<hbm>>
      tpu.enqueue_dma source(%dma_start3A_235 : memref<1x32xf32, #tpu.memory_space<hbm>>) target(%dma_start3A_233 : memref<1x32xf32, #tpu.memory_space<vmem>>) target_semaphore(%arg9 : memref<!tpu.dma_semaphore, #tpu.memory_space<semaphore_mem>>)
      %slice3A_236 = vector.extract_strided_slice %get3A_70 {offsets = [12], sizes = [1], strides = [1]} : vector<16xi32> to vector<1xi32>
      %squeeze3A_237 = vector.extract %slice3A_236[0] : i32 from vector<1xi32>
      %mul3A_238 = arith.constant 16 : i32
      %mul3A_239 = arith.muli %scan3A_63, %mul3A_238 : i32
      %add3A_240 = arith.constant 12 : i32
      %add3A_241 = arith.addi %mul3A_239, %add3A_240 : i32
      %dma_start3A_242 = arith.constant 0 : i32
      %dma_start3A_243 = tpu.memref_slice %arg7[%add3A_241, %dma_start3A_242] : memref<128x32xf32, #tpu.memory_space<vmem>> -> memref<1x32xf32, #tpu.memory_space<vmem>>
      %dma_start3A_244 = arith.constant 0 : i32
      %dma_start3A_245 = tpu.memref_slice %arg3[%squeeze3A_237, %dma_start3A_244] : memref<1000000x32xf32, #tpu.memory_space<hbm>> -> memref<1x32xf32, #tpu.memory_space<hbm>>
      %dma_start3A_246 = arith.constant 0 : i32
      %dma_start3A_247 = tpu.memref_slice %arg7[%add3A_241, %dma_start3A_246] : memref<128x32xf32, #tpu.memory_space<vmem>> -> memref<1x32xf32, #tpu.memory_space<vmem>>
      %dma_start3A_248 = arith.constant 0 : i32
      %dma_start3A_249 = tpu.memref_slice %arg3[%squeeze3A_237, %dma_start3A_248] : memref<1000000x32xf32, #tpu.memory_space<hbm>> -> memref<1x32xf32, #tpu.memory_space<hbm>>
      tpu.enqueue_dma source(%dma_start3A_249 : memref<1x32xf32, #tpu.memory_space<hbm>>) target(%dma_start3A_247 : memref<1x32xf32, #tpu.memory_space<vmem>>) target_semaphore(%arg9 : memref<!tpu.dma_semaphore, #tpu.memory_space<semaphore_mem>>)
      %slice3A_250 = vector.extract_strided_slice %get3A_70 {offsets = [13], sizes = [1], strides = [1]} : vector<16xi32> to vector<1xi32>
      %squeeze3A_251 = vector.extract %slice3A_250[0] : i32 from vector<1xi32>
      %mul3A_252 = arith.constant 16 : i32
      %mul3A_253 = arith.muli %scan3A_63, %mul3A_252 : i32
      %add3A_254 = arith.constant 13 : i32
      %add3A_255 = arith.addi %mul3A_253, %add3A_254 : i32
      %dma_start3A_256 = arith.constant 0 : i32
      %dma_start3A_257 = tpu.memref_slice %arg7[%add3A_255, %dma_start3A_256] : memref<128x32xf32, #tpu.memory_space<vmem>> -> memref<1x32xf32, #tpu.memory_space<vmem>>
      %dma_start3A_258 = arith.constant 0 : i32
      %dma_start3A_259 = tpu.memref_slice %arg3[%squeeze3A_251, %dma_start3A_258] : memref<1000000x32xf32, #tpu.memory_space<hbm>> -> memref<1x32xf32, #tpu.memory_space<hbm>>
      %dma_start3A_260 = arith.constant 0 : i32
      %dma_start3A_261 = tpu.memref_slice %arg7[%add3A_255, %dma_start3A_260] : memref<128x32xf32, #tpu.memory_space<vmem>> -> memref<1x32xf32, #tpu.memory_space<vmem>>
      %dma_start3A_262 = arith.constant 0 : i32
      %dma_start3A_263 = tpu.memref_slice %arg3[%squeeze3A_251, %dma_start3A_262] : memref<1000000x32xf32, #tpu.memory_space<hbm>> -> memref<1x32xf32, #tpu.memory_space<hbm>>
      tpu.enqueue_dma source(%dma_start3A_263 : memref<1x32xf32, #tpu.memory_space<hbm>>) target(%dma_start3A_261 : memref<1x32xf32, #tpu.memory_space<vmem>>) target_semaphore(%arg9 : memref<!tpu.dma_semaphore, #tpu.memory_space<semaphore_mem>>)
      %slice3A_264 = vector.extract_strided_slice %get3A_70 {offsets = [14], sizes = [1], strides = [1]} : vector<16xi32> to vector<1xi32>
      %squeeze3A_265 = vector.extract %slice3A_264[0] : i32 from vector<1xi32>
      %mul3A_266 = arith.constant 16 : i32
      %mul3A_267 = arith.muli %scan3A_63, %mul3A_266 : i32
      %add3A_268 = arith.constant 14 : i32
      %add3A_269 = arith.addi %mul3A_267, %add3A_268 : i32
      %dma_start3A_270 = arith.constant 0 : i32
      %dma_start3A_271 = tpu.memref_slice %arg7[%add3A_269, %dma_start3A_270] : memref<128x32xf32, #tpu.memory_space<vmem>> -> memref<1x32xf32, #tpu.memory_space<vmem>>
      %dma_start3A_272 = arith.constant 0 : i32
      %dma_start3A_273 = tpu.memref_slice %arg3[%squeeze3A_265, %dma_start3A_272] : memref<1000000x32xf32, #tpu.memory_space<hbm>> -> memref<1x32xf32, #tpu.memory_space<hbm>>
      %dma_start3A_274 = arith.constant 0 : i32
      %dma_start3A_275 = tpu.memref_slice %arg7[%add3A_269, %dma_start3A_274] : memref<128x32xf32, #tpu.memory_space<vmem>> -> memref<1x32xf32, #tpu.memory_space<vmem>>
      %dma_start3A_276 = arith.constant 0 : i32
      %dma_start3A_277 = tpu.memref_slice %arg3[%squeeze3A_265, %dma_start3A_276] : memref<1000000x32xf32, #tpu.memory_space<hbm>> -> memref<1x32xf32, #tpu.memory_space<hbm>>
      tpu.enqueue_dma source(%dma_start3A_277 : memref<1x32xf32, #tpu.memory_space<hbm>>) target(%dma_start3A_275 : memref<1x32xf32, #tpu.memory_space<vmem>>) target_semaphore(%arg9 : memref<!tpu.dma_semaphore, #tpu.memory_space<semaphore_mem>>)
      %slice3A_278 = vector.extract_strided_slice %get3A_70 {offsets = [15], sizes = [1], strides = [1]} : vector<16xi32> to vector<1xi32>
      %squeeze3A_279 = vector.extract %slice3A_278[0] : i32 from vector<1xi32>
      %mul3A_280 = arith.constant 16 : i32
      %mul3A_281 = arith.muli %scan3A_63, %mul3A_280 : i32
      %add3A_282 = arith.constant 15 : i32
      %add3A_283 = arith.addi %mul3A_281, %add3A_282 : i32
      %dma_start3A_284 = arith.constant 0 : i32
      %dma_start3A_285 = tpu.memref_slice %arg7[%add3A_283, %dma_start3A_284] : memref<128x32xf32, #tpu.memory_space<vmem>> -> memref<1x32xf32, #tpu.memory_space<vmem>>
      %dma_start3A_286 = arith.constant 0 : i32
      %dma_start3A_287 = tpu.memref_slice %arg3[%squeeze3A_279, %dma_start3A_286] : memref<1000000x32xf32, #tpu.memory_space<hbm>> -> memref<1x32xf32, #tpu.memory_space<hbm>>
      %dma_start3A_288 = arith.constant 0 : i32
      %dma_start3A_289 = tpu.memref_slice %arg7[%add3A_283, %dma_start3A_288] : memref<128x32xf32, #tpu.memory_space<vmem>> -> memref<1x32xf32, #tpu.memory_space<vmem>>
      %dma_start3A_290 = arith.constant 0 : i32
      %dma_start3A_291 = tpu.memref_slice %arg3[%squeeze3A_279, %dma_start3A_290] : memref<1000000x32xf32, #tpu.memory_space<hbm>> -> memref<1x32xf32, #tpu.memory_space<hbm>>
      tpu.enqueue_dma source(%dma_start3A_291 : memref<1x32xf32, #tpu.memory_space<hbm>>) target(%dma_start3A_289 : memref<1x32xf32, #tpu.memory_space<vmem>>) target_semaphore(%arg9 : memref<!tpu.dma_semaphore, #tpu.memory_space<semaphore_mem>>)
      %scan3A_292 = arith.constant 0 : i32
      scf.yield %scan3A_292 : i32
    }
    %scan3A_46 = arith.constant 8 : i32
    %dma_wait3A_47 = arith.constant 0 : i32
    %dma_wait3A_48 = arith.constant 0 : i32
    %dma_wait3A_49 = tpu.memref_slice %arg3[%dma_wait3A_47, %dma_wait3A_48] : memref<1000000x32xf32, #tpu.memory_space<hbm>> -> memref<128x32xf32, #tpu.memory_space<hbm>>
    %dma_wait3A_50 = arith.constant 0 : i32
    %dma_wait3A_51 = arith.constant 0 : i32
    %dma_wait3A_52 = tpu.memref_slice %arg3[%dma_wait3A_50, %dma_wait3A_51] : memref<1000000x32xf32, #tpu.memory_space<hbm>> -> memref<128x32xf32, #tpu.memory_space<hbm>>
    tpu.wait_dma2 semaphore(%arg8 : memref<!tpu.dma_semaphore, #tpu.memory_space<semaphore_mem>>) src(%dma_wait3A_52 : memref<128x32xf32, #tpu.memory_space<hbm>>) dst(%arg6 : memref<128x32xf32, #tpu.memory_space<vmem>>)
    %add3A_53 = arith.constant 256 : i32
    %add3A_54 = arith.addi %mul3A_2, %add3A_53 : i32
    "tpu.region"() ({
      %run_scoped3A = tpu.sem_alloc : memref<!tpu.dma_semaphore, #tpu.memory_space<semaphore_mem>>
      %dma_start3A = arith.constant 0 : i32
      %dma_start3A_63 = tpu.memref_slice %arg4[%add3A_54, %dma_start3A] : memref<16384x32xf32, #tpu.memory_space<hbm>> -> memref<128x32xf32, #tpu.memory_space<hbm>>
      %dma_start3A_64 = arith.constant 0 : i32
      %dma_start3A_65 = tpu.memref_slice %arg4[%add3A_54, %dma_start3A_64] : memref<16384x32xf32, #tpu.memory_space<hbm>> -> memref<128x32xf32, #tpu.memory_space<hbm>>
      tpu.enqueue_dma source(%arg6 : memref<128x32xf32, #tpu.memory_space<vmem>>) target(%dma_start3A_65 : memref<128x32xf32, #tpu.memory_space<hbm>>) target_semaphore(%run_scoped3A : memref<!tpu.dma_semaphore, #tpu.memory_space<semaphore_mem>>)
      %dma_wait3A_66 = arith.constant 0 : i32
      %dma_wait3A_67 = tpu.memref_slice %arg4[%add3A_54, %dma_wait3A_66] : memref<16384x32xf32, #tpu.memory_space<hbm>> -> memref<128x32xf32, #tpu.memory_space<hbm>>
      %dma_wait3A_68 = arith.constant 0 : i32
      %dma_wait3A_69 = tpu.memref_slice %arg4[%add3A_54, %dma_wait3A_68] : memref<16384x32xf32, #tpu.memory_space<hbm>> -> memref<128x32xf32, #tpu.memory_space<hbm>>
      tpu.wait_dma2 semaphore(%run_scoped3A : memref<!tpu.dma_semaphore, #tpu.memory_space<semaphore_mem>>) src(%arg6 : memref<128x32xf32, #tpu.memory_space<vmem>>) dst(%dma_wait3A_69 : memref<128x32xf32, #tpu.memory_space<hbm>>)
      tpu.yield
    }) : () -> ()
    %dma_wait3A_55 = arith.constant 0 : i32
    %dma_wait3A_56 = arith.constant 0 : i32
    %dma_wait3A_57 = tpu.memref_slice %arg3[%dma_wait3A_55, %dma_wait3A_56] : memref<1000000x32xf32, #tpu.memory_space<hbm>> -> memref<128x32xf32, #tpu.memory_space<hbm>>
    %dma_wait3A_58 = arith.constant 0 : i32
    %dma_wait3A_59 = arith.constant 0 : i32
    %dma_wait3A_60 = tpu.memref_slice %arg3[%dma_wait3A_58, %dma_wait3A_59] : memref<1000000x32xf32, #tpu.memory_space<hbm>> -> memref<128x32xf32, #tpu.memory_space<hbm>>
    tpu.wait_dma2 semaphore(%arg9 : memref<!tpu.dma_semaphore, #tpu.memory_space<semaphore_mem>>) src(%dma_wait3A_60 : memref<128x32xf32, #tpu.memory_space<hbm>>) dst(%arg7 : memref<128x32xf32, #tpu.memory_space<vmem>>)
    %add3A_61 = arith.constant 384 : i32
    %add3A_62 = arith.addi %mul3A_2, %add3A_61 : i32
    "tpu.region"() ({
      %run_scoped3A = tpu.sem_alloc : memref<!tpu.dma_semaphore, #tpu.memory_space<semaphore_mem>>
      %dma_start3A = arith.constant 0 : i32
      %dma_start3A_63 = tpu.memref_slice %arg4[%add3A_62, %dma_start3A] : memref<16384x32xf32, #tpu.memory_space<hbm>> -> memref<128x32xf32, #tpu.memory_space<hbm>>
      %dma_start3A_64 = arith.constant 0 : i32
      %dma_start3A_65 = tpu.memref_slice %arg4[%add3A_62, %dma_start3A_64] : memref<16384x32xf32, #tpu.memory_space<hbm>> -> memref<128x32xf32, #tpu.memory_space<hbm>>
      tpu.enqueue_dma source(%arg7 : memref<128x32xf32, #tpu.memory_space<vmem>>) target(%dma_start3A_65 : memref<128x32xf32, #tpu.memory_space<hbm>>) target_semaphore(%run_scoped3A : memref<!tpu.dma_semaphore, #tpu.memory_space<semaphore_mem>>)
      %dma_wait3A_66 = arith.constant 0 : i32
      %dma_wait3A_67 = tpu.memref_slice %arg4[%add3A_62, %dma_wait3A_66] : memref<16384x32xf32, #tpu.memory_space<hbm>> -> memref<128x32xf32, #tpu.memory_space<hbm>>
      %dma_wait3A_68 = arith.constant 0 : i32
      %dma_wait3A_69 = tpu.memref_slice %arg4[%add3A_62, %dma_wait3A_68] : memref<16384x32xf32, #tpu.memory_space<hbm>> -> memref<128x32xf32, #tpu.memory_space<hbm>>
      tpu.wait_dma2 semaphore(%run_scoped3A : memref<!tpu.dma_semaphore, #tpu.memory_space<semaphore_mem>>) src(%arg7 : memref<128x32xf32, #tpu.memory_space<vmem>>) dst(%dma_wait3A_69 : memref<128x32xf32, #tpu.memory_space<hbm>>)
      tpu.yield
    }) : () -> ()
    return
  }
}

#map = affine_map<(d0, d1) -> (0, 0)>
module attributes {stable_mosaic.version = 14 : i64} {
  func.func @_sc_mlp_body(%arg0: i32, %arg1: i32, %arg2: memref<128x128xi32, #tpu.memory_space<hbm>>, %arg3: memref<128x128xi32, #tpu.memory_space<hbm>>, %arg4: memref<1000000x128xf32, #tpu.memory_space<hbm>>, %arg5: memref<1000000x128xf32, #tpu.memory_space<hbm>>, %arg6: memref<16384x128xf32, #tpu.memory_space<hbm>>, %arg7: memref<16384x128xf32, #tpu.memory_space<hbm>>, %arg8: memref<4x128xi32, #tpu.memory_space<vmem>>, %arg9: memref<4x128xi32, #tpu.memory_space<vmem>>, %arg10: memref<512x128xf32, #tpu.memory_space<vmem>>, %arg11: memref<!tpu.dma_semaphore, #tpu.memory_space<semaphore_mem>>) attributes {dimension_semantics = [#tpu.dimension_semantics<core_parallel>, #tpu.dimension_semantics<subcore_parallel>], iteration_bounds = array<i64: 2, 16>, scalar_prefetch = 0 : i64, scratch_operands = 4 : i64, tpu.core_type = #tpu.core_type<sc_vector_subcore>, window_params = [{transform_indices = #map}, {transform_indices = #map}, {transform_indices = #map}, {transform_indices = #map}, {transform_indices = #map}, {transform_indices = #map}]} {
    %mul3A = arith.constant 2 : i32
    %mul3A_0 = arith.muli %arg1, %mul3A : i32
    %add3A = arith.addi %mul3A_0, %arg0 : i32
    %mul3A_1 = arith.constant 512 : i32
    %mul3A_2 = arith.muli %add3A, %mul3A_1 : i32
    %mul3A_3 = arith.constant 4 : i32
    %mul3A_4 = arith.muli %add3A, %mul3A_3 : i32
    "tpu.region"() ({
      %run_scoped3A = tpu.sem_alloc : memref<!tpu.dma_semaphore, #tpu.memory_space<semaphore_mem>>
      %dma_start3A_165 = arith.constant 0 : i32
      %dma_start3A_166 = tpu.memref_slice %arg2[%mul3A_4, %dma_start3A_165] : memref<128x128xi32, #tpu.memory_space<hbm>> -> memref<4x128xi32, #tpu.memory_space<hbm>>
      %dma_start3A_167 = arith.constant 0 : i32
      %dma_start3A_168 = tpu.memref_slice %arg2[%mul3A_4, %dma_start3A_167] : memref<128x128xi32, #tpu.memory_space<hbm>> -> memref<4x128xi32, #tpu.memory_space<hbm>>
      tpu.enqueue_dma source(%dma_start3A_168 : memref<4x128xi32, #tpu.memory_space<hbm>>) target(%arg8 : memref<4x128xi32, #tpu.memory_space<vmem>>) target_semaphore(%run_scoped3A : memref<!tpu.dma_semaphore, #tpu.memory_space<semaphore_mem>>)
      %dma_wait3A_169 = arith.constant 0 : i32
      %dma_wait3A_170 = tpu.memref_slice %arg2[%mul3A_4, %dma_wait3A_169] : memref<128x128xi32, #tpu.memory_space<hbm>> -> memref<4x128xi32, #tpu.memory_space<hbm>>
      %dma_wait3A_171 = arith.constant 0 : i32
      %dma_wait3A_172 = tpu.memref_slice %arg2[%mul3A_4, %dma_wait3A_171] : memref<128x128xi32, #tpu.memory_space<hbm>> -> memref<4x128xi32, #tpu.memory_space<hbm>>
      tpu.wait_dma2 semaphore(%run_scoped3A : memref<!tpu.dma_semaphore, #tpu.memory_space<semaphore_mem>>) src(%dma_wait3A_172 : memref<4x128xi32, #tpu.memory_space<hbm>>) dst(%arg8 : memref<4x128xi32, #tpu.memory_space<vmem>>)
      tpu.yield
    }) : () -> ()
    %mul3A_5 = arith.constant 4 : i32
    %mul3A_6 = arith.muli %add3A, %mul3A_5 : i32
    "tpu.region"() ({
      %run_scoped3A = tpu.sem_alloc : memref<!tpu.dma_semaphore, #tpu.memory_space<semaphore_mem>>
      %dma_start3A_165 = arith.constant 0 : i32
      %dma_start3A_166 = tpu.memref_slice %arg3[%mul3A_6, %dma_start3A_165] : memref<128x128xi32, #tpu.memory_space<hbm>> -> memref<4x128xi32, #tpu.memory_space<hbm>>
      %dma_start3A_167 = arith.constant 0 : i32
      %dma_start3A_168 = tpu.memref_slice %arg3[%mul3A_6, %dma_start3A_167] : memref<128x128xi32, #tpu.memory_space<hbm>> -> memref<4x128xi32, #tpu.memory_space<hbm>>
      tpu.enqueue_dma source(%dma_start3A_168 : memref<4x128xi32, #tpu.memory_space<hbm>>) target(%arg9 : memref<4x128xi32, #tpu.memory_space<vmem>>) target_semaphore(%run_scoped3A : memref<!tpu.dma_semaphore, #tpu.memory_space<semaphore_mem>>)
      %dma_wait3A_169 = arith.constant 0 : i32
      %dma_wait3A_170 = tpu.memref_slice %arg3[%mul3A_6, %dma_wait3A_169] : memref<128x128xi32, #tpu.memory_space<hbm>> -> memref<4x128xi32, #tpu.memory_space<hbm>>
      %dma_wait3A_171 = arith.constant 0 : i32
      %dma_wait3A_172 = tpu.memref_slice %arg3[%mul3A_6, %dma_wait3A_171] : memref<128x128xi32, #tpu.memory_space<hbm>> -> memref<4x128xi32, #tpu.memory_space<hbm>>
      tpu.wait_dma2 semaphore(%run_scoped3A : memref<!tpu.dma_semaphore, #tpu.memory_space<semaphore_mem>>) src(%dma_wait3A_172 : memref<4x128xi32, #tpu.memory_space<hbm>>) dst(%arg9 : memref<4x128xi32, #tpu.memory_space<vmem>>)
      tpu.yield
    }) : () -> ()
    %dma_start3A = arith.constant 0 : i32
    %dma_start3A_7 = arith.constant 0 : i32
    %dma_start3A_8 = arith.constant 0 : i32
    %dma_start3A_9 = tpu.memref_slice %arg10[%dma_start3A_7, %dma_start3A_8] : memref<512x128xf32, #tpu.memory_space<vmem>> -> memref<128x128xf32, #tpu.memory_space<vmem>>
    %dma_start3A_10 = arith.constant 0 : i32
    %dma_start3A_11 = tpu.memref_slice %arg8[%dma_start3A, %dma_start3A_10] : memref<4x128xi32, #tpu.memory_space<vmem>> -> memref<1x128xi32, #tpu.memory_space<vmem>>
    %dma_start3A_12 = tpu.memref_squeeze %dma_start3A_11 : memref<1x128xi32, #tpu.memory_space<vmem>> -> memref<128xi32, #tpu.memory_space<vmem>>
    %dma_start3A_13 = arith.constant 0 : i32
    %dma_start3A_14 = arith.constant 0 : i32
    %dma_start3A_15 = tpu.memref_slice %arg4[%dma_start3A_13, %dma_start3A_14] : memref<1000000x128xf32, #tpu.memory_space<hbm>> -> memref<1000000x128xf32, #tpu.memory_space<hbm>>
    tpu.enqueue_indirect_dma source(%dma_start3A_15 : memref<1000000x128xf32, #tpu.memory_space<hbm>>) target(%dma_start3A_9 : memref<128x128xf32, #tpu.memory_space<vmem>>) offsets(%dma_start3A_12 : memref<128xi32, #tpu.memory_space<vmem>>) semaphore(%arg11 : memref<!tpu.dma_semaphore, #tpu.memory_space<semaphore_mem>>)
    %dma_start3A_16 = arith.constant 1 : i32
    %dma_start3A_17 = arith.constant 128 : i32
    %dma_start3A_18 = arith.constant 0 : i32
    %dma_start3A_19 = tpu.memref_slice %arg10[%dma_start3A_17, %dma_start3A_18] : memref<512x128xf32, #tpu.memory_space<vmem>> -> memref<128x128xf32, #tpu.memory_space<vmem>>
    %dma_start3A_20 = arith.constant 0 : i32
    %dma_start3A_21 = tpu.memref_slice %arg8[%dma_start3A_16, %dma_start3A_20] : memref<4x128xi32, #tpu.memory_space<vmem>> -> memref<1x128xi32, #tpu.memory_space<vmem>>
    %dma_start3A_22 = tpu.memref_squeeze %dma_start3A_21 : memref<1x128xi32, #tpu.memory_space<vmem>> -> memref<128xi32, #tpu.memory_space<vmem>>
    %dma_start3A_23 = arith.constant 0 : i32
    %dma_start3A_24 = arith.constant 0 : i32
    %dma_start3A_25 = tpu.memref_slice %arg4[%dma_start3A_23, %dma_start3A_24] : memref<1000000x128xf32, #tpu.memory_space<hbm>> -> memref<1000000x128xf32, #tpu.memory_space<hbm>>
    tpu.enqueue_indirect_dma source(%dma_start3A_25 : memref<1000000x128xf32, #tpu.memory_space<hbm>>) target(%dma_start3A_19 : memref<128x128xf32, #tpu.memory_space<vmem>>) offsets(%dma_start3A_22 : memref<128xi32, #tpu.memory_space<vmem>>) semaphore(%arg11 : memref<!tpu.dma_semaphore, #tpu.memory_space<semaphore_mem>>)
    %dma_start3A_26 = arith.constant 2 : i32
    %dma_start3A_27 = arith.constant 256 : i32
    %dma_start3A_28 = arith.constant 0 : i32
    %dma_start3A_29 = tpu.memref_slice %arg10[%dma_start3A_27, %dma_start3A_28] : memref<512x128xf32, #tpu.memory_space<vmem>> -> memref<128x128xf32, #tpu.memory_space<vmem>>
    %dma_start3A_30 = arith.constant 0 : i32
    %dma_start3A_31 = tpu.memref_slice %arg8[%dma_start3A_26, %dma_start3A_30] : memref<4x128xi32, #tpu.memory_space<vmem>> -> memref<1x128xi32, #tpu.memory_space<vmem>>
    %dma_start3A_32 = tpu.memref_squeeze %dma_start3A_31 : memref<1x128xi32, #tpu.memory_space<vmem>> -> memref<128xi32, #tpu.memory_space<vmem>>
    %dma_start3A_33 = arith.constant 0 : i32
    %dma_start3A_34 = arith.constant 0 : i32
    %dma_start3A_35 = tpu.memref_slice %arg4[%dma_start3A_33, %dma_start3A_34] : memref<1000000x128xf32, #tpu.memory_space<hbm>> -> memref<1000000x128xf32, #tpu.memory_space<hbm>>
    tpu.enqueue_indirect_dma source(%dma_start3A_35 : memref<1000000x128xf32, #tpu.memory_space<hbm>>) target(%dma_start3A_29 : memref<128x128xf32, #tpu.memory_space<vmem>>) offsets(%dma_start3A_32 : memref<128xi32, #tpu.memory_space<vmem>>) semaphore(%arg11 : memref<!tpu.dma_semaphore, #tpu.memory_space<semaphore_mem>>)
    %dma_start3A_36 = arith.constant 3 : i32
    %dma_start3A_37 = arith.constant 384 : i32
    %dma_start3A_38 = arith.constant 0 : i32
    %dma_start3A_39 = tpu.memref_slice %arg10[%dma_start3A_37, %dma_start3A_38] : memref<512x128xf32, #tpu.memory_space<vmem>> -> memref<128x128xf32, #tpu.memory_space<vmem>>
    %dma_start3A_40 = arith.constant 0 : i32
    %dma_start3A_41 = tpu.memref_slice %arg8[%dma_start3A_36, %dma_start3A_40] : memref<4x128xi32, #tpu.memory_space<vmem>> -> memref<1x128xi32, #tpu.memory_space<vmem>>
    %dma_start3A_42 = tpu.memref_squeeze %dma_start3A_41 : memref<1x128xi32, #tpu.memory_space<vmem>> -> memref<128xi32, #tpu.memory_space<vmem>>
    %dma_start3A_43 = arith.constant 0 : i32
    %dma_start3A_44 = arith.constant 0 : i32
    %dma_start3A_45 = tpu.memref_slice %arg4[%dma_start3A_43, %dma_start3A_44] : memref<1000000x128xf32, #tpu.memory_space<hbm>> -> memref<1000000x128xf32, #tpu.memory_space<hbm>>
    tpu.enqueue_indirect_dma source(%dma_start3A_45 : memref<1000000x128xf32, #tpu.memory_space<hbm>>) target(%dma_start3A_39 : memref<128x128xf32, #tpu.memory_space<vmem>>) offsets(%dma_start3A_42 : memref<128xi32, #tpu.memory_space<vmem>>) semaphore(%arg11 : memref<!tpu.dma_semaphore, #tpu.memory_space<semaphore_mem>>)
    %dma_wait3A = arith.constant 0 : i32
    %dma_wait3A_46 = arith.constant 0 : i32
    %dma_wait3A_47 = arith.constant 0 : i32
    %dma_wait3A_48 = tpu.memref_slice %arg10[%dma_wait3A_46, %dma_wait3A_47] : memref<512x128xf32, #tpu.memory_space<vmem>> -> memref<128x128xf32, #tpu.memory_space<vmem>>
    %dma_wait3A_49 = arith.constant 0 : i32
    %dma_wait3A_50 = tpu.memref_slice %arg8[%dma_wait3A, %dma_wait3A_49] : memref<4x128xi32, #tpu.memory_space<vmem>> -> memref<1x128xi32, #tpu.memory_space<vmem>>
    %dma_wait3A_51 = tpu.memref_squeeze %dma_wait3A_50 : memref<1x128xi32, #tpu.memory_space<vmem>> -> memref<128xi32, #tpu.memory_space<vmem>>
    %dma_wait3A_52 = arith.constant 0 : i32
    %dma_wait3A_53 = arith.constant 0 : i32
    %dma_wait3A_54 = tpu.memref_slice %arg4[%dma_wait3A_52, %dma_wait3A_53] : memref<1000000x128xf32, #tpu.memory_space<hbm>> -> memref<1000000x128xf32, #tpu.memory_space<hbm>>
    tpu.wait_indirect_dma semaphore(%arg11 : memref<!tpu.dma_semaphore, #tpu.memory_space<semaphore_mem>>) src(%dma_wait3A_54 : memref<1000000x128xf32, #tpu.memory_space<hbm>>) dst(%dma_wait3A_48 : memref<128x128xf32, #tpu.memory_space<vmem>>)
    %dma_wait3A_55 = arith.constant 1 : i32
    %dma_wait3A_56 = arith.constant 128 : i32
    %dma_wait3A_57 = arith.constant 0 : i32
    %dma_wait3A_58 = tpu.memref_slice %arg10[%dma_wait3A_56, %dma_wait3A_57] : memref<512x128xf32, #tpu.memory_space<vmem>> -> memref<128x128xf32, #tpu.memory_space<vmem>>
    %dma_wait3A_59 = arith.constant 0 : i32
    %dma_wait3A_60 = tpu.memref_slice %arg8[%dma_wait3A_55, %dma_wait3A_59] : memref<4x128xi32, #tpu.memory_space<vmem>> -> memref<1x128xi32, #tpu.memory_space<vmem>>
    %dma_wait3A_61 = tpu.memref_squeeze %dma_wait3A_60 : memref<1x128xi32, #tpu.memory_space<vmem>> -> memref<128xi32, #tpu.memory_space<vmem>>
    %dma_wait3A_62 = arith.constant 0 : i32
    %dma_wait3A_63 = arith.constant 0 : i32
    %dma_wait3A_64 = tpu.memref_slice %arg4[%dma_wait3A_62, %dma_wait3A_63] : memref<1000000x128xf32, #tpu.memory_space<hbm>> -> memref<1000000x128xf32, #tpu.memory_space<hbm>>
    tpu.wait_indirect_dma semaphore(%arg11 : memref<!tpu.dma_semaphore, #tpu.memory_space<semaphore_mem>>) src(%dma_wait3A_64 : memref<1000000x128xf32, #tpu.memory_space<hbm>>) dst(%dma_wait3A_58 : memref<128x128xf32, #tpu.memory_space<vmem>>)
    %dma_wait3A_65 = arith.constant 2 : i32
    %dma_wait3A_66 = arith.constant 256 : i32
    %dma_wait3A_67 = arith.constant 0 : i32
    %dma_wait3A_68 = tpu.memref_slice %arg10[%dma_wait3A_66, %dma_wait3A_67] : memref<512x128xf32, #tpu.memory_space<vmem>> -> memref<128x128xf32, #tpu.memory_space<vmem>>
    %dma_wait3A_69 = arith.constant 0 : i32
    %dma_wait3A_70 = tpu.memref_slice %arg8[%dma_wait3A_65, %dma_wait3A_69] : memref<4x128xi32, #tpu.memory_space<vmem>> -> memref<1x128xi32, #tpu.memory_space<vmem>>
    %dma_wait3A_71 = tpu.memref_squeeze %dma_wait3A_70 : memref<1x128xi32, #tpu.memory_space<vmem>> -> memref<128xi32, #tpu.memory_space<vmem>>
    %dma_wait3A_72 = arith.constant 0 : i32
    %dma_wait3A_73 = arith.constant 0 : i32
    %dma_wait3A_74 = tpu.memref_slice %arg4[%dma_wait3A_72, %dma_wait3A_73] : memref<1000000x128xf32, #tpu.memory_space<hbm>> -> memref<1000000x128xf32, #tpu.memory_space<hbm>>
    tpu.wait_indirect_dma semaphore(%arg11 : memref<!tpu.dma_semaphore, #tpu.memory_space<semaphore_mem>>) src(%dma_wait3A_74 : memref<1000000x128xf32, #tpu.memory_space<hbm>>) dst(%dma_wait3A_68 : memref<128x128xf32, #tpu.memory_space<vmem>>)
    %dma_wait3A_75 = arith.constant 3 : i32
    %dma_wait3A_76 = arith.constant 384 : i32
    %dma_wait3A_77 = arith.constant 0 : i32
    %dma_wait3A_78 = tpu.memref_slice %arg10[%dma_wait3A_76, %dma_wait3A_77] : memref<512x128xf32, #tpu.memory_space<vmem>> -> memref<128x128xf32, #tpu.memory_space<vmem>>
    %dma_wait3A_79 = arith.constant 0 : i32
    %dma_wait3A_80 = tpu.memref_slice %arg8[%dma_wait3A_75, %dma_wait3A_79] : memref<4x128xi32, #tpu.memory_space<vmem>> -> memref<1x128xi32, #tpu.memory_space<vmem>>
    %dma_wait3A_81 = tpu.memref_squeeze %dma_wait3A_80 : memref<1x128xi32, #tpu.memory_space<vmem>> -> memref<128xi32, #tpu.memory_space<vmem>>
    %dma_wait3A_82 = arith.constant 0 : i32
    %dma_wait3A_83 = arith.constant 0 : i32
    %dma_wait3A_84 = tpu.memref_slice %arg4[%dma_wait3A_82, %dma_wait3A_83] : memref<1000000x128xf32, #tpu.memory_space<hbm>> -> memref<1000000x128xf32, #tpu.memory_space<hbm>>
    tpu.wait_indirect_dma semaphore(%arg11 : memref<!tpu.dma_semaphore, #tpu.memory_space<semaphore_mem>>) src(%dma_wait3A_84 : memref<1000000x128xf32, #tpu.memory_space<hbm>>) dst(%dma_wait3A_78 : memref<128x128xf32, #tpu.memory_space<vmem>>)
    "tpu.region"() ({
      %run_scoped3A = tpu.sem_alloc : memref<!tpu.dma_semaphore, #tpu.memory_space<semaphore_mem>>
      %dma_start3A_165 = arith.constant 0 : i32
      %dma_start3A_166 = tpu.memref_slice %arg6[%mul3A_2, %dma_start3A_165] : memref<16384x128xf32, #tpu.memory_space<hbm>> -> memref<512x128xf32, #tpu.memory_space<hbm>>
      %dma_start3A_167 = arith.constant 0 : i32
      %dma_start3A_168 = tpu.memref_slice %arg6[%mul3A_2, %dma_start3A_167] : memref<16384x128xf32, #tpu.memory_space<hbm>> -> memref<512x128xf32, #tpu.memory_space<hbm>>
      tpu.enqueue_dma source(%arg10 : memref<512x128xf32, #tpu.memory_space<vmem>>) target(%dma_start3A_168 : memref<512x128xf32, #tpu.memory_space<hbm>>) target_semaphore(%run_scoped3A : memref<!tpu.dma_semaphore, #tpu.memory_space<semaphore_mem>>)
      %dma_wait3A_169 = arith.constant 0 : i32
      %dma_wait3A_170 = tpu.memref_slice %arg6[%mul3A_2, %dma_wait3A_169] : memref<16384x128xf32, #tpu.memory_space<hbm>> -> memref<512x128xf32, #tpu.memory_space<hbm>>
      %dma_wait3A_171 = arith.constant 0 : i32
      %dma_wait3A_172 = tpu.memref_slice %arg6[%mul3A_2, %dma_wait3A_171] : memref<16384x128xf32, #tpu.memory_space<hbm>> -> memref<512x128xf32, #tpu.memory_space<hbm>>
      tpu.wait_dma2 semaphore(%run_scoped3A : memref<!tpu.dma_semaphore, #tpu.memory_space<semaphore_mem>>) src(%arg10 : memref<512x128xf32, #tpu.memory_space<vmem>>) dst(%dma_wait3A_172 : memref<512x128xf32, #tpu.memory_space<hbm>>)
      tpu.yield
    }) : () -> ()
    %dma_start3A_85 = arith.constant 0 : i32
    %dma_start3A_86 = arith.constant 0 : i32
    %dma_start3A_87 = arith.constant 0 : i32
    %dma_start3A_88 = tpu.memref_slice %arg10[%dma_start3A_86, %dma_start3A_87] : memref<512x128xf32, #tpu.memory_space<vmem>> -> memref<128x128xf32, #tpu.memory_space<vmem>>
    %dma_start3A_89 = arith.constant 0 : i32
    %dma_start3A_90 = tpu.memref_slice %arg9[%dma_start3A_85, %dma_start3A_89] : memref<4x128xi32, #tpu.memory_space<vmem>> -> memref<1x128xi32, #tpu.memory_space<vmem>>
    %dma_start3A_91 = tpu.memref_squeeze %dma_start3A_90 : memref<1x128xi32, #tpu.memory_space<vmem>> -> memref<128xi32, #tpu.memory_space<vmem>>
    %dma_start3A_92 = arith.constant 0 : i32
    %dma_start3A_93 = arith.constant 0 : i32
    %dma_start3A_94 = tpu.memref_slice %arg5[%dma_start3A_92, %dma_start3A_93] : memref<1000000x128xf32, #tpu.memory_space<hbm>> -> memref<1000000x128xf32, #tpu.memory_space<hbm>>
    tpu.enqueue_indirect_dma source(%dma_start3A_94 : memref<1000000x128xf32, #tpu.memory_space<hbm>>) target(%dma_start3A_88 : memref<128x128xf32, #tpu.memory_space<vmem>>) offsets(%dma_start3A_91 : memref<128xi32, #tpu.memory_space<vmem>>) semaphore(%arg11 : memref<!tpu.dma_semaphore, #tpu.memory_space<semaphore_mem>>)
    %dma_start3A_95 = arith.constant 1 : i32
    %dma_start3A_96 = arith.constant 128 : i32
    %dma_start3A_97 = arith.constant 0 : i32
    %dma_start3A_98 = tpu.memref_slice %arg10[%dma_start3A_96, %dma_start3A_97] : memref<512x128xf32, #tpu.memory_space<vmem>> -> memref<128x128xf32, #tpu.memory_space<vmem>>
    %dma_start3A_99 = arith.constant 0 : i32
    %dma_start3A_100 = tpu.memref_slice %arg9[%dma_start3A_95, %dma_start3A_99] : memref<4x128xi32, #tpu.memory_space<vmem>> -> memref<1x128xi32, #tpu.memory_space<vmem>>
    %dma_start3A_101 = tpu.memref_squeeze %dma_start3A_100 : memref<1x128xi32, #tpu.memory_space<vmem>> -> memref<128xi32, #tpu.memory_space<vmem>>
    %dma_start3A_102 = arith.constant 0 : i32
    %dma_start3A_103 = arith.constant 0 : i32
    %dma_start3A_104 = tpu.memref_slice %arg5[%dma_start3A_102, %dma_start3A_103] : memref<1000000x128xf32, #tpu.memory_space<hbm>> -> memref<1000000x128xf32, #tpu.memory_space<hbm>>
    tpu.enqueue_indirect_dma source(%dma_start3A_104 : memref<1000000x128xf32, #tpu.memory_space<hbm>>) target(%dma_start3A_98 : memref<128x128xf32, #tpu.memory_space<vmem>>) offsets(%dma_start3A_101 : memref<128xi32, #tpu.memory_space<vmem>>) semaphore(%arg11 : memref<!tpu.dma_semaphore, #tpu.memory_space<semaphore_mem>>)
    %dma_start3A_105 = arith.constant 2 : i32
    %dma_start3A_106 = arith.constant 256 : i32
    %dma_start3A_107 = arith.constant 0 : i32
    %dma_start3A_108 = tpu.memref_slice %arg10[%dma_start3A_106, %dma_start3A_107] : memref<512x128xf32, #tpu.memory_space<vmem>> -> memref<128x128xf32, #tpu.memory_space<vmem>>
    %dma_start3A_109 = arith.constant 0 : i32
    %dma_start3A_110 = tpu.memref_slice %arg9[%dma_start3A_105, %dma_start3A_109] : memref<4x128xi32, #tpu.memory_space<vmem>> -> memref<1x128xi32, #tpu.memory_space<vmem>>
    %dma_start3A_111 = tpu.memref_squeeze %dma_start3A_110 : memref<1x128xi32, #tpu.memory_space<vmem>> -> memref<128xi32, #tpu.memory_space<vmem>>
    %dma_start3A_112 = arith.constant 0 : i32
    %dma_start3A_113 = arith.constant 0 : i32
    %dma_start3A_114 = tpu.memref_slice %arg5[%dma_start3A_112, %dma_start3A_113] : memref<1000000x128xf32, #tpu.memory_space<hbm>> -> memref<1000000x128xf32, #tpu.memory_space<hbm>>
    tpu.enqueue_indirect_dma source(%dma_start3A_114 : memref<1000000x128xf32, #tpu.memory_space<hbm>>) target(%dma_start3A_108 : memref<128x128xf32, #tpu.memory_space<vmem>>) offsets(%dma_start3A_111 : memref<128xi32, #tpu.memory_space<vmem>>) semaphore(%arg11 : memref<!tpu.dma_semaphore, #tpu.memory_space<semaphore_mem>>)
    %dma_start3A_115 = arith.constant 3 : i32
    %dma_start3A_116 = arith.constant 384 : i32
    %dma_start3A_117 = arith.constant 0 : i32
    %dma_start3A_118 = tpu.memref_slice %arg10[%dma_start3A_116, %dma_start3A_117] : memref<512x128xf32, #tpu.memory_space<vmem>> -> memref<128x128xf32, #tpu.memory_space<vmem>>
    %dma_start3A_119 = arith.constant 0 : i32
    %dma_start3A_120 = tpu.memref_slice %arg9[%dma_start3A_115, %dma_start3A_119] : memref<4x128xi32, #tpu.memory_space<vmem>> -> memref<1x128xi32, #tpu.memory_space<vmem>>
    %dma_start3A_121 = tpu.memref_squeeze %dma_start3A_120 : memref<1x128xi32, #tpu.memory_space<vmem>> -> memref<128xi32, #tpu.memory_space<vmem>>
    %dma_start3A_122 = arith.constant 0 : i32
    %dma_start3A_123 = arith.constant 0 : i32
    %dma_start3A_124 = tpu.memref_slice %arg5[%dma_start3A_122, %dma_start3A_123] : memref<1000000x128xf32, #tpu.memory_space<hbm>> -> memref<1000000x128xf32, #tpu.memory_space<hbm>>
    tpu.enqueue_indirect_dma source(%dma_start3A_124 : memref<1000000x128xf32, #tpu.memory_space<hbm>>) target(%dma_start3A_118 : memref<128x128xf32, #tpu.memory_space<vmem>>) offsets(%dma_start3A_121 : memref<128xi32, #tpu.memory_space<vmem>>) semaphore(%arg11 : memref<!tpu.dma_semaphore, #tpu.memory_space<semaphore_mem>>)
    %dma_wait3A_125 = arith.constant 0 : i32
    %dma_wait3A_126 = arith.constant 0 : i32
    %dma_wait3A_127 = arith.constant 0 : i32
    %dma_wait3A_128 = tpu.memref_slice %arg10[%dma_wait3A_126, %dma_wait3A_127] : memref<512x128xf32, #tpu.memory_space<vmem>> -> memref<128x128xf32, #tpu.memory_space<vmem>>
    %dma_wait3A_129 = arith.constant 0 : i32
    %dma_wait3A_130 = tpu.memref_slice %arg9[%dma_wait3A_125, %dma_wait3A_129] : memref<4x128xi32, #tpu.memory_space<vmem>> -> memref<1x128xi32, #tpu.memory_space<vmem>>
    %dma_wait3A_131 = tpu.memref_squeeze %dma_wait3A_130 : memref<1x128xi32, #tpu.memory_space<vmem>> -> memref<128xi32, #tpu.memory_space<vmem>>
    %dma_wait3A_132 = arith.constant 0 : i32
    %dma_wait3A_133 = arith.constant 0 : i32
    %dma_wait3A_134 = tpu.memref_slice %arg5[%dma_wait3A_132, %dma_wait3A_133] : memref<1000000x128xf32, #tpu.memory_space<hbm>> -> memref<1000000x128xf32, #tpu.memory_space<hbm>>
    tpu.wait_indirect_dma semaphore(%arg11 : memref<!tpu.dma_semaphore, #tpu.memory_space<semaphore_mem>>) src(%dma_wait3A_134 : memref<1000000x128xf32, #tpu.memory_space<hbm>>) dst(%dma_wait3A_128 : memref<128x128xf32, #tpu.memory_space<vmem>>)
    %dma_wait3A_135 = arith.constant 1 : i32
    %dma_wait3A_136 = arith.constant 128 : i32
    %dma_wait3A_137 = arith.constant 0 : i32
    %dma_wait3A_138 = tpu.memref_slice %arg10[%dma_wait3A_136, %dma_wait3A_137] : memref<512x128xf32, #tpu.memory_space<vmem>> -> memref<128x128xf32, #tpu.memory_space<vmem>>
    %dma_wait3A_139 = arith.constant 0 : i32
    %dma_wait3A_140 = tpu.memref_slice %arg9[%dma_wait3A_135, %dma_wait3A_139] : memref<4x128xi32, #tpu.memory_space<vmem>> -> memref<1x128xi32, #tpu.memory_space<vmem>>
    %dma_wait3A_141 = tpu.memref_squeeze %dma_wait3A_140 : memref<1x128xi32, #tpu.memory_space<vmem>> -> memref<128xi32, #tpu.memory_space<vmem>>
    %dma_wait3A_142 = arith.constant 0 : i32
    %dma_wait3A_143 = arith.constant 0 : i32
    %dma_wait3A_144 = tpu.memref_slice %arg5[%dma_wait3A_142, %dma_wait3A_143] : memref<1000000x128xf32, #tpu.memory_space<hbm>> -> memref<1000000x128xf32, #tpu.memory_space<hbm>>
    tpu.wait_indirect_dma semaphore(%arg11 : memref<!tpu.dma_semaphore, #tpu.memory_space<semaphore_mem>>) src(%dma_wait3A_144 : memref<1000000x128xf32, #tpu.memory_space<hbm>>) dst(%dma_wait3A_138 : memref<128x128xf32, #tpu.memory_space<vmem>>)
    %dma_wait3A_145 = arith.constant 2 : i32
    %dma_wait3A_146 = arith.constant 256 : i32
    %dma_wait3A_147 = arith.constant 0 : i32
    %dma_wait3A_148 = tpu.memref_slice %arg10[%dma_wait3A_146, %dma_wait3A_147] : memref<512x128xf32, #tpu.memory_space<vmem>> -> memref<128x128xf32, #tpu.memory_space<vmem>>
    %dma_wait3A_149 = arith.constant 0 : i32
    %dma_wait3A_150 = tpu.memref_slice %arg9[%dma_wait3A_145, %dma_wait3A_149] : memref<4x128xi32, #tpu.memory_space<vmem>> -> memref<1x128xi32, #tpu.memory_space<vmem>>
    %dma_wait3A_151 = tpu.memref_squeeze %dma_wait3A_150 : memref<1x128xi32, #tpu.memory_space<vmem>> -> memref<128xi32, #tpu.memory_space<vmem>>
    %dma_wait3A_152 = arith.constant 0 : i32
    %dma_wait3A_153 = arith.constant 0 : i32
    %dma_wait3A_154 = tpu.memref_slice %arg5[%dma_wait3A_152, %dma_wait3A_153] : memref<1000000x128xf32, #tpu.memory_space<hbm>> -> memref<1000000x128xf32, #tpu.memory_space<hbm>>
    tpu.wait_indirect_dma semaphore(%arg11 : memref<!tpu.dma_semaphore, #tpu.memory_space<semaphore_mem>>) src(%dma_wait3A_154 : memref<1000000x128xf32, #tpu.memory_space<hbm>>) dst(%dma_wait3A_148 : memref<128x128xf32, #tpu.memory_space<vmem>>)
    %dma_wait3A_155 = arith.constant 3 : i32
    %dma_wait3A_156 = arith.constant 384 : i32
    %dma_wait3A_157 = arith.constant 0 : i32
    %dma_wait3A_158 = tpu.memref_slice %arg10[%dma_wait3A_156, %dma_wait3A_157] : memref<512x128xf32, #tpu.memory_space<vmem>> -> memref<128x128xf32, #tpu.memory_space<vmem>>
    %dma_wait3A_159 = arith.constant 0 : i32
    %dma_wait3A_160 = tpu.memref_slice %arg9[%dma_wait3A_155, %dma_wait3A_159] : memref<4x128xi32, #tpu.memory_space<vmem>> -> memref<1x128xi32, #tpu.memory_space<vmem>>
    %dma_wait3A_161 = tpu.memref_squeeze %dma_wait3A_160 : memref<1x128xi32, #tpu.memory_space<vmem>> -> memref<128xi32, #tpu.memory_space<vmem>>
    %dma_wait3A_162 = arith.constant 0 : i32
    %dma_wait3A_163 = arith.constant 0 : i32
    %dma_wait3A_164 = tpu.memref_slice %arg5[%dma_wait3A_162, %dma_wait3A_163] : memref<1000000x128xf32, #tpu.memory_space<hbm>> -> memref<1000000x128xf32, #tpu.memory_space<hbm>>
    tpu.wait_indirect_dma semaphore(%arg11 : memref<!tpu.dma_semaphore, #tpu.memory_space<semaphore_mem>>) src(%dma_wait3A_164 : memref<1000000x128xf32, #tpu.memory_space<hbm>>) dst(%dma_wait3A_158 : memref<128x128xf32, #tpu.memory_space<vmem>>)
    "tpu.region"() ({
      %run_scoped3A = tpu.sem_alloc : memref<!tpu.dma_semaphore, #tpu.memory_space<semaphore_mem>>
      %dma_start3A_165 = arith.constant 0 : i32
      %dma_start3A_166 = tpu.memref_slice %arg7[%mul3A_2, %dma_start3A_165] : memref<16384x128xf32, #tpu.memory_space<hbm>> -> memref<512x128xf32, #tpu.memory_space<hbm>>
      %dma_start3A_167 = arith.constant 0 : i32
      %dma_start3A_168 = tpu.memref_slice %arg7[%mul3A_2, %dma_start3A_167] : memref<16384x128xf32, #tpu.memory_space<hbm>> -> memref<512x128xf32, #tpu.memory_space<hbm>>
      tpu.enqueue_dma source(%arg10 : memref<512x128xf32, #tpu.memory_space<vmem>>) target(%dma_start3A_168 : memref<512x128xf32, #tpu.memory_space<hbm>>) target_semaphore(%run_scoped3A : memref<!tpu.dma_semaphore, #tpu.memory_space<semaphore_mem>>)
      %dma_wait3A_169 = arith.constant 0 : i32
      %dma_wait3A_170 = tpu.memref_slice %arg7[%mul3A_2, %dma_wait3A_169] : memref<16384x128xf32, #tpu.memory_space<hbm>> -> memref<512x128xf32, #tpu.memory_space<hbm>>
      %dma_wait3A_171 = arith.constant 0 : i32
      %dma_wait3A_172 = tpu.memref_slice %arg7[%mul3A_2, %dma_wait3A_171] : memref<16384x128xf32, #tpu.memory_space<hbm>> -> memref<512x128xf32, #tpu.memory_space<hbm>>
      tpu.wait_dma2 semaphore(%run_scoped3A : memref<!tpu.dma_semaphore, #tpu.memory_space<semaphore_mem>>) src(%arg10 : memref<512x128xf32, #tpu.memory_space<vmem>>) dst(%dma_wait3A_172 : memref<512x128xf32, #tpu.memory_space<hbm>>)
      tpu.yield
    }) : () -> ()
    return
  }
}

module attributes {stable_mosaic.version = 14 : i64} {
  func.func @_tc_body(%arg0: i32, %arg1: memref<4096x32xf32, #tpu.memory_space<vmem>>, %arg2: memref<4096x32xf32, #tpu.memory_space<vmem>>, %arg3: memref<4096x128xf32, #tpu.memory_space<vmem>>, %arg4: memref<4096x128xf32, #tpu.memory_space<vmem>>, %arg5: memref<128x128xf32, #tpu.memory_space<vmem>>, %arg6: memref<128x128xf32, #tpu.memory_space<vmem>>, %arg7: memref<128xf32, #tpu.memory_space<vmem>>, %arg8: memref<128x64xf32, #tpu.memory_space<vmem>>, %arg9: memref<64xf32, #tpu.memory_space<vmem>>, %arg10: memref<64x32xf32, #tpu.memory_space<vmem>>, %arg11: memref<32xf32, #tpu.memory_space<vmem>>, %arg12: memref<32x1xf32, #tpu.memory_space<vmem>>, %arg13: memref<32x1xf32, #tpu.memory_space<vmem>>, %arg14: memref<1x1xf32, #tpu.memory_space<vmem>>, %arg15: memref<4096xf32, #tpu.memory_space<vmem>>) attributes {dimension_semantics = [#tpu.dimension_semantics<arbitrary>], iteration_bounds = array<i64: 4>, scalar_prefetch = 0 : i64, scratch_operands = 0 : i64, tpu.core_type = #tpu.core_type<tc>, window_params = [{transform_indices = @transform_0, window_bounds = array<i64: 4096, 32>}, {transform_indices = @transform_1, window_bounds = array<i64: 4096, 32>}, {transform_indices = @transform_2, window_bounds = array<i64: 4096, 128>}, {transform_indices = @transform_3, window_bounds = array<i64: 4096, 128>}, {pipeline_mode = #tpu.pipeline_mode<synchronous>, transform_indices = @transform_4, window_bounds = array<i64: 128, 128>}, {pipeline_mode = #tpu.pipeline_mode<synchronous>, transform_indices = @transform_5, window_bounds = array<i64: 128, 128>}, {pipeline_mode = #tpu.pipeline_mode<synchronous>, transform_indices = @transform_6, window_bounds = array<i64: 128>}, {pipeline_mode = #tpu.pipeline_mode<synchronous>, transform_indices = @transform_7, window_bounds = array<i64: 128, 64>}, {pipeline_mode = #tpu.pipeline_mode<synchronous>, transform_indices = @transform_8, window_bounds = array<i64: 64>}, {pipeline_mode = #tpu.pipeline_mode<synchronous>, transform_indices = @transform_9, window_bounds = array<i64: 64, 32>}, {pipeline_mode = #tpu.pipeline_mode<synchronous>, transform_indices = @transform_10, window_bounds = array<i64: 32>}, {pipeline_mode = #tpu.pipeline_mode<synchronous>, transform_indices = @transform_11, window_bounds = array<i64: 32, 1>}, {pipeline_mode = #tpu.pipeline_mode<synchronous>, transform_indices = @transform_12, window_bounds = array<i64: 32, 1>}, {pipeline_mode = #tpu.pipeline_mode<synchronous>, transform_indices = @transform_13, window_bounds = array<i64: 1, 1>}, {transform_indices = @transform_14, window_bounds = array<i64: 4096>}]} {
    %get3A = arith.constant 0 : index
    %get3A_0 = arith.constant 0 : index
    %get3A_1 = vector.load %arg1[%get3A, %get3A_0] : memref<4096x32xf32, #tpu.memory_space<vmem>>, vector<4096x32xf32>
    %get3A_2 = arith.constant 0 : index
    %get3A_3 = arith.constant 0 : index
    %get3A_4 = vector.load %arg2[%get3A_2, %get3A_3] : memref<4096x32xf32, #tpu.memory_space<vmem>>, vector<4096x32xf32>
    %mul3A = arith.mulf %get3A_1, %get3A_4 : vector<4096x32xf32>
    %get3A_5 = arith.constant 0 : index
    %get3A_6 = arith.constant 0 : index
    %get3A_7 = vector.load %arg3[%get3A_5, %get3A_6] : memref<4096x128xf32, #tpu.memory_space<vmem>>, vector<4096x128xf32>
    %get3A_8 = arith.constant 0 : index
    %get3A_9 = arith.constant 0 : index
    %get3A_10 = vector.load %arg5[%get3A_8, %get3A_9] : memref<128x128xf32, #tpu.memory_space<vmem>>, vector<128x128xf32>
    %dot_general3A = arith.constant dense<0.000000e+00> : vector<4096x128xf32>
    %dot_general3A_11 = tpu.matmul %get3A_7, %get3A_10, %dot_general3A {dimension_numbers = #tpu.dot_dimension_numbers<[1], [0], [0], [1], [0, 0, 1, 1], [], []>, transpose_lhs_hint = false} : vector<4096x128xf32>, vector<128x128xf32>, vector<4096x128xf32> -> vector<4096x128xf32>
    %get3A_12 = arith.constant 0 : index
    %get3A_13 = arith.constant 0 : index
    %get3A_14 = vector.load %arg4[%get3A_12, %get3A_13] : memref<4096x128xf32, #tpu.memory_space<vmem>>, vector<4096x128xf32>
    %get3A_15 = arith.constant 0 : index
    %get3A_16 = arith.constant 0 : index
    %get3A_17 = vector.load %arg6[%get3A_15, %get3A_16] : memref<128x128xf32, #tpu.memory_space<vmem>>, vector<128x128xf32>
    %dot_general3A_18 = arith.constant dense<0.000000e+00> : vector<4096x128xf32>
    %dot_general3A_19 = tpu.matmul %get3A_14, %get3A_17, %dot_general3A_18 {dimension_numbers = #tpu.dot_dimension_numbers<[1], [0], [0], [1], [0, 0, 1, 1], [], []>, transpose_lhs_hint = false} : vector<4096x128xf32>, vector<128x128xf32>, vector<4096x128xf32> -> vector<4096x128xf32>
    %add3A = arith.addf %dot_general3A_11, %dot_general3A_19 : vector<4096x128xf32>
    %get3A_20 = arith.constant 0 : index
    %get3A_21 = vector.load %arg7[%get3A_20] : memref<128xf32, #tpu.memory_space<vmem>>, vector<128xf32>
    %broadcast_in_dim3A = vector.shape_cast %get3A_21 : vector<128xf32> to vector<1x128xf32>
    %add3A_22 = vector.broadcast %broadcast_in_dim3A : vector<1x128xf32> to vector<4096x128xf32>
    %add3A_23 = arith.addf %add3A, %add3A_22 : vector<4096x128xf32>
    %max3A = arith.constant 0.000000e+00 : f32
    %max3A_24 = vector.broadcast %max3A : f32 to vector<4096x128xf32>
    %max3A_25 = arith.maximumf %add3A_23, %max3A_24 : vector<4096x128xf32>
    %get3A_26 = arith.constant 0 : index
    %get3A_27 = arith.constant 0 : index
    %get3A_28 = vector.load %arg8[%get3A_26, %get3A_27] : memref<128x64xf32, #tpu.memory_space<vmem>>, vector<128x64xf32>
    %dot_general3A_29 = arith.constant dense<0.000000e+00> : vector<4096x64xf32>
    %dot_general3A_30 = tpu.matmul %max3A_25, %get3A_28, %dot_general3A_29 {dimension_numbers = #tpu.dot_dimension_numbers<[1], [0], [0], [1], [0, 0, 1, 1], [], []>, transpose_lhs_hint = false} : vector<4096x128xf32>, vector<128x64xf32>, vector<4096x64xf32> -> vector<4096x64xf32>
    %get3A_31 = arith.constant 0 : index
    %get3A_32 = vector.load %arg9[%get3A_31] : memref<64xf32, #tpu.memory_space<vmem>>, vector<64xf32>
    %broadcast_in_dim3A_33 = vector.shape_cast %get3A_32 : vector<64xf32> to vector<1x64xf32>
    %add3A_34 = vector.broadcast %broadcast_in_dim3A_33 : vector<1x64xf32> to vector<4096x64xf32>
    %add3A_35 = arith.addf %dot_general3A_30, %add3A_34 : vector<4096x64xf32>
    %max3A_36 = arith.constant 0.000000e+00 : f32
    %max3A_37 = vector.broadcast %max3A_36 : f32 to vector<4096x64xf32>
    %max3A_38 = arith.maximumf %add3A_35, %max3A_37 : vector<4096x64xf32>
    %get3A_39 = arith.constant 0 : index
    %get3A_40 = arith.constant 0 : index
    %get3A_41 = vector.load %arg10[%get3A_39, %get3A_40] : memref<64x32xf32, #tpu.memory_space<vmem>>, vector<64x32xf32>
    %dot_general3A_42 = arith.constant dense<0.000000e+00> : vector<4096x32xf32>
    %dot_general3A_43 = tpu.matmul %max3A_38, %get3A_41, %dot_general3A_42 {dimension_numbers = #tpu.dot_dimension_numbers<[1], [0], [0], [1], [0, 0, 1, 1], [], []>, transpose_lhs_hint = false} : vector<4096x64xf32>, vector<64x32xf32>, vector<4096x32xf32> -> vector<4096x32xf32>
    %get3A_44 = arith.constant 0 : index
    %get3A_45 = vector.load %arg11[%get3A_44] : memref<32xf32, #tpu.memory_space<vmem>>, vector<32xf32>
    %broadcast_in_dim3A_46 = vector.shape_cast %get3A_45 : vector<32xf32> to vector<1x32xf32>
    %add3A_47 = vector.broadcast %broadcast_in_dim3A_46 : vector<1x32xf32> to vector<4096x32xf32>
    %add3A_48 = arith.addf %dot_general3A_43, %add3A_47 : vector<4096x32xf32>
    %max3A_49 = arith.constant 0.000000e+00 : f32
    %max3A_50 = vector.broadcast %max3A_49 : f32 to vector<4096x32xf32>
    %max3A_51 = arith.maximumf %add3A_48, %max3A_50 : vector<4096x32xf32>
    %get3A_52 = arith.constant 0 : index
    %get3A_53 = arith.constant 0 : index
    %get3A_54 = vector.load %arg12[%get3A_52, %get3A_53] : memref<32x1xf32, #tpu.memory_space<vmem>>, vector<32x1xf32>
    %dot_general3A_55 = arith.constant dense<0.000000e+00> : vector<4096x1xf32>
    %dot_general3A_56 = tpu.matmul %mul3A, %get3A_54, %dot_general3A_55 {dimension_numbers = #tpu.dot_dimension_numbers<[1], [0], [0], [1], [0, 0, 1, 1], [], []>, transpose_lhs_hint = false} : vector<4096x32xf32>, vector<32x1xf32>, vector<4096x1xf32> -> vector<4096x1xf32>
    %get3A_57 = arith.constant 0 : index
    %get3A_58 = arith.constant 0 : index
    %get3A_59 = vector.load %arg13[%get3A_57, %get3A_58] : memref<32x1xf32, #tpu.memory_space<vmem>>, vector<32x1xf32>
    %dot_general3A_60 = arith.constant dense<0.000000e+00> : vector<4096x1xf32>
    %dot_general3A_61 = tpu.matmul %max3A_51, %get3A_59, %dot_general3A_60 {dimension_numbers = #tpu.dot_dimension_numbers<[1], [0], [0], [1], [0, 0, 1, 1], [], []>, transpose_lhs_hint = false} : vector<4096x32xf32>, vector<32x1xf32>, vector<4096x1xf32> -> vector<4096x1xf32>
    %add3A_62 = arith.addf %dot_general3A_56, %dot_general3A_61 : vector<4096x1xf32>
    %get3A_63 = arith.constant 0 : index
    %get3A_64 = arith.constant 0 : index
    %get3A_65 = vector.load %arg14[%get3A_63, %get3A_64] : memref<1x1xf32, #tpu.memory_space<vmem>>, vector<1x1xf32>
    %add3A_66 = vector.broadcast %get3A_65 : vector<1x1xf32> to vector<4096x1xf32>
    %add3A_67 = arith.addf %add3A_62, %add3A_66 : vector<4096x1xf32>
    %squeeze3A = vector.shape_cast %add3A_67 : vector<4096x1xf32> to vector<4096xf32>
    %swap3A = arith.constant 0 : index
    %swap3A_68 = vector.load %arg15[%swap3A] : memref<4096xf32, #tpu.memory_space<vmem>>, vector<4096xf32>
    tpu.vector_store %arg15[%swap3A], %squeeze3A {strides = array<i32>} : memref<4096xf32, #tpu.memory_space<vmem>>, vector<4096xf32>,
    return
  }
  func.func @transform_0(%arg0: i32) -> (i32, i32) {
    %c0_i32 = arith.constant 0 : i32
    %c0_i32_0 = arith.constant 0 : i32
    return %arg0, %c0_i32 : i32, i32
  }
  func.func @transform_1(%arg0: i32) -> (i32, i32) {
    %c0_i32 = arith.constant 0 : i32
    %c0_i32_0 = arith.constant 0 : i32
    return %arg0, %c0_i32 : i32, i32
  }
  func.func @transform_2(%arg0: i32) -> (i32, i32) {
    %c0_i32 = arith.constant 0 : i32
    %c0_i32_0 = arith.constant 0 : i32
    return %arg0, %c0_i32 : i32, i32
  }
  func.func @transform_3(%arg0: i32) -> (i32, i32) {
    %c0_i32 = arith.constant 0 : i32
    %c0_i32_0 = arith.constant 0 : i32
    return %arg0, %c0_i32 : i32, i32
  }
  func.func @transform_4(%arg0: i32) -> (i32, i32) {
    %c0_i32 = arith.constant 0 : i32
    %c0_i32_0 = arith.constant 0 : i32
    %c0_i32_1 = arith.constant 0 : i32
    return %c0_i32, %c0_i32_0 : i32, i32
  }
  func.func @transform_5(%arg0: i32) -> (i32, i32) {
    %c0_i32 = arith.constant 0 : i32
    %c0_i32_0 = arith.constant 0 : i32
    %c0_i32_1 = arith.constant 0 : i32
    return %c0_i32, %c0_i32_0 : i32, i32
  }
  func.func @transform_6(%arg0: i32) -> i32 {
    %c0_i32 = arith.constant 0 : i32
    %c0_i32_0 = arith.constant 0 : i32
    return %c0_i32 : i32
  }
  func.func @transform_7(%arg0: i32) -> (i32, i32) {
    %c0_i32 = arith.constant 0 : i32
    %c0_i32_0 = arith.constant 0 : i32
    %c0_i32_1 = arith.constant 0 : i32
    return %c0_i32, %c0_i32_0 : i32, i32
  }
  func.func @transform_8(%arg0: i32) -> i32 {
    %c0_i32 = arith.constant 0 : i32
    %c0_i32_0 = arith.constant 0 : i32
    return %c0_i32 : i32
  }
  func.func @transform_9(%arg0: i32) -> (i32, i32) {
    %c0_i32 = arith.constant 0 : i32
    %c0_i32_0 = arith.constant 0 : i32
    %c0_i32_1 = arith.constant 0 : i32
    return %c0_i32, %c0_i32_0 : i32, i32
  }
  func.func @transform_10(%arg0: i32) -> i32 {
    %c0_i32 = arith.constant 0 : i32
    %c0_i32_0 = arith.constant 0 : i32
    return %c0_i32 : i32
  }
  func.func @transform_11(%arg0: i32) -> (i32, i32) {
    %c0_i32 = arith.constant 0 : i32
    %c0_i32_0 = arith.constant 0 : i32
    %c0_i32_1 = arith.constant 0 : i32
    return %c0_i32, %c0_i32_0 : i32, i32
  }
  func.func @transform_12(%arg0: i32) -> (i32, i32) {
    %c0_i32 = arith.constant 0 : i32
    %c0_i32_0 = arith.constant 0 : i32
    %c0_i32_1 = arith.constant 0 : i32
    return %c0_i32, %c0_i32_0 : i32, i32
  }
  func.func @transform_13(%arg0: i32) -> (i32, i32) {
    %c0_i32 = arith.constant 0 : i32
    %c0_i32_0 = arith.constant 0 : i32
    %c0_i32_1 = arith.constant 0 : i32
    return %c0_i32, %c0_i32_0 : i32, i32
  }
  func.func @transform_14(%arg0: i32) -> i32 {
    %c0_i32 = arith.constant 0 : i32
    return %arg0 : i32
  }
}

</mosaic_0001>

<sc_bundles>
// kernel: kernel.12.cloned.1.call-start
scs
__scs_entry_jumppad:
0x0: {  	(pc) =	sbr.rel $0x88, $3  }
0x1: {  	(tag) =	ssettag $0x0;
	lr =	simm.s32 $0x1  }
0x2: {  	[smem:$0x3F93] =	sst lr;
	_ =	strace $0xD0000000  }
0x3: {  	_ = 	snop  }
0x4: {  	_ = 	snop  }
0x5: {  	_ = 	snop  }
0x6: {  	_ = 	snop  }
0x7: {  	_ = 	snop  }
__scs_overlays_trampoline_lowered:
0x8: {  	[smem:$0x3FA2] =	sst s0  }
0x9: {  	[smem:$0x3FA3] =	sst s1  }
0xa: {  	[smem:$0x3FA4] =	sst s2  }
0xb: {  	[smem:$0x3FA5] =	sst s3  }
0xc: {  	[smem:$0x3FA6] =	sst s4  }
0xd: {  	[smem:$0x3FA7] =	sst s5  }
0xe: {  	[smem:$0x3FA8] =	sst s6  }
0xf: {  	[smem:$0x3FA9] =	sst s7  }
0x10: {  	[smem:$0x3FAA] =	sst s8  }
0x11: {  	[smem:$0x3FAB] =	sst s9;
	s0 =	simm.s32 @!p0 $0x0  }
0x12: {  	s1 =	sld [smem:$0x3F91];
	s0 =	simm.s32 @p0 $0x1  }
0x13: {  	[smem:$0x3FAC] =	sst s0;
	s0 =	simm.s32 @!p1 $0x0  }
0x14: {  	s2 =	sld [smem:$0x3F90];
	s0 =	simm.s32 @p1 $0x1  }
0x15: {  	[smem:$0x3FAD] =	sst s0;
	s0 =	simm.s32 @!p2 $0x0  }
0x16: {  	s3 =	sld [smem:$0x3FDB];
	s0 =	simm.s32 @p2 $0x1  }
0x17: {  	s4 =	simm.s32 $0x1BF5;
	[smem:$0x3FAF] =	sst s0  }
0x18: {  	s0 =	sld [smem:$0x3F92];
	_ =	swait.ge [sflag:s4], $0x0  }
0x19: {  	s7 =	sld [smem:$0x3F93]  }
0x1a: {  	s8 =	sadd.s32 $0xFFFFE003, lr  }
0x1b: {  	s9 =	sadd.s32 $0xFFFFFEF7, lr;
	s5 =	simm.s32 $0xFFFFFFFF;
	p2 =	slt.u32 s8, $0xFFFFF086  }
0x1c: {  	p1 =	slt.u32 s9, $0xF7A;
	s5 =	simm.s32 @!p2 $0x0  }
0x1d: {  	s5 =	simm.s32 @p1 $0x1;
	p0 =	seq.s32 s7, s2  }
0x1e: {  	s7 =	smul.u32 @!p0 $0xF7A, s2;
	p2 =	seq.s32 @!p0 s5, $0x0  }
0x1f: {  	s9 =	smul.u32 $0xF7A, s1;
	s8 =	simm.s32 @!p0 $0x1BF5;
	p2 =	por !p2, p0  }
0x20: {  	[sflag:s8] =	ssyncset.s32 @!p0 $0xFFFFF086;
	s6 =	sadd.s32 @!p0 s3, s7;
	s7 =	simm.s32 @!p0 $0x108  }
0x21: {  	s3 =	sadd.s32 s3, s9;
	s6 =	sadd.s32 @!p0 $0x88, s6;
	s7 =	simm.s32 @p2 $0x1082  }
0x22: {  	[simem:s7], [sflag:s8] =	dma.local @!p0 [hbm:s6], $0xF7A  }
0x23: {  	s9 =	sor.u32 $0xD0000000, s2;
	s6 =	simm.s32 $0x108;
	_ =	swait.ge @!p0 [sflag:s8], $0x0  }
0x24: {  	s3 =	sadd.s32 $0x88, s3;
	s6 =	simm.s32 @!p1 $0x1082;
	[sflag:s4] =	ssyncset.s32 $0xFFFFF086  }
0x25: {  	[simem:s6], [sflag:s4] =	dma.local [hbm:s3], $0xF7A  }
0x26: {  	[smem:$0x3F93] =	sst s1;
	(tag) =	ssettag s2;
	_ =	strace s9  }
0x27: {  	s1 =	sld [smem:$0x3FA3]  }
0x28: {  	s2 =	sld [smem:$0x3FA4]  }
0x29: {  	s4 =	sld [smem:$0x3FA6]  }
0x2a: {  	p0 =	seq.s32 s5, $0x0;
	s5 =	sld [smem:$0x3FA7]  }
0x2b: {  	s6 =	sld [smem:$0x3FA8]  }
0x2c: {  	s7 =	sld [smem:$0x3FA9]  }
0x2d: {  	s3 =	simm.s32 $0x108;
	s8 =	sld [smem:$0x3FAA]  }
0x2e: {  	s3 =	simm.s32 @!p0 $0x1082;
	s9 =	sld [smem:$0x3FAB]  }
0x2f: {  	lr =	sadd.s32 s0, s3;
	s0 =	sld [smem:$0x3FA2]  }
0x30: {  	s3 =	sld [smem:$0x3FA5]  }
0x31: {  	[smem:$0x3FAE] =	sst s10  }
0x32: {  	s10 =	sld [smem:$0x3FAC];
	_ =	sdelay $0x3  }
0x33: {  	p0 =	seq.s32 s10, $0x1;
	s10 =	sld [smem:$0x3FAE];
	_ =	sdelay $0x3  }
0x34: {  	[smem:$0x3FAE] =	sst s10  }
0x35: {  	s10 =	sld [smem:$0x3FAD];
	_ =	sdelay $0x3  }
0x36: {  	p1 =	seq.s32 s10, $0x1;
	s10 =	sld [smem:$0x3FAE];
	_ =	sdelay $0x3  }
0x37: {  	[smem:$0x3FAE] =	sst s10  }
0x38: {  	s10 =	sld [smem:$0x3FAF]  }
0x39: {  	_ = 	snop;
	(pc) =	sbr.ind lr, $3  }
0x3a: {  	_ = 	snop  }
0x3b: {  	_ = 	snop  }
0x3c: {  	p2 =	seq.s32 s10, $0x1;
	s10 =	sld [smem:$0x3FAE]  }
0x3d: {  	_ =	shalt  }
0x3e: {  	_ =	shalt  }
0x3f: {  	_ =	shalt  }
0x40: {  	_ =	shalt  }
0x41: {  	_ =	shalt  }
0x42: {  	_ =	shalt  }
0x43: {  	_ =	shalt  }
0x44: {  	_ =	shalt  }
0x45: {  	_ =	shalt  }
0x46: {  	_ =	shalt  }
0x47: {  	_ =	shalt  }
0x48: {  	_ =	shalt  }
0x49: {  	_ =	shalt  }
0x4a: {  	_ =	shalt  }
0x4b: {  	_ =	shalt  }
0x4c: {  	_ =	shalt  }
0x4d: {  	_ =	shalt  }
0x4e: {  	_ =	shalt  }
0x4f: {  	_ =	shalt  }
0x50: {  	_ =	shalt  }
0x51: {  	_ =	shalt  }
0x52: {  	_ =	shalt  }
0x53: {  	_ =	shalt  }
0x54: {  	_ =	shalt  }
0x55: {  	_ =	shalt  }
0x56: {  	_ =	shalt  }
0x57: {  	_ =	shalt  }
0x58: {  	_ =	shalt  }
0x59: {  	_ =	shalt  }
0x5a: {  	_ =	shalt  }
0x5b: {  	_ =	shalt  }
0x5c: {  	_ =	shalt  }
0x5d: {  	_ =	shalt  }
0x5e: {  	_ =	shalt  }
0x5f: {  	_ =	shalt  }
0x60: {  	_ =	shalt  }
0x61: {  	_ =	shalt  }
0x62: {  	_ =	shalt  }
0x63: {  	_ =	shalt  }
0x64: {  	_ =	shalt  }
0x65: {  	_ =	shalt  }
0x66: {  	_ =	shalt  }
0x67: {  	_ =	shalt  }
0x68: {  	_ =	shalt  }
0x69: {  	_ =	shalt  }
0x6a: {  	_ =	shalt  }
0x6b: {  	_ =	shalt  }
0x6c: {  	_ =	shalt  }
0x6d: {  	_ =	shalt  }
0x6e: {  	_ =	shalt  }
0x6f: {  	_ =	shalt  }
0x70: {  	_ =	shalt  }
0x71: {  	_ =	shalt  }
0x72: {  	_ =	shalt  }
0x73: {  	_ =	shalt  }
0x74: {  	_ =	shalt  }
0x75: {  	_ =	shalt  }
0x76: {  	_ =	shalt  }
0x77: {  	_ =	shalt  }
0x78: {  	_ =	shalt  }
0x79: {  	_ =	shalt  }
0x7a: {  	_ =	shalt  }
0x7b: {  	_ =	shalt  }
0x7c: {  	_ =	shalt  }
0x7d: {  	_ =	shalt  }
0x7e: {  	_ =	shalt  }
0x7f: {  	_ =	shalt  }
0x80: {  	_ =	shalt  }
0x81: {  	_ =	shalt  }
0x82: {  	_ =	shalt  }
0x83: {  	_ =	shalt  }
0x84: {  	_ =	shalt  }
0x85: {  	_ =	shalt  }
0x86: {  	_ =	shalt  }
0x87: {  	_ =	shalt  }
.Lfunc_end0:
.L_simem_size_0:
called_computation.2_lowered:
.L_overlay_start_0:
0x88: {  	s2 =	sld [smem:$0x3FD9]  }
0x89: {  	s3 =	sld [smem:$0x3FFE];
	_ =	sdelay $0x1  }
0x8a: {  	s1 =	srdreg.scid  }
0x8b: {  	s0 =	sand.u32 $0x1, s1  }
0x8c: {  	s17 =	sshll.u32 s0, $0xA;
	s2 =	sadd.s32 s3, s2  }
0x8d: {  	s2 =	sadd.s32 s2, s17  }
0x8e: {  	[smem:$0x3FBA] =	sst s2  }
0x8f: {  	_ = 	snop  }
0x90: {  	s18 =	sld [smem:$0x3FC8];
	(tm) =	ssettm $0x1  }
0x91: {  	s19 =	sld [smem:$0x3FFB];
	_ =	sdelay $0x3  }
0x92: {  	_ =	strace s19  }
0x93: {  	s2 =	sld [smem:$0x3FFC];
	_ =	sdelay $0x3  }
0x94: {  	_ =	strace s2  }
0x95: {  	s2 =	sld [smem:$0x3FFD];
	_ =	sdelay $0x3  }
0x96: {  	_ =	strace s2  }
0x97: {  	_ =	strace $0x8FFFFFFF  }
0x98: {  	s20 =	sld [smem:$0x3FDB];
	_ =	sdelay $0x1  }
0x99: {  	s4 =	simm.s32 $_scs_section_size  }
0x9a: {  	s5 =	simm.s32 $_size__tile_overlayer_lowered;
	s6 =	simm.s32 $_tile_overlayer_lowered  }
0x9b: {  	s7 =	simm.s32 $0x1BFF;
	s21 =	sshll.u32 s6, $0x1;
	s4 =	sadd.s32 s4, s20  }
0x9c: {  	s22 =	simm.s32 $0x0;
	s5 =	sshll.u32 s5, $0x1;
	s6 =	sadd.s32 s21, s4  }
0x9d: {  	[timem:s22], [sflag:s7] =	dma.local [hbm:s6], s5  }
0x9e: {  	_ =	swait.ge [sflag:s7], s5  }
0x9f: {  	s5 =	ssub.s32 $0x0, s5;
	[sflag:s7] =	ssyncset.done $0x0  }
0xa0: {  	[sflag:s7] =	ssyncadd.s32 s5;
	_ =	sdelay $0x1  }
0xa1: {  	s23 =	simm.s32 $0x1B8B  }
0xa2: {  	_ =	swait.ge [sflag:s23], $0x1  }
0xa3: {  	[sflag:s23] =	ssyncset.done $0x0  }
0xa4: {  	[sflag:s23] =	ssyncadd.s32 $0xFFFFFFFF  }
0xa5: {  	s5 =	sld [smem:$0x0]  }
0xa6: {  	s6 =	sand.u32 $0xFFFFFFFE, s1  }
0xa7: {  	p0 =	sne.s32 s1, s6  }
0xa8: {  	s6 =	sshll.u32 @p0 s6, $0xE  }
0xa9: {  	s6 =	sadd.s32 @p0 $0x11B8D, s6;
	s7 =	sshll.u32 @p0 s5, $0x11  }
0xaa: {  	s6 =	sor.u32 @p0 s7, s6  }
0xab: {  	[sflag:s6] =	ssyncadd.remote.s32 @p0 $0x1;
	_ =	sdelay $0x1  }
0xac: {  	s6 =	simm.s32 @p0 $0x1B8D  }
0xad: {  	_ =	swait.eq @p0 [sflag:s6], $0x1  }
0xae: {  	[sflag:s6] =	ssyncadd.s32 @p0 $0xFFFFFFFF  }
0xaf: {  	s7 =	sshll.u32 @!p0 s1, $0xE  }
0xb0: {  	s7 =	sor.u32 @!p0 $0x4000, s7;
	s6 =	simm.s32 @!p0 $0x1B8D  }
0xb1: {  	s5 =	sshll.u32 @!p0 s5, $0x11;
	s7 =	sadd.s32 @!p0 $0x11B8D, s7;
	_ =	swait.eq @!p0 [sflag:s6], $0x1  }
0xb2: {  	s5 =	sor.u32 @!p0 s5, s7;
	[sflag:s6] =	ssyncadd.s32 @!p0 $0xFFFFFFFF  }
0xb3: {  	s25 =	simm.s32 $0x1B8E;
	s24 =	sld [smem:$0x3FFE];
	[sflag:s5] =	ssyncadd.remote.s32 @!p0 $0x1  }
0xb4: {  	s26 =	simm.s32 $execute0_lowered;
	[smem:$0x3FD2] =	sst s25  }
0xb5: {  	s6 =	sshll.u32 s26, $0x1;
	_ =	strace $0x80000049;
	[dreg:$0x1] =	wrdreg $0xFFFFFFFF  }
0xb6: {  	s28 =	simm.s32 $_size_execute0_lowered;
	s4 =	sadd.s32 s4, s6;
	[dreg:$0x0] =	wrdreg $0x0  }
0xb7: {  	s6 =	sshll.u32 s28, $0x1;
	[dreg:$0x2] =	wrdreg s4  }
0xb8: {  	[dreg:$0x3] =	wrdreg s6  }
0xb9: {  	[dreg:$0x4] =	wrdreg $0xC0  }
0xba: {  	_ =	task [dreg:s22], $0x5FFFF  }
0xbb: {  	[dreg:$0x1] =	wrdreg $0xFFFFFFFF  }
0xbc: {  	[dreg:$0x0] =	wrdreg $0x60  }
0xbd: {  	[dreg:$0x2] =	wrdreg s18  }
0xbe: {  	[dreg:$0x3] =	wrdreg s24  }
0xbf: {  	[dreg:$0x4] =	wrdreg $0xB  }
0xc0: {  	_ =	task.clear_ibuf [dreg:s22], $0x5FFFF;
	_ =	strace $0x90000049  }
0xc1: {  	s29 =	simm.s32 $0xB;
	_ =	strace $0x8000004B  }
0xc2: {  	_ =	swait.ge [sflag:s29], $0x1  }
0xc3: {  	[sflag:s29] =	ssyncadd.s32 $0xFFFFFFFF  }
0xc4: {  	_ =	strace $0x9000004B  }
0xc5: {  	_ =	sfence  }
0xc6: {  	s30 =	sld [smem:$0x0];
	_ =	sdelay $0x2  }
0xc7: {  	s31 =	sshll.u32 s1, $0xD;
	s1 =	sshrl.u32 s1, $0x2  }
0xc8: {  	s4 =	sand.u32 $0x4000, s31;
	s1 =	sadd.s32 s1, s30  }
0xc9: {  	s0 =	sor.u32 s4, s0;
	s1 =	sshll.u32 s1, $0x11  }
0xca: {  	s0 =	sor.u32 s1, s0  }
0xcb: {  	s0 =	sadd.s32 $0x8F2B, s0  }
0xcc: {  	[sflag:s0] =	ssyncadd.remote.s32 $0x1  }
0xcd: {  	_ =	sfence.sel $0xFFFF  }
0xce: {  	[dreg:$0x0] =	wrdreg $0xFFFFFFFF;
	(pc) =	sbr.abs _section_cstart, $3  }
0xcf: {  	[dreg:$0x1] =	wrdreg $0xFFFFFFFF  }
0xd0: {  	_ =	task.clear_ibuf [dreg:s22], $0x2FFFF;
	_ =	strace $0x9FFFFFFF  }
0xd1: {  	(tm) =	ssettm $0x7FFFFFFF  }
tec
execute0_lowered:
.L_overlay_start_1:
0x0: {  	(tag) =	ssettag $0x1  }
0x1: {  	s4 =	rddreg [dreg:$0x0]  }
0x2: {  	s5 =	rddreg [dreg:$0x1];
	s2 =	simm.s32 $0x0;
	s3 =	srdreg.scid  }
0x3: {  	s0 =	stileid.u32;
	s11 =	simm.s32 $0x1;
	s13 =	simm.s32 $0x2  }
0x4: {  	s15 =	simm.s32 $0x0;
	[smem:$0x7FF] =	sst s2;
	s6 =	sand.u32 $0x1, s3  }
0x5: {  	s7 =	sshll.u32 s0, $0xE;
	s3 =	sadd.s32 $0xF84A00, s5;
	s30 =	sshll.u32 s0, $0x7  }
0x6: {  	_ =	strace $0x8000004A;
	s8 =	sshll.u32 s6, $0xD;
	s28 =	ssub.s32 $0x2, s6  }
0x7: {  	s6 =	sshll.u32 s6, $0x6;
	s7 =	sor.u32 s8, s7;
	s29 =	sshrl.u32 s28, $0x1  }
0x8: {  	s4 =	sadd.s32 s4, s6;
	s9 =	sadd.s32 s7, s5;
	s10 =	ssub.s32 s28, s29  }
0x9: {  	s0 =	sadd.s32 s30, s4;
	s31 =	sadd.s32 $0x1EC6E00, s9;
	s6 =	sadd.s32 $0x1EC7600, s9  }
0xa: {  	[dreg:$0x3] =	wrdreg s0;
	s7 =	sadd.s32 $0x1EC7E00, s9;
	s8 =	sadd.s32 $0x1EC8600, s9  }
0xb: {  	s9 =	smax.u32 s10, $0x1;
	s10 =	simm.s32 $0x3;
	[dreg:$0x4] =	wrdreg s31  }
.LBB2_1:
0xc: {  	s0 =	rddreg [dreg:$0x3]  }
0xd: {  	[tilespmem:s2], [sflag:$0x3] =	stream.linear.gather [hbm4b:s0+s2], $0x200, $0x38;
	[tilespmem:$0x8200] =	vst v63  }
0xe: {  	_ =	swait.ge [sflag:s10], $0x200  }
0xf: {  	[sflag:s10] =	ssyncset.done $0x0  }
0x10: {  	[sflag:s10] =	ssyncadd.s32 $0xFFFFFE00  }
0x11: {  	v0 =	vld [tilespmem:s2+$0x0];
	_ =	sdelay $0x4  }
0x12: {  	v0 =	vshll.u32 v0, $0x4  }
0x13: {  	(v2sf) =	vpush v0, $0x0  }
0x14: {  	(v2sf) =	vpush v0, $0x1  }
0x15: {  	(v2sf) =	vpush v0, $0x2;
	_ =	sdelay $0x1  }
0x16: {  	(v2sf) =	vpush v0, $0x4;
	_ =	sdelay $0x1  }
0x17: {  	(v2sf) =	vpush v0, $0x3  }
0x18: {  	(v2sf) =	vpush v0, $0x5  }
0x19: {  	s18 =	simm.s32 $0x2000;
	s17 =	simm.s32 $0x0;
	s19 =	simm.s32 $0x0;
	(v2sf) =	vpush v0, $0x6  }
.LBB2_2:
0x1a: {  	p0 =	sne.s32 s18, $0xE000  }
0x1b: {  	s30 =	sadd.s32 $0x280, s17;
	s23 =	sadd.s32 $0x780, s17;
	s20 =	smov.u32 s18  }
0x1c: {  	s18 =	sadd.s32 $0x2000, s18;
	s26 =	sadd.s32 $0x580, s17;
	s21 =	sadd.s32 $0x800, s17;
	(v2sf) =	vpush v0, $0x7  }
0x1d: {  	s29 =	sadd.s32 $0x480, s17;
	s24 =	sadd.s32 $0x600, s17;
	s22 =	sadd.s32 $0x880, s17  }
0x1e: {  	s31 =	sadd.s32 $0x200, s17;
	s0 =	sadd.s32 $0x400, s17;
	(v2sf) =	vpush v0, $0x8  }
0x1f: {  	s16 =	simm.s32 $0x0;
	s1 =	sadd.s32 $0x500, s17;
	s19 =	sadd.s32 $0x10, s19  }
0x20: {  	s12 =	sadd.s32 $0x300, s17;
	s25 =	sadd.s32 $0x700, s17;
	s28 =	spop (v2sf);
	(v2sf) =	vpush v0, $0x9  }
0x21: {  	s14 =	sand.u32 $0x1FFFFFF0, s28;
	s28 =	sadd.s32 $0x680, s17;
	s4 =	spop (v2sf)  }
0x22: {  	s14 =	sadd.s32 s3, s14;
	s4 =	sand.u32 $0x1FFFFFF0, s4;
	s5 =	spop (v2sf);
	(v2sf) =	vpush v0, $0xA  }
0x23: {  	[tilespmem:s31], [sflag:$0x1] =	stream.linear.gather [hbm4b:s14+s16], $0x80, $0x38;
	[tilespmem:$0x8200] =	vst v63  }
0x24: {  	s4 =	sadd.s32 s3, s4;
	s14 =	sadd.s32 $0x380, s17;
	s31 =	spop (v2sf);
	(v2sf) =	vpush v0, $0xB  }
0x25: {  	[tilespmem:s30], [sflag:$0x1] =	stream.linear.gather [hbm4b:s4+s16], $0x80, $0x38;
	[tilespmem:$0x8200] =	vst v63  }
0x26: {  	s4 =	sand.u32 $0x1FFFFFF0, s5;
	s5 =	sand.u32 $0x1FFFFFF0, s31;
	s30 =	spop (v2sf);
	(v2sf) =	vpush v0, $0xC  }
0x27: {  	s4 =	sadd.s32 s3, s4;
	s30 =	sand.u32 $0x1FFFFFF0, s30;
	s31 =	spop (v2sf)  }
0x28: {  	[tilespmem:s12], [sflag:$0x1] =	stream.linear.gather [hbm4b:s4+s16], $0x80, $0x38;
	(v2sf) =	vpush v0, $0xD;
	[tilespmem:$0x8200] =	vst v63  }
0x29: {  	s4 =	sadd.s32 s3, s30;
	s12 =	sand.u32 $0x1FFFFFF0, s31;
	s30 =	spop (v2sf)  }
0x2a: {  	[tilespmem:s14], [sflag:$0x1] =	stream.linear.gather [hbm4b:s4+s16], $0x80, $0x38;
	(v2sf) =	vpush v0, $0xE;
	[tilespmem:$0x8200] =	vst v63  }
0x2b: {  	s4 =	sadd.s32 s3, s5;
	s5 =	sand.u32 $0x1FFFFFF0, s30;
	s14 =	spop (v2sf)  }
0x2c: {  	[tilespmem:s0], [sflag:$0x1] =	stream.linear.gather [hbm4b:s4+s16], $0x80, $0x38;
	(v2sf) =	vpush v0, $0xF;
	[tilespmem:$0x8200] =	vst v63  }
0x2d: {  	s0 =	sadd.s32 s3, s12;
	s4 =	sand.u32 $0x1FFFFFF0, s14;
	s12 =	spop (v2sf)  }
0x2e: {  	[tilespmem:s29], [sflag:$0x1] =	stream.linear.gather [hbm4b:s0+s16], $0x80, $0x38;
	[tilespmem:$0x8200] =	vst v63  }
0x2f: {  	s0 =	sadd.s32 s3, s5;
	s5 =	sand.u32 $0x1FFFFFF0, s12;
	s12 =	spop (v2sf)  }
0x30: {  	[tilespmem:s1], [sflag:$0x1] =	stream.linear.gather [hbm4b:s0+s16], $0x80, $0x38;
	[tilespmem:$0x8200] =	vst v63  }
0x31: {  	s0 =	sadd.s32 s3, s4;
	s1 =	sand.u32 $0x1FFFFFF0, s12;
	s4 =	spop (v2sf)  }
0x32: {  	[tilespmem:s26], [sflag:$0x1] =	stream.linear.gather [hbm4b:s0+s16], $0x80, $0x38;
	[tilespmem:$0x8200] =	vst v63  }
0x33: {  	s0 =	sadd.s32 s3, s5;
	s4 =	sand.u32 $0x1FFFFFF0, s4;
	s5 =	spop (v2sf)  }
0x34: {  	[tilespmem:s24], [sflag:$0x1] =	stream.linear.gather [hbm4b:s0+s16], $0x80, $0x38;
	[tilespmem:$0x8200] =	vst v63  }
0x35: {  	s0 =	sadd.s32 s3, s1;
	s1 =	sand.u32 $0x1FFFFFF0, s5;
	s5 =	spop (v2sf)  }
0x36: {  	[tilespmem:s28], [sflag:$0x1] =	stream.linear.gather [hbm4b:s0+s16], $0x80, $0x38;
	[tilespmem:$0x8200] =	vst v63  }
0x37: {  	s0 =	sadd.s32 s3, s4;
	s4 =	sand.u32 $0x1FFFFFF0, s5;
	s5 =	spop (v2sf)  }
0x38: {  	[tilespmem:s25], [sflag:$0x1] =	stream.linear.gather [hbm4b:s0+s16], $0x80, $0x38;
	[tilespmem:$0x8200] =	vst v63  }
0x39: {  	s0 =	sadd.s32 s3, s1;
	s1 =	sand.u32 $0x1FFFFFF0, s5;
	s5 =	spop (v2sf)  }
0x3a: {  	[tilespmem:s23], [sflag:$0x1] =	stream.linear.gather [hbm4b:s0+s16], $0x80, $0x38;
	[tilespmem:$0x8200] =	vst v63  }
0x3b: {  	s0 =	sadd.s32 s3, s4;
	s4 =	sand.u32 $0x1FFFFFF0, s5;
	s5 =	spop (v2sf)  }
0x3c: {  	[tilespmem:s21], [sflag:$0x1] =	stream.linear.gather [hbm4b:s0+s16], $0x80, $0x38;
	[tilespmem:$0x8200] =	vst v63  }
0x3d: {  	s0 =	sadd.s32 s3, s1;
	s1 =	sand.u32 $0x1FFFFFF0, s5  }
0x3e: {  	[tilespmem:s22], [sflag:$0x1] =	stream.linear.gather [hbm4b:s0+s16], $0x80, $0x38;
	[tilespmem:$0x8200] =	vst v63  }
0x3f: {  	s4 =	sadd.s32 s3, s4;
	s0 =	sadd.s32 $0x900, s17  }
0x40: {  	[tilespmem:s0], [sflag:$0x1] =	stream.linear.gather [hbm4b:s4+s16], $0x80, $0x38;
	[tilespmem:$0x8200] =	vst v63  }
0x41: {  	s1 =	sadd.s32 s3, s1;
	s0 =	sadd.s32 $0x980, s17  }
0x42: {  	[tilespmem:s0], [sflag:$0x1] =	stream.linear.gather [hbm4b:s1+s16], $0x80, $0x38;
	[tilespmem:$0x8200] =	vst v63  }
0x43: {  	v0 =	vld [tilespmem:s19+$0x0];
	_ =	sdelay $0x4  }
0x44: {  	v0 =	vshll.u32 v0, $0x4  }
0x45: {  	(v2sf) =	vpush v0, $0x0  }
0x46: {  	(v2sf) =	vpush v0, $0x1  }
0x47: {  	(v2sf) =	vpush v0, $0x2;
	_ =	sdelay $0x1  }
0x48: {  	(v2sf) =	vpush v0, $0x4  }
.Ltmp0:
0x49: {  	(pc) =	sbr.rel @p0 .LBB2_2-.Ltmp0, $3  }
0x4a: {  	(v2sf) =	vpush v0, $0x3  }
0x4b: {  	(v2sf) =	vpush v0, $0x5;
	_ =	sdelay $0x1  }
0x4c: {  	s17 =	sshra.s32 s20, $0x2;
	(v2sf) =	vpush v0, $0x6  }
0x4d: {  	_ =	sdelay $0x1  }
0x4e: {  	s0 =	sadd.s32 $0x280, s17;
	s20 =	sadd.s32 $0x780, s17  }
0x4f: {  	s1 =	sadd.s32 $0x580, s17;
	s18 =	sadd.s32 $0x800, s17;
	(v2sf) =	vpush v0, $0x7;
	s4 =	sadd.s32 $0x480, s17  }
0x50: {  	s5 =	sadd.s32 $0x600, s17;
	s19 =	sadd.s32 $0x880, s17;
	s12 =	sadd.s32 $0x200, s17  }
0x51: {  	s14 =	sadd.s32 $0x400, s17;
	s21 =	sadd.s32 $0x500, s17;
	(v2sf) =	vpush v0, $0x8;
	s22 =	spop (v2sf)  }
0x52: {  	s23 =	sadd.s32 $0x300, s17;
	s22 =	sand.u32 $0x1FFFFFF0, s22;
	s24 =	spop (v2sf)  }
0x53: {  	(v2sf) =	vpush v0, $0x9;
	s22 =	sadd.s32 s3, s22;
	s24 =	sand.u32 $0x1FFFFFF0, s24;
	s25 =	spop (v2sf)  }
0x54: {  	[tilespmem:s12], [sflag:$0x1] =	stream.linear.gather [hbm4b:s22+s16], $0x80, $0x38;
	[tilespmem:$0x8200] =	vst v63  }
0x55: {  	(v2sf) =	vpush v0, $0xA;
	s26 =	sadd.s32 s3, s24;
	s29 =	sand.u32 $0x1FFFFFF0, s25;
	s28 =	spop (v2sf)  }
0x56: {  	[tilespmem:s0], [sflag:$0x1] =	stream.linear.gather [hbm4b:s26+s16], $0x80, $0x38;
	[tilespmem:$0x8200] =	vst v63  }
0x57: {  	s12 =	sadd.s32 $0x700, s17;
	(v2sf) =	vpush v0, $0xB;
	s22 =	sadd.s32 s3, s29;
	s30 =	spop (v2sf)  }
0x58: {  	s0 =	sadd.s32 $0x680, s17;
	s26 =	sadd.s32 $0x380, s17;
	s25 =	sand.u32 $0x1FFFFFF0, s30  }
0x59: {  	(v2sf) =	vpush v0, $0xC;
	[tilespmem:s23], [sflag:$0x1] =	stream.linear.gather [hbm4b:s22+s16], $0x80, $0x38;
	[tilespmem:$0x8200] =	vst v63  }
0x5a: {  	s31 =	sand.u32 $0x1FFFFFF0, s28;
	s28 =	spop (v2sf);
	s29 =	sadd.s32 s3, s25  }
0x5b: {  	(v2sf) =	vpush v0, $0xD;
	[tilespmem:s26], [sflag:$0x1] =	stream.linear.gather [hbm4b:s29+s16], $0x80, $0x38;
	[tilespmem:$0x8200] =	vst v63  }
0x5c: {  	s22 =	sadd.s32 s3, s31;
	s23 =	sand.u32 $0x1FFFFFF0, s28;
	s30 =	spop (v2sf)  }
0x5d: {  	(v2sf) =	vpush v0, $0xE;
	[tilespmem:s14], [sflag:$0x1] =	stream.linear.gather [hbm4b:s22+s16], $0x80, $0x38;
	[tilespmem:$0x8200] =	vst v63  }
0x5e: {  	s23 =	sadd.s32 s3, s23;
	s31 =	sand.u32 $0x1FFFFFF0, s30;
	s24 =	spop (v2sf)  }
0x5f: {  	(v2sf) =	vpush v0, $0xF;
	[tilespmem:s4], [sflag:$0x1] =	stream.linear.gather [hbm4b:s23+s16], $0x80, $0x38;
	[tilespmem:$0x8200] =	vst v63  }
0x60: {  	s25 =	sand.u32 $0x1FFFFFF0, s24;
	s26 =	spop (v2sf);
	s14 =	sadd.s32 s3, s31  }
0x61: {  	[tilespmem:s21], [sflag:$0x1] =	stream.linear.gather [hbm4b:s14+s16], $0x80, $0x38;
	[tilespmem:$0x8200] =	vst v63  }
0x62: {  	s28 =	sand.u32 $0x1FFFFFF0, s26;
	s4 =	sadd.s32 s3, s25;
	s29 =	spop (v2sf)  }
0x63: {  	[tilespmem:s1], [sflag:$0x1] =	stream.linear.gather [hbm4b:s4+s16], $0x80, $0x38;
	[tilespmem:$0x8200] =	vst v63  }
0x64: {  	s14 =	sadd.s32 s3, s28;
	s30 =	sand.u32 $0x1FFFFFF0, s29;
	s31 =	spop (v2sf)  }
0x65: {  	[tilespmem:s5], [sflag:$0x1] =	stream.linear.gather [hbm4b:s14+s16], $0x80, $0x38;
	[tilespmem:$0x8200] =	vst v63  }
0x66: {  	s4 =	sand.u32 $0x1FFFFFF0, s31;
	s1 =	sadd.s32 s3, s30;
	s14 =	spop (v2sf)  }
0x67: {  	[tilespmem:s0], [sflag:$0x1] =	stream.linear.gather [hbm4b:s1+s16], $0x80, $0x38;
	[tilespmem:$0x8200] =	vst v63  }
0x68: {  	s4 =	sadd.s32 s3, s4;
	s21 =	sand.u32 $0x1FFFFFF0, s14;
	s22 =	spop (v2sf)  }
0x69: {  	[tilespmem:s12], [sflag:$0x1] =	stream.linear.gather [hbm4b:s4+s16], $0x80, $0x38;
	[tilespmem:$0x8200] =	vst v63  }
0x6a: {  	s0 =	sadd.s32 s3, s21;
	s1 =	sand.u32 $0x1FFFFFF0, s22;
	s23 =	spop (v2sf)  }
0x6b: {  	[tilespmem:s20], [sflag:$0x1] =	stream.linear.gather [hbm4b:s0+s16], $0x80, $0x38;
	[tilespmem:$0x8200] =	vst v63  }
0x6c: {  	s24 =	sand.u32 $0x1FFFFFF0, s23;
	s1 =	sadd.s32 s3, s1;
	s25 =	spop (v2sf)  }
0x6d: {  	[tilespmem:s18], [sflag:$0x1] =	stream.linear.gather [hbm4b:s1+s16], $0x80, $0x38;
	[tilespmem:$0x8200] =	vst v63  }
0x6e: {  	s26 =	sand.u32 $0x1FFFFFF0, s25;
	s28 =	spop (v2sf);
	s0 =	sadd.s32 s3, s24  }
0x6f: {  	[tilespmem:s19], [sflag:$0x1] =	stream.linear.gather [hbm4b:s0+s16], $0x80, $0x38;
	[tilespmem:$0x8200] =	vst v63  }
0x70: {  	s30 =	sadd.s32 $0x900, s17;
	s29 =	sand.u32 $0x1FFFFFF0, s28;
	s1 =	sadd.s32 s3, s26  }
0x71: {  	[tilespmem:s30], [sflag:$0x1] =	stream.linear.gather [hbm4b:s1+s16], $0x80, $0x38;
	[tilespmem:$0x8200] =	vst v63  }
0x72: {  	s31 =	sadd.s32 $0x980, s17;
	s17 =	simm.s32 $0x80;
	s0 =	sadd.s32 s3, s29  }
0x73: {  	[tilespmem:s31], [sflag:$0x1] =	stream.linear.gather [hbm4b:s0+s16], $0x80, $0x38;
	[tilespmem:$0x8200] =	vst v63  }
0x74: {  	v0 =	vld [tilespmem:s17+$0x0];
	_ =	sdelay $0x4  }
0x75: {  	v0 =	vshll.u32 v0, $0x4  }
0x76: {  	(v2sf) =	vpush v0, $0x0  }
0x77: {  	(v2sf) =	vpush v0, $0x1  }
0x78: {  	(v2sf) =	vpush v0, $0x2;
	_ =	sdelay $0x1  }
0x79: {  	(v2sf) =	vpush v0, $0x4;
	_ =	sdelay $0x1  }
0x7a: {  	(v2sf) =	vpush v0, $0x3  }
0x7b: {  	(v2sf) =	vpush v0, $0x5  }
0x7c: {  	s18 =	simm.s32 $0x2000;
	s16 =	simm.s32 $0x0;
	(v2sf) =	vpush v0, $0x6  }
.LBB2_4:
0x7d: {  	p0 =	sne.s32 s18, $0xE000  }
0x7e: {  	s0 =	sadd.s32 $0x4280, s16;
	s22 =	sadd.s32 $0x4780, s16;
	s19 =	smov.u32 s18  }
0x7f: {  	s18 =	sadd.s32 $0x2000, s18;
	s25 =	sadd.s32 $0x4580, s16;
	s20 =	sadd.s32 $0x4800, s16;
	(v2sf) =	vpush v0, $0x7  }
0x80: {  	s28 =	sadd.s32 $0x4480, s16;
	s24 =	sadd.s32 $0x4600, s16;
	s21 =	sadd.s32 $0x4880, s16  }
0x81: {  	s1 =	sadd.s32 $0x4200, s16;
	s4 =	sadd.s32 $0x4400, s16;
	(v2sf) =	vpush v0, $0x8  }
0x82: {  	s5 =	sadd.s32 $0x4500, s16;
	s17 =	sadd.s32 $0x10, s17  }
0x83: {  	s12 =	sadd.s32 $0x4300, s16;
	s23 =	sadd.s32 $0x4700, s16;
	s14 =	spop (v2sf);
	(v2sf) =	vpush v0, $0x9  }
0x84: {  	s26 =	sadd.s32 $0x4680, s16;
	s14 =	sand.u32 $0x1FFFFFF0, s14;
	s29 =	spop (v2sf)  }
0x85: {  	s14 =	sadd.s32 s3, s14;
	s29 =	sand.u32 $0x1FFFFFF0, s29;
	s30 =	spop (v2sf);
	(v2sf) =	vpush v0, $0xA  }
0x86: {  	[tilespmem:s1], [sflag:$0x2] =	stream.linear.gather [hbm4b:s14+s2], $0x80, $0x38;
	[tilespmem:$0x8200] =	vst v63  }
0x87: {  	s1 =	sadd.s32 s3, s29;
	s14 =	sadd.s32 $0x4380, s16;
	s29 =	spop (v2sf);
	(v2sf) =	vpush v0, $0xB  }
0x88: {  	[tilespmem:s0], [sflag:$0x2] =	stream.linear.gather [hbm4b:s1+s2], $0x80, $0x38;
	[tilespmem:$0x8200] =	vst v63  }
0x89: {  	s0 =	sand.u32 $0x1FFFFFF0, s30;
	s1 =	sand.u32 $0x1FFFFFF0, s29;
	s29 =	spop (v2sf);
	(v2sf) =	vpush v0, $0xC  }
0x8a: {  	s0 =	sadd.s32 s3, s0;
	s29 =	sand.u32 $0x1FFFFFF0, s29;
	s30 =	spop (v2sf)  }
0x8b: {  	[tilespmem:s12], [sflag:$0x2] =	stream.linear.gather [hbm4b:s0+s2], $0x80, $0x38;
	(v2sf) =	vpush v0, $0xD;
	[tilespmem:$0x8200] =	vst v63  }
0x8c: {  	s0 =	sadd.s32 s3, s29;
	s12 =	sand.u32 $0x1FFFFFF0, s30;
	s29 =	spop (v2sf)  }
0x8d: {  	[tilespmem:s14], [sflag:$0x2] =	stream.linear.gather [hbm4b:s0+s2], $0x80, $0x38;
	(v2sf) =	vpush v0, $0xE;
	[tilespmem:$0x8200] =	vst v63  }
0x8e: {  	s0 =	sadd.s32 s3, s1;
	s1 =	sand.u32 $0x1FFFFFF0, s29;
	s14 =	spop (v2sf)  }
0x8f: {  	[tilespmem:s4], [sflag:$0x2] =	stream.linear.gather [hbm4b:s0+s2], $0x80, $0x38;
	(v2sf) =	vpush v0, $0xF;
	[tilespmem:$0x8200] =	vst v63  }
0x90: {  	s0 =	sadd.s32 s3, s12;
	s4 =	sand.u32 $0x1FFFFFF0, s14;
	s12 =	spop (v2sf)  }
0x91: {  	[tilespmem:s28], [sflag:$0x2] =	stream.linear.gather [hbm4b:s0+s2], $0x80, $0x38;
	[tilespmem:$0x8200] =	vst v63  }
0x92: {  	s0 =	sadd.s32 s3, s1;
	s1 =	sand.u32 $0x1FFFFFF0, s12;
	s12 =	spop (v2sf)  }
0x93: {  	[tilespmem:s5], [sflag:$0x2] =	stream.linear.gather [hbm4b:s0+s2], $0x80, $0x38;
	[tilespmem:$0x8200] =	vst v63  }
0x94: {  	s0 =	sadd.s32 s3, s4;
	s4 =	sand.u32 $0x1FFFFFF0, s12;
	s5 =	spop (v2sf)  }
0x95: {  	[tilespmem:s25], [sflag:$0x2] =	stream.linear.gather [hbm4b:s0+s2], $0x80, $0x38;
	[tilespmem:$0x8200] =	vst v63  }
0x96: {  	s0 =	sadd.s32 s3, s1;
	s1 =	sand.u32 $0x1FFFFFF0, s5;
	s5 =	spop (v2sf)  }
0x97: {  	[tilespmem:s24], [sflag:$0x2] =	stream.linear.gather [hbm4b:s0+s2], $0x80, $0x38;
	[tilespmem:$0x8200] =	vst v63  }
0x98: {  	s0 =	sadd.s32 s3, s4;
	s4 =	sand.u32 $0x1FFFFFF0, s5;
	s5 =	spop (v2sf)  }
0x99: {  	[tilespmem:s26], [sflag:$0x2] =	stream.linear.gather [hbm4b:s0+s2], $0x80, $0x38;
	[tilespmem:$0x8200] =	vst v63  }
0x9a: {  	s0 =	sadd.s32 s3, s1;
	s1 =	sand.u32 $0x1FFFFFF0, s5;
	s5 =	spop (v2sf)  }
0x9b: {  	[tilespmem:s23], [sflag:$0x2] =	stream.linear.gather [hbm4b:s0+s2], $0x80, $0x38;
	[tilespmem:$0x8200] =	vst v63  }
0x9c: {  	s0 =	sadd.s32 s3, s4;
	s4 =	sand.u32 $0x1FFFFFF0, s5;
	s5 =	spop (v2sf)  }
0x9d: {  	[tilespmem:s22], [sflag:$0x2] =	stream.linear.gather [hbm4b:s0+s2], $0x80, $0x38;
	[tilespmem:$0x8200] =	vst v63  }
0x9e: {  	s0 =	sadd.s32 s3, s1;
	s1 =	sand.u32 $0x1FFFFFF0, s5;
	s5 =	spop (v2sf)  }
0x9f: {  	[tilespmem:s20], [sflag:$0x2] =	stream.linear.gather [hbm4b:s0+s2], $0x80, $0x38;
	[tilespmem:$0x8200] =	vst v63  }
0xa0: {  	s0 =	sadd.s32 s3, s4;
	s4 =	sand.u32 $0x1FFFFFF0, s5  }
0xa1: {  	[tilespmem:s21], [sflag:$0x2] =	stream.linear.gather [hbm4b:s0+s2], $0x80, $0x38;
	[tilespmem:$0x8200] =	vst v63  }
0xa2: {  	s1 =	sadd.s32 s3, s1;
	s0 =	sadd.s32 $0x4900, s16  }
0xa3: {  	[tilespmem:s0], [sflag:$0x2] =	stream.linear.gather [hbm4b:s1+s2], $0x80, $0x38;
	[tilespmem:$0x8200] =	vst v63  }
0xa4: {  	s0 =	sadd.s32 $0x4980, s16;
	s1 =	sadd.s32 s3, s4  }
0xa5: {  	[tilespmem:s0], [sflag:$0x2] =	stream.linear.gather [hbm4b:s1+s2], $0x80, $0x38;
	[tilespmem:$0x8200] =	vst v63  }
0xa6: {  	v0 =	vld [tilespmem:s17+$0x0];
	_ =	sdelay $0x4  }
0xa7: {  	v0 =	vshll.u32 v0, $0x4  }
0xa8: {  	(v2sf) =	vpush v0, $0x0  }
0xa9: {  	(v2sf) =	vpush v0, $0x1  }
0xaa: {  	(v2sf) =	vpush v0, $0x2;
	_ =	sdelay $0x1  }
0xab: {  	(v2sf) =	vpush v0, $0x4  }
.Ltmp1:
0xac: {  	(pc) =	sbr.rel @p0 .LBB2_4-.Ltmp1, $3  }
0xad: {  	(v2sf) =	vpush v0, $0x3  }
0xae: {  	(v2sf) =	vpush v0, $0x5;
	_ =	sdelay $0x1  }
0xaf: {  	s16 =	sshra.s32 s19, $0x2;
	(v2sf) =	vpush v0, $0x6  }
0xb0: {  	_ =	sdelay $0x1  }
0xb1: {  	s0 =	sadd.s32 $0x4280, s16;
	s19 =	sadd.s32 $0x4780, s16  }
0xb2: {  	s1 =	sadd.s32 $0x4580, s16;
	s17 =	sadd.s32 $0x4800, s16;
	(v2sf) =	vpush v0, $0x7;
	s4 =	sadd.s32 $0x4480, s16  }
0xb3: {  	s5 =	sadd.s32 $0x4600, s16;
	s18 =	sadd.s32 $0x4880, s16;
	s12 =	sadd.s32 $0x4200, s16  }
0xb4: {  	s14 =	sadd.s32 $0x4400, s16;
	s20 =	sadd.s32 $0x4500, s16;
	(v2sf) =	vpush v0, $0x8;
	s21 =	spop (v2sf)  }
0xb5: {  	s22 =	sadd.s32 $0x4300, s16;
	s21 =	sand.u32 $0x1FFFFFF0, s21;
	s23 =	spop (v2sf)  }
0xb6: {  	(v2sf) =	vpush v0, $0x9;
	s21 =	sadd.s32 s3, s21;
	s23 =	sand.u32 $0x1FFFFFF0, s23;
	s24 =	spop (v2sf)  }
0xb7: {  	[tilespmem:s12], [sflag:$0x2] =	stream.linear.gather [hbm4b:s21+s2], $0x80, $0x38;
	[tilespmem:$0x8200] =	vst v63  }
0xb8: {  	s25 =	sadd.s32 $0x4380, s16;
	(v2sf) =	vpush v0, $0xA;
	s29 =	sadd.s32 s3, s23;
	s30 =	spop (v2sf)  }
0xb9: {  	[tilespmem:s0], [sflag:$0x2] =	stream.linear.gather [hbm4b:s29+s2], $0x80, $0x38;
	[tilespmem:$0x8200] =	vst v63  }
0xba: {  	s12 =	sadd.s32 $0x4700, s16;
	s26 =	sand.u32 $0x1FFFFFF0, s24;
	(v2sf) =	vpush v0, $0xB;
	s28 =	spop (v2sf)  }
0xbb: {  	s21 =	sadd.s32 s3, s26;
	s0 =	sadd.s32 $0x4680, s16;
	s24 =	sand.u32 $0x1FFFFFF0, s28  }
0xbc: {  	(v2sf) =	vpush v0, $0xC;
	[tilespmem:s22], [sflag:$0x2] =	stream.linear.gather [hbm4b:s21+s2], $0x80, $0x38;
	[tilespmem:$0x8200] =	vst v63  }
0xbd: {  	s29 =	sand.u32 $0x1FFFFFF0, s30;
	s30 =	spop (v2sf);
	s26 =	sadd.s32 s3, s24  }
0xbe: {  	(v2sf) =	vpush v0, $0xD;
	[tilespmem:s25], [sflag:$0x2] =	stream.linear.gather [hbm4b:s26+s2], $0x80, $0x38;
	[tilespmem:$0x8200] =	vst v63  }
0xbf: {  	s21 =	sadd.s32 s3, s29;
	s22 =	sand.u32 $0x1FFFFFF0, s30;
	s28 =	spop (v2sf)  }
0xc0: {  	(v2sf) =	vpush v0, $0xE;
	[tilespmem:s14], [sflag:$0x2] =	stream.linear.gather [hbm4b:s21+s2], $0x80, $0x38;
	[tilespmem:$0x8200] =	vst v63  }
0xc1: {  	s22 =	sadd.s32 s3, s22;
	s29 =	sand.u32 $0x1FFFFFF0, s28;
	s30 =	spop (v2sf)  }
0xc2: {  	(v2sf) =	vpush v0, $0xF;
	[tilespmem:s4], [sflag:$0x2] =	stream.linear.gather [hbm4b:s22+s2], $0x80, $0x38;
	[tilespmem:$0x8200] =	vst v63  }
0xc3: {  	s23 =	sand.u32 $0x1FFFFFF0, s30;
	s24 =	spop (v2sf);
	s14 =	sadd.s32 s3, s29  }
0xc4: {  	[tilespmem:s20], [sflag:$0x2] =	stream.linear.gather [hbm4b:s14+s2], $0x80, $0x38;
	[tilespmem:$0x8200] =	vst v63  }
0xc5: {  	s25 =	sand.u32 $0x1FFFFFF0, s24;
	s4 =	sadd.s32 s3, s23;
	s26 =	spop (v2sf)  }
0xc6: {  	[tilespmem:s1], [sflag:$0x2] =	stream.linear.gather [hbm4b:s4+s2], $0x80, $0x38;
	[tilespmem:$0x8200] =	vst v63  }
0xc7: {  	s14 =	sadd.s32 s3, s25;
	s28 =	sand.u32 $0x1FFFFFF0, s26;
	s29 =	spop (v2sf)  }
0xc8: {  	[tilespmem:s5], [sflag:$0x2] =	stream.linear.gather [hbm4b:s14+s2], $0x80, $0x38;
	[tilespmem:$0x8200] =	vst v63  }
0xc9: {  	s4 =	sand.u32 $0x1FFFFFF0, s29;
	s1 =	sadd.s32 s3, s28;
	s30 =	spop (v2sf)  }
0xca: {  	[tilespmem:s0], [sflag:$0x2] =	stream.linear.gather [hbm4b:s1+s2], $0x80, $0x38;
	[tilespmem:$0x8200] =	vst v63  }
0xcb: {  	s4 =	sadd.s32 s3, s4;
	s5 =	sand.u32 $0x1FFFFFF0, s30;
	s14 =	spop (v2sf)  }
0xcc: {  	[tilespmem:s12], [sflag:$0x2] =	stream.linear.gather [hbm4b:s4+s2], $0x80, $0x38;
	[tilespmem:$0x8200] =	vst v63  }
0xcd: {  	s0 =	sadd.s32 s3, s5;
	s1 =	sand.u32 $0x1FFFFFF0, s14;
	s20 =	spop (v2sf)  }
0xce: {  	[tilespmem:s19], [sflag:$0x2] =	stream.linear.gather [hbm4b:s0+s2], $0x80, $0x38;
	[tilespmem:$0x8200] =	vst v63  }
0xcf: {  	s21 =	sand.u32 $0x1FFFFFF0, s20;
	s1 =	sadd.s32 s3, s1;
	s22 =	spop (v2sf)  }
0xd0: {  	[tilespmem:s17], [sflag:$0x2] =	stream.linear.gather [hbm4b:s1+s2], $0x80, $0x38;
	[tilespmem:$0x8200] =	vst v63  }
0xd1: {  	s23 =	sand.u32 $0x1FFFFFF0, s22;
	s24 =	spop (v2sf);
	s0 =	sadd.s32 s3, s21  }
0xd2: {  	[tilespmem:s18], [sflag:$0x2] =	stream.linear.gather [hbm4b:s0+s2], $0x80, $0x38;
	[tilespmem:$0x8200] =	vst v63  }
0xd3: {  	s26 =	sadd.s32 $0x4900, s16;
	s25 =	sand.u32 $0x1FFFFFF0, s24;
	s1 =	sadd.s32 s3, s23  }
0xd4: {  	[tilespmem:s26], [sflag:$0x2] =	stream.linear.gather [hbm4b:s1+s2], $0x80, $0x38;
	[tilespmem:$0x8200] =	vst v63  }
0xd5: {  	s28 =	sadd.s32 $0x4980, s16;
	s0 =	sadd.s32 s3, s25  }
0xd6: {  	[tilespmem:s28], [sflag:$0x2] =	stream.linear.gather [hbm4b:s0+s2], $0x80, $0x38;
	[tilespmem:$0x8200] =	vst v63  }
0xd7: {  	_ =	swait.ge [sflag:s11], $0x4000  }
0xd8: {  	s31 =	simm.s32 $0x200;
	[sflag:s11] =	ssyncset.done $0x0  }
0xd9: {  	s29 =	simm.s32 $0x0;
	s30 =	rddreg [dreg:$0x4];
	[sflag:s11] =	ssyncadd.s32 $0xFFFFC000  }
0xda: {  	[hbm4b:s30+s29] =	stream.linear.scatter [tilespmem:s31], [sflag:$0x3], $0x4000, $0x38;
	[tilespmem:$0x8200] =	vst v63  }
0xdb: {  	_ =	swait.ge [sflag:s10], $0x4000  }
0xdc: {  	[sflag:s10] =	ssyncset.done $0x0  }
0xdd: {  	s17 =	simm.s32 $0x100;
	[sflag:s10] =	ssyncadd.s32 $0xFFFFC000  }
0xde: {  	v0 =	vld [tilespmem:s17+$0x0];
	_ =	sdelay $0x4  }
0xdf: {  	v0 =	vshll.u32 v0, $0x4  }
0xe0: {  	(v2sf) =	vpush v0, $0x0  }
0xe1: {  	(v2sf) =	vpush v0, $0x1  }
0xe2: {  	(v2sf) =	vpush v0, $0x2;
	_ =	sdelay $0x1  }
0xe3: {  	(v2sf) =	vpush v0, $0x4;
	_ =	sdelay $0x1  }
0xe4: {  	(v2sf) =	vpush v0, $0x3  }
0xe5: {  	(v2sf) =	vpush v0, $0x5  }
0xe6: {  	s16 =	simm.s32 $0x0;
	s18 =	simm.s32 $0x2000;
	(v2sf) =	vpush v0, $0x6  }
.LBB2_6:
0xe7: {  	p0 =	sne.s32 s18, $0xE000  }
0xe8: {  	s0 =	sadd.s32 $0x280, s16;
	s22 =	sadd.s32 $0x780, s16;
	s19 =	smov.u32 s18  }
0xe9: {  	s18 =	sadd.s32 $0x2000, s18;
	s25 =	sadd.s32 $0x580, s16;
	s20 =	sadd.s32 $0x800, s16;
	(v2sf) =	vpush v0, $0x7  }
0xea: {  	s28 =	sadd.s32 $0x480, s16;
	s24 =	sadd.s32 $0x600, s16;
	s21 =	sadd.s32 $0x880, s16  }
0xeb: {  	s1 =	sadd.s32 $0x200, s16;
	s4 =	sadd.s32 $0x400, s16;
	(v2sf) =	vpush v0, $0x8  }
0xec: {  	s5 =	sadd.s32 $0x500, s16;
	s17 =	sadd.s32 $0x10, s17  }
0xed: {  	s12 =	sadd.s32 $0x300, s16;
	s23 =	sadd.s32 $0x700, s16;
	s14 =	spop (v2sf);
	(v2sf) =	vpush v0, $0x9  }
0xee: {  	s26 =	sadd.s32 $0x680, s16;
	s14 =	sand.u32 $0x1FFFFFF0, s14;
	s29 =	spop (v2sf)  }
0xef: {  	s14 =	sadd.s32 s3, s14;
	s29 =	sand.u32 $0x1FFFFFF0, s29;
	s30 =	spop (v2sf);
	(v2sf) =	vpush v0, $0xA  }
0xf0: {  	[tilespmem:s1], [sflag:$0x1] =	stream.linear.gather [hbm4b:s14+s2], $0x80, $0x38;
	[tilespmem:$0x8200] =	vst v63  }
0xf1: {  	s1 =	sadd.s32 s3, s29;
	s14 =	sadd.s32 $0x380, s16;
	s29 =	spop (v2sf);
	(v2sf) =	vpush v0, $0xB  }
0xf2: {  	[tilespmem:s0], [sflag:$0x1] =	stream.linear.gather [hbm4b:s1+s2], $0x80, $0x38;
	[tilespmem:$0x8200] =	vst v63  }
0xf3: {  	s0 =	sand.u32 $0x1FFFFFF0, s30;
	s1 =	sand.u32 $0x1FFFFFF0, s29;
	s29 =	spop (v2sf);
	(v2sf) =	vpush v0, $0xC  }
0xf4: {  	s0 =	sadd.s32 s3, s0;
	s29 =	sand.u32 $0x1FFFFFF0, s29;
	s30 =	spop (v2sf)  }
0xf5: {  	[tilespmem:s12], [sflag:$0x1] =	stream.linear.gather [hbm4b:s0+s2], $0x80, $0x38;
	(v2sf) =	vpush v0, $0xD;
	[tilespmem:$0x8200] =	vst v63  }
0xf6: {  	s0 =	sadd.s32 s3, s29;
	s12 =	sand.u32 $0x1FFFFFF0, s30;
	s29 =	spop (v2sf)  }
0xf7: {  	[tilespmem:s14], [sflag:$0x1] =	stream.linear.gather [hbm4b:s0+s2], $0x80, $0x38;
	(v2sf) =	vpush v0, $0xE;
	[tilespmem:$0x8200] =	vst v63  }
0xf8: {  	s0 =	sadd.s32 s3, s1;
	s1 =	sand.u32 $0x1FFFFFF0, s29;
	s14 =	spop (v2sf)  }
0xf9: {  	[tilespmem:s4], [sflag:$0x1] =	stream.linear.gather [hbm4b:s0+s2], $0x80, $0x38;
	(v2sf) =	vpush v0, $0xF;
	[tilespmem:$0x8200] =	vst v63  }
0xfa: {  	s0 =	sadd.s32 s3, s12;
	s4 =	sand.u32 $0x1FFFFFF0, s14;
	s12 =	spop (v2sf)  }
0xfb: {  	[tilespmem:s28], [sflag:$0x1] =	stream.linear.gather [hbm4b:s0+s2], $0x80, $0x38;
	[tilespmem:$0x8200] =	vst v63  }
0xfc: {  	s0 =	sadd.s32 s3, s1;
	s1 =	sand.u32 $0x1FFFFFF0, s12;
	s12 =	spop (v2sf)  }
0xfd: {  	[tilespmem:s5], [sflag:$0x1] =	stream.linear.gather [hbm4b:s0+s2], $0x80, $0x38;
	[tilespmem:$0x8200] =	vst v63  }
0xfe: {  	s0 =	sadd.s32 s3, s4;
	s4 =	sand.u32 $0x1FFFFFF0, s12;
	s5 =	spop (v2sf)  }
0xff: {  	[tilespmem:s25], [sflag:$0x1] =	stream.linear.gather [hbm4b:s0+s2], $0x80, $0x38;
	[tilespmem:$0x8200] =	vst v63  }
0x100: {  	s0 =	sadd.s32 s3, s1;
	s1 =	sand.u32 $0x1FFFFFF0, s5;
	s5 =	spop (v2sf)  }
0x101: {  	[tilespmem:s24], [sflag:$0x1] =	stream.linear.gather [hbm4b:s0+s2], $0x80, $0x38;
	[tilespmem:$0x8200] =	vst v63  }
0x102: {  	s0 =	sadd.s32 s3, s4;
	s4 =	sand.u32 $0x1FFFFFF0, s5;
	s5 =	spop (v2sf)  }
0x103: {  	[tilespmem:s26], [sflag:$0x1] =	stream.linear.gather [hbm4b:s0+s2], $0x80, $0x38;
	[tilespmem:$0x8200] =	vst v63  }
0x104: {  	s0 =	sadd.s32 s3, s1;
	s1 =	sand.u32 $0x1FFFFFF0, s5;
	s5 =	spop (v2sf)  }
0x105: {  	[tilespmem:s23], [sflag:$0x1] =	stream.linear.gather [hbm4b:s0+s2], $0x80, $0x38;
	[tilespmem:$0x8200] =	vst v63  }
0x106: {  	s0 =	sadd.s32 s3, s4;
	s4 =	sand.u32 $0x1FFFFFF0, s5;
	s5 =	spop (v2sf)  }
0x107: {  	[tilespmem:s22], [sflag:$0x1] =	stream.linear.gather [hbm4b:s0+s2], $0x80, $0x38;
	[tilespmem:$0x8200] =	vst v63  }
0x108: {  	s0 =	sadd.s32 s3, s1;
	s1 =	sand.u32 $0x1FFFFFF0, s5;
	s5 =	spop (v2sf)  }
0x109: {  	[tilespmem:s20], [sflag:$0x1] =	stream.linear.gather [hbm4b:s0+s2], $0x80, $0x38;
	[tilespmem:$0x8200] =	vst v63  }
0x10a: {  	s0 =	sadd.s32 s3, s4;
	s4 =	sand.u32 $0x1FFFFFF0, s5  }
0x10b: {  	[tilespmem:s21], [sflag:$0x1] =	stream.linear.gather [hbm4b:s0+s2], $0x80, $0x38;
	[tilespmem:$0x8200] =	vst v63  }
0x10c: {  	s1 =	sadd.s32 s3, s1;
	s0 =	sadd.s32 $0x900, s16  }
0x10d: {  	[tilespmem:s0], [sflag:$0x1] =	stream.linear.gather [hbm4b:s1+s2], $0x80, $0x38;
	[tilespmem:$0x8200] =	vst v63  }
0x10e: {  	s0 =	sadd.s32 $0x980, s16;
	s1 =	sadd.s32 s3, s4  }
0x10f: {  	[tilespmem:s0], [sflag:$0x1] =	stream.linear.gather [hbm4b:s1+s2], $0x80, $0x38;
	[tilespmem:$0x8200] =	vst v63  }
0x110: {  	v0 =	vld [tilespmem:s17+$0x0];
	_ =	sdelay $0x4  }
0x111: {  	v0 =	vshll.u32 v0, $0x4  }
0x112: {  	(v2sf) =	vpush v0, $0x0  }
0x113: {  	(v2sf) =	vpush v0, $0x1  }
0x114: {  	(v2sf) =	vpush v0, $0x2;
	_ =	sdelay $0x1  }
0x115: {  	(v2sf) =	vpush v0, $0x4  }
.Ltmp2:
0x116: {  	(pc) =	sbr.rel @p0 .LBB2_6-.Ltmp2, $3  }
0x117: {  	(v2sf) =	vpush v0, $0x3  }
0x118: {  	(v2sf) =	vpush v0, $0x5;
	_ =	sdelay $0x1  }
0x119: {  	s16 =	sshra.s32 s19, $0x2;
	(v2sf) =	vpush v0, $0x6  }
0x11a: {  	_ =	sdelay $0x1  }
0x11b: {  	s0 =	sadd.s32 $0x280, s16;
	s19 =	sadd.s32 $0x780, s16  }
0x11c: {  	s1 =	sadd.s32 $0x580, s16;
	s17 =	sadd.s32 $0x800, s16;
	(v2sf) =	vpush v0, $0x7;
	s4 =	sadd.s32 $0x480, s16  }
0x11d: {  	s5 =	sadd.s32 $0x600, s16;
	s18 =	sadd.s32 $0x880, s16;
	s12 =	sadd.s32 $0x200, s16  }
0x11e: {  	s14 =	sadd.s32 $0x400, s16;
	s20 =	sadd.s32 $0x500, s16;
	(v2sf) =	vpush v0, $0x8;
	s21 =	spop (v2sf)  }
0x11f: {  	s22 =	sadd.s32 $0x300, s16;
	s21 =	sand.u32 $0x1FFFFFF0, s21;
	s23 =	spop (v2sf)  }
0x120: {  	(v2sf) =	vpush v0, $0x9;
	s21 =	sadd.s32 s3, s21;
	s23 =	sand.u32 $0x1FFFFFF0, s23;
	s24 =	spop (v2sf)  }
0x121: {  	[tilespmem:s12], [sflag:$0x1] =	stream.linear.gather [hbm4b:s21+s2], $0x80, $0x38;
	[tilespmem:$0x8200] =	vst v63  }
0x122: {  	s25 =	sadd.s32 $0x380, s16;
	(v2sf) =	vpush v0, $0xA;
	s29 =	sadd.s32 s3, s23;
	s30 =	spop (v2sf)  }
0x123: {  	[tilespmem:s0], [sflag:$0x1] =	stream.linear.gather [hbm4b:s29+s2], $0x80, $0x38;
	[tilespmem:$0x8200] =	vst v63  }
0x124: {  	s12 =	sadd.s32 $0x700, s16;
	s26 =	sand.u32 $0x1FFFFFF0, s24;
	(v2sf) =	vpush v0, $0xB;
	s28 =	spop (v2sf)  }
0x125: {  	s21 =	sadd.s32 s3, s26;
	s0 =	sadd.s32 $0x680, s16;
	s24 =	sand.u32 $0x1FFFFFF0, s28  }
0x126: {  	(v2sf) =	vpush v0, $0xC;
	[tilespmem:s22], [sflag:$0x1] =	stream.linear.gather [hbm4b:s21+s2], $0x80, $0x38;
	[tilespmem:$0x8200] =	vst v63  }
0x127: {  	s29 =	sand.u32 $0x1FFFFFF0, s30;
	s30 =	spop (v2sf);
	s26 =	sadd.s32 s3, s24  }
0x128: {  	(v2sf) =	vpush v0, $0xD;
	[tilespmem:s25], [sflag:$0x1] =	stream.linear.gather [hbm4b:s26+s2], $0x80, $0x38;
	[tilespmem:$0x8200] =	vst v63  }
0x129: {  	s21 =	sadd.s32 s3, s29;
	s22 =	sand.u32 $0x1FFFFFF0, s30;
	s28 =	spop (v2sf)  }
0x12a: {  	(v2sf) =	vpush v0, $0xE;
	[tilespmem:s14], [sflag:$0x1] =	stream.linear.gather [hbm4b:s21+s2], $0x80, $0x38;
	[tilespmem:$0x8200] =	vst v63  }
0x12b: {  	s22 =	sadd.s32 s3, s22;
	s29 =	sand.u32 $0x1FFFFFF0, s28;
	s30 =	spop (v2sf)  }
0x12c: {  	(v2sf) =	vpush v0, $0xF;
	[tilespmem:s4], [sflag:$0x1] =	stream.linear.gather [hbm4b:s22+s2], $0x80, $0x38;
	[tilespmem:$0x8200] =	vst v63  }
0x12d: {  	s23 =	sand.u32 $0x1FFFFFF0, s30;
	s24 =	spop (v2sf);
	s14 =	sadd.s32 s3, s29  }
0x12e: {  	[tilespmem:s20], [sflag:$0x1] =	stream.linear.gather [hbm4b:s14+s2], $0x80, $0x38;
	[tilespmem:$0x8200] =	vst v63  }
0x12f: {  	s25 =	sand.u32 $0x1FFFFFF0, s24;
	s4 =	sadd.s32 s3, s23;
	s26 =	spop (v2sf)  }
0x130: {  	[tilespmem:s1], [sflag:$0x1] =	stream.linear.gather [hbm4b:s4+s2], $0x80, $0x38;
	[tilespmem:$0x8200] =	vst v63  }
0x131: {  	s14 =	sadd.s32 s3, s25;
	s28 =	sand.u32 $0x1FFFFFF0, s26;
	s29 =	spop (v2sf)  }
0x132: {  	[tilespmem:s5], [sflag:$0x1] =	stream.linear.gather [hbm4b:s14+s2], $0x80, $0x38;
	[tilespmem:$0x8200] =	vst v63  }
0x133: {  	s4 =	sand.u32 $0x1FFFFFF0, s29;
	s1 =	sadd.s32 s3, s28;
	s30 =	spop (v2sf)  }
0x134: {  	[tilespmem:s0], [sflag:$0x1] =	stream.linear.gather [hbm4b:s1+s2], $0x80, $0x38;
	[tilespmem:$0x8200] =	vst v63  }
0x135: {  	s4 =	sadd.s32 s3, s4;
	s5 =	sand.u32 $0x1FFFFFF0, s30;
	s14 =	spop (v2sf)  }
0x136: {  	[tilespmem:s12], [sflag:$0x1] =	stream.linear.gather [hbm4b:s4+s2], $0x80, $0x38;
	[tilespmem:$0x8200] =	vst v63  }
0x137: {  	s0 =	sadd.s32 s3, s5;
	s1 =	sand.u32 $0x1FFFFFF0, s14;
	s20 =	spop (v2sf)  }
0x138: {  	[tilespmem:s19], [sflag:$0x1] =	stream.linear.gather [hbm4b:s0+s2], $0x80, $0x38;
	[tilespmem:$0x8200] =	vst v63  }
0x139: {  	s21 =	sand.u32 $0x1FFFFFF0, s20;
	s1 =	sadd.s32 s3, s1;
	s22 =	spop (v2sf)  }
0x13a: {  	[tilespmem:s17], [sflag:$0x1] =	stream.linear.gather [hbm4b:s1+s2], $0x80, $0x38;
	[tilespmem:$0x8200] =	vst v63  }
0x13b: {  	s23 =	sand.u32 $0x1FFFFFF0, s22;
	s24 =	spop (v2sf);
	s0 =	sadd.s32 s3, s21  }
0x13c: {  	[tilespmem:s18], [sflag:$0x1] =	stream.linear.gather [hbm4b:s0+s2], $0x80, $0x38;
	[tilespmem:$0x8200] =	vst v63  }
0x13d: {  	s26 =	sadd.s32 $0x900, s16;
	s25 =	sand.u32 $0x1FFFFFF0, s24;
	s1 =	sadd.s32 s3, s23  }
0x13e: {  	[tilespmem:s26], [sflag:$0x1] =	stream.linear.gather [hbm4b:s1+s2], $0x80, $0x38;
	[tilespmem:$0x8200] =	vst v63  }
0x13f: {  	s28 =	sadd.s32 $0x980, s16;
	s0 =	sadd.s32 s3, s25  }
0x140: {  	[tilespmem:s28], [sflag:$0x1] =	stream.linear.gather [hbm4b:s0+s2], $0x80, $0x38;
	[tilespmem:$0x8200] =	vst v63  }
0x141: {  	_ =	swait.ge [sflag:s13], $0x4000  }
0x142: {  	[sflag:s13] =	ssyncset.done $0x0  }
0x143: {  	s29 =	simm.s32 $0x0;
	s30 =	simm.s32 $0x4200;
	[sflag:s13] =	ssyncadd.s32 $0xFFFFC000  }
0x144: {  	[hbm4b:s6+s29] =	stream.linear.scatter [tilespmem:s30], [sflag:$0x3], $0x4000, $0x38;
	[tilespmem:$0x8200] =	vst v63  }
0x145: {  	_ =	swait.ge [sflag:s10], $0x4000  }
0x146: {  	[sflag:s10] =	ssyncset.done $0x0  }
0x147: {  	s17 =	simm.s32 $0x180;
	[sflag:s10] =	ssyncadd.s32 $0xFFFFC000  }
0x148: {  	v0 =	vld [tilespmem:s17+$0x0];
	_ =	sdelay $0x4  }
0x149: {  	v0 =	vshll.u32 v0, $0x4  }
0x14a: {  	(v2sf) =	vpush v0, $0x0  }
0x14b: {  	(v2sf) =	vpush v0, $0x1  }
0x14c: {  	(v2sf) =	vpush v0, $0x2;
	_ =	sdelay $0x1  }
0x14d: {  	(v2sf) =	vpush v0, $0x4;
	_ =	sdelay $0x1  }
0x14e: {  	(v2sf) =	vpush v0, $0x3  }
0x14f: {  	(v2sf) =	vpush v0, $0x5  }
0x150: {  	s16 =	simm.s32 $0x0;
	s18 =	simm.s32 $0x2000;
	(v2sf) =	vpush v0, $0x6  }
.LBB2_8:
0x151: {  	p0 =	sne.s32 s18, $0xE000  }
0x152: {  	s0 =	sadd.s32 $0x4280, s16;
	s22 =	sadd.s32 $0x4780, s16;
	s19 =	smov.u32 s18  }
0x153: {  	s18 =	sadd.s32 $0x2000, s18;
	s25 =	sadd.s32 $0x4580, s16;
	s20 =	sadd.s32 $0x4800, s16;
	(v2sf) =	vpush v0, $0x7  }
0x154: {  	s28 =	sadd.s32 $0x4480, s16;
	s24 =	sadd.s32 $0x4600, s16;
	s21 =	sadd.s32 $0x4880, s16  }
0x155: {  	s1 =	sadd.s32 $0x4200, s16;
	s4 =	sadd.s32 $0x4400, s16;
	(v2sf) =	vpush v0, $0x8  }
0x156: {  	s5 =	sadd.s32 $0x4500, s16;
	s17 =	sadd.s32 $0x10, s17  }
0x157: {  	s12 =	sadd.s32 $0x4300, s16;
	s23 =	sadd.s32 $0x4700, s16;
	s14 =	spop (v2sf);
	(v2sf) =	vpush v0, $0x9  }
0x158: {  	s26 =	sadd.s32 $0x4680, s16;
	s14 =	sand.u32 $0x1FFFFFF0, s14;
	s29 =	spop (v2sf)  }
0x159: {  	s14 =	sadd.s32 s3, s14;
	s29 =	sand.u32 $0x1FFFFFF0, s29;
	s30 =	spop (v2sf);
	(v2sf) =	vpush v0, $0xA  }
0x15a: {  	[tilespmem:s1], [sflag:$0x2] =	stream.linear.gather [hbm4b:s14+s2], $0x80, $0x38;
	[tilespmem:$0x8200] =	vst v63  }
0x15b: {  	s1 =	sadd.s32 s3, s29;
	s14 =	sadd.s32 $0x4380, s16;
	s29 =	spop (v2sf);
	(v2sf) =	vpush v0, $0xB  }
0x15c: {  	[tilespmem:s0], [sflag:$0x2] =	stream.linear.gather [hbm4b:s1+s2], $0x80, $0x38;
	[tilespmem:$0x8200] =	vst v63  }
0x15d: {  	s0 =	sand.u32 $0x1FFFFFF0, s30;
	s1 =	sand.u32 $0x1FFFFFF0, s29;
	s29 =	spop (v2sf);
	(v2sf) =	vpush v0, $0xC  }
0x15e: {  	s0 =	sadd.s32 s3, s0;
	s29 =	sand.u32 $0x1FFFFFF0, s29;
	s30 =	spop (v2sf)  }
0x15f: {  	[tilespmem:s12], [sflag:$0x2] =	stream.linear.gather [hbm4b:s0+s2], $0x80, $0x38;
	(v2sf) =	vpush v0, $0xD;
	[tilespmem:$0x8200] =	vst v63  }
0x160: {  	s0 =	sadd.s32 s3, s29;
	s12 =	sand.u32 $0x1FFFFFF0, s30;
	s29 =	spop (v2sf)  }
0x161: {  	[tilespmem:s14], [sflag:$0x2] =	stream.linear.gather [hbm4b:s0+s2], $0x80, $0x38;
	(v2sf) =	vpush v0, $0xE;
	[tilespmem:$0x8200] =	vst v63  }
0x162: {  	s0 =	sadd.s32 s3, s1;
	s1 =	sand.u32 $0x1FFFFFF0, s29;
	s14 =	spop (v2sf)  }
0x163: {  	[tilespmem:s4], [sflag:$0x2] =	stream.linear.gather [hbm4b:s0+s2], $0x80, $0x38;
	(v2sf) =	vpush v0, $0xF;
	[tilespmem:$0x8200] =	vst v63  }
0x164: {  	s0 =	sadd.s32 s3, s12;
	s4 =	sand.u32 $0x1FFFFFF0, s14;
	s12 =	spop (v2sf)  }
0x165: {  	[tilespmem:s28], [sflag:$0x2] =	stream.linear.gather [hbm4b:s0+s2], $0x80, $0x38;
	[tilespmem:$0x8200] =	vst v63  }
0x166: {  	s0 =	sadd.s32 s3, s1;
	s1 =	sand.u32 $0x1FFFFFF0, s12;
	s12 =	spop (v2sf)  }
0x167: {  	[tilespmem:s5], [sflag:$0x2] =	stream.linear.gather [hbm4b:s0+s2], $0x80, $0x38;
	[tilespmem:$0x8200] =	vst v63  }
0x168: {  	s0 =	sadd.s32 s3, s4;
	s4 =	sand.u32 $0x1FFFFFF0, s12;
	s5 =	spop (v2sf)  }
0x169: {  	[tilespmem:s25], [sflag:$0x2] =	stream.linear.gather [hbm4b:s0+s2], $0x80, $0x38;
	[tilespmem:$0x8200] =	vst v63  }
0x16a: {  	s0 =	sadd.s32 s3, s1;
	s1 =	sand.u32 $0x1FFFFFF0, s5;
	s5 =	spop (v2sf)  }
0x16b: {  	[tilespmem:s24], [sflag:$0x2] =	stream.linear.gather [hbm4b:s0+s2], $0x80, $0x38;
	[tilespmem:$0x8200] =	vst v63  }
0x16c: {  	s0 =	sadd.s32 s3, s4;
	s4 =	sand.u32 $0x1FFFFFF0, s5;
	s5 =	spop (v2sf)  }
0x16d: {  	[tilespmem:s26], [sflag:$0x2] =	stream.linear.gather [hbm4b:s0+s2], $0x80, $0x38;
	[tilespmem:$0x8200] =	vst v63  }
0x16e: {  	s0 =	sadd.s32 s3, s1;
	s1 =	sand.u32 $0x1FFFFFF0, s5;
	s5 =	spop (v2sf)  }
0x16f: {  	[tilespmem:s23], [sflag:$0x2] =	stream.linear.gather [hbm4b:s0+s2], $0x80, $0x38;
	[tilespmem:$0x8200] =	vst v63  }
0x170: {  	s0 =	sadd.s32 s3, s4;
	s4 =	sand.u32 $0x1FFFFFF0, s5;
	s5 =	spop (v2sf)  }
0x171: {  	[tilespmem:s22], [sflag:$0x2] =	stream.linear.gather [hbm4b:s0+s2], $0x80, $0x38;
	[tilespmem:$0x8200] =	vst v63  }
0x172: {  	s0 =	sadd.s32 s3, s1;
	s1 =	sand.u32 $0x1FFFFFF0, s5;
	s5 =	spop (v2sf)  }
0x173: {  	[tilespmem:s20], [sflag:$0x2] =	stream.linear.gather [hbm4b:s0+s2], $0x80, $0x38;
	[tilespmem:$0x8200] =	vst v63  }
0x174: {  	s0 =	sadd.s32 s3, s4;
	s4 =	sand.u32 $0x1FFFFFF0, s5  }
0x175: {  	[tilespmem:s21], [sflag:$0x2] =	stream.linear.gather [hbm4b:s0+s2], $0x80, $0x38;
	[tilespmem:$0x8200] =	vst v63  }
0x176: {  	s1 =	sadd.s32 s3, s1;
	s0 =	sadd.s32 $0x4900, s16  }
0x177: {  	[tilespmem:s0], [sflag:$0x2] =	stream.linear.gather [hbm4b:s1+s2], $0x80, $0x38;
	[tilespmem:$0x8200] =	vst v63  }
0x178: {  	s0 =	sadd.s32 $0x4980, s16;
	s1 =	sadd.s32 s3, s4  }
0x179: {  	[tilespmem:s0], [sflag:$0x2] =	stream.linear.gather [hbm4b:s1+s2], $0x80, $0x38;
	[tilespmem:$0x8200] =	vst v63  }
0x17a: {  	v0 =	vld [tilespmem:s17+$0x0];
	_ =	sdelay $0x4  }
0x17b: {  	v0 =	vshll.u32 v0, $0x4  }
0x17c: {  	(v2sf) =	vpush v0, $0x0  }
0x17d: {  	(v2sf) =	vpush v0, $0x1  }
0x17e: {  	(v2sf) =	vpush v0, $0x2;
	_ =	sdelay $0x1  }
0x17f: {  	(v2sf) =	vpush v0, $0x4  }
.Ltmp3:
0x180: {  	(pc) =	sbr.rel @p0 .LBB2_8-.Ltmp3, $3  }
0x181: {  	(v2sf) =	vpush v0, $0x3  }
0x182: {  	(v2sf) =	vpush v0, $0x5;
	_ =	sdelay $0x1  }
0x183: {  	s16 =	sshra.s32 s19, $0x2;
	(v2sf) =	vpush v0, $0x6  }
0x184: {  	_ =	sdelay $0x5  }
0x185: {  	s0 =	spop (v2sf)  }
0x186: {  	s1 =	spop (v2sf)  }
0x187: {  	s18 =	spop (v2sf)  }
0x188: {  	s21 =	spop (v2sf);
	(v2sf) =	vpush v0, $0x7  }
0x189: {  	s0 =	sand.u32 $0x1FFFFFF0, s0  }
0x18a: {  	s4 =	sadd.s32 $0x4200, s16;
	s0 =	sadd.s32 s3, s0  }
0x18b: {  	[tilespmem:s4], [sflag:$0x2] =	stream.linear.gather [hbm4b:s0+s2], $0x80, $0x38;
	[tilespmem:$0x8200] =	vst v63  }
0x18c: {  	s1 =	sand.u32 $0x1FFFFFF0, s1;
	s22 =	spop (v2sf);
	(v2sf) =	vpush v0, $0x8  }
0x18d: {  	s17 =	sadd.s32 $0x4280, s16;
	s1 =	sadd.s32 s3, s1  }
0x18e: {  	[tilespmem:s17], [sflag:$0x2] =	stream.linear.gather [hbm4b:s1+s2], $0x80, $0x38;
	[tilespmem:$0x8200] =	vst v63  }
0x18f: {  	s19 =	sand.u32 $0x1FFFFFF0, s18;
	s26 =	spop (v2sf);
	(v2sf) =	vpush v0, $0x9  }
0x190: {  	s20 =	sadd.s32 $0x4300, s16;
	s0 =	sadd.s32 s3, s19  }
0x191: {  	[tilespmem:s20], [sflag:$0x2] =	stream.linear.gather [hbm4b:s0+s2], $0x80, $0x38;
	[tilespmem:$0x8200] =	vst v63  }
0x192: {  	s0 =	sand.u32 $0x1FFFFFF0, s22;
	s29 =	spop (v2sf);
	(v2sf) =	vpush v0, $0xA  }
0x193: {  	s23 =	sadd.s32 $0x4380, s16;
	s24 =	sand.u32 $0x1FFFFFF0, s21;
	s0 =	sadd.s32 s3, s0  }
0x194: {  	[tilespmem:s23], [sflag:$0x2] =	stream.linear.gather [hbm4b:s0+s2], $0x80, $0x38;
	[tilespmem:$0x8200] =	vst v63  }
0x195: {  	s25 =	sadd.s32 $0x4400, s16;
	s0 =	sadd.s32 s3, s24  }
0x196: {  	[tilespmem:s25], [sflag:$0x2] =	stream.linear.gather [hbm4b:s0+s2], $0x80, $0x38;
	[tilespmem:$0x8200] =	vst v63  }
0x197: {  	s0 =	sand.u32 $0x1FFFFFF0, s26;
	s1 =	spop (v2sf);
	(v2sf) =	vpush v0, $0xB  }
0x198: {  	s28 =	sadd.s32 $0x4480, s16;
	s0 =	sadd.s32 s3, s0  }
0x199: {  	[tilespmem:s28], [sflag:$0x2] =	stream.linear.gather [hbm4b:s0+s2], $0x80, $0x38;
	[tilespmem:$0x8200] =	vst v63  }
0x19a: {  	s0 =	sand.u32 $0x1FFFFFF0, s29  }
0x19b: {  	s30 =	sadd.s32 $0x4500, s16;
	s0 =	sadd.s32 s3, s0;
	s5 =	spop (v2sf);
	(v2sf) =	vpush v0, $0xC  }
0x19c: {  	[tilespmem:s30], [sflag:$0x2] =	stream.linear.gather [hbm4b:s0+s2], $0x80, $0x38;
	[tilespmem:$0x8200] =	vst v63  }
0x19d: {  	s0 =	sand.u32 $0x1FFFFFF0, s1  }
0x19e: {  	s4 =	sadd.s32 $0x4580, s16;
	s0 =	sadd.s32 s3, s0;
	s14 =	spop (v2sf);
	(v2sf) =	vpush v0, $0xD  }
0x19f: {  	[tilespmem:s4], [sflag:$0x2] =	stream.linear.gather [hbm4b:s0+s2], $0x80, $0x38;
	[tilespmem:$0x8200] =	vst v63  }
0x1a0: {  	s0 =	sand.u32 $0x1FFFFFF0, s5  }
0x1a1: {  	s12 =	sadd.s32 $0x4600, s16;
	s0 =	sadd.s32 s3, s0;
	s18 =	spop (v2sf);
	(v2sf) =	vpush v0, $0xE  }
0x1a2: {  	[tilespmem:s12], [sflag:$0x2] =	stream.linear.gather [hbm4b:s0+s2], $0x80, $0x38;
	[tilespmem:$0x8200] =	vst v63  }
0x1a3: {  	s0 =	sand.u32 $0x1FFFFFF0, s14  }
0x1a4: {  	s17 =	sadd.s32 $0x4680, s16;
	s0 =	sadd.s32 s3, s0  }
0x1a5: {  	[tilespmem:s17], [sflag:$0x2] =	stream.linear.gather [hbm4b:s0+s2], $0x80, $0x38;
	[tilespmem:$0x8200] =	vst v63  }
0x1a6: {  	s0 =	sand.u32 $0x1FFFFFF0, s18;
	s20 =	spop (v2sf);
	(v2sf) =	vpush v0, $0xF  }
0x1a7: {  	s19 =	sadd.s32 $0x4700, s16;
	s0 =	sadd.s32 s3, s0  }
0x1a8: {  	[tilespmem:s19], [sflag:$0x2] =	stream.linear.gather [hbm4b:s0+s2], $0x80, $0x38;
	[tilespmem:$0x8200] =	vst v63  }
0x1a9: {  	s0 =	sand.u32 $0x1FFFFFF0, s20  }
0x1aa: {  	s21 =	sadd.s32 $0x4780, s16;
	s0 =	sadd.s32 s3, s0;
	s22 =	spop (v2sf)  }
0x1ab: {  	[tilespmem:s21], [sflag:$0x2] =	stream.linear.gather [hbm4b:s0+s2], $0x80, $0x38;
	[tilespmem:$0x8200] =	vst v63  }
0x1ac: {  	s0 =	sand.u32 $0x1FFFFFF0, s22  }
0x1ad: {  	s23 =	sadd.s32 $0x4800, s16;
	s24 =	spop (v2sf);
	s0 =	sadd.s32 s3, s0  }
0x1ae: {  	[tilespmem:s23], [sflag:$0x2] =	stream.linear.gather [hbm4b:s0+s2], $0x80, $0x38;
	[tilespmem:$0x8200] =	vst v63  }
0x1af: {  	s0 =	sand.u32 $0x1FFFFFF0, s24  }
0x1b0: {  	s25 =	sadd.s32 $0x4880, s16;
	s26 =	spop (v2sf);
	s0 =	sadd.s32 s3, s0  }
0x1b1: {  	[tilespmem:s25], [sflag:$0x2] =	stream.linear.gather [hbm4b:s0+s2], $0x80, $0x38;
	[tilespmem:$0x8200] =	vst v63  }
0x1b2: {  	s0 =	sand.u32 $0x1FFFFFF0, s26  }
0x1b3: {  	s28 =	sadd.s32 $0x4900, s16;
	s0 =	sadd.s32 s3, s0  }
0x1b4: {  	[tilespmem:s28], [sflag:$0x2] =	stream.linear.gather [hbm4b:s0+s2], $0x80, $0x38;
	[tilespmem:$0x8200] =	vst v63  }
0x1b5: {  	s29 =	spop (v2sf)  }
0x1b6: {  	s0 =	sand.u32 $0x1FFFFFF0, s29  }
0x1b7: {  	s30 =	sadd.s32 $0x4980, s16;
	s0 =	sadd.s32 s3, s0  }
0x1b8: {  	[tilespmem:s30], [sflag:$0x2] =	stream.linear.gather [hbm4b:s0+s2], $0x80, $0x38;
	[tilespmem:$0x8200] =	vst v63  }
0x1b9: {  	_ =	swait.ge [sflag:s11], $0x4000  }
0x1ba: {  	[sflag:s11] =	ssyncset.done $0x0  }
0x1bb: {  	[sflag:s11] =	ssyncadd.s32 $0xFFFFC000  }
0x1bc: {  	[hbm4b:s7+s2] =	stream.linear.scatter [tilespmem:s31], [sflag:$0x3], $0x4000, $0x38;
	[tilespmem:$0x8200] =	vst v63  }
0x1bd: {  	_ =	swait.ge [sflag:s10], $0x4000  }
0x1be: {  	[sflag:s10] =	ssyncset.done $0x0  }
0x1bf: {  	[sflag:s10] =	ssyncadd.s32 $0xFFFFC000  }
0x1c0: {  	s15 =	sadd.s32 $0x1, s15;
	_ =	swait.ge [sflag:s13], $0x4000  }
0x1c1: {  	p0 =	sne.s32 s15, s9;
	[sflag:s13] =	ssyncset.done $0x0  }
.Ltmp4:
0x1c2: {  	s31 =	simm.s32 $0x4200;
	[sflag:s13] =	ssyncadd.s32 $0xFFFFC000;
	(pc) =	sbr.rel @p0 .LBB2_1-.Ltmp4, $4  }
0x1c3: {  	[hbm4b:s8+s2] =	stream.linear.scatter [tilespmem:s31], [sflag:$0x3], $0x4000, $0x38;
	[tilespmem:$0x8200] =	vst v63  }
0x1c4: {  	_ =	swait.ge [sflag:s10], $0x4000  }
0x1c5: {  	[sflag:s10] =	ssyncset.done $0x0  }
0x1c6: {  	[sflag:s10] =	ssyncadd.s32 $0xFFFFC000  }
0x1c7: {  	_ =	sfence.sel $0x180000  }
0x1c8: {  	[bflag:$0x0] =	sbarrier.arrive $0xFFFF  }
0x1c9: {  	_ =	strace $0x9000004A  }
0x1ca: {  	s0 =	stileid.u32;
	[bflag:$0x2] =	sbarrier.arrive $0xFFFF  }
0x1cb: {  	p0 =	sne.s32 s0, $0x0;
	s0 =	rddreg [dreg:$0x2]  }
0x1cc: {  	s0 =	sadd.s32 @!p0 $0x100000, s0  }
0x1cd: {  	[sflag:s0] =	ssyncadd.tile.s32 @!p0 $0x1;
	_ =	shalt  }
.Lfunc_end2:
_tile_overlayer_lowered:
.L_overlay_start_2:
0x1ce: {  	(tag) =	ssettag $0x2  }
0x1cf: {  	s0 =	rddreg [dreg:$0x0];
	s2 =	stileid.u32  }
0x1d0: {  	s1 =	rddreg [dreg:$0x1];
	p0 =	sne.s32 s2, $0x0  }
0x1d1: {  	s3 =	rddreg [dreg:$0x2];
	[bflag:$0x3] =	sbarrier.arrive $0xFFFF;
	s2 =	simm.s32 @!p0 $0x1C03  }
0x1d2: {  	[timem:s3], [sflag:s2] =	dma.local @!p0 [hbm:s0], s1  }
0x1d3: {  	s0 =	simm.s32 @!p0 $0x3  }
0x1d4: {  	_ =	swait.ge @!p0 [sflag:s0], s1  }
0x1d5: {  	s1 =	ssub.s32 @!p0 $0x0, s1;
	[sflag:s0] =	ssyncset.done @!p0 $0x0  }
0x1d6: {  	[sflag:s0] =	ssyncadd.s32 @!p0 s1  }
0x1d7: {  	[bflag:$0x3] =	sbarrier.arrive $0xFFFF  }
0x1d8: {  	_ =	shalt  }

// kernel: kernel.6.cloned.1.call-start
scs
__scs_entry_jumppad:
0x0: {  	(pc) =	sbr.rel $0x88, $3  }
0x1: {  	(tag) =	ssettag $0x0;
	lr =	simm.s32 $0x1  }
0x2: {  	[smem:$0x3F93] =	sst lr;
	_ =	strace $0xD0000000  }
0x3: {  	_ = 	snop  }
0x4: {  	_ = 	snop  }
0x5: {  	_ = 	snop  }
0x6: {  	_ = 	snop  }
0x7: {  	_ = 	snop  }
__scs_overlays_trampoline_lowered:
0x8: {  	[smem:$0x3FA2] =	sst s0  }
0x9: {  	[smem:$0x3FA3] =	sst s1  }
0xa: {  	[smem:$0x3FA4] =	sst s2  }
0xb: {  	[smem:$0x3FA5] =	sst s3  }
0xc: {  	[smem:$0x3FA6] =	sst s4  }
0xd: {  	[smem:$0x3FA7] =	sst s5  }
0xe: {  	[smem:$0x3FA8] =	sst s6  }
0xf: {  	[smem:$0x3FA9] =	sst s7  }
0x10: {  	[smem:$0x3FAA] =	sst s8  }
0x11: {  	[smem:$0x3FAB] =	sst s9;
	s0 =	simm.s32 @!p0 $0x0  }
0x12: {  	s1 =	sld [smem:$0x3F91];
	s0 =	simm.s32 @p0 $0x1  }
0x13: {  	[smem:$0x3FAC] =	sst s0;
	s0 =	simm.s32 @!p1 $0x0  }
0x14: {  	s2 =	sld [smem:$0x3F90];
	s0 =	simm.s32 @p1 $0x1  }
0x15: {  	[smem:$0x3FAD] =	sst s0;
	s0 =	simm.s32 @!p2 $0x0  }
0x16: {  	s3 =	sld [smem:$0x3FDB];
	s0 =	simm.s32 @p2 $0x1  }
0x17: {  	s4 =	simm.s32 $0x1BF5;
	[smem:$0x3FAF] =	sst s0  }
0x18: {  	s0 =	sld [smem:$0x3F92];
	_ =	swait.ge [sflag:s4], $0x0  }
0x19: {  	s7 =	sld [smem:$0x3F93]  }
0x1a: {  	s8 =	sadd.s32 $0xFFFFE003, lr  }
0x1b: {  	s9 =	sadd.s32 $0xFFFFFEF7, lr;
	s5 =	simm.s32 $0xFFFFFFFF;
	p2 =	slt.u32 s8, $0xFFFFF086  }
0x1c: {  	p1 =	slt.u32 s9, $0xF7A;
	s5 =	simm.s32 @!p2 $0x0  }
0x1d: {  	s5 =	simm.s32 @p1 $0x1;
	p0 =	seq.s32 s7, s2  }
0x1e: {  	s7 =	smul.u32 @!p0 $0xF7A, s2;
	p2 =	seq.s32 @!p0 s5, $0x0  }
0x1f: {  	s9 =	smul.u32 $0xF7A, s1;
	s8 =	simm.s32 @!p0 $0x1BF5;
	p2 =	por !p2, p0  }
0x20: {  	[sflag:s8] =	ssyncset.s32 @!p0 $0xFFFFF086;
	s6 =	sadd.s32 @!p0 s3, s7;
	s7 =	simm.s32 @!p0 $0x108  }
0x21: {  	s3 =	sadd.s32 s3, s9;
	s6 =	sadd.s32 @!p0 $0x88, s6;
	s7 =	simm.s32 @p2 $0x1082  }
0x22: {  	[simem:s7], [sflag:s8] =	dma.local @!p0 [hbm:s6], $0xF7A  }
0x23: {  	s9 =	sor.u32 $0xD0000000, s2;
	s6 =	simm.s32 $0x108;
	_ =	swait.ge @!p0 [sflag:s8], $0x0  }
0x24: {  	s3 =	sadd.s32 $0x88, s3;
	s6 =	simm.s32 @!p1 $0x1082;
	[sflag:s4] =	ssyncset.s32 $0xFFFFF086  }
0x25: {  	[simem:s6], [sflag:s4] =	dma.local [hbm:s3], $0xF7A  }
0x26: {  	[smem:$0x3F93] =	sst s1;
	(tag) =	ssettag s2;
	_ =	strace s9  }
0x27: {  	s1 =	sld [smem:$0x3FA3]  }
0x28: {  	s2 =	sld [smem:$0x3FA4]  }
0x29: {  	s4 =	sld [smem:$0x3FA6]  }
0x2a: {  	p0 =	seq.s32 s5, $0x0;
	s5 =	sld [smem:$0x3FA7]  }
0x2b: {  	s6 =	sld [smem:$0x3FA8]  }
0x2c: {  	s7 =	sld [smem:$0x3FA9]  }
0x2d: {  	s3 =	simm.s32 $0x108;
	s8 =	sld [smem:$0x3FAA]  }
0x2e: {  	s3 =	simm.s32 @!p0 $0x1082;
	s9 =	sld [smem:$0x3FAB]  }
0x2f: {  	lr =	sadd.s32 s0, s3;
	s0 =	sld [smem:$0x3FA2]  }
0x30: {  	s3 =	sld [smem:$0x3FA5]  }
0x31: {  	[smem:$0x3FAE] =	sst s10  }
0x32: {  	s10 =	sld [smem:$0x3FAC];
	_ =	sdelay $0x3  }
0x33: {  	p0 =	seq.s32 s10, $0x1;
	s10 =	sld [smem:$0x3FAE];
	_ =	sdelay $0x3  }
0x34: {  	[smem:$0x3FAE] =	sst s10  }
0x35: {  	s10 =	sld [smem:$0x3FAD];
	_ =	sdelay $0x3  }
0x36: {  	p1 =	seq.s32 s10, $0x1;
	s10 =	sld [smem:$0x3FAE];
	_ =	sdelay $0x3  }
0x37: {  	[smem:$0x3FAE] =	sst s10  }
0x38: {  	s10 =	sld [smem:$0x3FAF]  }
0x39: {  	_ = 	snop;
	(pc) =	sbr.ind lr, $3  }
0x3a: {  	_ = 	snop  }
0x3b: {  	_ = 	snop  }
0x3c: {  	p2 =	seq.s32 s10, $0x1;
	s10 =	sld [smem:$0x3FAE]  }
0x3d: {  	_ =	shalt  }
0x3e: {  	_ =	shalt  }
0x3f: {  	_ =	shalt  }
0x40: {  	_ =	shalt  }
0x41: {  	_ =	shalt  }
0x42: {  	_ =	shalt  }
0x43: {  	_ =	shalt  }
0x44: {  	_ =	shalt  }
0x45: {  	_ =	shalt  }
0x46: {  	_ =	shalt  }
0x47: {  	_ =	shalt  }
0x48: {  	_ =	shalt  }
0x49: {  	_ =	shalt  }
0x4a: {  	_ =	shalt  }
0x4b: {  	_ =	shalt  }
0x4c: {  	_ =	shalt  }
0x4d: {  	_ =	shalt  }
0x4e: {  	_ =	shalt  }
0x4f: {  	_ =	shalt  }
0x50: {  	_ =	shalt  }
0x51: {  	_ =	shalt  }
0x52: {  	_ =	shalt  }
0x53: {  	_ =	shalt  }
0x54: {  	_ =	shalt  }
0x55: {  	_ =	shalt  }
0x56: {  	_ =	shalt  }
0x57: {  	_ =	shalt  }
0x58: {  	_ =	shalt  }
0x59: {  	_ =	shalt  }
0x5a: {  	_ =	shalt  }
0x5b: {  	_ =	shalt  }
0x5c: {  	_ =	shalt  }
0x5d: {  	_ =	shalt  }
0x5e: {  	_ =	shalt  }
0x5f: {  	_ =	shalt  }
0x60: {  	_ =	shalt  }
0x61: {  	_ =	shalt  }
0x62: {  	_ =	shalt  }
0x63: {  	_ =	shalt  }
0x64: {  	_ =	shalt  }
0x65: {  	_ =	shalt  }
0x66: {  	_ =	shalt  }
0x67: {  	_ =	shalt  }
0x68: {  	_ =	shalt  }
0x69: {  	_ =	shalt  }
0x6a: {  	_ =	shalt  }
0x6b: {  	_ =	shalt  }
0x6c: {  	_ =	shalt  }
0x6d: {  	_ =	shalt  }
0x6e: {  	_ =	shalt  }
0x6f: {  	_ =	shalt  }
0x70: {  	_ =	shalt  }
0x71: {  	_ =	shalt  }
0x72: {  	_ =	shalt  }
0x73: {  	_ =	shalt  }
0x74: {  	_ =	shalt  }
0x75: {  	_ =	shalt  }
0x76: {  	_ =	shalt  }
0x77: {  	_ =	shalt  }
0x78: {  	_ =	shalt  }
0x79: {  	_ =	shalt  }
0x7a: {  	_ =	shalt  }
0x7b: {  	_ =	shalt  }
0x7c: {  	_ =	shalt  }
0x7d: {  	_ =	shalt  }
0x7e: {  	_ =	shalt  }
0x7f: {  	_ =	shalt  }
0x80: {  	_ =	shalt  }
0x81: {  	_ =	shalt  }
0x82: {  	_ =	shalt  }
0x83: {  	_ =	shalt  }
0x84: {  	_ =	shalt  }
0x85: {  	_ =	shalt  }
0x86: {  	_ =	shalt  }
0x87: {  	_ =	shalt  }
.Lfunc_end0:
.L_simem_size_0:
called_computation_lowered:
.L_overlay_start_0:
0x88: {  	s2 =	sld [smem:$0x3FD9]  }
0x89: {  	s3 =	sld [smem:$0x3FFE];
	_ =	sdelay $0x1  }
0x8a: {  	s1 =	srdreg.scid  }
0x8b: {  	s0 =	sand.u32 $0x1, s1  }
0x8c: {  	s17 =	sshll.u32 s0, $0xA;
	s2 =	sadd.s32 s3, s2  }
0x8d: {  	s2 =	sadd.s32 s2, s17  }
0x8e: {  	[smem:$0x3FBA] =	sst s2  }
0x8f: {  	_ = 	snop  }
0x90: {  	s18 =	sld [smem:$0x3FC9]  }
0x91: {  	s4 =	sld [smem:$0x3FC8]  }
0x92: {  	s5 =	sld [smem:$0x3FC5]  }
0x93: {  	s6 =	sld [smem:$0x3FC4];
	(tm) =	ssettm $0x1  }
0x94: {  	s19 =	sld [smem:$0x3FFB];
	_ =	sdelay $0x3  }
0x95: {  	_ =	strace s19  }
0x96: {  	s2 =	sld [smem:$0x3FFC];
	_ =	sdelay $0x3  }
0x97: {  	_ =	strace s2  }
0x98: {  	s2 =	sld [smem:$0x3FFD];
	_ =	sdelay $0x3  }
0x99: {  	_ =	strace s2  }
0x9a: {  	_ =	strace $0x8FFFFFFF  }
0x9b: {  	s20 =	sld [smem:$0x3FDB];
	_ =	sdelay $0x1  }
0x9c: {  	s7 =	simm.s32 $_scs_section_size  }
0x9d: {  	s8 =	simm.s32 $_size__tile_overlayer_lowered;
	s9 =	simm.s32 $_tile_overlayer_lowered  }
0x9e: {  	s10 =	simm.s32 $0x1BFF;
	s21 =	sshll.u32 s9, $0x1;
	s7 =	sadd.s32 s7, s20  }
0x9f: {  	s22 =	simm.s32 $0x0;
	s8 =	sshll.u32 s8, $0x1;
	s9 =	sadd.s32 s21, s7  }
0xa0: {  	[timem:s22], [sflag:s10] =	dma.local [hbm:s9], s8  }
0xa1: {  	_ =	swait.ge [sflag:s10], s8  }
0xa2: {  	s8 =	ssub.s32 $0x0, s8;
	[sflag:s10] =	ssyncset.done $0x0  }
0xa3: {  	[sflag:s10] =	ssyncadd.s32 s8;
	_ =	sdelay $0x1  }
0xa4: {  	s23 =	simm.s32 $0x1B8B  }
0xa5: {  	_ =	swait.ge [sflag:s23], $0x1  }
0xa6: {  	[sflag:s23] =	ssyncset.done $0x0  }
0xa7: {  	[sflag:s23] =	ssyncadd.s32 $0xFFFFFFFF  }
0xa8: {  	s8 =	sld [smem:$0x0]  }
0xa9: {  	s9 =	sand.u32 $0xFFFFFFFE, s1  }
0xaa: {  	p0 =	sne.s32 s1, s9  }
0xab: {  	s9 =	sshll.u32 @p0 s9, $0xE  }
0xac: {  	s9 =	sadd.s32 @p0 $0x11B8D, s9;
	s10 =	sshll.u32 @p0 s8, $0x11  }
0xad: {  	s9 =	sor.u32 @p0 s10, s9  }
0xae: {  	[sflag:s9] =	ssyncadd.remote.s32 @p0 $0x1;
	_ =	sdelay $0x1  }
0xaf: {  	s9 =	simm.s32 @p0 $0x1B8D  }
0xb0: {  	_ =	swait.eq @p0 [sflag:s9], $0x1  }
0xb1: {  	[sflag:s9] =	ssyncadd.s32 @p0 $0xFFFFFFFF  }
0xb2: {  	s10 =	sshll.u32 @!p0 s1, $0xE  }
0xb3: {  	s10 =	sor.u32 @!p0 $0x4000, s10;
	s9 =	simm.s32 @!p0 $0x1B8D  }
0xb4: {  	s8 =	sshll.u32 @!p0 s8, $0x11;
	s10 =	sadd.s32 @!p0 $0x11B8D, s10;
	_ =	swait.eq @!p0 [sflag:s9], $0x1  }
0xb5: {  	s8 =	sor.u32 @!p0 s8, s10;
	[sflag:s9] =	ssyncadd.s32 @!p0 $0xFFFFFFFF  }
0xb6: {  	s25 =	simm.s32 $0x1B8E;
	s24 =	sld [smem:$0x3FFE];
	[sflag:s8] =	ssyncadd.remote.s32 @!p0 $0x1  }
0xb7: {  	s26 =	simm.s32 $execute0_lowered;
	[smem:$0x3FD2] =	sst s25  }
0xb8: {  	s9 =	sshll.u32 s26, $0x1;
	_ =	strace $0x8000004C;
	[dreg:$0x1] =	wrdreg $0xFFFFFFFF  }
0xb9: {  	s28 =	simm.s32 $_size_execute0_lowered;
	s7 =	sadd.s32 s7, s9;
	[dreg:$0x0] =	wrdreg $0x0  }
0xba: {  	s9 =	sshll.u32 s28, $0x1;
	[dreg:$0x2] =	wrdreg s7  }
0xbb: {  	[dreg:$0x3] =	wrdreg s9  }
0xbc: {  	[dreg:$0x4] =	wrdreg $0xC0  }
0xbd: {  	_ =	task [dreg:s22], $0x5FFFF  }
0xbe: {  	[dreg:$0x1] =	wrdreg $0xFFFFFFFF  }
0xbf: {  	[dreg:$0x0] =	wrdreg $0x60  }
0xc0: {  	[dreg:$0x2] =	wrdreg s18  }
0xc1: {  	[dreg:$0x3] =	wrdreg s4  }
0xc2: {  	[dreg:$0x4] =	wrdreg s5  }
0xc3: {  	[dreg:$0x5] =	wrdreg s6  }
0xc4: {  	[dreg:$0x6] =	wrdreg s24  }
0xc5: {  	[dreg:$0x7] =	wrdreg $0x9  }
0xc6: {  	_ =	task.clear_ibuf [dreg:s22], $0x8FFFF;
	_ =	strace $0x9000004C  }
0xc7: {  	s29 =	simm.s32 $0x9;
	_ =	strace $0x8000004E  }
0xc8: {  	_ =	swait.ge [sflag:s29], $0x1  }
0xc9: {  	[sflag:s29] =	ssyncadd.s32 $0xFFFFFFFF  }
0xca: {  	_ =	strace $0x9000004E  }
0xcb: {  	_ =	sfence  }
0xcc: {  	s30 =	sld [smem:$0x0];
	_ =	sdelay $0x2  }
0xcd: {  	s31 =	sshll.u32 s1, $0xD;
	s1 =	sshrl.u32 s1, $0x2  }
0xce: {  	s4 =	sand.u32 $0x4000, s31;
	s1 =	sadd.s32 s1, s30  }
0xcf: {  	s0 =	sor.u32 s4, s0;
	s1 =	sshll.u32 s1, $0x11  }
0xd0: {  	s0 =	sor.u32 s1, s0  }
0xd1: {  	s0 =	sadd.s32 $0x8F2B, s0  }
0xd2: {  	[sflag:s0] =	ssyncadd.remote.s32 $0x1  }
0xd3: {  	_ =	sfence.sel $0xFFFF  }
0xd4: {  	[dreg:$0x0] =	wrdreg $0xFFFFFFFF;
	(pc) =	sbr.abs _section_cstart, $3  }
0xd5: {  	[dreg:$0x1] =	wrdreg $0xFFFFFFFF  }
0xd6: {  	_ =	task.clear_ibuf [dreg:s22], $0x2FFFF;
	_ =	strace $0x9FFFFFFF  }
0xd7: {  	(tm) =	ssettm $0x7FFFFFFF  }
tec
execute0_lowered:
.L_overlay_start_1:
0x0: {  	(tag) =	ssettag $0x1  }
0x1: {  	s5 =	rddreg [dreg:$0x0]  }
0x2: {  	s7 =	rddreg [dreg:$0x1]  }
0x3: {  	s2 =	rddreg [dreg:$0x2]  }
0x4: {  	s3 =	rddreg [dreg:$0x3]  }
0x5: {  	s17 =	rddreg [dreg:$0x4];
	s4 =	srdreg.scid  }
0x6: {  	s0 =	rddreg [dreg:$0x5];
	s1 =	stileid.u32;
	s21 =	sand.u32 $0x1, s4  }
0x7: {  	s4 =	simm.s32 $0x0;
	s6 =	sshll.u32 s1, $0x7;
	s8 =	sshll.u32 s21, $0x6  }
0x8: {  	[smem:$0x7FF] =	sst s4;
	s8 =	sor.u32 s8, s6  }
0x9: {  	_ =	strace $0x8000004D;
	s6 =	sadd.s32 s5, s8;
	s5 =	simm.s32 $0x2  }
0xa: {  	[tilespmem:s4], [sflag:$0x2] =	stream.linear.gather [hbm4b:s6+s4], $0x200, $0x38;
	[tilespmem:$0x10400] =	vst v63  }
0xb: {  	_ =	swait.ge [sflag:s5], $0x200  }
0xc: {  	[sflag:s5] =	ssyncset.done $0x0  }
0xd: {  	s7 =	sadd.s32 s7, s8;
	s8 =	simm.s32 $0x200;
	[sflag:s5] =	ssyncadd.s32 $0xFFFFFE00  }
0xe: {  	[tilespmem:s8], [sflag:$0x2] =	stream.linear.gather [hbm4b:s7+s4], $0x200, $0x38;
	[tilespmem:$0x10400] =	vst v63  }
0xf: {  	_ =	swait.ge [sflag:s5], $0x200  }
0x10: {  	[sflag:s5] =	ssyncset.done $0x0  }
0x11: {  	s9 =	simm.s32 $0x80;
	s10 =	simm.s32 $0x400;
	[sflag:s5] =	ssyncadd.s32 $0xFFFFFE00  }
0x12: {  	[tilespmem:s10], [sflag:$0x1] =	stream.indirect.gather [hbm4b:s2+s9], $0x80, s4, s9, $0xb8;
	[tilespmem:$0x10400] =	vst v63  }
0x13: {  	s11 =	simm.s32 $0x4400  }
0x14: {  	[tilespmem:s11], [sflag:$0x1] =	stream.indirect.gather [hbm4b:s2+s9], $0x80, s9, s9, $0xb8;
	[tilespmem:$0x10400] =	vst v63  }
0x15: {  	s12 =	simm.s32 $0x100;
	s13 =	simm.s32 $0x8400  }
0x16: {  	[tilespmem:s13], [sflag:$0x1] =	stream.indirect.gather [hbm4b:s2+s9], $0x80, s12, s9, $0xb8;
	[tilespmem:$0x10400] =	vst v63  }
0x17: {  	s14 =	simm.s32 $0x180;
	s15 =	simm.s32 $0xC400;
	s16 =	simm.s32 $0x1  }
0x18: {  	[tilespmem:s15], [sflag:$0x1] =	stream.indirect.gather [hbm4b:s2+s9], $0x80, s14, s9, $0xb8;
	[tilespmem:$0x10400] =	vst v63  }
0x19: {  	_ =	swait.ge [sflag:s16], $0x4000  }
0x1a: {  	[sflag:s16] =	ssyncset.done $0x0  }
0x1b: {  	[sflag:s16] =	ssyncadd.s32 $0xFFFFC000  }
0x1c: {  	_ =	swait.ge [sflag:s16], $0x4000  }
0x1d: {  	[sflag:s16] =	ssyncset.done $0x0  }
0x1e: {  	[sflag:s16] =	ssyncadd.s32 $0xFFFFC000  }
0x1f: {  	_ =	swait.ge [sflag:s16], $0x4000  }
0x20: {  	[sflag:s16] =	ssyncset.done $0x0  }
0x21: {  	s18 =	sshll.u32 s1, $0xE;
	s19 =	sshll.u32 s21, $0xD;
	[sflag:s16] =	ssyncadd.s32 $0xFFFFC000  }
0x22: {  	s18 =	sor.u32 s19, s18;
	_ =	swait.ge [sflag:s16], $0x4000  }
0x23: {  	s22 =	sadd.s32 s18, s17;
	[sflag:s16] =	ssyncset.done $0x0  }
0x24: {  	s17 =	sadd.s32 $0x1F06E00, s22;
	[sflag:s16] =	ssyncadd.s32 $0xFFFFC000  }
0x25: {  	[hbm4b:s17+s4] =	stream.linear.scatter [tilespmem:s10], [sflag:$0x2], $0x10000, $0x38;
	[tilespmem:$0x10400] =	vst v63  }
0x26: {  	_ =	swait.ge [sflag:s5], $0x10000  }
0x27: {  	[sflag:s5] =	ssyncset.done $0x0  }
0x28: {  	[sflag:s5] =	ssyncadd.s32 $0xFFFF0000  }
0x29: {  	[tilespmem:s10], [sflag:$0x1] =	stream.indirect.gather [hbm4b:s3+s9], $0x80, s8, s9, $0xb8;
	[tilespmem:$0x10400] =	vst v63  }
0x2a: {  	s18 =	simm.s32 $0x280  }
0x2b: {  	[tilespmem:s11], [sflag:$0x1] =	stream.indirect.gather [hbm4b:s3+s9], $0x80, s18, s9, $0xb8;
	[tilespmem:$0x10400] =	vst v63  }
0x2c: {  	s19 =	simm.s32 $0x300  }
0x2d: {  	[tilespmem:s13], [sflag:$0x1] =	stream.indirect.gather [hbm4b:s3+s9], $0x80, s19, s9, $0xb8;
	[tilespmem:$0x10400] =	vst v63  }
0x2e: {  	s20 =	simm.s32 $0x380  }
0x2f: {  	[tilespmem:s15], [sflag:$0x1] =	stream.indirect.gather [hbm4b:s3+s9], $0x80, s20, s9, $0xb8;
	[tilespmem:$0x10400] =	vst v63  }
0x30: {  	_ =	swait.ge [sflag:s16], $0x4000  }
0x31: {  	[sflag:s16] =	ssyncset.done $0x0  }
0x32: {  	[sflag:s16] =	ssyncadd.s32 $0xFFFFC000  }
0x33: {  	_ =	swait.ge [sflag:s16], $0x4000  }
0x34: {  	[sflag:s16] =	ssyncset.done $0x0  }
0x35: {  	s21 =	ssub.s32 $0x2, s21;
	[sflag:s16] =	ssyncadd.s32 $0xFFFFC000  }
0x36: {  	s23 =	sshrl.u32 s21, $0x1;
	_ =	swait.ge [sflag:s16], $0x4000  }
0x37: {  	s23 =	ssub.s32 s21, s23;
	[sflag:s16] =	ssyncset.done $0x0  }
0x38: {  	s31 =	smax.u32 s23, $0x1;
	[sflag:s16] =	ssyncadd.s32 $0xFFFFC000  }
0x39: {  	p0 =	sne.s32 s31, $0x1;
	_ =	swait.ge [sflag:s16], $0x4000  }
.Ltmp0:
0x3a: {  	[sflag:s16] =	ssyncset.done $0x0;
	(pc) =	sbr.rel @!p0 .LBB2_2-.Ltmp0, $4  }
0x3b: {  	s21 =	sadd.s32 $0x1F46E00, s22;
	[sflag:s16] =	ssyncadd.s32 $0xFFFFC000  }
0x3c: {  	[hbm4b:s21+s4] =	stream.linear.scatter [tilespmem:s10], [sflag:$0x2], $0x10000, $0x38;
	[tilespmem:$0x10400] =	vst v63  }
0x3d: {  	_ =	swait.ge [sflag:s5], $0x10000  }
0x3e: {  	s22 =	sadd.s32 $0xFFFFFFFF, s31;
	[sflag:s5] =	ssyncset.done $0x0  }
.LBB2_1:
0x3f: {  	p0 =	sne.s32 s22, $0x1;
	s22 =	sadd.s32 $0xFFFFFFFF, s22;
	[sflag:s5] =	ssyncadd.s32 $0xFFFF0000  }
0x40: {  	[tilespmem:s4], [sflag:$0x2] =	stream.linear.gather [hbm4b:s6+s4], $0x200, $0x38;
	[tilespmem:$0x10400] =	vst v63  }
0x41: {  	_ =	swait.ge [sflag:s5], $0x200  }
0x42: {  	[sflag:s5] =	ssyncset.done $0x0  }
0x43: {  	[sflag:s5] =	ssyncadd.s32 $0xFFFFFE00  }
0x44: {  	[tilespmem:s8], [sflag:$0x2] =	stream.linear.gather [hbm4b:s7+s4], $0x200, $0x38;
	[tilespmem:$0x10400] =	vst v63  }
0x45: {  	_ =	swait.ge [sflag:s5], $0x200  }
0x46: {  	[sflag:s5] =	ssyncset.done $0x0  }
0x47: {  	[sflag:s5] =	ssyncadd.s32 $0xFFFFFE00  }
0x48: {  	[tilespmem:s10], [sflag:$0x1] =	stream.indirect.gather [hbm4b:s2+s9], $0x80, s4, s9, $0xb8;
	[tilespmem:$0x10400] =	vst v63  }
0x49: {  	_ = 	snop  }
0x4a: {  	[tilespmem:s11], [sflag:$0x1] =	stream.indirect.gather [hbm4b:s2+s9], $0x80, s9, s9, $0xb8;
	[tilespmem:$0x10400] =	vst v63  }
0x4b: {  	_ = 	snop  }
0x4c: {  	[tilespmem:s13], [sflag:$0x1] =	stream.indirect.gather [hbm4b:s2+s9], $0x80, s12, s9, $0xb8;
	[tilespmem:$0x10400] =	vst v63  }
0x4d: {  	_ = 	snop  }
0x4e: {  	[tilespmem:s15], [sflag:$0x1] =	stream.indirect.gather [hbm4b:s2+s9], $0x80, s14, s9, $0xb8;
	[tilespmem:$0x10400] =	vst v63  }
0x4f: {  	_ =	swait.ge [sflag:s16], $0x4000  }
0x50: {  	[sflag:s16] =	ssyncset.done $0x0  }
0x51: {  	[sflag:s16] =	ssyncadd.s32 $0xFFFFC000  }
0x52: {  	_ =	swait.ge [sflag:s16], $0x4000  }
0x53: {  	[sflag:s16] =	ssyncset.done $0x0  }
0x54: {  	[sflag:s16] =	ssyncadd.s32 $0xFFFFC000  }
0x55: {  	_ =	swait.ge [sflag:s16], $0x4000  }
0x56: {  	[sflag:s16] =	ssyncset.done $0x0  }
0x57: {  	[sflag:s16] =	ssyncadd.s32 $0xFFFFC000  }
0x58: {  	_ =	swait.ge [sflag:s16], $0x4000  }
0x59: {  	[sflag:s16] =	ssyncset.done $0x0  }
0x5a: {  	[sflag:s16] =	ssyncadd.s32 $0xFFFFC000  }
0x5b: {  	[hbm4b:s17+s4] =	stream.linear.scatter [tilespmem:s10], [sflag:$0x2], $0x10000, $0x38;
	[tilespmem:$0x10400] =	vst v63  }
0x5c: {  	_ =	swait.ge [sflag:s5], $0x10000  }
0x5d: {  	[sflag:s5] =	ssyncset.done $0x0  }
0x5e: {  	[sflag:s5] =	ssyncadd.s32 $0xFFFF0000  }
0x5f: {  	[tilespmem:s10], [sflag:$0x1] =	stream.indirect.gather [hbm4b:s3+s9], $0x80, s8, s9, $0xb8;
	[tilespmem:$0x10400] =	vst v63  }
0x60: {  	_ = 	snop  }
0x61: {  	[tilespmem:s11], [sflag:$0x1] =	stream.indirect.gather [hbm4b:s3+s9], $0x80, s18, s9, $0xb8;
	[tilespmem:$0x10400] =	vst v63  }
0x62: {  	_ = 	snop  }
0x63: {  	[tilespmem:s13], [sflag:$0x1] =	stream.indirect.gather [hbm4b:s3+s9], $0x80, s19, s9, $0xb8;
	[tilespmem:$0x10400] =	vst v63  }
0x64: {  	_ = 	snop  }
0x65: {  	[tilespmem:s15], [sflag:$0x1] =	stream.indirect.gather [hbm4b:s3+s9], $0x80, s20, s9, $0xb8;
	[tilespmem:$0x10400] =	vst v63  }
0x66: {  	_ =	swait.ge [sflag:s16], $0x4000  }
0x67: {  	[sflag:s16] =	ssyncset.done $0x0  }
0x68: {  	[sflag:s16] =	ssyncadd.s32 $0xFFFFC000  }
0x69: {  	_ =	swait.ge [sflag:s16], $0x4000  }
0x6a: {  	[sflag:s16] =	ssyncset.done $0x0  }
0x6b: {  	[sflag:s16] =	ssyncadd.s32 $0xFFFFC000  }
0x6c: {  	_ =	swait.ge [sflag:s16], $0x4000  }
0x6d: {  	[sflag:s16] =	ssyncset.done $0x0  }
0x6e: {  	[sflag:s16] =	ssyncadd.s32 $0xFFFFC000  }
0x6f: {  	_ =	swait.ge [sflag:s16], $0x4000  }
.Ltmp1:
0x70: {  	[sflag:s16] =	ssyncset.done $0x0;
	(pc) =	sbr.rel @p0 .LBB2_1-.Ltmp1, $4  }
0x71: {  	[sflag:s16] =	ssyncadd.s32 $0xFFFFC000  }
0x72: {  	[hbm4b:s21+s4] =	stream.linear.scatter [tilespmem:s10], [sflag:$0x2], $0x10000, $0x38;
	[tilespmem:$0x10400] =	vst v63  }
0x73: {  	_ =	swait.ge [sflag:s5], $0x10000  }
0x74: {  	[sflag:s5] =	ssyncset.done $0x0  }
.LBB2_2:
0x75: {  	[sflag:s5] =	ssyncadd.s32 $0xFFFF0000  }
0x76: {  	_ =	sfence.sel $0x180000  }
0x77: {  	[bflag:$0x0] =	sbarrier.arrive $0xFFFF  }
0x78: {  	p0 =	sne.s32 s1, $0x0;
	_ =	strace $0x9000004D  }
0x79: {  	s0 =	sadd.s32 @!p0 $0x100000, s0;
	[bflag:$0x2] =	sbarrier.arrive $0xFFFF  }
0x7a: {  	[sflag:s0] =	ssyncadd.tile.s32 @!p0 $0x1;
	_ =	shalt  }
.Lfunc_end2:
_tile_overlayer_lowered:
.L_overlay_start_2:
0x7b: {  	(tag) =	ssettag $0x2  }
0x7c: {  	s0 =	rddreg [dreg:$0x0];
	s2 =	stileid.u32  }
0x7d: {  	s1 =	rddreg [dreg:$0x1];
	p0 =	sne.s32 s2, $0x0  }
0x7e: {  	s3 =	rddreg [dreg:$0x2];
	[bflag:$0x3] =	sbarrier.arrive $0xFFFF;
	s2 =	simm.s32 @!p0 $0x1C02  }
0x7f: {  	[timem:s3], [sflag:s2] =	dma.local @!p0 [hbm:s0], s1  }
0x80: {  	s0 =	simm.s32 @!p0 $0x2  }
0x81: {  	_ =	swait.ge @!p0 [sflag:s0], s1  }
0x82: {  	s1 =	ssub.s32 @!p0 $0x0, s1;
	[sflag:s0] =	ssyncset.done @!p0 $0x0  }
0x83: {  	[sflag:s0] =	ssyncadd.s32 @!p0 s1  }
0x84: {  	[bflag:$0x3] =	sbarrier.arrive $0xFFFF  }
0x85: {  	_ =	shalt  }

// kernel: kernel.9.cloned.1.call-start
scs
__scs_entry_jumppad:
0x0: {  	(pc) =	sbr.rel $0x88, $3  }
0x1: {  	(tag) =	ssettag $0x0;
	lr =	simm.s32 $0x1  }
0x2: {  	[smem:$0x3F93] =	sst lr;
	_ =	strace $0xD0000000  }
0x3: {  	_ = 	snop  }
0x4: {  	_ = 	snop  }
0x5: {  	_ = 	snop  }
0x6: {  	_ = 	snop  }
0x7: {  	_ = 	snop  }
__scs_overlays_trampoline_lowered:
0x8: {  	[smem:$0x3FA2] =	sst s0  }
0x9: {  	[smem:$0x3FA3] =	sst s1  }
0xa: {  	[smem:$0x3FA4] =	sst s2  }
0xb: {  	[smem:$0x3FA5] =	sst s3  }
0xc: {  	[smem:$0x3FA6] =	sst s4  }
0xd: {  	[smem:$0x3FA7] =	sst s5  }
0xe: {  	[smem:$0x3FA8] =	sst s6  }
0xf: {  	[smem:$0x3FA9] =	sst s7  }
0x10: {  	[smem:$0x3FAA] =	sst s8  }
0x11: {  	[smem:$0x3FAB] =	sst s9;
	s0 =	simm.s32 @!p0 $0x0  }
0x12: {  	s1 =	sld [smem:$0x3F91];
	s0 =	simm.s32 @p0 $0x1  }
0x13: {  	[smem:$0x3FAC] =	sst s0;
	s0 =	simm.s32 @!p1 $0x0  }
0x14: {  	s2 =	sld [smem:$0x3F90];
	s0 =	simm.s32 @p1 $0x1  }
0x15: {  	[smem:$0x3FAD] =	sst s0;
	s0 =	simm.s32 @!p2 $0x0  }
0x16: {  	s3 =	sld [smem:$0x3FDB];
	s0 =	simm.s32 @p2 $0x1  }
0x17: {  	s4 =	simm.s32 $0x1BF5;
	[smem:$0x3FAF] =	sst s0  }
0x18: {  	s0 =	sld [smem:$0x3F92];
	_ =	swait.ge [sflag:s4], $0x0  }
0x19: {  	s7 =	sld [smem:$0x3F93]  }
0x1a: {  	s8 =	sadd.s32 $0xFFFFE003, lr  }
0x1b: {  	s9 =	sadd.s32 $0xFFFFFEF7, lr;
	s5 =	simm.s32 $0xFFFFFFFF;
	p2 =	slt.u32 s8, $0xFFFFF086  }
0x1c: {  	p1 =	slt.u32 s9, $0xF7A;
	s5 =	simm.s32 @!p2 $0x0  }
0x1d: {  	s5 =	simm.s32 @p1 $0x1;
	p0 =	seq.s32 s7, s2  }
0x1e: {  	s7 =	smul.u32 @!p0 $0xF7A, s2;
	p2 =	seq.s32 @!p0 s5, $0x0  }
0x1f: {  	s9 =	smul.u32 $0xF7A, s1;
	s8 =	simm.s32 @!p0 $0x1BF5;
	p2 =	por !p2, p0  }
0x20: {  	[sflag:s8] =	ssyncset.s32 @!p0 $0xFFFFF086;
	s6 =	sadd.s32 @!p0 s3, s7;
	s7 =	simm.s32 @!p0 $0x108  }
0x21: {  	s3 =	sadd.s32 s3, s9;
	s6 =	sadd.s32 @!p0 $0x88, s6;
	s7 =	simm.s32 @p2 $0x1082  }
0x22: {  	[simem:s7], [sflag:s8] =	dma.local @!p0 [hbm:s6], $0xF7A  }
0x23: {  	s9 =	sor.u32 $0xD0000000, s2;
	s6 =	simm.s32 $0x108;
	_ =	swait.ge @!p0 [sflag:s8], $0x0  }
0x24: {  	s3 =	sadd.s32 $0x88, s3;
	s6 =	simm.s32 @!p1 $0x1082;
	[sflag:s4] =	ssyncset.s32 $0xFFFFF086  }
0x25: {  	[simem:s6], [sflag:s4] =	dma.local [hbm:s3], $0xF7A  }
0x26: {  	[smem:$0x3F93] =	sst s1;
	(tag) =	ssettag s2;
	_ =	strace s9  }
0x27: {  	s1 =	sld [smem:$0x3FA3]  }
0x28: {  	s2 =	sld [smem:$0x3FA4]  }
0x29: {  	s4 =	sld [smem:$0x3FA6]  }
0x2a: {  	p0 =	seq.s32 s5, $0x0;
	s5 =	sld [smem:$0x3FA7]  }
0x2b: {  	s6 =	sld [smem:$0x3FA8]  }
0x2c: {  	s7 =	sld [smem:$0x3FA9]  }
0x2d: {  	s3 =	simm.s32 $0x108;
	s8 =	sld [smem:$0x3FAA]  }
0x2e: {  	s3 =	simm.s32 @!p0 $0x1082;
	s9 =	sld [smem:$0x3FAB]  }
0x2f: {  	lr =	sadd.s32 s0, s3;
	s0 =	sld [smem:$0x3FA2]  }
0x30: {  	s3 =	sld [smem:$0x3FA5]  }
0x31: {  	[smem:$0x3FAE] =	sst s10  }
0x32: {  	s10 =	sld [smem:$0x3FAC];
	_ =	sdelay $0x3  }
0x33: {  	p0 =	seq.s32 s10, $0x1;
	s10 =	sld [smem:$0x3FAE];
	_ =	sdelay $0x3  }
0x34: {  	[smem:$0x3FAE] =	sst s10  }
0x35: {  	s10 =	sld [smem:$0x3FAD];
	_ =	sdelay $0x3  }
0x36: {  	p1 =	seq.s32 s10, $0x1;
	s10 =	sld [smem:$0x3FAE];
	_ =	sdelay $0x3  }
0x37: {  	[smem:$0x3FAE] =	sst s10  }
0x38: {  	s10 =	sld [smem:$0x3FAF]  }
0x39: {  	_ = 	snop;
	(pc) =	sbr.ind lr, $3  }
0x3a: {  	_ = 	snop  }
0x3b: {  	_ = 	snop  }
0x3c: {  	p2 =	seq.s32 s10, $0x1;
	s10 =	sld [smem:$0x3FAE]  }
0x3d: {  	_ =	shalt  }
0x3e: {  	_ =	shalt  }
0x3f: {  	_ =	shalt  }
0x40: {  	_ =	shalt  }
0x41: {  	_ =	shalt  }
0x42: {  	_ =	shalt  }
0x43: {  	_ =	shalt  }
0x44: {  	_ =	shalt  }
0x45: {  	_ =	shalt  }
0x46: {  	_ =	shalt  }
0x47: {  	_ =	shalt  }
0x48: {  	_ =	shalt  }
0x49: {  	_ =	shalt  }
0x4a: {  	_ =	shalt  }
0x4b: {  	_ =	shalt  }
0x4c: {  	_ =	shalt  }
0x4d: {  	_ =	shalt  }
0x4e: {  	_ =	shalt  }
0x4f: {  	_ =	shalt  }
0x50: {  	_ =	shalt  }
0x51: {  	_ =	shalt  }
0x52: {  	_ =	shalt  }
0x53: {  	_ =	shalt  }
0x54: {  	_ =	shalt  }
0x55: {  	_ =	shalt  }
0x56: {  	_ =	shalt  }
0x57: {  	_ =	shalt  }
0x58: {  	_ =	shalt  }
0x59: {  	_ =	shalt  }
0x5a: {  	_ =	shalt  }
0x5b: {  	_ =	shalt  }
0x5c: {  	_ =	shalt  }
0x5d: {  	_ =	shalt  }
0x5e: {  	_ =	shalt  }
0x5f: {  	_ =	shalt  }
0x60: {  	_ =	shalt  }
0x61: {  	_ =	shalt  }
0x62: {  	_ =	shalt  }
0x63: {  	_ =	shalt  }
0x64: {  	_ =	shalt  }
0x65: {  	_ =	shalt  }
0x66: {  	_ =	shalt  }
0x67: {  	_ =	shalt  }
0x68: {  	_ =	shalt  }
0x69: {  	_ =	shalt  }
0x6a: {  	_ =	shalt  }
0x6b: {  	_ =	shalt  }
0x6c: {  	_ =	shalt  }
0x6d: {  	_ =	shalt  }
0x6e: {  	_ =	shalt  }
0x6f: {  	_ =	shalt  }
0x70: {  	_ =	shalt  }
0x71: {  	_ =	shalt  }
0x72: {  	_ =	shalt  }
0x73: {  	_ =	shalt  }
0x74: {  	_ =	shalt  }
0x75: {  	_ =	shalt  }
0x76: {  	_ =	shalt  }
0x77: {  	_ =	shalt  }
0x78: {  	_ =	shalt  }
0x79: {  	_ =	shalt  }
0x7a: {  	_ =	shalt  }
0x7b: {  	_ =	shalt  }
0x7c: {  	_ =	shalt  }
0x7d: {  	_ =	shalt  }
0x7e: {  	_ =	shalt  }
0x7f: {  	_ =	shalt  }
0x80: {  	_ =	shalt  }
0x81: {  	_ =	shalt  }
0x82: {  	_ =	shalt  }
0x83: {  	_ =	shalt  }
0x84: {  	_ =	shalt  }
0x85: {  	_ =	shalt  }
0x86: {  	_ =	shalt  }
0x87: {  	_ =	shalt  }
.Lfunc_end0:
.L_simem_size_0:
called_computation.1_lowered:
.L_overlay_start_0:
0x88: {  	s2 =	sld [smem:$0x3FD9]  }
0x89: {  	s3 =	sld [smem:$0x3FFE];
	_ =	sdelay $0x1  }
0x8a: {  	s1 =	srdreg.scid  }
0x8b: {  	s0 =	sand.u32 $0x1, s1  }
0x8c: {  	s17 =	sshll.u32 s0, $0xA;
	s2 =	sadd.s32 s3, s2  }
0x8d: {  	s2 =	sadd.s32 s2, s17  }
0x8e: {  	[smem:$0x3FBA] =	sst s2  }
0x8f: {  	_ = 	snop  }
0x90: {  	s2 =	sld [smem:$0x3FC9];
	(tm) =	ssettm $0x1  }
0x91: {  	s18 =	sld [smem:$0x3FFB];
	_ =	sdelay $0x3  }
0x92: {  	_ =	strace s18  }
0x93: {  	s3 =	sld [smem:$0x3FFC];
	_ =	sdelay $0x3  }
0x94: {  	_ =	strace s3  }
0x95: {  	s3 =	sld [smem:$0x3FFD];
	_ =	sdelay $0x3  }
0x96: {  	_ =	strace s3  }
0x97: {  	_ =	strace $0x8FFFFFFF  }
0x98: {  	s19 =	sld [smem:$0x3FDB];
	_ =	sdelay $0x1  }
0x99: {  	s4 =	simm.s32 $_scs_section_size  }
0x9a: {  	s5 =	simm.s32 $_size__tile_overlayer_lowered;
	s6 =	simm.s32 $_tile_overlayer_lowered  }
0x9b: {  	s22 =	simm.s32 $0x1BFF;
	s21 =	sshll.u32 s6, $0x1;
	s3 =	sadd.s32 s4, s19  }
0x9c: {  	s7 =	simm.s32 $0x0;
	s20 =	sshll.u32 s5, $0x1;
	s5 =	sadd.s32 s21, s3  }
0x9d: {  	[timem:s7], [sflag:s22] =	dma.local [hbm:s5], s20  }
0x9e: {  	_ =	swait.ge [sflag:s22], s20  }
0x9f: {  	s4 =	ssub.s32 $0x0, s20;
	[sflag:s22] =	ssyncset.done $0x0  }
0xa0: {  	[sflag:s22] =	ssyncadd.s32 s4;
	_ =	sdelay $0x1  }
0xa1: {  	s23 =	simm.s32 $0x1B8B  }
0xa2: {  	_ =	swait.ge [sflag:s23], $0x1  }
0xa3: {  	[sflag:s23] =	ssyncset.done $0x0  }
0xa4: {  	s25 =	simm.s32 $0x1B8E;
	s24 =	sld [smem:$0x3FFE];
	[sflag:s23] =	ssyncadd.s32 $0xFFFFFFFF  }
0xa5: {  	s26 =	simm.s32 $execute0_lowered;
	[smem:$0x3FD2] =	sst s25  }
0xa6: {  	s5 =	sshll.u32 s26, $0x1;
	_ =	strace $0x80000046;
	[dreg:$0x1] =	wrdreg $0xFFFFFFFF  }
0xa7: {  	s28 =	simm.s32 $_size_execute0_lowered;
	s3 =	sadd.s32 s3, s5;
	[dreg:$0x0] =	wrdreg $0x0  }
0xa8: {  	s5 =	sshll.u32 s28, $0x1;
	[dreg:$0x2] =	wrdreg s3  }
0xa9: {  	[dreg:$0x3] =	wrdreg s5  }
0xaa: {  	[dreg:$0x4] =	wrdreg $0xC0  }
0xab: {  	_ =	task [dreg:s7], $0x5FFFF  }
0xac: {  	[dreg:$0x1] =	wrdreg $0xFFFFFFFF  }
0xad: {  	[dreg:$0x0] =	wrdreg $0x60  }
0xae: {  	[dreg:$0x2] =	wrdreg s2  }
0xaf: {  	[dreg:$0x3] =	wrdreg s24  }
0xb0: {  	[dreg:$0x4] =	wrdreg $0xA  }
0xb1: {  	_ =	task.clear_ibuf [dreg:s7], $0x5FFFF;
	_ =	strace $0x90000046  }
0xb2: {  	s29 =	simm.s32 $0xA;
	_ =	strace $0x80000048  }
0xb3: {  	_ =	swait.ge [sflag:s29], $0x1  }
0xb4: {  	[sflag:s29] =	ssyncadd.s32 $0xFFFFFFFF  }
0xb5: {  	_ =	strace $0x90000048  }
0xb6: {  	_ =	sfence  }
0xb7: {  	s30 =	sld [smem:$0x0];
	_ =	sdelay $0x2  }
0xb8: {  	s31 =	sshll.u32 s1, $0xD;
	s1 =	sshrl.u32 s1, $0x2  }
0xb9: {  	s3 =	sand.u32 $0x4000, s31;
	s1 =	sadd.s32 s1, s30  }
0xba: {  	s0 =	sor.u32 s3, s0;
	s1 =	sshll.u32 s1, $0x11  }
0xbb: {  	s0 =	sor.u32 s1, s0  }
0xbc: {  	s0 =	sadd.s32 $0x8F2B, s0  }
0xbd: {  	[sflag:s0] =	ssyncadd.remote.s32 $0x1  }
0xbe: {  	_ =	sfence.sel $0xFFFF  }
0xbf: {  	[dreg:$0x0] =	wrdreg $0xFFFFFFFF;
	(pc) =	sbr.abs _section_cstart, $3  }
0xc0: {  	[dreg:$0x1] =	wrdreg $0xFFFFFFFF  }
0xc1: {  	_ =	task.clear_ibuf [dreg:s7], $0x2FFFF;
	_ =	strace $0x9FFFFFFF  }
0xc2: {  	(tm) =	ssettm $0x7FFFFFFF  }
0xc3: {  	_ =	shalt  }
tec
execute0_lowered:
.L_overlay_start_1:
0x0: {  	(tag) =	ssettag $0x1  }
0x1: {  	s4 =	rddreg [dreg:$0x0]  }
0x2: {  	s5 =	rddreg [dreg:$0x1];
	s2 =	simm.s32 $0x0;
	s3 =	srdreg.scid  }
0x3: {  	s0 =	stileid.u32;
	s11 =	simm.s32 $0x1;
	s13 =	simm.s32 $0x2  }
0x4: {  	s15 =	simm.s32 $0x0;
	[smem:$0x7FF] =	sst s2;
	s6 =	sand.u32 $0x1, s3  }
0x5: {  	s7 =	sshll.u32 s0, $0xE;
	s3 =	sadd.s32 $0x2600, s5;
	s30 =	sshll.u32 s0, $0x7  }
0x6: {  	_ =	strace $0x80000047;
	s8 =	sshll.u32 s6, $0xD;
	s28 =	ssub.s32 $0x2, s6  }
0x7: {  	s6 =	sshll.u32 s6, $0x6;
	s7 =	sor.u32 s8, s7;
	s29 =	sshrl.u32 s28, $0x1  }
0x8: {  	s4 =	sadd.s32 s4, s6;
	s9 =	sadd.s32 s7, s5;
	s10 =	ssub.s32 s28, s29  }
0x9: {  	s0 =	sadd.s32 s30, s4;
	s31 =	sadd.s32 $0xF44A00, s9;
	s6 =	sadd.s32 $0xF45200, s9  }
0xa: {  	[dreg:$0x3] =	wrdreg s0;
	s7 =	sadd.s32 $0xF45A00, s9;
	s8 =	sadd.s32 $0xF46200, s9  }
0xb: {  	s9 =	smax.u32 s10, $0x1;
	s10 =	simm.s32 $0x3;
	[dreg:$0x4] =	wrdreg s31  }
.LBB2_1:
0xc: {  	s0 =	rddreg [dreg:$0x3]  }
0xd: {  	[tilespmem:s2], [sflag:$0x3] =	stream.linear.gather [hbm4b:s0+s2], $0x200, $0x38;
	[tilespmem:$0x8200] =	vst v63  }
0xe: {  	_ =	swait.ge [sflag:s10], $0x200  }
0xf: {  	[sflag:s10] =	ssyncset.done $0x0  }
0x10: {  	[sflag:s10] =	ssyncadd.s32 $0xFFFFFE00  }
0x11: {  	v0 =	vld [tilespmem:s2+$0x0];
	_ =	sdelay $0x4  }
0x12: {  	v0 =	vshll.u32 v0, $0x4  }
0x13: {  	(v2sf) =	vpush v0, $0x0  }
0x14: {  	(v2sf) =	vpush v0, $0x1  }
0x15: {  	(v2sf) =	vpush v0, $0x2;
	_ =	sdelay $0x1  }
0x16: {  	(v2sf) =	vpush v0, $0x4;
	_ =	sdelay $0x1  }
0x17: {  	(v2sf) =	vpush v0, $0x3  }
0x18: {  	(v2sf) =	vpush v0, $0x5  }
0x19: {  	s18 =	simm.s32 $0x2000;
	s17 =	simm.s32 $0x0;
	s19 =	simm.s32 $0x0;
	(v2sf) =	vpush v0, $0x6  }
.LBB2_2:
0x1a: {  	p0 =	sne.s32 s18, $0xE000  }
0x1b: {  	s30 =	sadd.s32 $0x280, s17;
	s23 =	sadd.s32 $0x780, s17;
	s20 =	smov.u32 s18  }
0x1c: {  	s18 =	sadd.s32 $0x2000, s18;
	s26 =	sadd.s32 $0x580, s17;
	s21 =	sadd.s32 $0x800, s17;
	(v2sf) =	vpush v0, $0x7  }
0x1d: {  	s29 =	sadd.s32 $0x480, s17;
	s24 =	sadd.s32 $0x600, s17;
	s22 =	sadd.s32 $0x880, s17  }
0x1e: {  	s31 =	sadd.s32 $0x200, s17;
	s0 =	sadd.s32 $0x400, s17;
	(v2sf) =	vpush v0, $0x8  }
0x1f: {  	s16 =	simm.s32 $0x0;
	s1 =	sadd.s32 $0x500, s17;
	s19 =	sadd.s32 $0x10, s19  }
0x20: {  	s12 =	sadd.s32 $0x300, s17;
	s25 =	sadd.s32 $0x700, s17;
	s28 =	spop (v2sf);
	(v2sf) =	vpush v0, $0x9  }
0x21: {  	s14 =	sand.u32 $0x1FFFFFF0, s28;
	s28 =	sadd.s32 $0x680, s17;
	s4 =	spop (v2sf)  }
0x22: {  	s14 =	sadd.s32 s3, s14;
	s4 =	sand.u32 $0x1FFFFFF0, s4;
	s5 =	spop (v2sf);
	(v2sf) =	vpush v0, $0xA  }
0x23: {  	[tilespmem:s31], [sflag:$0x1] =	stream.linear.gather [hbm4b:s14+s16], $0x80, $0x38;
	[tilespmem:$0x8200] =	vst v63  }
0x24: {  	s4 =	sadd.s32 s3, s4;
	s14 =	sadd.s32 $0x380, s17;
	s31 =	spop (v2sf);
	(v2sf) =	vpush v0, $0xB  }
0x25: {  	[tilespmem:s30], [sflag:$0x1] =	stream.linear.gather [hbm4b:s4+s16], $0x80, $0x38;
	[tilespmem:$0x8200] =	vst v63  }
0x26: {  	s4 =	sand.u32 $0x1FFFFFF0, s5;
	s5 =	sand.u32 $0x1FFFFFF0, s31;
	s30 =	spop (v2sf);
	(v2sf) =	vpush v0, $0xC  }
0x27: {  	s4 =	sadd.s32 s3, s4;
	s30 =	sand.u32 $0x1FFFFFF0, s30;
	s31 =	spop (v2sf)  }
0x28: {  	[tilespmem:s12], [sflag:$0x1] =	stream.linear.gather [hbm4b:s4+s16], $0x80, $0x38;
	(v2sf) =	vpush v0, $0xD;
	[tilespmem:$0x8200] =	vst v63  }
0x29: {  	s4 =	sadd.s32 s3, s30;
	s12 =	sand.u32 $0x1FFFFFF0, s31;
	s30 =	spop (v2sf)  }
0x2a: {  	[tilespmem:s14], [sflag:$0x1] =	stream.linear.gather [hbm4b:s4+s16], $0x80, $0x38;
	(v2sf) =	vpush v0, $0xE;
	[tilespmem:$0x8200] =	vst v63  }
0x2b: {  	s4 =	sadd.s32 s3, s5;
	s5 =	sand.u32 $0x1FFFFFF0, s30;
	s14 =	spop (v2sf)  }
0x2c: {  	[tilespmem:s0], [sflag:$0x1] =	stream.linear.gather [hbm4b:s4+s16], $0x80, $0x38;
	(v2sf) =	vpush v0, $0xF;
	[tilespmem:$0x8200] =	vst v63  }
0x2d: {  	s0 =	sadd.s32 s3, s12;
	s4 =	sand.u32 $0x1FFFFFF0, s14;
	s12 =	spop (v2sf)  }
0x2e: {  	[tilespmem:s29], [sflag:$0x1] =	stream.linear.gather [hbm4b:s0+s16], $0x80, $0x38;
	[tilespmem:$0x8200] =	vst v63  }
0x2f: {  	s0 =	sadd.s32 s3, s5;
	s5 =	sand.u32 $0x1FFFFFF0, s12;
	s12 =	spop (v2sf)  }
0x30: {  	[tilespmem:s1], [sflag:$0x1] =	stream.linear.gather [hbm4b:s0+s16], $0x80, $0x38;
	[tilespmem:$0x8200] =	vst v63  }
0x31: {  	s0 =	sadd.s32 s3, s4;
	s1 =	sand.u32 $0x1FFFFFF0, s12;
	s4 =	spop (v2sf)  }
0x32: {  	[tilespmem:s26], [sflag:$0x1] =	stream.linear.gather [hbm4b:s0+s16], $0x80, $0x38;
	[tilespmem:$0x8200] =	vst v63  }
0x33: {  	s0 =	sadd.s32 s3, s5;
	s4 =	sand.u32 $0x1FFFFFF0, s4;
	s5 =	spop (v2sf)  }
0x34: {  	[tilespmem:s24], [sflag:$0x1] =	stream.linear.gather [hbm4b:s0+s16], $0x80, $0x38;
	[tilespmem:$0x8200] =	vst v63  }
0x35: {  	s0 =	sadd.s32 s3, s1;
	s1 =	sand.u32 $0x1FFFFFF0, s5;
	s5 =	spop (v2sf)  }
0x36: {  	[tilespmem:s28], [sflag:$0x1] =	stream.linear.gather [hbm4b:s0+s16], $0x80, $0x38;
	[tilespmem:$0x8200] =	vst v63  }
0x37: {  	s0 =	sadd.s32 s3, s4;
	s4 =	sand.u32 $0x1FFFFFF0, s5;
	s5 =	spop (v2sf)  }
0x38: {  	[tilespmem:s25], [sflag:$0x1] =	stream.linear.gather [hbm4b:s0+s16], $0x80, $0x38;
	[tilespmem:$0x8200] =	vst v63  }
0x39: {  	s0 =	sadd.s32 s3, s1;
	s1 =	sand.u32 $0x1FFFFFF0, s5;
	s5 =	spop (v2sf)  }
0x3a: {  	[tilespmem:s23], [sflag:$0x1] =	stream.linear.gather [hbm4b:s0+s16], $0x80, $0x38;
	[tilespmem:$0x8200] =	vst v63  }
0x3b: {  	s0 =	sadd.s32 s3, s4;
	s4 =	sand.u32 $0x1FFFFFF0, s5;
	s5 =	spop (v2sf)  }
0x3c: {  	[tilespmem:s21], [sflag:$0x1] =	stream.linear.gather [hbm4b:s0+s16], $0x80, $0x38;
	[tilespmem:$0x8200] =	vst v63  }
0x3d: {  	s0 =	sadd.s32 s3, s1;
	s1 =	sand.u32 $0x1FFFFFF0, s5  }
0x3e: {  	[tilespmem:s22], [sflag:$0x1] =	stream.linear.gather [hbm4b:s0+s16], $0x80, $0x38;
	[tilespmem:$0x8200] =	vst v63  }
0x3f: {  	s4 =	sadd.s32 s3, s4;
	s0 =	sadd.s32 $0x900, s17  }
0x40: {  	[tilespmem:s0], [sflag:$0x1] =	stream.linear.gather [hbm4b:s4+s16], $0x80, $0x38;
	[tilespmem:$0x8200] =	vst v63  }
0x41: {  	s1 =	sadd.s32 s3, s1;
	s0 =	sadd.s32 $0x980, s17  }
0x42: {  	[tilespmem:s0], [sflag:$0x1] =	stream.linear.gather [hbm4b:s1+s16], $0x80, $0x38;
	[tilespmem:$0x8200] =	vst v63  }
0x43: {  	v0 =	vld [tilespmem:s19+$0x0];
	_ =	sdelay $0x4  }
0x44: {  	v0 =	vshll.u32 v0, $0x4  }
0x45: {  	(v2sf) =	vpush v0, $0x0  }
0x46: {  	(v2sf) =	vpush v0, $0x1  }
0x47: {  	(v2sf) =	vpush v0, $0x2;
	_ =	sdelay $0x1  }
0x48: {  	(v2sf) =	vpush v0, $0x4  }
.Ltmp0:
0x49: {  	(pc) =	sbr.rel @p0 .LBB2_2-.Ltmp0, $3  }
0x4a: {  	(v2sf) =	vpush v0, $0x3  }
0x4b: {  	(v2sf) =	vpush v0, $0x5;
	_ =	sdelay $0x1  }
0x4c: {  	s17 =	sshra.s32 s20, $0x2;
	(v2sf) =	vpush v0, $0x6  }
0x4d: {  	_ =	sdelay $0x1  }
0x4e: {  	s0 =	sadd.s32 $0x280, s17;
	s20 =	sadd.s32 $0x780, s17  }
0x4f: {  	s1 =	sadd.s32 $0x580, s17;
	s18 =	sadd.s32 $0x800, s17;
	(v2sf) =	vpush v0, $0x7;
	s4 =	sadd.s32 $0x480, s17  }
0x50: {  	s5 =	sadd.s32 $0x600, s17;
	s19 =	sadd.s32 $0x880, s17;
	s12 =	sadd.s32 $0x200, s17  }
0x51: {  	s14 =	sadd.s32 $0x400, s17;
	s21 =	sadd.s32 $0x500, s17;
	(v2sf) =	vpush v0, $0x8;
	s22 =	spop (v2sf)  }
0x52: {  	s23 =	sadd.s32 $0x300, s17;
	s22 =	sand.u32 $0x1FFFFFF0, s22;
	s24 =	spop (v2sf)  }
0x53: {  	(v2sf) =	vpush v0, $0x9;
	s22 =	sadd.s32 s3, s22;
	s24 =	sand.u32 $0x1FFFFFF0, s24;
	s25 =	spop (v2sf)  }
0x54: {  	[tilespmem:s12], [sflag:$0x1] =	stream.linear.gather [hbm4b:s22+s16], $0x80, $0x38;
	[tilespmem:$0x8200] =	vst v63  }
0x55: {  	(v2sf) =	vpush v0, $0xA;
	s26 =	sadd.s32 s3, s24;
	s29 =	sand.u32 $0x1FFFFFF0, s25;
	s28 =	spop (v2sf)  }
0x56: {  	[tilespmem:s0], [sflag:$0x1] =	stream.linear.gather [hbm4b:s26+s16], $0x80, $0x38;
	[tilespmem:$0x8200] =	vst v63  }
0x57: {  	s12 =	sadd.s32 $0x700, s17;
	(v2sf) =	vpush v0, $0xB;
	s22 =	sadd.s32 s3, s29;
	s30 =	spop (v2sf)  }
0x58: {  	s0 =	sadd.s32 $0x680, s17;
	s26 =	sadd.s32 $0x380, s17;
	s25 =	sand.u32 $0x1FFFFFF0, s30  }
0x59: {  	(v2sf) =	vpush v0, $0xC;
	[tilespmem:s23], [sflag:$0x1] =	stream.linear.gather [hbm4b:s22+s16], $0x80, $0x38;
	[tilespmem:$0x8200] =	vst v63  }
0x5a: {  	s31 =	sand.u32 $0x1FFFFFF0, s28;
	s28 =	spop (v2sf);
	s29 =	sadd.s32 s3, s25  }
0x5b: {  	(v2sf) =	vpush v0, $0xD;
	[tilespmem:s26], [sflag:$0x1] =	stream.linear.gather [hbm4b:s29+s16], $0x80, $0x38;
	[tilespmem:$0x8200] =	vst v63  }
0x5c: {  	s22 =	sadd.s32 s3, s31;
	s23 =	sand.u32 $0x1FFFFFF0, s28;
	s30 =	spop (v2sf)  }
0x5d: {  	(v2sf) =	vpush v0, $0xE;
	[tilespmem:s14], [sflag:$0x1] =	stream.linear.gather [hbm4b:s22+s16], $0x80, $0x38;
	[tilespmem:$0x8200] =	vst v63  }
0x5e: {  	s23 =	sadd.s32 s3, s23;
	s31 =	sand.u32 $0x1FFFFFF0, s30;
	s24 =	spop (v2sf)  }
0x5f: {  	(v2sf) =	vpush v0, $0xF;
	[tilespmem:s4], [sflag:$0x1] =	stream.linear.gather [hbm4b:s23+s16], $0x80, $0x38;
	[tilespmem:$0x8200] =	vst v63  }
0x60: {  	s25 =	sand.u32 $0x1FFFFFF0, s24;
	s26 =	spop (v2sf);
	s14 =	sadd.s32 s3, s31  }
0x61: {  	[tilespmem:s21], [sflag:$0x1] =	stream.linear.gather [hbm4b:s14+s16], $0x80, $0x38;
	[tilespmem:$0x8200] =	vst v63  }
0x62: {  	s28 =	sand.u32 $0x1FFFFFF0, s26;
	s4 =	sadd.s32 s3, s25;
	s29 =	spop (v2sf)  }
0x63: {  	[tilespmem:s1], [sflag:$0x1] =	stream.linear.gather [hbm4b:s4+s16], $0x80, $0x38;
	[tilespmem:$0x8200] =	vst v63  }
0x64: {  	s14 =	sadd.s32 s3, s28;
	s30 =	sand.u32 $0x1FFFFFF0, s29;
	s31 =	spop (v2sf)  }
0x65: {  	[tilespmem:s5], [sflag:$0x1] =	stream.linear.gather [hbm4b:s14+s16], $0x80, $0x38;
	[tilespmem:$0x8200] =	vst v63  }
0x66: {  	s4 =	sand.u32 $0x1FFFFFF0, s31;
	s1 =	sadd.s32 s3, s30;
	s14 =	spop (v2sf)  }
0x67: {  	[tilespmem:s0], [sflag:$0x1] =	stream.linear.gather [hbm4b:s1+s16], $0x80, $0x38;
	[tilespmem:$0x8200] =	vst v63  }
0x68: {  	s4 =	sadd.s32 s3, s4;
	s21 =	sand.u32 $0x1FFFFFF0, s14;
	s22 =	spop (v2sf)  }
0x69: {  	[tilespmem:s12], [sflag:$0x1] =	stream.linear.gather [hbm4b:s4+s16], $0x80, $0x38;
	[tilespmem:$0x8200] =	vst v63  }
0x6a: {  	s0 =	sadd.s32 s3, s21;
	s1 =	sand.u32 $0x1FFFFFF0, s22;
	s23 =	spop (v2sf)  }
0x6b: {  	[tilespmem:s20], [sflag:$0x1] =	stream.linear.gather [hbm4b:s0+s16], $0x80, $0x38;
	[tilespmem:$0x8200] =	vst v63  }
0x6c: {  	s24 =	sand.u32 $0x1FFFFFF0, s23;
	s1 =	sadd.s32 s3, s1;
	s25 =	spop (v2sf)  }
0x6d: {  	[tilespmem:s18], [sflag:$0x1] =	stream.linear.gather [hbm4b:s1+s16], $0x80, $0x38;
	[tilespmem:$0x8200] =	vst v63  }
0x6e: {  	s26 =	sand.u32 $0x1FFFFFF0, s25;
	s28 =	spop (v2sf);
	s0 =	sadd.s32 s3, s24  }
0x6f: {  	[tilespmem:s19], [sflag:$0x1] =	stream.linear.gather [hbm4b:s0+s16], $0x80, $0x38;
	[tilespmem:$0x8200] =	vst v63  }
0x70: {  	s30 =	sadd.s32 $0x900, s17;
	s29 =	sand.u32 $0x1FFFFFF0, s28;
	s1 =	sadd.s32 s3, s26  }
0x71: {  	[tilespmem:s30], [sflag:$0x1] =	stream.linear.gather [hbm4b:s1+s16], $0x80, $0x38;
	[tilespmem:$0x8200] =	vst v63  }
0x72: {  	s31 =	sadd.s32 $0x980, s17;
	s17 =	simm.s32 $0x80;
	s0 =	sadd.s32 s3, s29  }
0x73: {  	[tilespmem:s31], [sflag:$0x1] =	stream.linear.gather [hbm4b:s0+s16], $0x80, $0x38;
	[tilespmem:$0x8200] =	vst v63  }
0x74: {  	v0 =	vld [tilespmem:s17+$0x0];
	_ =	sdelay $0x4  }
0x75: {  	v0 =	vshll.u32 v0, $0x4  }
0x76: {  	(v2sf) =	vpush v0, $0x0  }
0x77: {  	(v2sf) =	vpush v0, $0x1  }
0x78: {  	(v2sf) =	vpush v0, $0x2;
	_ =	sdelay $0x1  }
0x79: {  	(v2sf) =	vpush v0, $0x4;
	_ =	sdelay $0x1  }
0x7a: {  	(v2sf) =	vpush v0, $0x3  }
0x7b: {  	(v2sf) =	vpush v0, $0x5  }
0x7c: {  	s18 =	simm.s32 $0x2000;
	s16 =	simm.s32 $0x0;
	(v2sf) =	vpush v0, $0x6  }
.LBB2_4:
0x7d: {  	p0 =	sne.s32 s18, $0xE000  }
0x7e: {  	s0 =	sadd.s32 $0x4280, s16;
	s22 =	sadd.s32 $0x4780, s16;
	s19 =	smov.u32 s18  }
0x7f: {  	s18 =	sadd.s32 $0x2000, s18;
	s25 =	sadd.s32 $0x4580, s16;
	s20 =	sadd.s32 $0x4800, s16;
	(v2sf) =	vpush v0, $0x7  }
0x80: {  	s28 =	sadd.s32 $0x4480, s16;
	s24 =	sadd.s32 $0x4600, s16;
	s21 =	sadd.s32 $0x4880, s16  }
0x81: {  	s1 =	sadd.s32 $0x4200, s16;
	s4 =	sadd.s32 $0x4400, s16;
	(v2sf) =	vpush v0, $0x8  }
0x82: {  	s5 =	sadd.s32 $0x4500, s16;
	s17 =	sadd.s32 $0x10, s17  }
0x83: {  	s12 =	sadd.s32 $0x4300, s16;
	s23 =	sadd.s32 $0x4700, s16;
	s14 =	spop (v2sf);
	(v2sf) =	vpush v0, $0x9  }
0x84: {  	s26 =	sadd.s32 $0x4680, s16;
	s14 =	sand.u32 $0x1FFFFFF0, s14;
	s29 =	spop (v2sf)  }
0x85: {  	s14 =	sadd.s32 s3, s14;
	s29 =	sand.u32 $0x1FFFFFF0, s29;
	s30 =	spop (v2sf);
	(v2sf) =	vpush v0, $0xA  }
0x86: {  	[tilespmem:s1], [sflag:$0x2] =	stream.linear.gather [hbm4b:s14+s2], $0x80, $0x38;
	[tilespmem:$0x8200] =	vst v63  }
0x87: {  	s1 =	sadd.s32 s3, s29;
	s14 =	sadd.s32 $0x4380, s16;
	s29 =	spop (v2sf);
	(v2sf) =	vpush v0, $0xB  }
0x88: {  	[tilespmem:s0], [sflag:$0x2] =	stream.linear.gather [hbm4b:s1+s2], $0x80, $0x38;
	[tilespmem:$0x8200] =	vst v63  }
0x89: {  	s0 =	sand.u32 $0x1FFFFFF0, s30;
	s1 =	sand.u32 $0x1FFFFFF0, s29;
	s29 =	spop (v2sf);
	(v2sf) =	vpush v0, $0xC  }
0x8a: {  	s0 =	sadd.s32 s3, s0;
	s29 =	sand.u32 $0x1FFFFFF0, s29;
	s30 =	spop (v2sf)  }
0x8b: {  	[tilespmem:s12], [sflag:$0x2] =	stream.linear.gather [hbm4b:s0+s2], $0x80, $0x38;
	(v2sf) =	vpush v0, $0xD;
	[tilespmem:$0x8200] =	vst v63  }
0x8c: {  	s0 =	sadd.s32 s3, s29;
	s12 =	sand.u32 $0x1FFFFFF0, s30;
	s29 =	spop (v2sf)  }
0x8d: {  	[tilespmem:s14], [sflag:$0x2] =	stream.linear.gather [hbm4b:s0+s2], $0x80, $0x38;
	(v2sf) =	vpush v0, $0xE;
	[tilespmem:$0x8200] =	vst v63  }
0x8e: {  	s0 =	sadd.s32 s3, s1;
	s1 =	sand.u32 $0x1FFFFFF0, s29;
	s14 =	spop (v2sf)  }
0x8f: {  	[tilespmem:s4], [sflag:$0x2] =	stream.linear.gather [hbm4b:s0+s2], $0x80, $0x38;
	(v2sf) =	vpush v0, $0xF;
	[tilespmem:$0x8200] =	vst v63  }
0x90: {  	s0 =	sadd.s32 s3, s12;
	s4 =	sand.u32 $0x1FFFFFF0, s14;
	s12 =	spop (v2sf)  }
0x91: {  	[tilespmem:s28], [sflag:$0x2] =	stream.linear.gather [hbm4b:s0+s2], $0x80, $0x38;
	[tilespmem:$0x8200] =	vst v63  }
0x92: {  	s0 =	sadd.s32 s3, s1;
	s1 =	sand.u32 $0x1FFFFFF0, s12;
	s12 =	spop (v2sf)  }
0x93: {  	[tilespmem:s5], [sflag:$0x2] =	stream.linear.gather [hbm4b:s0+s2], $0x80, $0x38;
	[tilespmem:$0x8200] =	vst v63  }
0x94: {  	s0 =	sadd.s32 s3, s4;
	s4 =	sand.u32 $0x1FFFFFF0, s12;
	s5 =	spop (v2sf)  }
0x95: {  	[tilespmem:s25], [sflag:$0x2] =	stream.linear.gather [hbm4b:s0+s2], $0x80, $0x38;
	[tilespmem:$0x8200] =	vst v63  }
0x96: {  	s0 =	sadd.s32 s3, s1;
	s1 =	sand.u32 $0x1FFFFFF0, s5;
	s5 =	spop (v2sf)  }
0x97: {  	[tilespmem:s24], [sflag:$0x2] =	stream.linear.gather [hbm4b:s0+s2], $0x80, $0x38;
	[tilespmem:$0x8200] =	vst v63  }
0x98: {  	s0 =	sadd.s32 s3, s4;
	s4 =	sand.u32 $0x1FFFFFF0, s5;
	s5 =	spop (v2sf)  }
0x99: {  	[tilespmem:s26], [sflag:$0x2] =	stream.linear.gather [hbm4b:s0+s2], $0x80, $0x38;
	[tilespmem:$0x8200] =	vst v63  }
0x9a: {  	s0 =	sadd.s32 s3, s1;
	s1 =	sand.u32 $0x1FFFFFF0, s5;
	s5 =	spop (v2sf)  }
0x9b: {  	[tilespmem:s23], [sflag:$0x2] =	stream.linear.gather [hbm4b:s0+s2], $0x80, $0x38;
	[tilespmem:$0x8200] =	vst v63  }
0x9c: {  	s0 =	sadd.s32 s3, s4;
	s4 =	sand.u32 $0x1FFFFFF0, s5;
	s5 =	spop (v2sf)  }
0x9d: {  	[tilespmem:s22], [sflag:$0x2] =	stream.linear.gather [hbm4b:s0+s2], $0x80, $0x38;
	[tilespmem:$0x8200] =	vst v63  }
0x9e: {  	s0 =	sadd.s32 s3, s1;
	s1 =	sand.u32 $0x1FFFFFF0, s5;
	s5 =	spop (v2sf)  }
0x9f: {  	[tilespmem:s20], [sflag:$0x2] =	stream.linear.gather [hbm4b:s0+s2], $0x80, $0x38;
	[tilespmem:$0x8200] =	vst v63  }
0xa0: {  	s0 =	sadd.s32 s3, s4;
	s4 =	sand.u32 $0x1FFFFFF0, s5  }
0xa1: {  	[tilespmem:s21], [sflag:$0x2] =	stream.linear.gather [hbm4b:s0+s2], $0x80, $0x38;
	[tilespmem:$0x8200] =	vst v63  }
0xa2: {  	s1 =	sadd.s32 s3, s1;
	s0 =	sadd.s32 $0x4900, s16  }
0xa3: {  	[tilespmem:s0], [sflag:$0x2] =	stream.linear.gather [hbm4b:s1+s2], $0x80, $0x38;
	[tilespmem:$0x8200] =	vst v63  }
0xa4: {  	s0 =	sadd.s32 $0x4980, s16;
	s1 =	sadd.s32 s3, s4  }
0xa5: {  	[tilespmem:s0], [sflag:$0x2] =	stream.linear.gather [hbm4b:s1+s2], $0x80, $0x38;
	[tilespmem:$0x8200] =	vst v63  }
0xa6: {  	v0 =	vld [tilespmem:s17+$0x0];
	_ =	sdelay $0x4  }
0xa7: {  	v0 =	vshll.u32 v0, $0x4  }
0xa8: {  	(v2sf) =	vpush v0, $0x0  }
0xa9: {  	(v2sf) =	vpush v0, $0x1  }
0xaa: {  	(v2sf) =	vpush v0, $0x2;
	_ =	sdelay $0x1  }
0xab: {  	(v2sf) =	vpush v0, $0x4  }
.Ltmp1:
0xac: {  	(pc) =	sbr.rel @p0 .LBB2_4-.Ltmp1, $3  }
0xad: {  	(v2sf) =	vpush v0, $0x3  }
0xae: {  	(v2sf) =	vpush v0, $0x5;
	_ =	sdelay $0x1  }
0xaf: {  	s16 =	sshra.s32 s19, $0x2;
	(v2sf) =	vpush v0, $0x6  }
0xb0: {  	_ =	sdelay $0x1  }
0xb1: {  	s0 =	sadd.s32 $0x4280, s16;
	s19 =	sadd.s32 $0x4780, s16  }
0xb2: {  	s1 =	sadd.s32 $0x4580, s16;
	s17 =	sadd.s32 $0x4800, s16;
	(v2sf) =	vpush v0, $0x7;
	s4 =	sadd.s32 $0x4480, s16  }
0xb3: {  	s5 =	sadd.s32 $0x4600, s16;
	s18 =	sadd.s32 $0x4880, s16;
	s12 =	sadd.s32 $0x4200, s16  }
0xb4: {  	s14 =	sadd.s32 $0x4400, s16;
	s20 =	sadd.s32 $0x4500, s16;
	(v2sf) =	vpush v0, $0x8;
	s21 =	spop (v2sf)  }
0xb5: {  	s22 =	sadd.s32 $0x4300, s16;
	s21 =	sand.u32 $0x1FFFFFF0, s21;
	s23 =	spop (v2sf)  }
0xb6: {  	(v2sf) =	vpush v0, $0x9;
	s21 =	sadd.s32 s3, s21;
	s23 =	sand.u32 $0x1FFFFFF0, s23;
	s24 =	spop (v2sf)  }
0xb7: {  	[tilespmem:s12], [sflag:$0x2] =	stream.linear.gather [hbm4b:s21+s2], $0x80, $0x38;
	[tilespmem:$0x8200] =	vst v63  }
0xb8: {  	s25 =	sadd.s32 $0x4380, s16;
	(v2sf) =	vpush v0, $0xA;
	s29 =	sadd.s32 s3, s23;
	s30 =	spop (v2sf)  }
0xb9: {  	[tilespmem:s0], [sflag:$0x2] =	stream.linear.gather [hbm4b:s29+s2], $0x80, $0x38;
	[tilespmem:$0x8200] =	vst v63  }
0xba: {  	s12 =	sadd.s32 $0x4700, s16;
	s26 =	sand.u32 $0x1FFFFFF0, s24;
	(v2sf) =	vpush v0, $0xB;
	s28 =	spop (v2sf)  }
0xbb: {  	s21 =	sadd.s32 s3, s26;
	s0 =	sadd.s32 $0x4680, s16;
	s24 =	sand.u32 $0x1FFFFFF0, s28  }
0xbc: {  	(v2sf) =	vpush v0, $0xC;
	[tilespmem:s22], [sflag:$0x2] =	stream.linear.gather [hbm4b:s21+s2], $0x80, $0x38;
	[tilespmem:$0x8200] =	vst v63  }
0xbd: {  	s29 =	sand.u32 $0x1FFFFFF0, s30;
	s30 =	spop (v2sf);
	s26 =	sadd.s32 s3, s24  }
0xbe: {  	(v2sf) =	vpush v0, $0xD;
	[tilespmem:s25], [sflag:$0x2] =	stream.linear.gather [hbm4b:s26+s2], $0x80, $0x38;
	[tilespmem:$0x8200] =	vst v63  }
0xbf: {  	s21 =	sadd.s32 s3, s29;
	s22 =	sand.u32 $0x1FFFFFF0, s30;
	s28 =	spop (v2sf)  }
0xc0: {  	(v2sf) =	vpush v0, $0xE;
	[tilespmem:s14], [sflag:$0x2] =	stream.linear.gather [hbm4b:s21+s2], $0x80, $0x38;
	[tilespmem:$0x8200] =	vst v63  }
0xc1: {  	s22 =	sadd.s32 s3, s22;
	s29 =	sand.u32 $0x1FFFFFF0, s28;
	s30 =	spop (v2sf)  }
0xc2: {  	(v2sf) =	vpush v0, $0xF;
	[tilespmem:s4], [sflag:$0x2] =	stream.linear.gather [hbm4b:s22+s2], $0x80, $0x38;
	[tilespmem:$0x8200] =	vst v63  }
0xc3: {  	s23 =	sand.u32 $0x1FFFFFF0, s30;
	s24 =	spop (v2sf);
	s14 =	sadd.s32 s3, s29  }
0xc4: {  	[tilespmem:s20], [sflag:$0x2] =	stream.linear.gather [hbm4b:s14+s2], $0x80, $0x38;
	[tilespmem:$0x8200] =	vst v63  }
0xc5: {  	s25 =	sand.u32 $0x1FFFFFF0, s24;
	s4 =	sadd.s32 s3, s23;
	s26 =	spop (v2sf)  }
0xc6: {  	[tilespmem:s1], [sflag:$0x2] =	stream.linear.gather [hbm4b:s4+s2], $0x80, $0x38;
	[tilespmem:$0x8200] =	vst v63  }
0xc7: {  	s14 =	sadd.s32 s3, s25;
	s28 =	sand.u32 $0x1FFFFFF0, s26;
	s29 =	spop (v2sf)  }
0xc8: {  	[tilespmem:s5], [sflag:$0x2] =	stream.linear.gather [hbm4b:s14+s2], $0x80, $0x38;
	[tilespmem:$0x8200] =	vst v63  }
0xc9: {  	s4 =	sand.u32 $0x1FFFFFF0, s29;
	s1 =	sadd.s32 s3, s28;
	s30 =	spop (v2sf)  }
0xca: {  	[tilespmem:s0], [sflag:$0x2] =	stream.linear.gather [hbm4b:s1+s2], $0x80, $0x38;
	[tilespmem:$0x8200] =	vst v63  }
0xcb: {  	s4 =	sadd.s32 s3, s4;
	s5 =	sand.u32 $0x1FFFFFF0, s30;
	s14 =	spop (v2sf)  }
0xcc: {  	[tilespmem:s12], [sflag:$0x2] =	stream.linear.gather [hbm4b:s4+s2], $0x80, $0x38;
	[tilespmem:$0x8200] =	vst v63  }
0xcd: {  	s0 =	sadd.s32 s3, s5;
	s1 =	sand.u32 $0x1FFFFFF0, s14;
	s20 =	spop (v2sf)  }
0xce: {  	[tilespmem:s19], [sflag:$0x2] =	stream.linear.gather [hbm4b:s0+s2], $0x80, $0x38;
	[tilespmem:$0x8200] =	vst v63  }
0xcf: {  	s21 =	sand.u32 $0x1FFFFFF0, s20;
	s1 =	sadd.s32 s3, s1;
	s22 =	spop (v2sf)  }
0xd0: {  	[tilespmem:s17], [sflag:$0x2] =	stream.linear.gather [hbm4b:s1+s2], $0x80, $0x38;
	[tilespmem:$0x8200] =	vst v63  }
0xd1: {  	s23 =	sand.u32 $0x1FFFFFF0, s22;
	s24 =	spop (v2sf);
	s0 =	sadd.s32 s3, s21  }
0xd2: {  	[tilespmem:s18], [sflag:$0x2] =	stream.linear.gather [hbm4b:s0+s2], $0x80, $0x38;
	[tilespmem:$0x8200] =	vst v63  }
0xd3: {  	s26 =	sadd.s32 $0x4900, s16;
	s25 =	sand.u32 $0x1FFFFFF0, s24;
	s1 =	sadd.s32 s3, s23  }
0xd4: {  	[tilespmem:s26], [sflag:$0x2] =	stream.linear.gather [hbm4b:s1+s2], $0x80, $0x38;
	[tilespmem:$0x8200] =	vst v63  }
0xd5: {  	s28 =	sadd.s32 $0x4980, s16;
	s0 =	sadd.s32 s3, s25  }
0xd6: {  	[tilespmem:s28], [sflag:$0x2] =	stream.linear.gather [hbm4b:s0+s2], $0x80, $0x38;
	[tilespmem:$0x8200] =	vst v63  }
0xd7: {  	_ =	swait.ge [sflag:s11], $0x4000  }
0xd8: {  	s31 =	simm.s32 $0x200;
	[sflag:s11] =	ssyncset.done $0x0  }
0xd9: {  	s29 =	simm.s32 $0x0;
	s30 =	rddreg [dreg:$0x4];
	[sflag:s11] =	ssyncadd.s32 $0xFFFFC000  }
0xda: {  	[hbm4b:s30+s29] =	stream.linear.scatter [tilespmem:s31], [sflag:$0x3], $0x4000, $0x38;
	[tilespmem:$0x8200] =	vst v63  }
0xdb: {  	_ =	swait.ge [sflag:s10], $0x4000  }
0xdc: {  	[sflag:s10] =	ssyncset.done $0x0  }
0xdd: {  	s17 =	simm.s32 $0x100;
	[sflag:s10] =	ssyncadd.s32 $0xFFFFC000  }
0xde: {  	v0 =	vld [tilespmem:s17+$0x0];
	_ =	sdelay $0x4  }
0xdf: {  	v0 =	vshll.u32 v0, $0x4  }
0xe0: {  	(v2sf) =	vpush v0, $0x0  }
0xe1: {  	(v2sf) =	vpush v0, $0x1  }
0xe2: {  	(v2sf) =	vpush v0, $0x2;
	_ =	sdelay $0x1  }
0xe3: {  	(v2sf) =	vpush v0, $0x4;
	_ =	sdelay $0x1  }
0xe4: {  	(v2sf) =	vpush v0, $0x3  }
0xe5: {  	(v2sf) =	vpush v0, $0x5  }
0xe6: {  	s16 =	simm.s32 $0x0;
	s18 =	simm.s32 $0x2000;
	(v2sf) =	vpush v0, $0x6  }
.LBB2_6:
0xe7: {  	p0 =	sne.s32 s18, $0xE000  }
0xe8: {  	s0 =	sadd.s32 $0x280, s16;
	s22 =	sadd.s32 $0x780, s16;
	s19 =	smov.u32 s18  }
0xe9: {  	s18 =	sadd.s32 $0x2000, s18;
	s25 =	sadd.s32 $0x580, s16;
	s20 =	sadd.s32 $0x800, s16;
	(v2sf) =	vpush v0, $0x7  }
0xea: {  	s28 =	sadd.s32 $0x480, s16;
	s24 =	sadd.s32 $0x600, s16;
	s21 =	sadd.s32 $0x880, s16  }
0xeb: {  	s1 =	sadd.s32 $0x200, s16;
	s4 =	sadd.s32 $0x400, s16;
	(v2sf) =	vpush v0, $0x8  }
0xec: {  	s5 =	sadd.s32 $0x500, s16;
	s17 =	sadd.s32 $0x10, s17  }
0xed: {  	s12 =	sadd.s32 $0x300, s16;
	s23 =	sadd.s32 $0x700, s16;
	s14 =	spop (v2sf);
	(v2sf) =	vpush v0, $0x9  }
0xee: {  	s26 =	sadd.s32 $0x680, s16;
	s14 =	sand.u32 $0x1FFFFFF0, s14;
	s29 =	spop (v2sf)  }
0xef: {  	s14 =	sadd.s32 s3, s14;
	s29 =	sand.u32 $0x1FFFFFF0, s29;
	s30 =	spop (v2sf);
	(v2sf) =	vpush v0, $0xA  }
0xf0: {  	[tilespmem:s1], [sflag:$0x1] =	stream.linear.gather [hbm4b:s14+s2], $0x80, $0x38;
	[tilespmem:$0x8200] =	vst v63  }
0xf1: {  	s1 =	sadd.s32 s3, s29;
	s14 =	sadd.s32 $0x380, s16;
	s29 =	spop (v2sf);
	(v2sf) =	vpush v0, $0xB  }
0xf2: {  	[tilespmem:s0], [sflag:$0x1] =	stream.linear.gather [hbm4b:s1+s2], $0x80, $0x38;
	[tilespmem:$0x8200] =	vst v63  }
0xf3: {  	s0 =	sand.u32 $0x1FFFFFF0, s30;
	s1 =	sand.u32 $0x1FFFFFF0, s29;
	s29 =	spop (v2sf);
	(v2sf) =	vpush v0, $0xC  }
0xf4: {  	s0 =	sadd.s32 s3, s0;
	s29 =	sand.u32 $0x1FFFFFF0, s29;
	s30 =	spop (v2sf)  }
0xf5: {  	[tilespmem:s12], [sflag:$0x1] =	stream.linear.gather [hbm4b:s0+s2], $0x80, $0x38;
	(v2sf) =	vpush v0, $0xD;
	[tilespmem:$0x8200] =	vst v63  }
0xf6: {  	s0 =	sadd.s32 s3, s29;
	s12 =	sand.u32 $0x1FFFFFF0, s30;
	s29 =	spop (v2sf)  }
0xf7: {  	[tilespmem:s14], [sflag:$0x1] =	stream.linear.gather [hbm4b:s0+s2], $0x80, $0x38;
	(v2sf) =	vpush v0, $0xE;
	[tilespmem:$0x8200] =	vst v63  }
0xf8: {  	s0 =	sadd.s32 s3, s1;
	s1 =	sand.u32 $0x1FFFFFF0, s29;
	s14 =	spop (v2sf)  }
0xf9: {  	[tilespmem:s4], [sflag:$0x1] =	stream.linear.gather [hbm4b:s0+s2], $0x80, $0x38;
	(v2sf) =	vpush v0, $0xF;
	[tilespmem:$0x8200] =	vst v63  }
0xfa: {  	s0 =	sadd.s32 s3, s12;
	s4 =	sand.u32 $0x1FFFFFF0, s14;
	s12 =	spop (v2sf)  }
0xfb: {  	[tilespmem:s28], [sflag:$0x1] =	stream.linear.gather [hbm4b:s0+s2], $0x80, $0x38;
	[tilespmem:$0x8200] =	vst v63  }
0xfc: {  	s0 =	sadd.s32 s3, s1;
	s1 =	sand.u32 $0x1FFFFFF0, s12;
	s12 =	spop (v2sf)  }
0xfd: {  	[tilespmem:s5], [sflag:$0x1] =	stream.linear.gather [hbm4b:s0+s2], $0x80, $0x38;
	[tilespmem:$0x8200] =	vst v63  }
0xfe: {  	s0 =	sadd.s32 s3, s4;
	s4 =	sand.u32 $0x1FFFFFF0, s12;
	s5 =	spop (v2sf)  }
0xff: {  	[tilespmem:s25], [sflag:$0x1] =	stream.linear.gather [hbm4b:s0+s2], $0x80, $0x38;
	[tilespmem:$0x8200] =	vst v63  }
0x100: {  	s0 =	sadd.s32 s3, s1;
	s1 =	sand.u32 $0x1FFFFFF0, s5;
	s5 =	spop (v2sf)  }
0x101: {  	[tilespmem:s24], [sflag:$0x1] =	stream.linear.gather [hbm4b:s0+s2], $0x80, $0x38;
	[tilespmem:$0x8200] =	vst v63  }
0x102: {  	s0 =	sadd.s32 s3, s4;
	s4 =	sand.u32 $0x1FFFFFF0, s5;
	s5 =	spop (v2sf)  }
0x103: {  	[tilespmem:s26], [sflag:$0x1] =	stream.linear.gather [hbm4b:s0+s2], $0x80, $0x38;
	[tilespmem:$0x8200] =	vst v63  }
0x104: {  	s0 =	sadd.s32 s3, s1;
	s1 =	sand.u32 $0x1FFFFFF0, s5;
	s5 =	spop (v2sf)  }
0x105: {  	[tilespmem:s23], [sflag:$0x1] =	stream.linear.gather [hbm4b:s0+s2], $0x80, $0x38;
	[tilespmem:$0x8200] =	vst v63  }
0x106: {  	s0 =	sadd.s32 s3, s4;
	s4 =	sand.u32 $0x1FFFFFF0, s5;
	s5 =	spop (v2sf)  }
0x107: {  	[tilespmem:s22], [sflag:$0x1] =	stream.linear.gather [hbm4b:s0+s2], $0x80, $0x38;
	[tilespmem:$0x8200] =	vst v63  }
0x108: {  	s0 =	sadd.s32 s3, s1;
	s1 =	sand.u32 $0x1FFFFFF0, s5;
	s5 =	spop (v2sf)  }
0x109: {  	[tilespmem:s20], [sflag:$0x1] =	stream.linear.gather [hbm4b:s0+s2], $0x80, $0x38;
	[tilespmem:$0x8200] =	vst v63  }
0x10a: {  	s0 =	sadd.s32 s3, s4;
	s4 =	sand.u32 $0x1FFFFFF0, s5  }
0x10b: {  	[tilespmem:s21], [sflag:$0x1] =	stream.linear.gather [hbm4b:s0+s2], $0x80, $0x38;
	[tilespmem:$0x8200] =	vst v63  }
0x10c: {  	s1 =	sadd.s32 s3, s1;
	s0 =	sadd.s32 $0x900, s16  }
0x10d: {  	[tilespmem:s0], [sflag:$0x1] =	stream.linear.gather [hbm4b:s1+s2], $0x80, $0x38;
	[tilespmem:$0x8200] =	vst v63  }
0x10e: {  	s0 =	sadd.s32 $0x980, s16;
	s1 =	sadd.s32 s3, s4  }
0x10f: {  	[tilespmem:s0], [sflag:$0x1] =	stream.linear.gather [hbm4b:s1+s2], $0x80, $0x38;
	[tilespmem:$0x8200] =	vst v63  }
0x110: {  	v0 =	vld [tilespmem:s17+$0x0];
	_ =	sdelay $0x4  }
0x111: {  	v0 =	vshll.u32 v0, $0x4  }
0x112: {  	(v2sf) =	vpush v0, $0x0  }
0x113: {  	(v2sf) =	vpush v0, $0x1  }
0x114: {  	(v2sf) =	vpush v0, $0x2;
	_ =	sdelay $0x1  }
0x115: {  	(v2sf) =	vpush v0, $0x4  }
.Ltmp2:
0x116: {  	(pc) =	sbr.rel @p0 .LBB2_6-.Ltmp2, $3  }
0x117: {  	(v2sf) =	vpush v0, $0x3  }
0x118: {  	(v2sf) =	vpush v0, $0x5;
	_ =	sdelay $0x1  }
0x119: {  	s16 =	sshra.s32 s19, $0x2;
	(v2sf) =	vpush v0, $0x6  }
0x11a: {  	_ =	sdelay $0x1  }
0x11b: {  	s0 =	sadd.s32 $0x280, s16;
	s19 =	sadd.s32 $0x780, s16  }
0x11c: {  	s1 =	sadd.s32 $0x580, s16;
	s17 =	sadd.s32 $0x800, s16;
	(v2sf) =	vpush v0, $0x7;
	s4 =	sadd.s32 $0x480, s16  }
0x11d: {  	s5 =	sadd.s32 $0x600, s16;
	s18 =	sadd.s32 $0x880, s16;
	s12 =	sadd.s32 $0x200, s16  }
0x11e: {  	s14 =	sadd.s32 $0x400, s16;
	s20 =	sadd.s32 $0x500, s16;
	(v2sf) =	vpush v0, $0x8;
	s21 =	spop (v2sf)  }
0x11f: {  	s22 =	sadd.s32 $0x300, s16;
	s21 =	sand.u32 $0x1FFFFFF0, s21;
	s23 =	spop (v2sf)  }
0x120: {  	(v2sf) =	vpush v0, $0x9;
	s21 =	sadd.s32 s3, s21;
	s23 =	sand.u32 $0x1FFFFFF0, s23;
	s24 =	spop (v2sf)  }
0x121: {  	[tilespmem:s12], [sflag:$0x1] =	stream.linear.gather [hbm4b:s21+s2], $0x80, $0x38;
	[tilespmem:$0x8200] =	vst v63  }
0x122: {  	s25 =	sadd.s32 $0x380, s16;
	(v2sf) =	vpush v0, $0xA;
	s29 =	sadd.s32 s3, s23;
	s30 =	spop (v2sf)  }
0x123: {  	[tilespmem:s0], [sflag:$0x1] =	stream.linear.gather [hbm4b:s29+s2], $0x80, $0x38;
	[tilespmem:$0x8200] =	vst v63  }
0x124: {  	s12 =	sadd.s32 $0x700, s16;
	s26 =	sand.u32 $0x1FFFFFF0, s24;
	(v2sf) =	vpush v0, $0xB;
	s28 =	spop (v2sf)  }
0x125: {  	s21 =	sadd.s32 s3, s26;
	s0 =	sadd.s32 $0x680, s16;
	s24 =	sand.u32 $0x1FFFFFF0, s28  }
0x126: {  	(v2sf) =	vpush v0, $0xC;
	[tilespmem:s22], [sflag:$0x1] =	stream.linear.gather [hbm4b:s21+s2], $0x80, $0x38;
	[tilespmem:$0x8200] =	vst v63  }
0x127: {  	s29 =	sand.u32 $0x1FFFFFF0, s30;
	s30 =	spop (v2sf);
	s26 =	sadd.s32 s3, s24  }
0x128: {  	(v2sf) =	vpush v0, $0xD;
	[tilespmem:s25], [sflag:$0x1] =	stream.linear.gather [hbm4b:s26+s2], $0x80, $0x38;
	[tilespmem:$0x8200] =	vst v63  }
0x129: {  	s21 =	sadd.s32 s3, s29;
	s22 =	sand.u32 $0x1FFFFFF0, s30;
	s28 =	spop (v2sf)  }
0x12a: {  	(v2sf) =	vpush v0, $0xE;
	[tilespmem:s14], [sflag:$0x1] =	stream.linear.gather [hbm4b:s21+s2], $0x80, $0x38;
	[tilespmem:$0x8200] =	vst v63  }
0x12b: {  	s22 =	sadd.s32 s3, s22;
	s29 =	sand.u32 $0x1FFFFFF0, s28;
	s30 =	spop (v2sf)  }
0x12c: {  	(v2sf) =	vpush v0, $0xF;
	[tilespmem:s4], [sflag:$0x1] =	stream.linear.gather [hbm4b:s22+s2], $0x80, $0x38;
	[tilespmem:$0x8200] =	vst v63  }
0x12d: {  	s23 =	sand.u32 $0x1FFFFFF0, s30;
	s24 =	spop (v2sf);
	s14 =	sadd.s32 s3, s29  }
0x12e: {  	[tilespmem:s20], [sflag:$0x1] =	stream.linear.gather [hbm4b:s14+s2], $0x80, $0x38;
	[tilespmem:$0x8200] =	vst v63  }
0x12f: {  	s25 =	sand.u32 $0x1FFFFFF0, s24;
	s4 =	sadd.s32 s3, s23;
	s26 =	spop (v2sf)  }
0x130: {  	[tilespmem:s1], [sflag:$0x1] =	stream.linear.gather [hbm4b:s4+s2], $0x80, $0x38;
	[tilespmem:$0x8200] =	vst v63  }
0x131: {  	s14 =	sadd.s32 s3, s25;
	s28 =	sand.u32 $0x1FFFFFF0, s26;
	s29 =	spop (v2sf)  }
0x132: {  	[tilespmem:s5], [sflag:$0x1] =	stream.linear.gather [hbm4b:s14+s2], $0x80, $0x38;
	[tilespmem:$0x8200] =	vst v63  }
0x133: {  	s4 =	sand.u32 $0x1FFFFFF0, s29;
	s1 =	sadd.s32 s3, s28;
	s30 =	spop (v2sf)  }
0x134: {  	[tilespmem:s0], [sflag:$0x1] =	stream.linear.gather [hbm4b:s1+s2], $0x80, $0x38;
	[tilespmem:$0x8200] =	vst v63  }
0x135: {  	s4 =	sadd.s32 s3, s4;
	s5 =	sand.u32 $0x1FFFFFF0, s30;
	s14 =	spop (v2sf)  }
0x136: {  	[tilespmem:s12], [sflag:$0x1] =	stream.linear.gather [hbm4b:s4+s2], $0x80, $0x38;
	[tilespmem:$0x8200] =	vst v63  }
0x137: {  	s0 =	sadd.s32 s3, s5;
	s1 =	sand.u32 $0x1FFFFFF0, s14;
	s20 =	spop (v2sf)  }
0x138: {  	[tilespmem:s19], [sflag:$0x1] =	stream.linear.gather [hbm4b:s0+s2], $0x80, $0x38;
	[tilespmem:$0x8200] =	vst v63  }
0x139: {  	s21 =	sand.u32 $0x1FFFFFF0, s20;
	s1 =	sadd.s32 s3, s1;
	s22 =	spop (v2sf)  }
0x13a: {  	[tilespmem:s17], [sflag:$0x1] =	stream.linear.gather [hbm4b:s1+s2], $0x80, $0x38;
	[tilespmem:$0x8200] =	vst v63  }
0x13b: {  	s23 =	sand.u32 $0x1FFFFFF0, s22;
	s24 =	spop (v2sf);
	s0 =	sadd.s32 s3, s21  }
0x13c: {  	[tilespmem:s18], [sflag:$0x1] =	stream.linear.gather [hbm4b:s0+s2], $0x80, $0x38;
	[tilespmem:$0x8200] =	vst v63  }
0x13d: {  	s26 =	sadd.s32 $0x900, s16;
	s25 =	sand.u32 $0x1FFFFFF0, s24;
	s1 =	sadd.s32 s3, s23  }
0x13e: {  	[tilespmem:s26], [sflag:$0x1] =	stream.linear.gather [hbm4b:s1+s2], $0x80, $0x38;
	[tilespmem:$0x8200] =	vst v63  }
0x13f: {  	s28 =	sadd.s32 $0x980, s16;
	s0 =	sadd.s32 s3, s25  }
0x140: {  	[tilespmem:s28], [sflag:$0x1] =	stream.linear.gather [hbm4b:s0+s2], $0x80, $0x38;
	[tilespmem:$0x8200] =	vst v63  }
0x141: {  	_ =	swait.ge [sflag:s13], $0x4000  }
0x142: {  	[sflag:s13] =	ssyncset.done $0x0  }
0x143: {  	s29 =	simm.s32 $0x0;
	s30 =	simm.s32 $0x4200;
	[sflag:s13] =	ssyncadd.s32 $0xFFFFC000  }
0x144: {  	[hbm4b:s6+s29] =	stream.linear.scatter [tilespmem:s30], [sflag:$0x3], $0x4000, $0x38;
	[tilespmem:$0x8200] =	vst v63  }
0x145: {  	_ =	swait.ge [sflag:s10], $0x4000  }
0x146: {  	[sflag:s10] =	ssyncset.done $0x0  }
0x147: {  	s17 =	simm.s32 $0x180;
	[sflag:s10] =	ssyncadd.s32 $0xFFFFC000  }
0x148: {  	v0 =	vld [tilespmem:s17+$0x0];
	_ =	sdelay $0x4  }
0x149: {  	v0 =	vshll.u32 v0, $0x4  }
0x14a: {  	(v2sf) =	vpush v0, $0x0  }
0x14b: {  	(v2sf) =	vpush v0, $0x1  }
0x14c: {  	(v2sf) =	vpush v0, $0x2;
	_ =	sdelay $0x1  }
0x14d: {  	(v2sf) =	vpush v0, $0x4;
	_ =	sdelay $0x1  }
0x14e: {  	(v2sf) =	vpush v0, $0x3  }
0x14f: {  	(v2sf) =	vpush v0, $0x5  }
0x150: {  	s16 =	simm.s32 $0x0;
	s18 =	simm.s32 $0x2000;
	(v2sf) =	vpush v0, $0x6  }
.LBB2_8:
0x151: {  	p0 =	sne.s32 s18, $0xE000  }
0x152: {  	s0 =	sadd.s32 $0x4280, s16;
	s22 =	sadd.s32 $0x4780, s16;
	s19 =	smov.u32 s18  }
0x153: {  	s18 =	sadd.s32 $0x2000, s18;
	s25 =	sadd.s32 $0x4580, s16;
	s20 =	sadd.s32 $0x4800, s16;
	(v2sf) =	vpush v0, $0x7  }
0x154: {  	s28 =	sadd.s32 $0x4480, s16;
	s24 =	sadd.s32 $0x4600, s16;
	s21 =	sadd.s32 $0x4880, s16  }
0x155: {  	s1 =	sadd.s32 $0x4200, s16;
	s4 =	sadd.s32 $0x4400, s16;
	(v2sf) =	vpush v0, $0x8  }
0x156: {  	s5 =	sadd.s32 $0x4500, s16;
	s17 =	sadd.s32 $0x10, s17  }
0x157: {  	s12 =	sadd.s32 $0x4300, s16;
	s23 =	sadd.s32 $0x4700, s16;
	s14 =	spop (v2sf);
	(v2sf) =	vpush v0, $0x9  }
0x158: {  	s26 =	sadd.s32 $0x4680, s16;
	s14 =	sand.u32 $0x1FFFFFF0, s14;
	s29 =	spop (v2sf)  }
0x159: {  	s14 =	sadd.s32 s3, s14;
	s29 =	sand.u32 $0x1FFFFFF0, s29;
	s30 =	spop (v2sf);
	(v2sf) =	vpush v0, $0xA  }
0x15a: {  	[tilespmem:s1], [sflag:$0x2] =	stream.linear.gather [hbm4b:s14+s2], $0x80, $0x38;
	[tilespmem:$0x8200] =	vst v63  }
0x15b: {  	s1 =	sadd.s32 s3, s29;
	s14 =	sadd.s32 $0x4380, s16;
	s29 =	spop (v2sf);
	(v2sf) =	vpush v0, $0xB  }
0x15c: {  	[tilespmem:s0], [sflag:$0x2] =	stream.linear.gather [hbm4b:s1+s2], $0x80, $0x38;
	[tilespmem:$0x8200] =	vst v63  }
0x15d: {  	s0 =	sand.u32 $0x1FFFFFF0, s30;
	s1 =	sand.u32 $0x1FFFFFF0, s29;
	s29 =	spop (v2sf);
	(v2sf) =	vpush v0, $0xC  }
0x15e: {  	s0 =	sadd.s32 s3, s0;
	s29 =	sand.u32 $0x1FFFFFF0, s29;
	s30 =	spop (v2sf)  }
0x15f: {  	[tilespmem:s12], [sflag:$0x2] =	stream.linear.gather [hbm4b:s0+s2], $0x80, $0x38;
	(v2sf) =	vpush v0, $0xD;
	[tilespmem:$0x8200] =	vst v63  }
0x160: {  	s0 =	sadd.s32 s3, s29;
	s12 =	sand.u32 $0x1FFFFFF0, s30;
	s29 =	spop (v2sf)  }
0x161: {  	[tilespmem:s14], [sflag:$0x2] =	stream.linear.gather [hbm4b:s0+s2], $0x80, $0x38;
	(v2sf) =	vpush v0, $0xE;
	[tilespmem:$0x8200] =	vst v63  }
0x162: {  	s0 =	sadd.s32 s3, s1;
	s1 =	sand.u32 $0x1FFFFFF0, s29;
	s14 =	spop (v2sf)  }
0x163: {  	[tilespmem:s4], [sflag:$0x2] =	stream.linear.gather [hbm4b:s0+s2], $0x80, $0x38;
	(v2sf) =	vpush v0, $0xF;
	[tilespmem:$0x8200] =	vst v63  }
0x164: {  	s0 =	sadd.s32 s3, s12;
	s4 =	sand.u32 $0x1FFFFFF0, s14;
	s12 =	spop (v2sf)  }
0x165: {  	[tilespmem:s28], [sflag:$0x2] =	stream.linear.gather [hbm4b:s0+s2], $0x80, $0x38;
	[tilespmem:$0x8200] =	vst v63  }
0x166: {  	s0 =	sadd.s32 s3, s1;
	s1 =	sand.u32 $0x1FFFFFF0, s12;
	s12 =	spop (v2sf)  }
0x167: {  	[tilespmem:s5], [sflag:$0x2] =	stream.linear.gather [hbm4b:s0+s2], $0x80, $0x38;
	[tilespmem:$0x8200] =	vst v63  }
0x168: {  	s0 =	sadd.s32 s3, s4;
	s4 =	sand.u32 $0x1FFFFFF0, s12;
	s5 =	spop (v2sf)  }
0x169: {  	[tilespmem:s25], [sflag:$0x2] =	stream.linear.gather [hbm4b:s0+s2], $0x80, $0x38;
	[tilespmem:$0x8200] =	vst v63  }
0x16a: {  	s0 =	sadd.s32 s3, s1;
	s1 =	sand.u32 $0x1FFFFFF0, s5;
	s5 =	spop (v2sf)  }
0x16b: {  	[tilespmem:s24], [sflag:$0x2] =	stream.linear.gather [hbm4b:s0+s2], $0x80, $0x38;
	[tilespmem:$0x8200] =	vst v63  }
0x16c: {  	s0 =	sadd.s32 s3, s4;
	s4 =	sand.u32 $0x1FFFFFF0, s5;
	s5 =	spop (v2sf)  }
0x16d: {  	[tilespmem:s26], [sflag:$0x2] =	stream.linear.gather [hbm4b:s0+s2], $0x80, $0x38;
	[tilespmem:$0x8200] =	vst v63  }
0x16e: {  	s0 =	sadd.s32 s3, s1;
	s1 =	sand.u32 $0x1FFFFFF0, s5;
	s5 =	spop (v2sf)  }
0x16f: {  	[tilespmem:s23], [sflag:$0x2] =	stream.linear.gather [hbm4b:s0+s2], $0x80, $0x38;
	[tilespmem:$0x8200] =	vst v63  }
0x170: {  	s0 =	sadd.s32 s3, s4;
	s4 =	sand.u32 $0x1FFFFFF0, s5;
	s5 =	spop (v2sf)  }
0x171: {  	[tilespmem:s22], [sflag:$0x2] =	stream.linear.gather [hbm4b:s0+s2], $0x80, $0x38;
	[tilespmem:$0x8200] =	vst v63  }
0x172: {  	s0 =	sadd.s32 s3, s1;
	s1 =	sand.u32 $0x1FFFFFF0, s5;
	s5 =	spop (v2sf)  }
0x173: {  	[tilespmem:s20], [sflag:$0x2] =	stream.linear.gather [hbm4b:s0+s2], $0x80, $0x38;
	[tilespmem:$0x8200] =	vst v63  }
0x174: {  	s0 =	sadd.s32 s3, s4;
	s4 =	sand.u32 $0x1FFFFFF0, s5  }
0x175: {  	[tilespmem:s21], [sflag:$0x2] =	stream.linear.gather [hbm4b:s0+s2], $0x80, $0x38;
	[tilespmem:$0x8200] =	vst v63  }
0x176: {  	s1 =	sadd.s32 s3, s1;
	s0 =	sadd.s32 $0x4900, s16  }
0x177: {  	[tilespmem:s0], [sflag:$0x2] =	stream.linear.gather [hbm4b:s1+s2], $0x80, $0x38;
	[tilespmem:$0x8200] =	vst v63  }
0x178: {  	s0 =	sadd.s32 $0x4980, s16;
	s1 =	sadd.s32 s3, s4  }
0x179: {  	[tilespmem:s0], [sflag:$0x2] =	stream.linear.gather [hbm4b:s1+s2], $0x80, $0x38;
	[tilespmem:$0x8200] =	vst v63  }
0x17a: {  	v0 =	vld [tilespmem:s17+$0x0];
	_ =	sdelay $0x4  }
0x17b: {  	v0 =	vshll.u32 v0, $0x4  }
0x17c: {  	(v2sf) =	vpush v0, $0x0  }
0x17d: {  	(v2sf) =	vpush v0, $0x1  }
0x17e: {  	(v2sf) =	vpush v0, $0x2;
	_ =	sdelay $0x1  }
0x17f: {  	(v2sf) =	vpush v0, $0x4  }
.Ltmp3:
0x180: {  	(pc) =	sbr.rel @p0 .LBB2_8-.Ltmp3, $3  }
0x181: {  	(v2sf) =	vpush v0, $0x3  }
0x182: {  	(v2sf) =	vpush v0, $0x5;
	_ =	sdelay $0x1  }
0x183: {  	s16 =	sshra.s32 s19, $0x2;
	(v2sf) =	vpush v0, $0x6  }
0x184: {  	_ =	sdelay $0x5  }
0x185: {  	s0 =	spop (v2sf)  }
0x186: {  	s1 =	spop (v2sf)  }
0x187: {  	s18 =	spop (v2sf)  }
0x188: {  	s21 =	spop (v2sf);
	(v2sf) =	vpush v0, $0x7  }
0x189: {  	s0 =	sand.u32 $0x1FFFFFF0, s0  }
0x18a: {  	s4 =	sadd.s32 $0x4200, s16;
	s0 =	sadd.s32 s3, s0  }
0x18b: {  	[tilespmem:s4], [sflag:$0x2] =	stream.linear.gather [hbm4b:s0+s2], $0x80, $0x38;
	[tilespmem:$0x8200] =	vst v63  }
0x18c: {  	s1 =	sand.u32 $0x1FFFFFF0, s1;
	s22 =	spop (v2sf);
	(v2sf) =	vpush v0, $0x8  }
0x18d: {  	s17 =	sadd.s32 $0x4280, s16;
	s1 =	sadd.s32 s3, s1  }
0x18e: {  	[tilespmem:s17], [sflag:$0x2] =	stream.linear.gather [hbm4b:s1+s2], $0x80, $0x38;
	[tilespmem:$0x8200] =	vst v63  }
0x18f: {  	s19 =	sand.u32 $0x1FFFFFF0, s18;
	s26 =	spop (v2sf);
	(v2sf) =	vpush v0, $0x9  }
0x190: {  	s20 =	sadd.s32 $0x4300, s16;
	s0 =	sadd.s32 s3, s19  }
0x191: {  	[tilespmem:s20], [sflag:$0x2] =	stream.linear.gather [hbm4b:s0+s2], $0x80, $0x38;
	[tilespmem:$0x8200] =	vst v63  }
0x192: {  	s0 =	sand.u32 $0x1FFFFFF0, s22;
	s29 =	spop (v2sf);
	(v2sf) =	vpush v0, $0xA  }
0x193: {  	s23 =	sadd.s32 $0x4380, s16;
	s24 =	sand.u32 $0x1FFFFFF0, s21;
	s0 =	sadd.s32 s3, s0  }
0x194: {  	[tilespmem:s23], [sflag:$0x2] =	stream.linear.gather [hbm4b:s0+s2], $0x80, $0x38;
	[tilespmem:$0x8200] =	vst v63  }
0x195: {  	s25 =	sadd.s32 $0x4400, s16;
	s0 =	sadd.s32 s3, s24  }
0x196: {  	[tilespmem:s25], [sflag:$0x2] =	stream.linear.gather [hbm4b:s0+s2], $0x80, $0x38;
	[tilespmem:$0x8200] =	vst v63  }
0x197: {  	s0 =	sand.u32 $0x1FFFFFF0, s26;
	s1 =	spop (v2sf);
	(v2sf) =	vpush v0, $0xB  }
0x198: {  	s28 =	sadd.s32 $0x4480, s16;
	s0 =	sadd.s32 s3, s0  }
0x199: {  	[tilespmem:s28], [sflag:$0x2] =	stream.linear.gather [hbm4b:s0+s2], $0x80, $0x38;
	[tilespmem:$0x8200] =	vst v63  }
0x19a: {  	s0 =	sand.u32 $0x1FFFFFF0, s29  }
0x19b: {  	s30 =	sadd.s32 $0x4500, s16;
	s0 =	sadd.s32 s3, s0;
	s5 =	spop (v2sf);
	(v2sf) =	vpush v0, $0xC  }
0x19c: {  	[tilespmem:s30], [sflag:$0x2] =	stream.linear.gather [hbm4b:s0+s2], $0x80, $0x38;
	[tilespmem:$0x8200] =	vst v63  }
0x19d: {  	s0 =	sand.u32 $0x1FFFFFF0, s1  }
0x19e: {  	s4 =	sadd.s32 $0x4580, s16;
	s0 =	sadd.s32 s3, s0;
	s14 =	spop (v2sf);
	(v2sf) =	vpush v0, $0xD  }
0x19f: {  	[tilespmem:s4], [sflag:$0x2] =	stream.linear.gather [hbm4b:s0+s2], $0x80, $0x38;
	[tilespmem:$0x8200] =	vst v63  }
0x1a0: {  	s0 =	sand.u32 $0x1FFFFFF0, s5  }
0x1a1: {  	s12 =	sadd.s32 $0x4600, s16;
	s0 =	sadd.s32 s3, s0;
	s18 =	spop (v2sf);
	(v2sf) =	vpush v0, $0xE  }
0x1a2: {  	[tilespmem:s12], [sflag:$0x2] =	stream.linear.gather [hbm4b:s0+s2], $0x80, $0x38;
	[tilespmem:$0x8200] =	vst v63  }
0x1a3: {  	s0 =	sand.u32 $0x1FFFFFF0, s14  }
0x1a4: {  	s17 =	sadd.s32 $0x4680, s16;
	s0 =	sadd.s32 s3, s0  }
0x1a5: {  	[tilespmem:s17], [sflag:$0x2] =	stream.linear.gather [hbm4b:s0+s2], $0x80, $0x38;
	[tilespmem:$0x8200] =	vst v63  }
0x1a6: {  	s0 =	sand.u32 $0x1FFFFFF0, s18;
	s20 =	spop (v2sf);
	(v2sf) =	vpush v0, $0xF  }
0x1a7: {  	s19 =	sadd.s32 $0x4700, s16;
	s0 =	sadd.s32 s3, s0  }
0x1a8: {  	[tilespmem:s19], [sflag:$0x2] =	stream.linear.gather [hbm4b:s0+s2], $0x80, $0x38;
	[tilespmem:$0x8200] =	vst v63  }
0x1a9: {  	s0 =	sand.u32 $0x1FFFFFF0, s20  }
0x1aa: {  	s21 =	sadd.s32 $0x4780, s16;
	s0 =	sadd.s32 s3, s0;
	s22 =	spop (v2sf)  }
0x1ab: {  	[tilespmem:s21], [sflag:$0x2] =	stream.linear.gather [hbm4b:s0+s2], $0x80, $0x38;
	[tilespmem:$0x8200] =	vst v63  }
0x1ac: {  	s0 =	sand.u32 $0x1FFFFFF0, s22  }
0x1ad: {  	s23 =	sadd.s32 $0x4800, s16;
	s24 =	spop (v2sf);
	s0 =	sadd.s32 s3, s0  }
0x1ae: {  	[tilespmem:s23], [sflag:$0x2] =	stream.linear.gather [hbm4b:s0+s2], $0x80, $0x38;
	[tilespmem:$0x8200] =	vst v63  }
0x1af: {  	s0 =	sand.u32 $0x1FFFFFF0, s24  }
0x1b0: {  	s25 =	sadd.s32 $0x4880, s16;
	s26 =	spop (v2sf);
	s0 =	sadd.s32 s3, s0  }
0x1b1: {  	[tilespmem:s25], [sflag:$0x2] =	stream.linear.gather [hbm4b:s0+s2], $0x80, $0x38;
	[tilespmem:$0x8200] =	vst v63  }
0x1b2: {  	s0 =	sand.u32 $0x1FFFFFF0, s26  }
0x1b3: {  	s28 =	sadd.s32 $0x4900, s16;
	s0 =	sadd.s32 s3, s0  }
0x1b4: {  	[tilespmem:s28], [sflag:$0x2] =	stream.linear.gather [hbm4b:s0+s2], $0x80, $0x38;
	[tilespmem:$0x8200] =	vst v63  }
0x1b5: {  	s29 =	spop (v2sf)  }
0x1b6: {  	s0 =	sand.u32 $0x1FFFFFF0, s29  }
0x1b7: {  	s30 =	sadd.s32 $0x4980, s16;
	s0 =	sadd.s32 s3, s0  }
0x1b8: {  	[tilespmem:s30], [sflag:$0x2] =	stream.linear.gather [hbm4b:s0+s2], $0x80, $0x38;
	[tilespmem:$0x8200] =	vst v63  }
0x1b9: {  	_ =	swait.ge [sflag:s11], $0x4000  }
0x1ba: {  	[sflag:s11] =	ssyncset.done $0x0  }
0x1bb: {  	[sflag:s11] =	ssyncadd.s32 $0xFFFFC000  }
0x1bc: {  	[hbm4b:s7+s2] =	stream.linear.scatter [tilespmem:s31], [sflag:$0x3], $0x4000, $0x38;
	[tilespmem:$0x8200] =	vst v63  }
0x1bd: {  	_ =	swait.ge [sflag:s10], $0x4000  }
0x1be: {  	[sflag:s10] =	ssyncset.done $0x0  }
0x1bf: {  	[sflag:s10] =	ssyncadd.s32 $0xFFFFC000  }
0x1c0: {  	s15 =	sadd.s32 $0x1, s15;
	_ =	swait.ge [sflag:s13], $0x4000  }
0x1c1: {  	p0 =	sne.s32 s15, s9;
	[sflag:s13] =	ssyncset.done $0x0  }
.Ltmp4:
0x1c2: {  	s31 =	simm.s32 $0x4200;
	[sflag:s13] =	ssyncadd.s32 $0xFFFFC000;
	(pc) =	sbr.rel @p0 .LBB2_1-.Ltmp4, $4  }
0x1c3: {  	[hbm4b:s8+s2] =	stream.linear.scatter [tilespmem:s31], [sflag:$0x3], $0x4000, $0x38;
	[tilespmem:$0x8200] =	vst v63  }
0x1c4: {  	_ =	swait.ge [sflag:s10], $0x4000  }
0x1c5: {  	[sflag:s10] =	ssyncset.done $0x0  }
0x1c6: {  	[sflag:s10] =	ssyncadd.s32 $0xFFFFC000  }
0x1c7: {  	_ =	sfence.sel $0x180000  }
0x1c8: {  	[bflag:$0x0] =	sbarrier.arrive $0xFFFF  }
0x1c9: {  	_ =	strace $0x90000047  }
0x1ca: {  	s0 =	stileid.u32;
	[bflag:$0x2] =	sbarrier.arrive $0xFFFF  }
0x1cb: {  	p0 =	sne.s32 s0, $0x0;
	s0 =	rddreg [dreg:$0x2]  }
0x1cc: {  	s0 =	sadd.s32 @!p0 $0x100000, s0  }
0x1cd: {  	[sflag:s0] =	ssyncadd.tile.s32 @!p0 $0x1;
	_ =	shalt  }
.Lfunc_end2:
_tile_overlayer_lowered:
.L_overlay_start_2:
0x1ce: {  	(tag) =	ssettag $0x2  }
0x1cf: {  	s0 =	rddreg [dreg:$0x0];
	s2 =	stileid.u32  }
0x1d0: {  	s1 =	rddreg [dreg:$0x1];
	p0 =	sne.s32 s2, $0x0  }
0x1d1: {  	s3 =	rddreg [dreg:$0x2];
	[bflag:$0x3] =	sbarrier.arrive $0xFFFF;
	s2 =	simm.s32 @!p0 $0x1C03  }
0x1d2: {  	[timem:s3], [sflag:s2] =	dma.local @!p0 [hbm:s0], s1  }
0x1d3: {  	s0 =	simm.s32 @!p0 $0x3  }
0x1d4: {  	_ =	swait.ge @!p0 [sflag:s0], s1  }
0x1d5: {  	s1 =	ssub.s32 @!p0 $0x0, s1;
	[sflag:s0] =	ssyncset.done @!p0 $0x0  }
0x1d6: {  	[sflag:s0] =	ssyncadd.s32 @!p0 s1  }
0x1d7: {  	[bflag:$0x3] =	sbarrier.arrive $0xFFFF  }
0x1d8: {  	_ =	shalt  }

</sc_bundles>
